<compile_context>
chip_gen: v7x
topology: tpu7x:2x2x1
jax: 0.10.2.dev20260603
libtpu: 0.0.44.dev20260713+nightly
codegen_flags: <defaults>
</compile_context>

<pallas_src>
import jax
import jax.numpy as jnp
from jax import lax
from jax.experimental import pallas as pl
from jax.experimental.pallas import tpu as pltpu
from jax.experimental.pallas import tpu_sc as plsc

_N = 10000
_E = 320000
_D = 128
_EPS = 1e-5

_NS = 16
_NC = 2
_L = 16

_C3 = 160
_IB3 = 32
_EPT3 = _C3 * 128
_EP3 = _NS * _EPT3
_NP3 = 10112

_C1 = 79
_EPW1 = _C1 * 128
_EP1 = _NC * _NS * _EPW1
_NP1 = 10240

_B = 1000
_NB = _N // _B


def _mesh():
    return plsc.VectorSubcoreMesh(core_axis_name="c", subcore_axis_name="s")


def _deg_body(dstd_hbm, deg_hbm, idx_v, ones_v, zero_v, stage_v, acc_sh):
    cid = lax.axis_index("c")
    sid = lax.axis_index("s")
    for i in range(128 // _L):
        ones_v[pl.ds(i * _L, _L)] = jnp.ones((_L,), jnp.float32)
        zero_v[pl.ds(i * _L, _L)] = jnp.zeros((_L,), jnp.float32)
    base = sid * (_NP1 // _NS)
    for j in range(_NP1 // _NS // 128):
        pltpu.sync_copy(zero_v, acc_sh.at[pl.ds(base + j * 128, 128)])
    plsc.subcore_barrier()
    pltpu.sync_copy(dstd_hbm.at[cid, sid], idx_v)

    def step(j, _):
        pltpu.sync_copy(ones_v, acc_sh.at[idx_v.at[j]], add=True)
        return _

    lax.fori_loop(0, _C1, step, None)
    plsc.subcore_barrier()
    for j in range(_NP1 // _NS // 128):
        pltpu.sync_copy(acc_sh.at[pl.ds(base + j * 128, 128)], stage_v)
        pltpu.sync_copy(stage_v, deg_hbm.at[cid, pl.ds(base + j * 128, 128)])


def _deg_call(dstd):
    fn = pl.kernel(
        _deg_body,
        out_type=jax.ShapeDtypeStruct((_NC, _NP1), jnp.float32),
        mesh=_mesh(),
        scratch_types=[
            pltpu.VMEM((_C1, 128), jnp.int32),
            pltpu.VMEM((128,), jnp.float32),
            pltpu.VMEM((128,), jnp.float32),
            pltpu.VMEM((128,), jnp.float32),
            pltpu.VMEM_SHARED((_NP1,), jnp.float32),
        ],
    )
    return fn(dstd)


def _seg_body(table_hbm, src_hbm, dst_hbm, zblk_hbm, out_hbm,
              si0_v, di0_v, si1_v, di1_v, buf_a, buf_b, acc_sh,
              sem_a, sem_b, sem_i):
    cid = lax.axis_index("c")
    sid = lax.axis_index("s")
    pltpu.sync_copy(zblk_hbm, buf_a)
    zbase = sid * (_NP3 // _NS)
    for r0, rr in ((0, 128), (128, 128), (256, 128), (384, 128), (512, 120)):
        pltpu.sync_copy(buf_a.at[pl.ds(0, rr)],
                        acc_sh.at[pl.ds(zbase + r0, rr)])
    plsc.subcore_barrier()

    ibufs = ((si0_v, di0_v), (si1_v, di1_v))
    pltpu.sync_copy(src_hbm.at[cid, sid, pl.ds(0, _IB3)], si0_v)
    pltpu.sync_copy(dst_hbm.at[sid, pl.ds(0, _IB3)], di0_v)

    def gather(sv, j, buf, sem):
        pltpu.async_copy(table_hbm.at[sv.at[j, pl.ds(0, 64)]],
                         buf.at[pl.ds(0, 64)], sem)
        pltpu.async_copy(table_hbm.at[sv.at[j, pl.ds(64, 64)]],
                         buf.at[pl.ds(64, 64)], sem)

    def wait_scat(buf, sem, dv, j):
        pltpu.make_async_copy(table_hbm.at[dv.at[j]], buf, sem).wait()
        pltpu.sync_copy(buf, acc_sh.at[dv.at[j]], add=True)

    nblk = _C3 // _IB3
    gather(si0_v, 0, buf_a, sem_a)
    for b in range(nblk):
        si_v, di_v = ibufs[b % 2]
        if b + 1 < nblk:
            sn, dn = ibufs[(b + 1) % 2]
            pltpu.async_copy(src_hbm.at[cid, sid, pl.ds((b + 1) * _IB3, _IB3)],
                             sn, sem_i)
            pltpu.async_copy(dst_hbm.at[sid, pl.ds((b + 1) * _IB3, _IB3)],
                             dn, sem_i)

        def step(k, _):
            j = 2 * k
            gather(si_v, j + 1, buf_b, sem_b)
            wait_scat(buf_a, sem_a, di_v, j)
            gather(si_v, j + 2, buf_a, sem_a)
            wait_scat(buf_b, sem_b, di_v, j + 1)
            return _

        lax.fori_loop(0, _IB3 // 2 - 1, step, None)
        gather(si_v, _IB3 - 1, buf_b, sem_b)
        wait_scat(buf_a, sem_a, di_v, _IB3 - 2)
        if b + 1 < nblk:
            sn, dn = ibufs[(b + 1) % 2]
            pltpu.make_async_copy(
                src_hbm.at[cid, sid, pl.ds((b + 1) * _IB3, _IB3)],
                sn, sem_i).wait()
            pltpu.make_async_copy(
                dst_hbm.at[sid, pl.ds((b + 1) * _IB3, _IB3)],
                dn, sem_i).wait()
            gather(sn, 0, buf_a, sem_a)
        wait_scat(buf_b, sem_b, di_v, _IB3 - 1)
    plsc.subcore_barrier()

    for r0, rr in ((0, 128), (128, 128), (256, 128), (384, 128), (512, 120)):
        pltpu.sync_copy(acc_sh.at[pl.ds(zbase + r0, rr)],
                        buf_a.at[pl.ds(0, rr)])
        pltpu.sync_copy(buf_a.at[pl.ds(0, rr)],
                        out_hbm.at[cid, pl.ds(zbase + r0, rr)])


def _seg_call(table2, src2, dst3, zblk):
    fn = pl.kernel(
        _seg_body,
        out_type=jax.ShapeDtypeStruct((_NC, _NP3, _D), jnp.float32),
        mesh=_mesh(),
        scratch_types=[
            pltpu.VMEM((_IB3, 128), jnp.int32),
            pltpu.VMEM((_IB3, 128), jnp.int32),
            pltpu.VMEM((_IB3, 128), jnp.int32),
            pltpu.VMEM((_IB3, 128), jnp.int32),
            pltpu.VMEM((128, _D), jnp.float32),
            pltpu.VMEM((128, _D), jnp.float32),
            pltpu.VMEM_SHARED((_NP3, _D), jnp.float32),
            pltpu.SemaphoreType.DMA,
            pltpu.SemaphoreType.DMA,
            pltpu.SemaphoreType.DMA,
        ],
    )
    return fn(table2, src2, dst3, zblk)


def _pre_body(x_ref, wp_ref, bp_ref, dp_ref, tbl_ref, dis_ref, ideg_ref):
    deg = jnp.maximum(dp_ref[:, 0:1] + dp_ref[:, 1:2], 1.0)
    dis = lax.rsqrt(deg)
    hp = jnp.dot(x_ref[...], wp_ref[...],
                 preferred_element_type=jnp.float32) + bp_ref[...]
    tbl_ref[0, :, :] = hp * dis
    tbl_ref[1, :, :] = hp
    dis_ref[...] = dis
    ideg_ref[...] = 1.0 / deg


def _pre_call(x, W_pre, b_pre, dpT):
    return pl.pallas_call(
        _pre_body,
        grid=(_NB,),
        in_specs=[
            pl.BlockSpec((_B, _D), lambda i: (i, 0)),
            pl.BlockSpec((_D, _D), lambda i: (0, 0)),
            pl.BlockSpec((1, _D), lambda i: (0, 0)),
            pl.BlockSpec((_B, 2), lambda i: (i, 0)),
        ],
        out_specs=[
            pl.BlockSpec((2, _B, _D), lambda i: (0, i, 0)),
            pl.BlockSpec((_B, 1), lambda i: (i, 0)),
            pl.BlockSpec((_B, 1), lambda i: (i, 0)),
        ],
        out_shape=[
            jax.ShapeDtypeStruct((2, _N, _D), jnp.float32),
            jax.ShapeDtypeStruct((_N, 1), jnp.float32),
            jax.ShapeDtypeStruct((_N, 1), jnp.float32),
        ],
    )(x, W_pre, b_pre, dpT)


def _softmax2(a_ref):
    a = a_ref[...]
    m = jnp.max(a, axis=1, keepdims=True)
    e = jnp.exp(a - m)
    s = e / jnp.sum(e, axis=1, keepdims=True)
    return s[:, 0:1], s[:, 1:2]


def _mix_body(s_ref, tbl_ref, dis_ref, ideg_ref, gw_ref, gb_ref,
              ws_ref, wn_ref, sb_ref, ac_ref, t_ref, st_ref, acc):
    i = pl.program_id(0)
    a0, a1 = _softmax2(ac_ref)
    s1 = s_ref[0, :, :]
    s2 = s_ref[1, :, :]
    hp = tbl_ref[0, :, :]
    gcn = dis_ref[...] * jnp.dot(s1, gw_ref[...],
                                 preferred_element_type=jnp.float32) + gb_ref[...]
    sage = (jnp.dot(hp, ws_ref[...], preferred_element_type=jnp.float32)
            + jnp.dot(ideg_ref[...] * s2, wn_ref[...],
                      preferred_element_type=jnp.float32) + sb_ref[...])
    t = a0 * gcn + a1 * sage
    t_ref[...] = t

    @pl.when(i == 0)
    def _():
        acc[...] = jnp.zeros_like(acc)

    acc[0:1, :] += jnp.sum(t, axis=0, keepdims=True)
    acc[1:2, :] += jnp.sum(t * t, axis=0, keepdims=True)
    st_ref[...] = acc[...]


def _mix_call(S, table, dis, ideg, gcn_W, gcn_b, sage_W_self, sage_W_neigh,
              sage_b, a_conv):
    return pl.pallas_call(
        _mix_body,
        grid=(_NB,),
        in_specs=[
            pl.BlockSpec((2, _B, _D), lambda i: (0, i, 0)),
            pl.BlockSpec((1, _B, _D), lambda i: (1, i, 0)),
            pl.BlockSpec((_B, 1), lambda i: (i, 0)),
            pl.BlockSpec((_B, 1), lambda i: (i, 0)),
            pl.BlockSpec((_D, _D), lambda i: (0, 0)),
            pl.BlockSpec((1, _D), lambda i: (0, 0)),
            pl.BlockSpec((_D, _D), lambda i: (0, 0)),
            pl.BlockSpec((_D, _D), lambda i: (0, 0)),
            pl.BlockSpec((1, _D), lambda i: (0, 0)),
            pl.BlockSpec((1, 2), lambda i: (0, 0)),
        ],
        out_specs=[
            pl.BlockSpec((_B, _D), lambda i: (i, 0)),
            pl.BlockSpec((2, _D), lambda i: (0, 0)),
        ],
        out_shape=[
            jax.ShapeDtypeStruct((_N, _D), jnp.float32),
            jax.ShapeDtypeStruct((2, _D), jnp.float32),
        ],
        scratch_shapes=[pltpu.VMEM((2, _D), jnp.float32)],
    )(S, table, dis, ideg, gcn_W, gcn_b, sage_W_self, sage_W_neigh,
      sage_b, a_conv)


def _post_body(t_ref, st_ref, lg_ref, lb_ref, bg_ref, bb_ref, an_ref,
               aa_ref, wo_ref, bo_ref, o_ref):
    an0, an1 = _softmax2(an_ref)
    aa0, aa1 = _softmax2(aa_ref)
    t = t_ref[...]
    mu_b = st_ref[0:1, :] * (1.0 / _N)
    var_b = st_ref[1:2, :] * (1.0 / _N) - mu_b * mu_b
    bn = (t - mu_b) * lax.rsqrt(var_b + _EPS) * bg_ref[...] + bb_ref[...]
    mu = jnp.mean(t, axis=1, keepdims=True)
    var = jnp.mean(t * t, axis=1, keepdims=True) - mu * mu
    ln = (t - mu) * lax.rsqrt(var + _EPS) * lg_ref[...] + lb_ref[...]
    h = an0 * ln + an1 * bn
    r = h * aa0
    relu = jnp.maximum(r, 0.0)
    e = h * aa1
    elu = jnp.where(e > 0.0, e, jnp.exp(jnp.minimum(e, 0.0)) - 1.0)
    h2 = relu + elu
    o_ref[...] = jnp.dot(h2, wo_ref[...],
                         preferred_element_type=jnp.float32) + bo_ref[...]


def _post_call(t, stats, ln_gamma, ln_beta, bn_gamma, bn_beta, a_norm,
               a_act, W_post, b_post):
    return pl.pallas_call(
        _post_body,
        grid=(_NB,),
        in_specs=[
            pl.BlockSpec((_B, _D), lambda i: (i, 0)),
            pl.BlockSpec((2, _D), lambda i: (0, 0)),
            pl.BlockSpec((1, _D), lambda i: (0, 0)),
            pl.BlockSpec((1, _D), lambda i: (0, 0)),
            pl.BlockSpec((1, _D), lambda i: (0, 0)),
            pl.BlockSpec((1, _D), lambda i: (0, 0)),
            pl.BlockSpec((1, 2), lambda i: (0, 0)),
            pl.BlockSpec((1, 2), lambda i: (0, 0)),
            pl.BlockSpec((_D, _D), lambda i: (0, 0)),
            pl.BlockSpec((1, _D), lambda i: (0, 0)),
        ],
        out_specs=pl.BlockSpec((_B, _D), lambda i: (i, 0)),
        out_shape=jax.ShapeDtypeStruct((_N, _D), jnp.float32),
    )(t, stats, ln_gamma, ln_beta, bn_gamma, bn_beta, a_norm, a_act,
      W_post, b_post)


def kernel(x, edge_index, W_pre, b_pre, gcn_W, gcn_b, sage_W_self,
           sage_W_neigh, sage_b, ln_gamma, ln_beta, bn_gamma, bn_beta,
           alpha_conv, alpha_norm, alpha_act, W_post, b_post):
    src = edge_index[0]
    dst = edge_index[1]

    dstd = jnp.concatenate(
        [dst, jnp.full((_EP1 - _E,), _N, jnp.int32)]).reshape(_NC, _NS, _C1, 128)
    srcp = jnp.concatenate([src, jnp.zeros((_EP3 - _E,), jnp.int32)])
    dstp = jnp.concatenate([dst, jnp.full((_EP3 - _E,), _N, jnp.int32)])
    src2 = jnp.stack([srcp, srcp + _N]).reshape(_NC, _NS, _C3, 128)
    dst3 = dstp.reshape(_NS, _C3, 128)
    zblk = jnp.zeros((128, _D), jnp.float32)

    b_pre2 = b_pre.reshape(1, _D)
    gcn_b2 = gcn_b.reshape(1, _D)
    sage_b2 = sage_b.reshape(1, _D)
    ln_g2 = ln_gamma.reshape(1, _D)
    ln_b2 = ln_beta.reshape(1, _D)
    bn_g2 = bn_gamma.reshape(1, _D)
    bn_b2 = bn_beta.reshape(1, _D)
    b_post2 = b_post.reshape(1, _D)
    a_conv = alpha_conv.reshape(1, 2)
    a_norm = alpha_norm.reshape(1, 2)
    a_act = alpha_act.reshape(1, 2)

    degp = _deg_call(dstd)
    dpT = jnp.transpose(degp[:, :_N])

    table, dis, ideg = _pre_call(x, W_pre, b_pre2, dpT)
    table2 = table.reshape(2 * _N, _D)

    S = _seg_call(table2, src2, dst3, zblk)

    t, stats = _mix_call(S, table, dis, ideg, gcn_W, gcn_b2, sage_W_self,
                         sage_W_neigh, sage_b2, a_conv)

    return _post_call(t, stats, ln_g2, ln_b2, bn_g2, bn_b2, a_norm,
                      a_act, W_post, b_post2)

# --- scband reference (transcript-rebuilt; emitter-appended) ---
"""Pipeline reference for scband-coupled-super-net-81819126988915 (READ-ONLY COPY).

The authoritative reference and input builder live on the scoring server;
editing this copy changes nothing except your own understanding.
"""

import jax, jax.numpy as jnp
import numpy as np

N = 10000
E = 320000
D_IN = 128
D_H = 128
D_OUT = 128
EPS = 1e-5


def setup_inputs(seed: int = 0) -> dict:
    key = jax.random.key(seed)
    ks = jax.random.split(key, 20)
    s_in = 1.0 / np.sqrt(D_IN)
    s_h = 1.0 / np.sqrt(D_H)
    inp = {
        'x': jax.random.normal(ks[0], (N, D_IN), dtype=jnp.float32),
        'edge_index': jax.random.randint(ks[1], (2, E), 0, N, dtype=jnp.int32),
        'W_pre': jax.random.normal(ks[2], (D_IN, D_H), dtype=jnp.float32) * s_in,
        'b_pre': jnp.zeros((D_H,), dtype=jnp.float32),
        'gcn_W': jax.random.normal(ks[3], (D_H, D_H), dtype=jnp.float32) * s_h,
        'gcn_b': jnp.zeros((D_H,), dtype=jnp.float32),
        'sage_W_self': jax.random.normal(ks[4], (D_H, D_H), dtype=jnp.float32) * s_h,
        'sage_W_neigh': jax.random.normal(ks[5], (D_H, D_H), dtype=jnp.float32) * s_h,
        'sage_b': jnp.zeros((D_H,), dtype=jnp.float32),
        'ln_gamma': jnp.ones((D_H,), dtype=jnp.float32),
        'ln_beta': jnp.zeros((D_H,), dtype=jnp.float32),
        'bn_gamma': jnp.ones((D_H,), dtype=jnp.float32),
        'bn_beta': jnp.zeros((D_H,), dtype=jnp.float32),
        'alpha_conv': jax.random.uniform(ks[6], (2,), dtype=jnp.float32),
        'alpha_norm': jax.random.uniform(ks[7], (2,), dtype=jnp.float32),
        'alpha_act': jax.random.uniform(ks[8], (2,), dtype=jnp.float32),
        'W_post': jax.random.normal(ks[9], (D_H, D_OUT), dtype=jnp.float32) * s_h,
        'b_post': jnp.zeros((D_OUT,), dtype=jnp.float32),
    }
    return inp


def _gcn_conv(x, src, dst, W, b):
    h = x @ W
    ones = jnp.ones((E,), dtype=jnp.float32)
    deg = jax.ops.segment_sum(ones, dst, num_segments=N)
    deg = jnp.maximum(deg, 1.0)
    dis = 1.0 / jnp.sqrt(deg)
    norm = dis[src] * dis[dst]
    msg = h[src] * norm[:, None]
    agg = jax.ops.segment_sum(msg, dst, num_segments=N)
    return agg + b


def _sage_conv(x, src, dst, W_self, W_neigh, b):
    ones = jnp.ones((E,), dtype=jnp.float32)
    deg = jnp.maximum(jax.ops.segment_sum(ones, dst, num_segments=N), 1.0)
    neigh_sum = jax.ops.segment_sum(x[src], dst, num_segments=N)
    neigh_mean = neigh_sum / deg[:, None]
    return x @ W_self + neigh_mean @ W_neigh + b


def _layer_norm(x, gamma, beta):
    mu = jnp.mean(x, axis=-1, keepdims=True)
    var = jnp.var(x, axis=-1, keepdims=True)
    return (x - mu) / jnp.sqrt(var + EPS) * gamma + beta


def _batch_norm(x, gamma, beta):
    mu = jnp.mean(x, axis=0, keepdims=True)
    var = jnp.var(x, axis=0, keepdims=True)
    return (x - mu) / jnp.sqrt(var + EPS) * gamma + beta


def reference(x, edge_index, W_pre, b_pre, gcn_W, gcn_b, sage_W_self, sage_W_neigh, sage_b,
              ln_gamma, ln_beta, bn_gamma, bn_beta, alpha_conv, alpha_norm, alpha_act,
              W_post, b_post):
    src = edge_index[0]
    dst = edge_index[1]
    # pre-process MLP
    h = x @ W_pre + b_pre
    # mix op 1: conv candidates (gcn, sage); dropout treated as identity (eval mode)
    a = jax.nn.softmax(alpha_conv, axis=-1)
    h = a[0] * _gcn_conv(h, src, dst, gcn_W, gcn_b) + a[1] * _sage_conv(h, src, dst, sage_W_self, sage_W_neigh, sage_b)
    # mix op 2: norm candidates (layer_norm, batch_norm)
    a = jax.nn.softmax(alpha_norm, axis=-1)
    h = a[0] * _layer_norm(h, ln_gamma, ln_beta) + a[1] * _batch_norm(h, bn_gamma, bn_beta)
    # mix op 3: act candidates; note torch code applies alpha INSIDE the activation:
    # operation(F.dropout(x, 0.5) * alpha), summed without outer alpha
    a = jax.nn.softmax(alpha_act, axis=-1)
    h = jax.nn.relu(h * a[0]) + jax.nn.elu(h * a[1])
    # post-process MLP
    out = h @ W_post + b_post
    return out

if __name__ == "__main__":
    import jax
    _d = setup_inputs()
    print(jax.jit(kernel)(*tuple(_d.values())))

</pallas_src>

<mosaic_0001>
#map = affine_map<(d0, d1) -> (0, 0)>
#map1 = affine_map<(d0, d1) -> (0, 0, 0, 0)>
#map2 = affine_map<(d0, d1) -> (0, 0, 0)>
module attributes {stable_mosaic.version = 14 : i64} {
  func.func @_seg_body(%arg0: i32, %arg1: i32, %arg2: memref<20000x128xf32, #tpu.memory_space<hbm>>, %arg3: memref<2x16x160x128xi32, #tpu.memory_space<hbm>>, %arg4: memref<16x160x128xi32, #tpu.memory_space<hbm>>, %arg5: memref<128x128xf32, #tpu.memory_space<hbm>>, %arg6: memref<2x10112x128xf32, #tpu.memory_space<hbm>>, %arg7: memref<32x128xi32, #tpu.memory_space<vmem>>, %arg8: memref<32x128xi32, #tpu.memory_space<vmem>>, %arg9: memref<32x128xi32, #tpu.memory_space<vmem>>, %arg10: memref<32x128xi32, #tpu.memory_space<vmem>>, %arg11: memref<128x128xf32, #tpu.memory_space<vmem>>, %arg12: memref<128x128xf32, #tpu.memory_space<vmem>>, %arg13: memref<10112x128xf32, #tpu.memory_space<vmem_shared>>, %arg14: memref<!tpu.dma_semaphore, #tpu.memory_space<semaphore_mem>>, %arg15: memref<!tpu.dma_semaphore, #tpu.memory_space<semaphore_mem>>, %arg16: memref<!tpu.dma_semaphore, #tpu.memory_space<semaphore_mem>>) attributes {dimension_semantics = [#tpu.dimension_semantics<core_parallel>, #tpu.dimension_semantics<subcore_parallel>], iteration_bounds = array<i64: 2, 16>, scalar_prefetch = 0 : i64, scratch_operands = 10 : i64, tpu.core_type = #tpu.core_type<sc_vector_subcore>, window_params = [{transform_indices = #map}, {transform_indices = #map1}, {transform_indices = #map2}, {transform_indices = #map}, {transform_indices = #map2}]} {
    "tpu.region"() ({
      %run_scoped3A_460 = tpu.sem_alloc : memref<!tpu.dma_semaphore, #tpu.memory_space<semaphore_mem>>
      tpu.enqueue_dma source(%arg5 : memref<128x128xf32, #tpu.memory_space<hbm>>) target(%arg11 : memref<128x128xf32, #tpu.memory_space<vmem>>) target_semaphore(%run_scoped3A_460 : memref<!tpu.dma_semaphore, #tpu.memory_space<semaphore_mem>>)
      tpu.wait_dma2 semaphore(%run_scoped3A_460 : memref<!tpu.dma_semaphore, #tpu.memory_space<semaphore_mem>>) src(%arg5 : memref<128x128xf32, #tpu.memory_space<hbm>>) dst(%arg11 : memref<128x128xf32, #tpu.memory_space<vmem>>)
      tpu.yield
    }) : () -> ()
    %mul3A = arith.constant 632 : i32
    %mul3A_0 = arith.muli %arg1, %mul3A : i32
    %add3A = arith.constant 0 : i32
    %add3A_1 = arith.addi %mul3A_0, %add3A : i32
    "tpu.region"() ({
      %run_scoped3A_460 = tpu.sem_alloc : memref<!tpu.dma_semaphore, #tpu.memory_space<semaphore_mem>>
      %dma_start3A_461 = arith.constant 0 : i32
      %dma_start3A_462 = arith.constant 0 : i32
      %dma_start3A_463 = tpu.memref_slice %arg11[%dma_start3A_461, %dma_start3A_462] : memref<128x128xf32, #tpu.memory_space<vmem>> -> memref<128x128xf32, #tpu.memory_space<vmem>>
      %dma_start3A_464 = arith.constant 0 : i32
      %dma_start3A_465 = tpu.memref_slice %arg13[%add3A_1, %dma_start3A_464] : memref<10112x128xf32, #tpu.memory_space<vmem_shared>> -> memref<128x128xf32, #tpu.memory_space<vmem_shared>>
      %dma_start3A_466 = arith.constant 0 : i32
      %dma_start3A_467 = tpu.memref_slice %arg13[%add3A_1, %dma_start3A_466] : memref<10112x128xf32, #tpu.memory_space<vmem_shared>> -> memref<128x128xf32, #tpu.memory_space<vmem_shared>>
      %dma_start3A_468 = arith.constant 0 : i32
      %dma_start3A_469 = arith.constant 0 : i32
      %dma_start3A_470 = tpu.memref_slice %arg11[%dma_start3A_468, %dma_start3A_469] : memref<128x128xf32, #tpu.memory_space<vmem>> -> memref<128x128xf32, #tpu.memory_space<vmem>>
      tpu.enqueue_dma source(%dma_start3A_470 : memref<128x128xf32, #tpu.memory_space<vmem>>) target(%dma_start3A_467 : memref<128x128xf32, #tpu.memory_space<vmem_shared>>) target_semaphore(%run_scoped3A_460 : memref<!tpu.dma_semaphore, #tpu.memory_space<semaphore_mem>>)
      %dma_wait3A_471 = arith.constant 0 : i32
      %dma_wait3A_472 = arith.constant 0 : i32
      %dma_wait3A_473 = tpu.memref_slice %arg11[%dma_wait3A_471, %dma_wait3A_472] : memref<128x128xf32, #tpu.memory_space<vmem>> -> memref<128x128xf32, #tpu.memory_space<vmem>>
      %dma_wait3A_474 = arith.constant 0 : i32
      %dma_wait3A_475 = tpu.memref_slice %arg13[%add3A_1, %dma_wait3A_474] : memref<10112x128xf32, #tpu.memory_space<vmem_shared>> -> memref<128x128xf32, #tpu.memory_space<vmem_shared>>
      %dma_wait3A_476 = arith.constant 0 : i32
      %dma_wait3A_477 = tpu.memref_slice %arg13[%add3A_1, %dma_wait3A_476] : memref<10112x128xf32, #tpu.memory_space<vmem_shared>> -> memref<128x128xf32, #tpu.memory_space<vmem_shared>>
      %dma_wait3A_478 = arith.constant 0 : i32
      %dma_wait3A_479 = arith.constant 0 : i32
      %dma_wait3A_480 = tpu.memref_slice %arg11[%dma_wait3A_478, %dma_wait3A_479] : memref<128x128xf32, #tpu.memory_space<vmem>> -> memref<128x128xf32, #tpu.memory_space<vmem>>
      tpu.wait_dma2 semaphore(%run_scoped3A_460 : memref<!tpu.dma_semaphore, #tpu.memory_space<semaphore_mem>>) src(%dma_wait3A_480 : memref<128x128xf32, #tpu.memory_space<vmem>>) dst(%dma_wait3A_477 : memref<128x128xf32, #tpu.memory_space<vmem_shared>>)
      tpu.yield
    }) : () -> ()
    %add3A_2 = arith.constant 128 : i32
    %add3A_3 = arith.addi %mul3A_0, %add3A_2 : i32
    "tpu.region"() ({
      %run_scoped3A_460 = tpu.sem_alloc : memref<!tpu.dma_semaphore, #tpu.memory_space<semaphore_mem>>
      %dma_start3A_461 = arith.constant 0 : i32
      %dma_start3A_462 = arith.constant 0 : i32
      %dma_start3A_463 = tpu.memref_slice %arg11[%dma_start3A_461, %dma_start3A_462] : memref<128x128xf32, #tpu.memory_space<vmem>> -> memref<128x128xf32, #tpu.memory_space<vmem>>
      %dma_start3A_464 = arith.constant 0 : i32
      %dma_start3A_465 = tpu.memref_slice %arg13[%add3A_3, %dma_start3A_464] : memref<10112x128xf32, #tpu.memory_space<vmem_shared>> -> memref<128x128xf32, #tpu.memory_space<vmem_shared>>
      %dma_start3A_466 = arith.constant 0 : i32
      %dma_start3A_467 = tpu.memref_slice %arg13[%add3A_3, %dma_start3A_466] : memref<10112x128xf32, #tpu.memory_space<vmem_shared>> -> memref<128x128xf32, #tpu.memory_space<vmem_shared>>
      %dma_start3A_468 = arith.constant 0 : i32
      %dma_start3A_469 = arith.constant 0 : i32
      %dma_start3A_470 = tpu.memref_slice %arg11[%dma_start3A_468, %dma_start3A_469] : memref<128x128xf32, #tpu.memory_space<vmem>> -> memref<128x128xf32, #tpu.memory_space<vmem>>
      tpu.enqueue_dma source(%dma_start3A_470 : memref<128x128xf32, #tpu.memory_space<vmem>>) target(%dma_start3A_467 : memref<128x128xf32, #tpu.memory_space<vmem_shared>>) target_semaphore(%run_scoped3A_460 : memref<!tpu.dma_semaphore, #tpu.memory_space<semaphore_mem>>)
      %dma_wait3A_471 = arith.constant 0 : i32
      %dma_wait3A_472 = arith.constant 0 : i32
      %dma_wait3A_473 = tpu.memref_slice %arg11[%dma_wait3A_471, %dma_wait3A_472] : memref<128x128xf32, #tpu.memory_space<vmem>> -> memref<128x128xf32, #tpu.memory_space<vmem>>
      %dma_wait3A_474 = arith.constant 0 : i32
      %dma_wait3A_475 = tpu.memref_slice %arg13[%add3A_3, %dma_wait3A_474] : memref<10112x128xf32, #tpu.memory_space<vmem_shared>> -> memref<128x128xf32, #tpu.memory_space<vmem_shared>>
      %dma_wait3A_476 = arith.constant 0 : i32
      %dma_wait3A_477 = tpu.memref_slice %arg13[%add3A_3, %dma_wait3A_476] : memref<10112x128xf32, #tpu.memory_space<vmem_shared>> -> memref<128x128xf32, #tpu.memory_space<vmem_shared>>
      %dma_wait3A_478 = arith.constant 0 : i32
      %dma_wait3A_479 = arith.constant 0 : i32
      %dma_wait3A_480 = tpu.memref_slice %arg11[%dma_wait3A_478, %dma_wait3A_479] : memref<128x128xf32, #tpu.memory_space<vmem>> -> memref<128x128xf32, #tpu.memory_space<vmem>>
      tpu.wait_dma2 semaphore(%run_scoped3A_460 : memref<!tpu.dma_semaphore, #tpu.memory_space<semaphore_mem>>) src(%dma_wait3A_480 : memref<128x128xf32, #tpu.memory_space<vmem>>) dst(%dma_wait3A_477 : memref<128x128xf32, #tpu.memory_space<vmem_shared>>)
      tpu.yield
    }) : () -> ()
    %add3A_4 = arith.constant 256 : i32
    %add3A_5 = arith.addi %mul3A_0, %add3A_4 : i32
    "tpu.region"() ({
      %run_scoped3A_460 = tpu.sem_alloc : memref<!tpu.dma_semaphore, #tpu.memory_space<semaphore_mem>>
      %dma_start3A_461 = arith.constant 0 : i32
      %dma_start3A_462 = arith.constant 0 : i32
      %dma_start3A_463 = tpu.memref_slice %arg11[%dma_start3A_461, %dma_start3A_462] : memref<128x128xf32, #tpu.memory_space<vmem>> -> memref<128x128xf32, #tpu.memory_space<vmem>>
      %dma_start3A_464 = arith.constant 0 : i32
      %dma_start3A_465 = tpu.memref_slice %arg13[%add3A_5, %dma_start3A_464] : memref<10112x128xf32, #tpu.memory_space<vmem_shared>> -> memref<128x128xf32, #tpu.memory_space<vmem_shared>>
      %dma_start3A_466 = arith.constant 0 : i32
      %dma_start3A_467 = tpu.memref_slice %arg13[%add3A_5, %dma_start3A_466] : memref<10112x128xf32, #tpu.memory_space<vmem_shared>> -> memref<128x128xf32, #tpu.memory_space<vmem_shared>>
      %dma_start3A_468 = arith.constant 0 : i32
      %dma_start3A_469 = arith.constant 0 : i32
      %dma_start3A_470 = tpu.memref_slice %arg11[%dma_start3A_468, %dma_start3A_469] : memref<128x128xf32, #tpu.memory_space<vmem>> -> memref<128x128xf32, #tpu.memory_space<vmem>>
      tpu.enqueue_dma source(%dma_start3A_470 : memref<128x128xf32, #tpu.memory_space<vmem>>) target(%dma_start3A_467 : memref<128x128xf32, #tpu.memory_space<vmem_shared>>) target_semaphore(%run_scoped3A_460 : memref<!tpu.dma_semaphore, #tpu.memory_space<semaphore_mem>>)
      %dma_wait3A_471 = arith.constant 0 : i32
      %dma_wait3A_472 = arith.constant 0 : i32
      %dma_wait3A_473 = tpu.memref_slice %arg11[%dma_wait3A_471, %dma_wait3A_472] : memref<128x128xf32, #tpu.memory_space<vmem>> -> memref<128x128xf32, #tpu.memory_space<vmem>>
      %dma_wait3A_474 = arith.constant 0 : i32
      %dma_wait3A_475 = tpu.memref_slice %arg13[%add3A_5, %dma_wait3A_474] : memref<10112x128xf32, #tpu.memory_space<vmem_shared>> -> memref<128x128xf32, #tpu.memory_space<vmem_shared>>
      %dma_wait3A_476 = arith.constant 0 : i32
      %dma_wait3A_477 = tpu.memref_slice %arg13[%add3A_5, %dma_wait3A_476] : memref<10112x128xf32, #tpu.memory_space<vmem_shared>> -> memref<128x128xf32, #tpu.memory_space<vmem_shared>>
      %dma_wait3A_478 = arith.constant 0 : i32
      %dma_wait3A_479 = arith.constant 0 : i32
      %dma_wait3A_480 = tpu.memref_slice %arg11[%dma_wait3A_478, %dma_wait3A_479] : memref<128x128xf32, #tpu.memory_space<vmem>> -> memref<128x128xf32, #tpu.memory_space<vmem>>
      tpu.wait_dma2 semaphore(%run_scoped3A_460 : memref<!tpu.dma_semaphore, #tpu.memory_space<semaphore_mem>>) src(%dma_wait3A_480 : memref<128x128xf32, #tpu.memory_space<vmem>>) dst(%dma_wait3A_477 : memref<128x128xf32, #tpu.memory_space<vmem_shared>>)
      tpu.yield
    }) : () -> ()
    %add3A_6 = arith.constant 384 : i32
    %add3A_7 = arith.addi %mul3A_0, %add3A_6 : i32
    "tpu.region"() ({
      %run_scoped3A_460 = tpu.sem_alloc : memref<!tpu.dma_semaphore, #tpu.memory_space<semaphore_mem>>
      %dma_start3A_461 = arith.constant 0 : i32
      %dma_start3A_462 = arith.constant 0 : i32
      %dma_start3A_463 = tpu.memref_slice %arg11[%dma_start3A_461, %dma_start3A_462] : memref<128x128xf32, #tpu.memory_space<vmem>> -> memref<128x128xf32, #tpu.memory_space<vmem>>
      %dma_start3A_464 = arith.constant 0 : i32
      %dma_start3A_465 = tpu.memref_slice %arg13[%add3A_7, %dma_start3A_464] : memref<10112x128xf32, #tpu.memory_space<vmem_shared>> -> memref<128x128xf32, #tpu.memory_space<vmem_shared>>
      %dma_start3A_466 = arith.constant 0 : i32
      %dma_start3A_467 = tpu.memref_slice %arg13[%add3A_7, %dma_start3A_466] : memref<10112x128xf32, #tpu.memory_space<vmem_shared>> -> memref<128x128xf32, #tpu.memory_space<vmem_shared>>
      %dma_start3A_468 = arith.constant 0 : i32
      %dma_start3A_469 = arith.constant 0 : i32
      %dma_start3A_470 = tpu.memref_slice %arg11[%dma_start3A_468, %dma_start3A_469] : memref<128x128xf32, #tpu.memory_space<vmem>> -> memref<128x128xf32, #tpu.memory_space<vmem>>
      tpu.enqueue_dma source(%dma_start3A_470 : memref<128x128xf32, #tpu.memory_space<vmem>>) target(%dma_start3A_467 : memref<128x128xf32, #tpu.memory_space<vmem_shared>>) target_semaphore(%run_scoped3A_460 : memref<!tpu.dma_semaphore, #tpu.memory_space<semaphore_mem>>)
      %dma_wait3A_471 = arith.constant 0 : i32
      %dma_wait3A_472 = arith.constant 0 : i32
      %dma_wait3A_473 = tpu.memref_slice %arg11[%dma_wait3A_471, %dma_wait3A_472] : memref<128x128xf32, #tpu.memory_space<vmem>> -> memref<128x128xf32, #tpu.memory_space<vmem>>
      %dma_wait3A_474 = arith.constant 0 : i32
      %dma_wait3A_475 = tpu.memref_slice %arg13[%add3A_7, %dma_wait3A_474] : memref<10112x128xf32, #tpu.memory_space<vmem_shared>> -> memref<128x128xf32, #tpu.memory_space<vmem_shared>>
      %dma_wait3A_476 = arith.constant 0 : i32
      %dma_wait3A_477 = tpu.memref_slice %arg13[%add3A_7, %dma_wait3A_476] : memref<10112x128xf32, #tpu.memory_space<vmem_shared>> -> memref<128x128xf32, #tpu.memory_space<vmem_shared>>
      %dma_wait3A_478 = arith.constant 0 : i32
      %dma_wait3A_479 = arith.constant 0 : i32
      %dma_wait3A_480 = tpu.memref_slice %arg11[%dma_wait3A_478, %dma_wait3A_479] : memref<128x128xf32, #tpu.memory_space<vmem>> -> memref<128x128xf32, #tpu.memory_space<vmem>>
      tpu.wait_dma2 semaphore(%run_scoped3A_460 : memref<!tpu.dma_semaphore, #tpu.memory_space<semaphore_mem>>) src(%dma_wait3A_480 : memref<128x128xf32, #tpu.memory_space<vmem>>) dst(%dma_wait3A_477 : memref<128x128xf32, #tpu.memory_space<vmem_shared>>)
      tpu.yield
    }) : () -> ()
    %add3A_8 = arith.constant 512 : i32
    %add3A_9 = arith.addi %mul3A_0, %add3A_8 : i32
    "tpu.region"() ({
      %run_scoped3A_460 = tpu.sem_alloc : memref<!tpu.dma_semaphore, #tpu.memory_space<semaphore_mem>>
      %dma_start3A_461 = arith.constant 0 : i32
      %dma_start3A_462 = arith.constant 0 : i32
      %dma_start3A_463 = tpu.memref_slice %arg11[%dma_start3A_461, %dma_start3A_462] : memref<128x128xf32, #tpu.memory_space<vmem>> -> memref<120x128xf32, #tpu.memory_space<vmem>>
      %dma_start3A_464 = arith.constant 0 : i32
      %dma_start3A_465 = tpu.memref_slice %arg13[%add3A_9, %dma_start3A_464] : memref<10112x128xf32, #tpu.memory_space<vmem_shared>> -> memref<120x128xf32, #tpu.memory_space<vmem_shared>>
      %dma_start3A_466 = arith.constant 0 : i32
      %dma_start3A_467 = tpu.memref_slice %arg13[%add3A_9, %dma_start3A_466] : memref<10112x128xf32, #tpu.memory_space<vmem_shared>> -> memref<120x128xf32, #tpu.memory_space<vmem_shared>>
      %dma_start3A_468 = arith.constant 0 : i32
      %dma_start3A_469 = arith.constant 0 : i32
      %dma_start3A_470 = tpu.memref_slice %arg11[%dma_start3A_468, %dma_start3A_469] : memref<128x128xf32, #tpu.memory_space<vmem>> -> memref<120x128xf32, #tpu.memory_space<vmem>>
      tpu.enqueue_dma source(%dma_start3A_470 : memref<120x128xf32, #tpu.memory_space<vmem>>) target(%dma_start3A_467 : memref<120x128xf32, #tpu.memory_space<vmem_shared>>) target_semaphore(%run_scoped3A_460 : memref<!tpu.dma_semaphore, #tpu.memory_space<semaphore_mem>>)
      %dma_wait3A_471 = arith.constant 0 : i32
      %dma_wait3A_472 = arith.constant 0 : i32
      %dma_wait3A_473 = tpu.memref_slice %arg11[%dma_wait3A_471, %dma_wait3A_472] : memref<128x128xf32, #tpu.memory_space<vmem>> -> memref<120x128xf32, #tpu.memory_space<vmem>>
      %dma_wait3A_474 = arith.constant 0 : i32
      %dma_wait3A_475 = tpu.memref_slice %arg13[%add3A_9, %dma_wait3A_474] : memref<10112x128xf32, #tpu.memory_space<vmem_shared>> -> memref<120x128xf32, #tpu.memory_space<vmem_shared>>
      %dma_wait3A_476 = arith.constant 0 : i32
      %dma_wait3A_477 = tpu.memref_slice %arg13[%add3A_9, %dma_wait3A_476] : memref<10112x128xf32, #tpu.memory_space<vmem_shared>> -> memref<120x128xf32, #tpu.memory_space<vmem_shared>>
      %dma_wait3A_478 = arith.constant 0 : i32
      %dma_wait3A_479 = arith.constant 0 : i32
      %dma_wait3A_480 = tpu.memref_slice %arg11[%dma_wait3A_478, %dma_wait3A_479] : memref<128x128xf32, #tpu.memory_space<vmem>> -> memref<120x128xf32, #tpu.memory_space<vmem>>
      tpu.wait_dma2 semaphore(%run_scoped3A_460 : memref<!tpu.dma_semaphore, #tpu.memory_space<semaphore_mem>>) src(%dma_wait3A_480 : memref<120x128xf32, #tpu.memory_space<vmem>>) dst(%dma_wait3A_477 : memref<120x128xf32, #tpu.memory_space<vmem_shared>>)
      tpu.yield
    }) : () -> ()
    %barrier3A = arith.constant 0 : index
    tpu.barrier barrier_id(%barrier3A)
    "tpu.region"() ({
      %run_scoped3A_460 = tpu.sem_alloc : memref<!tpu.dma_semaphore, #tpu.memory_space<semaphore_mem>>
      %dma_start3A_461 = arith.constant 0 : i32
      %dma_start3A_462 = arith.constant 0 : i32
      %dma_start3A_463 = tpu.memref_slice %arg3[%arg0, %arg1, %dma_start3A_461, %dma_start3A_462] : memref<2x16x160x128xi32, #tpu.memory_space<hbm>> -> memref<1x1x32x128xi32, #tpu.memory_space<hbm>>
      %dma_start3A_464 = tpu.memref_squeeze %dma_start3A_463 : memref<1x1x32x128xi32, #tpu.memory_space<hbm>> -> memref<32x128xi32, #tpu.memory_space<hbm>>
      %dma_start3A_465 = arith.constant 0 : i32
      %dma_start3A_466 = arith.constant 0 : i32
      %dma_start3A_467 = tpu.memref_slice %arg3[%arg0, %arg1, %dma_start3A_465, %dma_start3A_466] : memref<2x16x160x128xi32, #tpu.memory_space<hbm>> -> memref<1x1x32x128xi32, #tpu.memory_space<hbm>>
      %dma_start3A_468 = tpu.memref_squeeze %dma_start3A_467 : memref<1x1x32x128xi32, #tpu.memory_space<hbm>> -> memref<32x128xi32, #tpu.memory_space<hbm>>
      tpu.enqueue_dma source(%dma_start3A_468 : memref<32x128xi32, #tpu.memory_space<hbm>>) target(%arg7 : memref<32x128xi32, #tpu.memory_space<vmem>>) target_semaphore(%run_scoped3A_460 : memref<!tpu.dma_semaphore, #tpu.memory_space<semaphore_mem>>)
      %dma_wait3A_469 = arith.constant 0 : i32
      %dma_wait3A_470 = arith.constant 0 : i32
      %dma_wait3A_471 = tpu.memref_slice %arg3[%arg0, %arg1, %dma_wait3A_469, %dma_wait3A_470] : memref<2x16x160x128xi32, #tpu.memory_space<hbm>> -> memref<1x1x32x128xi32, #tpu.memory_space<hbm>>
      %dma_wait3A_472 = tpu.memref_squeeze %dma_wait3A_471 : memref<1x1x32x128xi32, #tpu.memory_space<hbm>> -> memref<32x128xi32, #tpu.memory_space<hbm>>
      %dma_wait3A_473 = arith.constant 0 : i32
      %dma_wait3A_474 = arith.constant 0 : i32
      %dma_wait3A_475 = tpu.memref_slice %arg3[%arg0, %arg1, %dma_wait3A_473, %dma_wait3A_474] : memref<2x16x160x128xi32, #tpu.memory_space<hbm>> -> memref<1x1x32x128xi32, #tpu.memory_space<hbm>>
      %dma_wait3A_476 = tpu.memref_squeeze %dma_wait3A_475 : memref<1x1x32x128xi32, #tpu.memory_space<hbm>> -> memref<32x128xi32, #tpu.memory_space<hbm>>
      tpu.wait_dma2 semaphore(%run_scoped3A_460 : memref<!tpu.dma_semaphore, #tpu.memory_space<semaphore_mem>>) src(%dma_wait3A_476 : memref<32x128xi32, #tpu.memory_space<hbm>>) dst(%arg7 : memref<32x128xi32, #tpu.memory_space<vmem>>)
      tpu.yield
    }) : () -> ()
    "tpu.region"() ({
      %run_scoped3A_460 = tpu.sem_alloc : memref<!tpu.dma_semaphore, #tpu.memory_space<semaphore_mem>>
      %dma_start3A_461 = arith.constant 0 : i32
      %dma_start3A_462 = arith.constant 0 : i32
      %dma_start3A_463 = tpu.memref_slice %arg4[%arg1, %dma_start3A_461, %dma_start3A_462] : memref<16x160x128xi32, #tpu.memory_space<hbm>> -> memref<1x32x128xi32, #tpu.memory_space<hbm>>
      %dma_start3A_464 = tpu.memref_squeeze %dma_start3A_463 : memref<1x32x128xi32, #tpu.memory_space<hbm>> -> memref<32x128xi32, #tpu.memory_space<hbm>>
      %dma_start3A_465 = arith.constant 0 : i32
      %dma_start3A_466 = arith.constant 0 : i32
      %dma_start3A_467 = tpu.memref_slice %arg4[%arg1, %dma_start3A_465, %dma_start3A_466] : memref<16x160x128xi32, #tpu.memory_space<hbm>> -> memref<1x32x128xi32, #tpu.memory_space<hbm>>
      %dma_start3A_468 = tpu.memref_squeeze %dma_start3A_467 : memref<1x32x128xi32, #tpu.memory_space<hbm>> -> memref<32x128xi32, #tpu.memory_space<hbm>>
      tpu.enqueue_dma source(%dma_start3A_468 : memref<32x128xi32, #tpu.memory_space<hbm>>) target(%arg8 : memref<32x128xi32, #tpu.memory_space<vmem>>) target_semaphore(%run_scoped3A_460 : memref<!tpu.dma_semaphore, #tpu.memory_space<semaphore_mem>>)
      %dma_wait3A_469 = arith.constant 0 : i32
      %dma_wait3A_470 = arith.constant 0 : i32
      %dma_wait3A_471 = tpu.memref_slice %arg4[%arg1, %dma_wait3A_469, %dma_wait3A_470] : memref<16x160x128xi32, #tpu.memory_space<hbm>> -> memref<1x32x128xi32, #tpu.memory_space<hbm>>
      %dma_wait3A_472 = tpu.memref_squeeze %dma_wait3A_471 : memref<1x32x128xi32, #tpu.memory_space<hbm>> -> memref<32x128xi32, #tpu.memory_space<hbm>>
      %dma_wait3A_473 = arith.constant 0 : i32
      %dma_wait3A_474 = arith.constant 0 : i32
      %dma_wait3A_475 = tpu.memref_slice %arg4[%arg1, %dma_wait3A_473, %dma_wait3A_474] : memref<16x160x128xi32, #tpu.memory_space<hbm>> -> memref<1x32x128xi32, #tpu.memory_space<hbm>>
      %dma_wait3A_476 = tpu.memref_squeeze %dma_wait3A_475 : memref<1x32x128xi32, #tpu.memory_space<hbm>> -> memref<32x128xi32, #tpu.memory_space<hbm>>
      tpu.wait_dma2 semaphore(%run_scoped3A_460 : memref<!tpu.dma_semaphore, #tpu.memory_space<semaphore_mem>>) src(%dma_wait3A_476 : memref<32x128xi32, #tpu.memory_space<hbm>>) dst(%arg8 : memref<32x128xi32, #tpu.memory_space<vmem>>)
      tpu.yield
    }) : () -> ()
    %dma_start3A = arith.constant 0 : i32
    %dma_start3A_10 = arith.constant 0 : i32
    %dma_start3A_11 = arith.constant 0 : i32
    %dma_start3A_12 = tpu.memref_slice %arg11[%dma_start3A_10, %dma_start3A_11] : memref<128x128xf32, #tpu.memory_space<vmem>> -> memref<64x128xf32, #tpu.memory_space<vmem>>
    %dma_start3A_13 = arith.constant 0 : i32
    %dma_start3A_14 = tpu.memref_slice %arg7[%dma_start3A, %dma_start3A_13] : memref<32x128xi32, #tpu.memory_space<vmem>> -> memref<1x64xi32, #tpu.memory_space<vmem>>
    %dma_start3A_15 = tpu.memref_squeeze %dma_start3A_14 : memref<1x64xi32, #tpu.memory_space<vmem>> -> memref<64xi32, #tpu.memory_space<vmem>>
    %dma_start3A_16 = arith.constant 0 : i32
    %dma_start3A_17 = arith.constant 0 : i32
    %dma_start3A_18 = tpu.memref_slice %arg2[%dma_start3A_16, %dma_start3A_17] : memref<20000x128xf32, #tpu.memory_space<hbm>> -> memref<20000x128xf32, #tpu.memory_space<hbm>>
    tpu.enqueue_indirect_dma source(%dma_start3A_18 : memref<20000x128xf32, #tpu.memory_space<hbm>>) target(%dma_start3A_12 : memref<64x128xf32, #tpu.memory_space<vmem>>) offsets(%dma_start3A_15 : memref<64xi32, #tpu.memory_space<vmem>>) semaphore(%arg14 : memref<!tpu.dma_semaphore, #tpu.memory_space<semaphore_mem>>)
    %dma_start3A_19 = arith.constant 0 : i32
    %dma_start3A_20 = arith.constant 64 : i32
    %dma_start3A_21 = arith.constant 0 : i32
    %dma_start3A_22 = tpu.memref_slice %arg11[%dma_start3A_20, %dma_start3A_21] : memref<128x128xf32, #tpu.memory_space<vmem>> -> memref<64x128xf32, #tpu.memory_space<vmem>>
    %dma_start3A_23 = arith.constant 64 : i32
    %dma_start3A_24 = tpu.memref_slice %arg7[%dma_start3A_19, %dma_start3A_23] : memref<32x128xi32, #tpu.memory_space<vmem>> -> memref<1x64xi32, #tpu.memory_space<vmem>>
    %dma_start3A_25 = tpu.memref_squeeze %dma_start3A_24 : memref<1x64xi32, #tpu.memory_space<vmem>> -> memref<64xi32, #tpu.memory_space<vmem>>
    %dma_start3A_26 = arith.constant 0 : i32
    %dma_start3A_27 = arith.constant 0 : i32
    %dma_start3A_28 = tpu.memref_slice %arg2[%dma_start3A_26, %dma_start3A_27] : memref<20000x128xf32, #tpu.memory_space<hbm>> -> memref<20000x128xf32, #tpu.memory_space<hbm>>
    tpu.enqueue_indirect_dma source(%dma_start3A_28 : memref<20000x128xf32, #tpu.memory_space<hbm>>) target(%dma_start3A_22 : memref<64x128xf32, #tpu.memory_space<vmem>>) offsets(%dma_start3A_25 : memref<64xi32, #tpu.memory_space<vmem>>) semaphore(%arg14 : memref<!tpu.dma_semaphore, #tpu.memory_space<semaphore_mem>>)
    %dma_start3A_29 = arith.constant 32 : i32
    %dma_start3A_30 = arith.constant 0 : i32
    %dma_start3A_31 = tpu.memref_slice %arg3[%arg0, %arg1, %dma_start3A_29, %dma_start3A_30] : memref<2x16x160x128xi32, #tpu.memory_space<hbm>> -> memref<1x1x32x128xi32, #tpu.memory_space<hbm>>
    %dma_start3A_32 = tpu.memref_squeeze %dma_start3A_31 : memref<1x1x32x128xi32, #tpu.memory_space<hbm>> -> memref<32x128xi32, #tpu.memory_space<hbm>>
    %dma_start3A_33 = arith.constant 32 : i32
    %dma_start3A_34 = arith.constant 0 : i32
    %dma_start3A_35 = tpu.memref_slice %arg3[%arg0, %arg1, %dma_start3A_33, %dma_start3A_34] : memref<2x16x160x128xi32, #tpu.memory_space<hbm>> -> memref<1x1x32x128xi32, #tpu.memory_space<hbm>>
    %dma_start3A_36 = tpu.memref_squeeze %dma_start3A_35 : memref<1x1x32x128xi32, #tpu.memory_space<hbm>> -> memref<32x128xi32, #tpu.memory_space<hbm>>
    tpu.enqueue_dma source(%dma_start3A_36 : memref<32x128xi32, #tpu.memory_space<hbm>>) target(%arg9 : memref<32x128xi32, #tpu.memory_space<vmem>>) target_semaphore(%arg16 : memref<!tpu.dma_semaphore, #tpu.memory_space<semaphore_mem>>)
    %dma_start3A_37 = arith.constant 32 : i32
    %dma_start3A_38 = arith.constant 0 : i32
    %dma_start3A_39 = tpu.memref_slice %arg4[%arg1, %dma_start3A_37, %dma_start3A_38] : memref<16x160x128xi32, #tpu.memory_space<hbm>> -> memref<1x32x128xi32, #tpu.memory_space<hbm>>
    %dma_start3A_40 = tpu.memref_squeeze %dma_start3A_39 : memref<1x32x128xi32, #tpu.memory_space<hbm>> -> memref<32x128xi32, #tpu.memory_space<hbm>>
    %dma_start3A_41 = arith.constant 32 : i32
    %dma_start3A_42 = arith.constant 0 : i32
    %dma_start3A_43 = tpu.memref_slice %arg4[%arg1, %dma_start3A_41, %dma_start3A_42] : memref<16x160x128xi32, #tpu.memory_space<hbm>> -> memref<1x32x128xi32, #tpu.memory_space<hbm>>
    %dma_start3A_44 = tpu.memref_squeeze %dma_start3A_43 : memref<1x32x128xi32, #tpu.memory_space<hbm>> -> memref<32x128xi32, #tpu.memory_space<hbm>>
    tpu.enqueue_dma source(%dma_start3A_44 : memref<32x128xi32, #tpu.memory_space<hbm>>) target(%arg10 : memref<32x128xi32, #tpu.memory_space<vmem>>) target_semaphore(%arg16 : memref<!tpu.dma_semaphore, #tpu.memory_space<semaphore_mem>>)
    %scan3A = arith.constant 0 : i32
    %scan3A_45 = arith.constant 15 : i32
    %scan3A_46 = arith.addi %scan3A, %scan3A_45 : i32
    %scan3A_47 = arith.constant 1 : i32
    scf.for %scan3A_460 = %scan3A to %scan3A_46 step %scan3A_47  : i32 {
      %mul3A_461 = arith.constant 2 : i32
      %mul3A_462 = arith.muli %mul3A_461, %scan3A_460 : i32
      %add3A_463 = arith.constant 1 : i32
      %add3A_464 = arith.addi %mul3A_462, %add3A_463 : i32
      %dma_start3A_465 = arith.constant 0 : i32
      %dma_start3A_466 = arith.constant 0 : i32
      %dma_start3A_467 = tpu.memref_slice %arg12[%dma_start3A_465, %dma_start3A_466] : memref<128x128xf32, #tpu.memory_space<vmem>> -> memref<64x128xf32, #tpu.memory_space<vmem>>
      %dma_start3A_468 = arith.constant 0 : i32
      %dma_start3A_469 = tpu.memref_slice %arg7[%add3A_464, %dma_start3A_468] : memref<32x128xi32, #tpu.memory_space<vmem>> -> memref<1x64xi32, #tpu.memory_space<vmem>>
      %dma_start3A_470 = tpu.memref_squeeze %dma_start3A_469 : memref<1x64xi32, #tpu.memory_space<vmem>> -> memref<64xi32, #tpu.memory_space<vmem>>
      %dma_start3A_471 = arith.constant 0 : i32
      %dma_start3A_472 = arith.constant 0 : i32
      %dma_start3A_473 = tpu.memref_slice %arg2[%dma_start3A_471, %dma_start3A_472] : memref<20000x128xf32, #tpu.memory_space<hbm>> -> memref<20000x128xf32, #tpu.memory_space<hbm>>
      tpu.enqueue_indirect_dma source(%dma_start3A_473 : memref<20000x128xf32, #tpu.memory_space<hbm>>) target(%dma_start3A_467 : memref<64x128xf32, #tpu.memory_space<vmem>>) offsets(%dma_start3A_470 : memref<64xi32, #tpu.memory_space<vmem>>) semaphore(%arg15 : memref<!tpu.dma_semaphore, #tpu.memory_space<semaphore_mem>>)
      %dma_start3A_474 = arith.constant 64 : i32
      %dma_start3A_475 = arith.constant 0 : i32
      %dma_start3A_476 = tpu.memref_slice %arg12[%dma_start3A_474, %dma_start3A_475] : memref<128x128xf32, #tpu.memory_space<vmem>> -> memref<64x128xf32, #tpu.memory_space<vmem>>
      %dma_start3A_477 = arith.constant 64 : i32
      %dma_start3A_478 = tpu.memref_slice %arg7[%add3A_464, %dma_start3A_477] : memref<32x128xi32, #tpu.memory_space<vmem>> -> memref<1x64xi32, #tpu.memory_space<vmem>>
      %dma_start3A_479 = tpu.memref_squeeze %dma_start3A_478 : memref<1x64xi32, #tpu.memory_space<vmem>> -> memref<64xi32, #tpu.memory_space<vmem>>
      %dma_start3A_480 = arith.constant 0 : i32
      %dma_start3A_481 = arith.constant 0 : i32
      %dma_start3A_482 = tpu.memref_slice %arg2[%dma_start3A_480, %dma_start3A_481] : memref<20000x128xf32, #tpu.memory_space<hbm>> -> memref<20000x128xf32, #tpu.memory_space<hbm>>
      tpu.enqueue_indirect_dma source(%dma_start3A_482 : memref<20000x128xf32, #tpu.memory_space<hbm>>) target(%dma_start3A_476 : memref<64x128xf32, #tpu.memory_space<vmem>>) offsets(%dma_start3A_479 : memref<64xi32, #tpu.memory_space<vmem>>) semaphore(%arg15 : memref<!tpu.dma_semaphore, #tpu.memory_space<semaphore_mem>>)
      %dma_wait3A_483 = arith.constant 0 : i32
      %dma_wait3A_484 = tpu.memref_slice %arg8[%mul3A_462, %dma_wait3A_483] : memref<32x128xi32, #tpu.memory_space<vmem>> -> memref<1x128xi32, #tpu.memory_space<vmem>>
      %dma_wait3A_485 = tpu.memref_squeeze %dma_wait3A_484 : memref<1x128xi32, #tpu.memory_space<vmem>> -> memref<128xi32, #tpu.memory_space<vmem>>
      %dma_wait3A_486 = arith.constant 0 : i32
      %dma_wait3A_487 = arith.constant 0 : i32
      %dma_wait3A_488 = tpu.memref_slice %arg2[%dma_wait3A_486, %dma_wait3A_487] : memref<20000x128xf32, #tpu.memory_space<hbm>> -> memref<20000x128xf32, #tpu.memory_space<hbm>>
      tpu.wait_indirect_dma semaphore(%arg14 : memref<!tpu.dma_semaphore, #tpu.memory_space<semaphore_mem>>) src(%dma_wait3A_488 : memref<20000x128xf32, #tpu.memory_space<hbm>>) dst(%arg11 : memref<128x128xf32, #tpu.memory_space<vmem>>)
      "tpu.region"() ({
        %run_scoped3A_517 = tpu.sem_alloc : memref<!tpu.dma_semaphore, #tpu.memory_space<semaphore_mem>>
        %dma_start3A_518 = arith.constant 0 : i32
        %dma_start3A_519 = tpu.memref_slice %arg8[%mul3A_462, %dma_start3A_518] : memref<32x128xi32, #tpu.memory_space<vmem>> -> memref<1x128xi32, #tpu.memory_space<vmem>>
        %dma_start3A_520 = tpu.memref_squeeze %dma_start3A_519 : memref<1x128xi32, #tpu.memory_space<vmem>> -> memref<128xi32, #tpu.memory_space<vmem>>
        %dma_start3A_521 = arith.constant 0 : i32
        %dma_start3A_522 = arith.constant 0 : i32
        %dma_start3A_523 = tpu.memref_slice %arg13[%dma_start3A_521, %dma_start3A_522] : memref<10112x128xf32, #tpu.memory_space<vmem_shared>> -> memref<10112x128xf32, #tpu.memory_space<vmem_shared>>
        tpu.enqueue_indirect_dma source(%arg11 : memref<128x128xf32, #tpu.memory_space<vmem>>) target(%dma_start3A_523 : memref<10112x128xf32, #tpu.memory_space<vmem_shared>>) offsets(%dma_start3A_520 : memref<128xi32, #tpu.memory_space<vmem>>) semaphore(%run_scoped3A_517 : memref<!tpu.dma_semaphore, #tpu.memory_space<semaphore_mem>>) {add = true}
        %dma_wait3A_524 = arith.constant 0 : i32
        %dma_wait3A_525 = tpu.memref_slice %arg8[%mul3A_462, %dma_wait3A_524] : memref<32x128xi32, #tpu.memory_space<vmem>> -> memref<1x128xi32, #tpu.memory_space<vmem>>
        %dma_wait3A_526 = tpu.memref_squeeze %dma_wait3A_525 : memref<1x128xi32, #tpu.memory_space<vmem>> -> memref<128xi32, #tpu.memory_space<vmem>>
        %dma_wait3A_527 = arith.constant 0 : i32
        %dma_wait3A_528 = arith.constant 0 : i32
        %dma_wait3A_529 = tpu.memref_slice %arg13[%dma_wait3A_527, %dma_wait3A_528] : memref<10112x128xf32, #tpu.memory_space<vmem_shared>> -> memref<10112x128xf32, #tpu.memory_space<vmem_shared>>
        tpu.wait_indirect_dma semaphore(%run_scoped3A_517 : memref<!tpu.dma_semaphore, #tpu.memory_space<semaphore_mem>>) src(%arg11 : memref<128x128xf32, #tpu.memory_space<vmem>>) dst(%dma_wait3A_529 : memref<10112x128xf32, #tpu.memory_space<vmem_shared>>)
        tpu.yield
      }) : () -> ()
      %add3A_489 = arith.constant 2 : i32
      %add3A_490 = arith.addi %mul3A_462, %add3A_489 : i32
      %dma_start3A_491 = arith.constant 0 : i32
      %dma_start3A_492 = arith.constant 0 : i32
      %dma_start3A_493 = tpu.memref_slice %arg11[%dma_start3A_491, %dma_start3A_492] : memref<128x128xf32, #tpu.memory_space<vmem>> -> memref<64x128xf32, #tpu.memory_space<vmem>>
      %dma_start3A_494 = arith.constant 0 : i32
      %dma_start3A_495 = tpu.memref_slice %arg7[%add3A_490, %dma_start3A_494] : memref<32x128xi32, #tpu.memory_space<vmem>> -> memref<1x64xi32, #tpu.memory_space<vmem>>
      %dma_start3A_496 = tpu.memref_squeeze %dma_start3A_495 : memref<1x64xi32, #tpu.memory_space<vmem>> -> memref<64xi32, #tpu.memory_space<vmem>>
      %dma_start3A_497 = arith.constant 0 : i32
      %dma_start3A_498 = arith.constant 0 : i32
      %dma_start3A_499 = tpu.memref_slice %arg2[%dma_start3A_497, %dma_start3A_498] : memref<20000x128xf32, #tpu.memory_space<hbm>> -> memref<20000x128xf32, #tpu.memory_space<hbm>>
      tpu.enqueue_indirect_dma source(%dma_start3A_499 : memref<20000x128xf32, #tpu.memory_space<hbm>>) target(%dma_start3A_493 : memref<64x128xf32, #tpu.memory_space<vmem>>) offsets(%dma_start3A_496 : memref<64xi32, #tpu.memory_space<vmem>>) semaphore(%arg14 : memref<!tpu.dma_semaphore, #tpu.memory_space<semaphore_mem>>)
      %dma_start3A_500 = arith.constant 64 : i32
      %dma_start3A_501 = arith.constant 0 : i32
      %dma_start3A_502 = tpu.memref_slice %arg11[%dma_start3A_500, %dma_start3A_501] : memref<128x128xf32, #tpu.memory_space<vmem>> -> memref<64x128xf32, #tpu.memory_space<vmem>>
      %dma_start3A_503 = arith.constant 64 : i32
      %dma_start3A_504 = tpu.memref_slice %arg7[%add3A_490, %dma_start3A_503] : memref<32x128xi32, #tpu.memory_space<vmem>> -> memref<1x64xi32, #tpu.memory_space<vmem>>
      %dma_start3A_505 = tpu.memref_squeeze %dma_start3A_504 : memref<1x64xi32, #tpu.memory_space<vmem>> -> memref<64xi32, #tpu.memory_space<vmem>>
      %dma_start3A_506 = arith.constant 0 : i32
      %dma_start3A_507 = arith.constant 0 : i32
      %dma_start3A_508 = tpu.memref_slice %arg2[%dma_start3A_506, %dma_start3A_507] : memref<20000x128xf32, #tpu.memory_space<hbm>> -> memref<20000x128xf32, #tpu.memory_space<hbm>>
      tpu.enqueue_indirect_dma source(%dma_start3A_508 : memref<20000x128xf32, #tpu.memory_space<hbm>>) target(%dma_start3A_502 : memref<64x128xf32, #tpu.memory_space<vmem>>) offsets(%dma_start3A_505 : memref<64xi32, #tpu.memory_space<vmem>>) semaphore(%arg14 : memref<!tpu.dma_semaphore, #tpu.memory_space<semaphore_mem>>)
      %add3A_509 = arith.constant 1 : i32
      %add3A_510 = arith.addi %mul3A_462, %add3A_509 : i32
      %dma_wait3A_511 = arith.constant 0 : i32
      %dma_wait3A_512 = tpu.memref_slice %arg8[%add3A_510, %dma_wait3A_511] : memref<32x128xi32, #tpu.memory_space<vmem>> -> memref<1x128xi32, #tpu.memory_space<vmem>>
      %dma_wait3A_513 = tpu.memref_squeeze %dma_wait3A_512 : memref<1x128xi32, #tpu.memory_space<vmem>> -> memref<128xi32, #tpu.memory_space<vmem>>
      %dma_wait3A_514 = arith.constant 0 : i32
      %dma_wait3A_515 = arith.constant 0 : i32
      %dma_wait3A_516 = tpu.memref_slice %arg2[%dma_wait3A_514, %dma_wait3A_515] : memref<20000x128xf32, #tpu.memory_space<hbm>> -> memref<20000x128xf32, #tpu.memory_space<hbm>>
      tpu.wait_indirect_dma semaphore(%arg15 : memref<!tpu.dma_semaphore, #tpu.memory_space<semaphore_mem>>) src(%dma_wait3A_516 : memref<20000x128xf32, #tpu.memory_space<hbm>>) dst(%arg12 : memref<128x128xf32, #tpu.memory_space<vmem>>)
      "tpu.region"() ({
        %run_scoped3A_517 = tpu.sem_alloc : memref<!tpu.dma_semaphore, #tpu.memory_space<semaphore_mem>>
        %dma_start3A_518 = arith.constant 0 : i32
        %dma_start3A_519 = tpu.memref_slice %arg8[%add3A_510, %dma_start3A_518] : memref<32x128xi32, #tpu.memory_space<vmem>> -> memref<1x128xi32, #tpu.memory_space<vmem>>
        %dma_start3A_520 = tpu.memref_squeeze %dma_start3A_519 : memref<1x128xi32, #tpu.memory_space<vmem>> -> memref<128xi32, #tpu.memory_space<vmem>>
        %dma_start3A_521 = arith.constant 0 : i32
        %dma_start3A_522 = arith.constant 0 : i32
        %dma_start3A_523 = tpu.memref_slice %arg13[%dma_start3A_521, %dma_start3A_522] : memref<10112x128xf32, #tpu.memory_space<vmem_shared>> -> memref<10112x128xf32, #tpu.memory_space<vmem_shared>>
        tpu.enqueue_indirect_dma source(%arg12 : memref<128x128xf32, #tpu.memory_space<vmem>>) target(%dma_start3A_523 : memref<10112x128xf32, #tpu.memory_space<vmem_shared>>) offsets(%dma_start3A_520 : memref<128xi32, #tpu.memory_space<vmem>>) semaphore(%run_scoped3A_517 : memref<!tpu.dma_semaphore, #tpu.memory_space<semaphore_mem>>) {add = true}
        %dma_wait3A_524 = arith.constant 0 : i32
        %dma_wait3A_525 = tpu.memref_slice %arg8[%add3A_510, %dma_wait3A_524] : memref<32x128xi32, #tpu.memory_space<vmem>> -> memref<1x128xi32, #tpu.memory_space<vmem>>
        %dma_wait3A_526 = tpu.memref_squeeze %dma_wait3A_525 : memref<1x128xi32, #tpu.memory_space<vmem>> -> memref<128xi32, #tpu.memory_space<vmem>>
        %dma_wait3A_527 = arith.constant 0 : i32
        %dma_wait3A_528 = arith.constant 0 : i32
        %dma_wait3A_529 = tpu.memref_slice %arg13[%dma_wait3A_527, %dma_wait3A_528] : memref<10112x128xf32, #tpu.memory_space<vmem_shared>> -> memref<10112x128xf32, #tpu.memory_space<vmem_shared>>
        tpu.wait_indirect_dma semaphore(%run_scoped3A_517 : memref<!tpu.dma_semaphore, #tpu.memory_space<semaphore_mem>>) src(%arg12 : memref<128x128xf32, #tpu.memory_space<vmem>>) dst(%dma_wait3A_529 : memref<10112x128xf32, #tpu.memory_space<vmem_shared>>)
        tpu.yield
      }) : () -> ()
    }
    %scan3A_48 = arith.constant 15 : i32
    %dma_start3A_49 = arith.constant 31 : i32
    %dma_start3A_50 = arith.constant 0 : i32
    %dma_start3A_51 = arith.constant 0 : i32
    %dma_start3A_52 = tpu.memref_slice %arg12[%dma_start3A_50, %dma_start3A_51] : memref<128x128xf32, #tpu.memory_space<vmem>> -> memref<64x128xf32, #tpu.memory_space<vmem>>
    %dma_start3A_53 = arith.constant 0 : i32
    %dma_start3A_54 = tpu.memref_slice %arg7[%dma_start3A_49, %dma_start3A_53] : memref<32x128xi32, #tpu.memory_space<vmem>> -> memref<1x64xi32, #tpu.memory_space<vmem>>
    %dma_start3A_55 = tpu.memref_squeeze %dma_start3A_54 : memref<1x64xi32, #tpu.memory_space<vmem>> -> memref<64xi32, #tpu.memory_space<vmem>>
    %dma_start3A_56 = arith.constant 0 : i32
    %dma_start3A_57 = arith.constant 0 : i32
    %dma_start3A_58 = tpu.memref_slice %arg2[%dma_start3A_56, %dma_start3A_57] : memref<20000x128xf32, #tpu.memory_space<hbm>> -> memref<20000x128xf32, #tpu.memory_space<hbm>>
    tpu.enqueue_indirect_dma source(%dma_start3A_58 : memref<20000x128xf32, #tpu.memory_space<hbm>>) target(%dma_start3A_52 : memref<64x128xf32, #tpu.memory_space<vmem>>) offsets(%dma_start3A_55 : memref<64xi32, #tpu.memory_space<vmem>>) semaphore(%arg15 : memref<!tpu.dma_semaphore, #tpu.memory_space<semaphore_mem>>)
    %dma_start3A_59 = arith.constant 31 : i32
    %dma_start3A_60 = arith.constant 64 : i32
    %dma_start3A_61 = arith.constant 0 : i32
    %dma_start3A_62 = tpu.memref_slice %arg12[%dma_start3A_60, %dma_start3A_61] : memref<128x128xf32, #tpu.memory_space<vmem>> -> memref<64x128xf32, #tpu.memory_space<vmem>>
    %dma_start3A_63 = arith.constant 64 : i32
    %dma_start3A_64 = tpu.memref_slice %arg7[%dma_start3A_59, %dma_start3A_63] : memref<32x128xi32, #tpu.memory_space<vmem>> -> memref<1x64xi32, #tpu.memory_space<vmem>>
    %dma_start3A_65 = tpu.memref_squeeze %dma_start3A_64 : memref<1x64xi32, #tpu.memory_space<vmem>> -> memref<64xi32, #tpu.memory_space<vmem>>
    %dma_start3A_66 = arith.constant 0 : i32
    %dma_start3A_67 = arith.constant 0 : i32
    %dma_start3A_68 = tpu.memref_slice %arg2[%dma_start3A_66, %dma_start3A_67] : memref<20000x128xf32, #tpu.memory_space<hbm>> -> memref<20000x128xf32, #tpu.memory_space<hbm>>
    tpu.enqueue_indirect_dma source(%dma_start3A_68 : memref<20000x128xf32, #tpu.memory_space<hbm>>) target(%dma_start3A_62 : memref<64x128xf32, #tpu.memory_space<vmem>>) offsets(%dma_start3A_65 : memref<64xi32, #tpu.memory_space<vmem>>) semaphore(%arg15 : memref<!tpu.dma_semaphore, #tpu.memory_space<semaphore_mem>>)
    %dma_wait3A = arith.constant 30 : i32
    %dma_wait3A_69 = arith.constant 0 : i32
    %dma_wait3A_70 = tpu.memref_slice %arg8[%dma_wait3A, %dma_wait3A_69] : memref<32x128xi32, #tpu.memory_space<vmem>> -> memref<1x128xi32, #tpu.memory_space<vmem>>
    %dma_wait3A_71 = tpu.memref_squeeze %dma_wait3A_70 : memref<1x128xi32, #tpu.memory_space<vmem>> -> memref<128xi32, #tpu.memory_space<vmem>>
    %dma_wait3A_72 = arith.constant 0 : i32
    %dma_wait3A_73 = arith.constant 0 : i32
    %dma_wait3A_74 = tpu.memref_slice %arg2[%dma_wait3A_72, %dma_wait3A_73] : memref<20000x128xf32, #tpu.memory_space<hbm>> -> memref<20000x128xf32, #tpu.memory_space<hbm>>
    tpu.wait_indirect_dma semaphore(%arg14 : memref<!tpu.dma_semaphore, #tpu.memory_space<semaphore_mem>>) src(%dma_wait3A_74 : memref<20000x128xf32, #tpu.memory_space<hbm>>) dst(%arg11 : memref<128x128xf32, #tpu.memory_space<vmem>>)
    %run_scoped3A = arith.constant 30 : i32
    "tpu.region"() ({
      %run_scoped3A_460 = tpu.sem_alloc : memref<!tpu.dma_semaphore, #tpu.memory_space<semaphore_mem>>
      %dma_start3A_461 = arith.constant 0 : i32
      %dma_start3A_462 = tpu.memref_slice %arg8[%run_scoped3A, %dma_start3A_461] : memref<32x128xi32, #tpu.memory_space<vmem>> -> memref<1x128xi32, #tpu.memory_space<vmem>>
      %dma_start3A_463 = tpu.memref_squeeze %dma_start3A_462 : memref<1x128xi32, #tpu.memory_space<vmem>> -> memref<128xi32, #tpu.memory_space<vmem>>
      %dma_start3A_464 = arith.constant 0 : i32
      %dma_start3A_465 = arith.constant 0 : i32
      %dma_start3A_466 = tpu.memref_slice %arg13[%dma_start3A_464, %dma_start3A_465] : memref<10112x128xf32, #tpu.memory_space<vmem_shared>> -> memref<10112x128xf32, #tpu.memory_space<vmem_shared>>
      tpu.enqueue_indirect_dma source(%arg11 : memref<128x128xf32, #tpu.memory_space<vmem>>) target(%dma_start3A_466 : memref<10112x128xf32, #tpu.memory_space<vmem_shared>>) offsets(%dma_start3A_463 : memref<128xi32, #tpu.memory_space<vmem>>) semaphore(%run_scoped3A_460 : memref<!tpu.dma_semaphore, #tpu.memory_space<semaphore_mem>>) {add = true}
      %dma_wait3A_467 = arith.constant 0 : i32
      %dma_wait3A_468 = tpu.memref_slice %arg8[%run_scoped3A, %dma_wait3A_467] : memref<32x128xi32, #tpu.memory_space<vmem>> -> memref<1x128xi32, #tpu.memory_space<vmem>>
      %dma_wait3A_469 = tpu.memref_squeeze %dma_wait3A_468 : memref<1x128xi32, #tpu.memory_space<vmem>> -> memref<128xi32, #tpu.memory_space<vmem>>
      %dma_wait3A_470 = arith.constant 0 : i32
      %dma_wait3A_471 = arith.constant 0 : i32
      %dma_wait3A_472 = tpu.memref_slice %arg13[%dma_wait3A_470, %dma_wait3A_471] : memref<10112x128xf32, #tpu.memory_space<vmem_shared>> -> memref<10112x128xf32, #tpu.memory_space<vmem_shared>>
      tpu.wait_indirect_dma semaphore(%run_scoped3A_460 : memref<!tpu.dma_semaphore, #tpu.memory_space<semaphore_mem>>) src(%arg11 : memref<128x128xf32, #tpu.memory_space<vmem>>) dst(%dma_wait3A_472 : memref<10112x128xf32, #tpu.memory_space<vmem_shared>>)
      tpu.yield
    }) : () -> ()
    %dma_wait3A_75 = arith.constant 32 : i32
    %dma_wait3A_76 = arith.constant 0 : i32
    %dma_wait3A_77 = tpu.memref_slice %arg3[%arg0, %arg1, %dma_wait3A_75, %dma_wait3A_76] : memref<2x16x160x128xi32, #tpu.memory_space<hbm>> -> memref<1x1x32x128xi32, #tpu.memory_space<hbm>>
    %dma_wait3A_78 = tpu.memref_squeeze %dma_wait3A_77 : memref<1x1x32x128xi32, #tpu.memory_space<hbm>> -> memref<32x128xi32, #tpu.memory_space<hbm>>
    %dma_wait3A_79 = arith.constant 32 : i32
    %dma_wait3A_80 = arith.constant 0 : i32
    %dma_wait3A_81 = tpu.memref_slice %arg3[%arg0, %arg1, %dma_wait3A_79, %dma_wait3A_80] : memref<2x16x160x128xi32, #tpu.memory_space<hbm>> -> memref<1x1x32x128xi32, #tpu.memory_space<hbm>>
    %dma_wait3A_82 = tpu.memref_squeeze %dma_wait3A_81 : memref<1x1x32x128xi32, #tpu.memory_space<hbm>> -> memref<32x128xi32, #tpu.memory_space<hbm>>
    tpu.wait_dma2 semaphore(%arg16 : memref<!tpu.dma_semaphore, #tpu.memory_space<semaphore_mem>>) src(%dma_wait3A_82 : memref<32x128xi32, #tpu.memory_space<hbm>>) dst(%arg9 : memref<32x128xi32, #tpu.memory_space<vmem>>)
    %dma_wait3A_83 = arith.constant 32 : i32
    %dma_wait3A_84 = arith.constant 0 : i32
    %dma_wait3A_85 = tpu.memref_slice %arg4[%arg1, %dma_wait3A_83, %dma_wait3A_84] : memref<16x160x128xi32, #tpu.memory_space<hbm>> -> memref<1x32x128xi32, #tpu.memory_space<hbm>>
    %dma_wait3A_86 = tpu.memref_squeeze %dma_wait3A_85 : memref<1x32x128xi32, #tpu.memory_space<hbm>> -> memref<32x128xi32, #tpu.memory_space<hbm>>
    %dma_wait3A_87 = arith.constant 32 : i32
    %dma_wait3A_88 = arith.constant 0 : i32
    %dma_wait3A_89 = tpu.memref_slice %arg4[%arg1, %dma_wait3A_87, %dma_wait3A_88] : memref<16x160x128xi32, #tpu.memory_space<hbm>> -> memref<1x32x128xi32, #tpu.memory_space<hbm>>
    %dma_wait3A_90 = tpu.memref_squeeze %dma_wait3A_89 : memref<1x32x128xi32, #tpu.memory_space<hbm>> -> memref<32x128xi32, #tpu.memory_space<hbm>>
    tpu.wait_dma2 semaphore(%arg16 : memref<!tpu.dma_semaphore, #tpu.memory_space<semaphore_mem>>) src(%dma_wait3A_90 : memref<32x128xi32, #tpu.memory_space<hbm>>) dst(%arg10 : memref<32x128xi32, #tpu.memory_space<vmem>>)
    %dma_start3A_91 = arith.constant 0 : i32
    %dma_start3A_92 = arith.constant 0 : i32
    %dma_start3A_93 = arith.constant 0 : i32
    %dma_start3A_94 = tpu.memref_slice %arg11[%dma_start3A_92, %dma_start3A_93] : memref<128x128xf32, #tpu.memory_space<vmem>> -> memref<64x128xf32, #tpu.memory_space<vmem>>
    %dma_start3A_95 = arith.constant 0 : i32
    %dma_start3A_96 = tpu.memref_slice %arg9[%dma_start3A_91, %dma_start3A_95] : memref<32x128xi32, #tpu.memory_space<vmem>> -> memref<1x64xi32, #tpu.memory_space<vmem>>
    %dma_start3A_97 = tpu.memref_squeeze %dma_start3A_96 : memref<1x64xi32, #tpu.memory_space<vmem>> -> memref<64xi32, #tpu.memory_space<vmem>>
    %dma_start3A_98 = arith.constant 0 : i32
    %dma_start3A_99 = arith.constant 0 : i32
    %dma_start3A_100 = tpu.memref_slice %arg2[%dma_start3A_98, %dma_start3A_99] : memref<20000x128xf32, #tpu.memory_space<hbm>> -> memref<20000x128xf32, #tpu.memory_space<hbm>>
    tpu.enqueue_indirect_dma source(%dma_start3A_100 : memref<20000x128xf32, #tpu.memory_space<hbm>>) target(%dma_start3A_94 : memref<64x128xf32, #tpu.memory_space<vmem>>) offsets(%dma_start3A_97 : memref<64xi32, #tpu.memory_space<vmem>>) semaphore(%arg14 : memref<!tpu.dma_semaphore, #tpu.memory_space<semaphore_mem>>)
    %dma_start3A_101 = arith.constant 0 : i32
    %dma_start3A_102 = arith.constant 64 : i32
    %dma_start3A_103 = arith.constant 0 : i32
    %dma_start3A_104 = tpu.memref_slice %arg11[%dma_start3A_102, %dma_start3A_103] : memref<128x128xf32, #tpu.memory_space<vmem>> -> memref<64x128xf32, #tpu.memory_space<vmem>>
    %dma_start3A_105 = arith.constant 64 : i32
    %dma_start3A_106 = tpu.memref_slice %arg9[%dma_start3A_101, %dma_start3A_105] : memref<32x128xi32, #tpu.memory_space<vmem>> -> memref<1x64xi32, #tpu.memory_space<vmem>>
    %dma_start3A_107 = tpu.memref_squeeze %dma_start3A_106 : memref<1x64xi32, #tpu.memory_space<vmem>> -> memref<64xi32, #tpu.memory_space<vmem>>
    %dma_start3A_108 = arith.constant 0 : i32
    %dma_start3A_109 = arith.constant 0 : i32
    %dma_start3A_110 = tpu.memref_slice %arg2[%dma_start3A_108, %dma_start3A_109] : memref<20000x128xf32, #tpu.memory_space<hbm>> -> memref<20000x128xf32, #tpu.memory_space<hbm>>
    tpu.enqueue_indirect_dma source(%dma_start3A_110 : memref<20000x128xf32, #tpu.memory_space<hbm>>) target(%dma_start3A_104 : memref<64x128xf32, #tpu.memory_space<vmem>>) offsets(%dma_start3A_107 : memref<64xi32, #tpu.memory_space<vmem>>) semaphore(%arg14 : memref<!tpu.dma_semaphore, #tpu.memory_space<semaphore_mem>>)
    %dma_wait3A_111 = arith.constant 31 : i32
    %dma_wait3A_112 = arith.constant 0 : i32
    %dma_wait3A_113 = tpu.memref_slice %arg8[%dma_wait3A_111, %dma_wait3A_112] : memref<32x128xi32, #tpu.memory_space<vmem>> -> memref<1x128xi32, #tpu.memory_space<vmem>>
    %dma_wait3A_114 = tpu.memref_squeeze %dma_wait3A_113 : memref<1x128xi32, #tpu.memory_space<vmem>> -> memref<128xi32, #tpu.memory_space<vmem>>
    %dma_wait3A_115 = arith.constant 0 : i32
    %dma_wait3A_116 = arith.constant 0 : i32
    %dma_wait3A_117 = tpu.memref_slice %arg2[%dma_wait3A_115, %dma_wait3A_116] : memref<20000x128xf32, #tpu.memory_space<hbm>> -> memref<20000x128xf32, #tpu.memory_space<hbm>>
    tpu.wait_indirect_dma semaphore(%arg15 : memref<!tpu.dma_semaphore, #tpu.memory_space<semaphore_mem>>) src(%dma_wait3A_117 : memref<20000x128xf32, #tpu.memory_space<hbm>>) dst(%arg12 : memref<128x128xf32, #tpu.memory_space<vmem>>)
    %run_scoped3A_118 = arith.constant 31 : i32
    "tpu.region"() ({
      %run_scoped3A_460 = tpu.sem_alloc : memref<!tpu.dma_semaphore, #tpu.memory_space<semaphore_mem>>
      %dma_start3A_461 = arith.constant 0 : i32
      %dma_start3A_462 = tpu.memref_slice %arg8[%run_scoped3A_118, %dma_start3A_461] : memref<32x128xi32, #tpu.memory_space<vmem>> -> memref<1x128xi32, #tpu.memory_space<vmem>>
      %dma_start3A_463 = tpu.memref_squeeze %dma_start3A_462 : memref<1x128xi32, #tpu.memory_space<vmem>> -> memref<128xi32, #tpu.memory_space<vmem>>
      %dma_start3A_464 = arith.constant 0 : i32
      %dma_start3A_465 = arith.constant 0 : i32
      %dma_start3A_466 = tpu.memref_slice %arg13[%dma_start3A_464, %dma_start3A_465] : memref<10112x128xf32, #tpu.memory_space<vmem_shared>> -> memref<10112x128xf32, #tpu.memory_space<vmem_shared>>
      tpu.enqueue_indirect_dma source(%arg12 : memref<128x128xf32, #tpu.memory_space<vmem>>) target(%dma_start3A_466 : memref<10112x128xf32, #tpu.memory_space<vmem_shared>>) offsets(%dma_start3A_463 : memref<128xi32, #tpu.memory_space<vmem>>) semaphore(%run_scoped3A_460 : memref<!tpu.dma_semaphore, #tpu.memory_space<semaphore_mem>>) {add = true}
      %dma_wait3A_467 = arith.constant 0 : i32
      %dma_wait3A_468 = tpu.memref_slice %arg8[%run_scoped3A_118, %dma_wait3A_467] : memref<32x128xi32, #tpu.memory_space<vmem>> -> memref<1x128xi32, #tpu.memory_space<vmem>>
      %dma_wait3A_469 = tpu.memref_squeeze %dma_wait3A_468 : memref<1x128xi32, #tpu.memory_space<vmem>> -> memref<128xi32, #tpu.memory_space<vmem>>
      %dma_wait3A_470 = arith.constant 0 : i32
      %dma_wait3A_471 = arith.constant 0 : i32
      %dma_wait3A_472 = tpu.memref_slice %arg13[%dma_wait3A_470, %dma_wait3A_471] : memref<10112x128xf32, #tpu.memory_space<vmem_shared>> -> memref<10112x128xf32, #tpu.memory_space<vmem_shared>>
      tpu.wait_indirect_dma semaphore(%run_scoped3A_460 : memref<!tpu.dma_semaphore, #tpu.memory_space<semaphore_mem>>) src(%arg12 : memref<128x128xf32, #tpu.memory_space<vmem>>) dst(%dma_wait3A_472 : memref<10112x128xf32, #tpu.memory_space<vmem_shared>>)
      tpu.yield
    }) : () -> ()
    %dma_start3A_119 = arith.constant 64 : i32
    %dma_start3A_120 = arith.constant 0 : i32
    %dma_start3A_121 = tpu.memref_slice %arg3[%arg0, %arg1, %dma_start3A_119, %dma_start3A_120] : memref<2x16x160x128xi32, #tpu.memory_space<hbm>> -> memref<1x1x32x128xi32, #tpu.memory_space<hbm>>
    %dma_start3A_122 = tpu.memref_squeeze %dma_start3A_121 : memref<1x1x32x128xi32, #tpu.memory_space<hbm>> -> memref<32x128xi32, #tpu.memory_space<hbm>>
    %dma_start3A_123 = arith.constant 64 : i32
    %dma_start3A_124 = arith.constant 0 : i32
    %dma_start3A_125 = tpu.memref_slice %arg3[%arg0, %arg1, %dma_start3A_123, %dma_start3A_124] : memref<2x16x160x128xi32, #tpu.memory_space<hbm>> -> memref<1x1x32x128xi32, #tpu.memory_space<hbm>>
    %dma_start3A_126 = tpu.memref_squeeze %dma_start3A_125 : memref<1x1x32x128xi32, #tpu.memory_space<hbm>> -> memref<32x128xi32, #tpu.memory_space<hbm>>
    tpu.enqueue_dma source(%dma_start3A_126 : memref<32x128xi32, #tpu.memory_space<hbm>>) target(%arg7 : memref<32x128xi32, #tpu.memory_space<vmem>>) target_semaphore(%arg16 : memref<!tpu.dma_semaphore, #tpu.memory_space<semaphore_mem>>)
    %dma_start3A_127 = arith.constant 64 : i32
    %dma_start3A_128 = arith.constant 0 : i32
    %dma_start3A_129 = tpu.memref_slice %arg4[%arg1, %dma_start3A_127, %dma_start3A_128] : memref<16x160x128xi32, #tpu.memory_space<hbm>> -> memref<1x32x128xi32, #tpu.memory_space<hbm>>
    %dma_start3A_130 = tpu.memref_squeeze %dma_start3A_129 : memref<1x32x128xi32, #tpu.memory_space<hbm>> -> memref<32x128xi32, #tpu.memory_space<hbm>>
    %dma_start3A_131 = arith.constant 64 : i32
    %dma_start3A_132 = arith.constant 0 : i32
    %dma_start3A_133 = tpu.memref_slice %arg4[%arg1, %dma_start3A_131, %dma_start3A_132] : memref<16x160x128xi32, #tpu.memory_space<hbm>> -> memref<1x32x128xi32, #tpu.memory_space<hbm>>
    %dma_start3A_134 = tpu.memref_squeeze %dma_start3A_133 : memref<1x32x128xi32, #tpu.memory_space<hbm>> -> memref<32x128xi32, #tpu.memory_space<hbm>>
    tpu.enqueue_dma source(%dma_start3A_134 : memref<32x128xi32, #tpu.memory_space<hbm>>) target(%arg8 : memref<32x128xi32, #tpu.memory_space<vmem>>) target_semaphore(%arg16 : memref<!tpu.dma_semaphore, #tpu.memory_space<semaphore_mem>>)
    %scan3A_135 = arith.constant 0 : i32
    %scan3A_136 = arith.constant 15 : i32
    %scan3A_137 = arith.addi %scan3A_135, %scan3A_136 : i32
    %scan3A_138 = arith.constant 1 : i32
    scf.for %scan3A_460 = %scan3A_135 to %scan3A_137 step %scan3A_138  : i32 {
      %mul3A_461 = arith.constant 2 : i32
      %mul3A_462 = arith.muli %mul3A_461, %scan3A_460 : i32
      %add3A_463 = arith.constant 1 : i32
      %add3A_464 = arith.addi %mul3A_462, %add3A_463 : i32
      %dma_start3A_465 = arith.constant 0 : i32
      %dma_start3A_466 = arith.constant 0 : i32
      %dma_start3A_467 = tpu.memref_slice %arg12[%dma_start3A_465, %dma_start3A_466] : memref<128x128xf32, #tpu.memory_space<vmem>> -> memref<64x128xf32, #tpu.memory_space<vmem>>
      %dma_start3A_468 = arith.constant 0 : i32
      %dma_start3A_469 = tpu.memref_slice %arg9[%add3A_464, %dma_start3A_468] : memref<32x128xi32, #tpu.memory_space<vmem>> -> memref<1x64xi32, #tpu.memory_space<vmem>>
      %dma_start3A_470 = tpu.memref_squeeze %dma_start3A_469 : memref<1x64xi32, #tpu.memory_space<vmem>> -> memref<64xi32, #tpu.memory_space<vmem>>
      %dma_start3A_471 = arith.constant 0 : i32
      %dma_start3A_472 = arith.constant 0 : i32
      %dma_start3A_473 = tpu.memref_slice %arg2[%dma_start3A_471, %dma_start3A_472] : memref<20000x128xf32, #tpu.memory_space<hbm>> -> memref<20000x128xf32, #tpu.memory_space<hbm>>
      tpu.enqueue_indirect_dma source(%dma_start3A_473 : memref<20000x128xf32, #tpu.memory_space<hbm>>) target(%dma_start3A_467 : memref<64x128xf32, #tpu.memory_space<vmem>>) offsets(%dma_start3A_470 : memref<64xi32, #tpu.memory_space<vmem>>) semaphore(%arg15 : memref<!tpu.dma_semaphore, #tpu.memory_space<semaphore_mem>>)
      %dma_start3A_474 = arith.constant 64 : i32
      %dma_start3A_475 = arith.constant 0 : i32
      %dma_start3A_476 = tpu.memref_slice %arg12[%dma_start3A_474, %dma_start3A_475] : memref<128x128xf32, #tpu.memory_space<vmem>> -> memref<64x128xf32, #tpu.memory_space<vmem>>
      %dma_start3A_477 = arith.constant 64 : i32
      %dma_start3A_478 = tpu.memref_slice %arg9[%add3A_464, %dma_start3A_477] : memref<32x128xi32, #tpu.memory_space<vmem>> -> memref<1x64xi32, #tpu.memory_space<vmem>>
      %dma_start3A_479 = tpu.memref_squeeze %dma_start3A_478 : memref<1x64xi32, #tpu.memory_space<vmem>> -> memref<64xi32, #tpu.memory_space<vmem>>
      %dma_start3A_480 = arith.constant 0 : i32
      %dma_start3A_481 = arith.constant 0 : i32
      %dma_start3A_482 = tpu.memref_slice %arg2[%dma_start3A_480, %dma_start3A_481] : memref<20000x128xf32, #tpu.memory_space<hbm>> -> memref<20000x128xf32, #tpu.memory_space<hbm>>
      tpu.enqueue_indirect_dma source(%dma_start3A_482 : memref<20000x128xf32, #tpu.memory_space<hbm>>) target(%dma_start3A_476 : memref<64x128xf32, #tpu.memory_space<vmem>>) offsets(%dma_start3A_479 : memref<64xi32, #tpu.memory_space<vmem>>) semaphore(%arg15 : memref<!tpu.dma_semaphore, #tpu.memory_space<semaphore_mem>>)
      %dma_wait3A_483 = arith.constant 0 : i32
      %dma_wait3A_484 = tpu.memref_slice %arg10[%mul3A_462, %dma_wait3A_483] : memref<32x128xi32, #tpu.memory_space<vmem>> -> memref<1x128xi32, #tpu.memory_space<vmem>>
      %dma_wait3A_485 = tpu.memref_squeeze %dma_wait3A_484 : memref<1x128xi32, #tpu.memory_space<vmem>> -> memref<128xi32, #tpu.memory_space<vmem>>
      %dma_wait3A_486 = arith.constant 0 : i32
      %dma_wait3A_487 = arith.constant 0 : i32
      %dma_wait3A_488 = tpu.memref_slice %arg2[%dma_wait3A_486, %dma_wait3A_487] : memref<20000x128xf32, #tpu.memory_space<hbm>> -> memref<20000x128xf32, #tpu.memory_space<hbm>>
      tpu.wait_indirect_dma semaphore(%arg14 : memref<!tpu.dma_semaphore, #tpu.memory_space<semaphore_mem>>) src(%dma_wait3A_488 : memref<20000x128xf32, #tpu.memory_space<hbm>>) dst(%arg11 : memref<128x128xf32, #tpu.memory_space<vmem>>)
      "tpu.region"() ({
        %run_scoped3A_517 = tpu.sem_alloc : memref<!tpu.dma_semaphore, #tpu.memory_space<semaphore_mem>>
        %dma_start3A_518 = arith.constant 0 : i32
        %dma_start3A_519 = tpu.memref_slice %arg10[%mul3A_462, %dma_start3A_518] : memref<32x128xi32, #tpu.memory_space<vmem>> -> memref<1x128xi32, #tpu.memory_space<vmem>>
        %dma_start3A_520 = tpu.memref_squeeze %dma_start3A_519 : memref<1x128xi32, #tpu.memory_space<vmem>> -> memref<128xi32, #tpu.memory_space<vmem>>
        %dma_start3A_521 = arith.constant 0 : i32
        %dma_start3A_522 = arith.constant 0 : i32
        %dma_start3A_523 = tpu.memref_slice %arg13[%dma_start3A_521, %dma_start3A_522] : memref<10112x128xf32, #tpu.memory_space<vmem_shared>> -> memref<10112x128xf32, #tpu.memory_space<vmem_shared>>
        tpu.enqueue_indirect_dma source(%arg11 : memref<128x128xf32, #tpu.memory_space<vmem>>) target(%dma_start3A_523 : memref<10112x128xf32, #tpu.memory_space<vmem_shared>>) offsets(%dma_start3A_520 : memref<128xi32, #tpu.memory_space<vmem>>) semaphore(%run_scoped3A_517 : memref<!tpu.dma_semaphore, #tpu.memory_space<semaphore_mem>>) {add = true}
        %dma_wait3A_524 = arith.constant 0 : i32
        %dma_wait3A_525 = tpu.memref_slice %arg10[%mul3A_462, %dma_wait3A_524] : memref<32x128xi32, #tpu.memory_space<vmem>> -> memref<1x128xi32, #tpu.memory_space<vmem>>
        %dma_wait3A_526 = tpu.memref_squeeze %dma_wait3A_525 : memref<1x128xi32, #tpu.memory_space<vmem>> -> memref<128xi32, #tpu.memory_space<vmem>>
        %dma_wait3A_527 = arith.constant 0 : i32
        %dma_wait3A_528 = arith.constant 0 : i32
        %dma_wait3A_529 = tpu.memref_slice %arg13[%dma_wait3A_527, %dma_wait3A_528] : memref<10112x128xf32, #tpu.memory_space<vmem_shared>> -> memref<10112x128xf32, #tpu.memory_space<vmem_shared>>
        tpu.wait_indirect_dma semaphore(%run_scoped3A_517 : memref<!tpu.dma_semaphore, #tpu.memory_space<semaphore_mem>>) src(%arg11 : memref<128x128xf32, #tpu.memory_space<vmem>>) dst(%dma_wait3A_529 : memref<10112x128xf32, #tpu.memory_space<vmem_shared>>)
        tpu.yield
      }) : () -> ()
      %add3A_489 = arith.constant 2 : i32
      %add3A_490 = arith.addi %mul3A_462, %add3A_489 : i32
      %dma_start3A_491 = arith.constant 0 : i32
      %dma_start3A_492 = arith.constant 0 : i32
      %dma_start3A_493 = tpu.memref_slice %arg11[%dma_start3A_491, %dma_start3A_492] : memref<128x128xf32, #tpu.memory_space<vmem>> -> memref<64x128xf32, #tpu.memory_space<vmem>>
      %dma_start3A_494 = arith.constant 0 : i32
      %dma_start3A_495 = tpu.memref_slice %arg9[%add3A_490, %dma_start3A_494] : memref<32x128xi32, #tpu.memory_space<vmem>> -> memref<1x64xi32, #tpu.memory_space<vmem>>
      %dma_start3A_496 = tpu.memref_squeeze %dma_start3A_495 : memref<1x64xi32, #tpu.memory_space<vmem>> -> memref<64xi32, #tpu.memory_space<vmem>>
      %dma_start3A_497 = arith.constant 0 : i32
      %dma_start3A_498 = arith.constant 0 : i32
      %dma_start3A_499 = tpu.memref_slice %arg2[%dma_start3A_497, %dma_start3A_498] : memref<20000x128xf32, #tpu.memory_space<hbm>> -> memref<20000x128xf32, #tpu.memory_space<hbm>>
      tpu.enqueue_indirect_dma source(%dma_start3A_499 : memref<20000x128xf32, #tpu.memory_space<hbm>>) target(%dma_start3A_493 : memref<64x128xf32, #tpu.memory_space<vmem>>) offsets(%dma_start3A_496 : memref<64xi32, #tpu.memory_space<vmem>>) semaphore(%arg14 : memref<!tpu.dma_semaphore, #tpu.memory_space<semaphore_mem>>)
      %dma_start3A_500 = arith.constant 64 : i32
      %dma_start3A_501 = arith.constant 0 : i32
      %dma_start3A_502 = tpu.memref_slice %arg11[%dma_start3A_500, %dma_start3A_501] : memref<128x128xf32, #tpu.memory_space<vmem>> -> memref<64x128xf32, #tpu.memory_space<vmem>>
      %dma_start3A_503 = arith.constant 64 : i32
      %dma_start3A_504 = tpu.memref_slice %arg9[%add3A_490, %dma_start3A_503] : memref<32x128xi32, #tpu.memory_space<vmem>> -> memref<1x64xi32, #tpu.memory_space<vmem>>
      %dma_start3A_505 = tpu.memref_squeeze %dma_start3A_504 : memref<1x64xi32, #tpu.memory_space<vmem>> -> memref<64xi32, #tpu.memory_space<vmem>>
      %dma_start3A_506 = arith.constant 0 : i32
      %dma_start3A_507 = arith.constant 0 : i32
      %dma_start3A_508 = tpu.memref_slice %arg2[%dma_start3A_506, %dma_start3A_507] : memref<20000x128xf32, #tpu.memory_space<hbm>> -> memref<20000x128xf32, #tpu.memory_space<hbm>>
      tpu.enqueue_indirect_dma source(%dma_start3A_508 : memref<20000x128xf32, #tpu.memory_space<hbm>>) target(%dma_start3A_502 : memref<64x128xf32, #tpu.memory_space<vmem>>) offsets(%dma_start3A_505 : memref<64xi32, #tpu.memory_space<vmem>>) semaphore(%arg14 : memref<!tpu.dma_semaphore, #tpu.memory_space<semaphore_mem>>)
      %add3A_509 = arith.constant 1 : i32
      %add3A_510 = arith.addi %mul3A_462, %add3A_509 : i32
      %dma_wait3A_511 = arith.constant 0 : i32
      %dma_wait3A_512 = tpu.memref_slice %arg10[%add3A_510, %dma_wait3A_511] : memref<32x128xi32, #tpu.memory_space<vmem>> -> memref<1x128xi32, #tpu.memory_space<vmem>>
      %dma_wait3A_513 = tpu.memref_squeeze %dma_wait3A_512 : memref<1x128xi32, #tpu.memory_space<vmem>> -> memref<128xi32, #tpu.memory_space<vmem>>
      %dma_wait3A_514 = arith.constant 0 : i32
      %dma_wait3A_515 = arith.constant 0 : i32
      %dma_wait3A_516 = tpu.memref_slice %arg2[%dma_wait3A_514, %dma_wait3A_515] : memref<20000x128xf32, #tpu.memory_space<hbm>> -> memref<20000x128xf32, #tpu.memory_space<hbm>>
      tpu.wait_indirect_dma semaphore(%arg15 : memref<!tpu.dma_semaphore, #tpu.memory_space<semaphore_mem>>) src(%dma_wait3A_516 : memref<20000x128xf32, #tpu.memory_space<hbm>>) dst(%arg12 : memref<128x128xf32, #tpu.memory_space<vmem>>)
      "tpu.region"() ({
        %run_scoped3A_517 = tpu.sem_alloc : memref<!tpu.dma_semaphore, #tpu.memory_space<semaphore_mem>>
        %dma_start3A_518 = arith.constant 0 : i32
        %dma_start3A_519 = tpu.memref_slice %arg10[%add3A_510, %dma_start3A_518] : memref<32x128xi32, #tpu.memory_space<vmem>> -> memref<1x128xi32, #tpu.memory_space<vmem>>
        %dma_start3A_520 = tpu.memref_squeeze %dma_start3A_519 : memref<1x128xi32, #tpu.memory_space<vmem>> -> memref<128xi32, #tpu.memory_space<vmem>>
        %dma_start3A_521 = arith.constant 0 : i32
        %dma_start3A_522 = arith.constant 0 : i32
        %dma_start3A_523 = tpu.memref_slice %arg13[%dma_start3A_521, %dma_start3A_522] : memref<10112x128xf32, #tpu.memory_space<vmem_shared>> -> memref<10112x128xf32, #tpu.memory_space<vmem_shared>>
        tpu.enqueue_indirect_dma source(%arg12 : memref<128x128xf32, #tpu.memory_space<vmem>>) target(%dma_start3A_523 : memref<10112x128xf32, #tpu.memory_space<vmem_shared>>) offsets(%dma_start3A_520 : memref<128xi32, #tpu.memory_space<vmem>>) semaphore(%run_scoped3A_517 : memref<!tpu.dma_semaphore, #tpu.memory_space<semaphore_mem>>) {add = true}
        %dma_wait3A_524 = arith.constant 0 : i32
        %dma_wait3A_525 = tpu.memref_slice %arg10[%add3A_510, %dma_wait3A_524] : memref<32x128xi32, #tpu.memory_space<vmem>> -> memref<1x128xi32, #tpu.memory_space<vmem>>
        %dma_wait3A_526 = tpu.memref_squeeze %dma_wait3A_525 : memref<1x128xi32, #tpu.memory_space<vmem>> -> memref<128xi32, #tpu.memory_space<vmem>>
        %dma_wait3A_527 = arith.constant 0 : i32
        %dma_wait3A_528 = arith.constant 0 : i32
        %dma_wait3A_529 = tpu.memref_slice %arg13[%dma_wait3A_527, %dma_wait3A_528] : memref<10112x128xf32, #tpu.memory_space<vmem_shared>> -> memref<10112x128xf32, #tpu.memory_space<vmem_shared>>
        tpu.wait_indirect_dma semaphore(%run_scoped3A_517 : memref<!tpu.dma_semaphore, #tpu.memory_space<semaphore_mem>>) src(%arg12 : memref<128x128xf32, #tpu.memory_space<vmem>>) dst(%dma_wait3A_529 : memref<10112x128xf32, #tpu.memory_space<vmem_shared>>)
        tpu.yield
      }) : () -> ()
    }
    %scan3A_139 = arith.constant 15 : i32
    %dma_start3A_140 = arith.constant 31 : i32
    %dma_start3A_141 = arith.constant 0 : i32
    %dma_start3A_142 = arith.constant 0 : i32
    %dma_start3A_143 = tpu.memref_slice %arg12[%dma_start3A_141, %dma_start3A_142] : memref<128x128xf32, #tpu.memory_space<vmem>> -> memref<64x128xf32, #tpu.memory_space<vmem>>
    %dma_start3A_144 = arith.constant 0 : i32
    %dma_start3A_145 = tpu.memref_slice %arg9[%dma_start3A_140, %dma_start3A_144] : memref<32x128xi32, #tpu.memory_space<vmem>> -> memref<1x64xi32, #tpu.memory_space<vmem>>
    %dma_start3A_146 = tpu.memref_squeeze %dma_start3A_145 : memref<1x64xi32, #tpu.memory_space<vmem>> -> memref<64xi32, #tpu.memory_space<vmem>>
    %dma_start3A_147 = arith.constant 0 : i32
    %dma_start3A_148 = arith.constant 0 : i32
    %dma_start3A_149 = tpu.memref_slice %arg2[%dma_start3A_147, %dma_start3A_148] : memref<20000x128xf32, #tpu.memory_space<hbm>> -> memref<20000x128xf32, #tpu.memory_space<hbm>>
    tpu.enqueue_indirect_dma source(%dma_start3A_149 : memref<20000x128xf32, #tpu.memory_space<hbm>>) target(%dma_start3A_143 : memref<64x128xf32, #tpu.memory_space<vmem>>) offsets(%dma_start3A_146 : memref<64xi32, #tpu.memory_space<vmem>>) semaphore(%arg15 : memref<!tpu.dma_semaphore, #tpu.memory_space<semaphore_mem>>)
    %dma_start3A_150 = arith.constant 31 : i32
    %dma_start3A_151 = arith.constant 64 : i32
    %dma_start3A_152 = arith.constant 0 : i32
    %dma_start3A_153 = tpu.memref_slice %arg12[%dma_start3A_151, %dma_start3A_152] : memref<128x128xf32, #tpu.memory_space<vmem>> -> memref<64x128xf32, #tpu.memory_space<vmem>>
    %dma_start3A_154 = arith.constant 64 : i32
    %dma_start3A_155 = tpu.memref_slice %arg9[%dma_start3A_150, %dma_start3A_154] : memref<32x128xi32, #tpu.memory_space<vmem>> -> memref<1x64xi32, #tpu.memory_space<vmem>>
    %dma_start3A_156 = tpu.memref_squeeze %dma_start3A_155 : memref<1x64xi32, #tpu.memory_space<vmem>> -> memref<64xi32, #tpu.memory_space<vmem>>
    %dma_start3A_157 = arith.constant 0 : i32
    %dma_start3A_158 = arith.constant 0 : i32
    %dma_start3A_159 = tpu.memref_slice %arg2[%dma_start3A_157, %dma_start3A_158] : memref<20000x128xf32, #tpu.memory_space<hbm>> -> memref<20000x128xf32, #tpu.memory_space<hbm>>
    tpu.enqueue_indirect_dma source(%dma_start3A_159 : memref<20000x128xf32, #tpu.memory_space<hbm>>) target(%dma_start3A_153 : memref<64x128xf32, #tpu.memory_space<vmem>>) offsets(%dma_start3A_156 : memref<64xi32, #tpu.memory_space<vmem>>) semaphore(%arg15 : memref<!tpu.dma_semaphore, #tpu.memory_space<semaphore_mem>>)
    %dma_wait3A_160 = arith.constant 30 : i32
    %dma_wait3A_161 = arith.constant 0 : i32
    %dma_wait3A_162 = tpu.memref_slice %arg10[%dma_wait3A_160, %dma_wait3A_161] : memref<32x128xi32, #tpu.memory_space<vmem>> -> memref<1x128xi32, #tpu.memory_space<vmem>>
    %dma_wait3A_163 = tpu.memref_squeeze %dma_wait3A_162 : memref<1x128xi32, #tpu.memory_space<vmem>> -> memref<128xi32, #tpu.memory_space<vmem>>
    %dma_wait3A_164 = arith.constant 0 : i32
    %dma_wait3A_165 = arith.constant 0 : i32
    %dma_wait3A_166 = tpu.memref_slice %arg2[%dma_wait3A_164, %dma_wait3A_165] : memref<20000x128xf32, #tpu.memory_space<hbm>> -> memref<20000x128xf32, #tpu.memory_space<hbm>>
    tpu.wait_indirect_dma semaphore(%arg14 : memref<!tpu.dma_semaphore, #tpu.memory_space<semaphore_mem>>) src(%dma_wait3A_166 : memref<20000x128xf32, #tpu.memory_space<hbm>>) dst(%arg11 : memref<128x128xf32, #tpu.memory_space<vmem>>)
    %run_scoped3A_167 = arith.constant 30 : i32
    "tpu.region"() ({
      %run_scoped3A_460 = tpu.sem_alloc : memref<!tpu.dma_semaphore, #tpu.memory_space<semaphore_mem>>
      %dma_start3A_461 = arith.constant 0 : i32
      %dma_start3A_462 = tpu.memref_slice %arg10[%run_scoped3A_167, %dma_start3A_461] : memref<32x128xi32, #tpu.memory_space<vmem>> -> memref<1x128xi32, #tpu.memory_space<vmem>>
      %dma_start3A_463 = tpu.memref_squeeze %dma_start3A_462 : memref<1x128xi32, #tpu.memory_space<vmem>> -> memref<128xi32, #tpu.memory_space<vmem>>
      %dma_start3A_464 = arith.constant 0 : i32
      %dma_start3A_465 = arith.constant 0 : i32
      %dma_start3A_466 = tpu.memref_slice %arg13[%dma_start3A_464, %dma_start3A_465] : memref<10112x128xf32, #tpu.memory_space<vmem_shared>> -> memref<10112x128xf32, #tpu.memory_space<vmem_shared>>
      tpu.enqueue_indirect_dma source(%arg11 : memref<128x128xf32, #tpu.memory_space<vmem>>) target(%dma_start3A_466 : memref<10112x128xf32, #tpu.memory_space<vmem_shared>>) offsets(%dma_start3A_463 : memref<128xi32, #tpu.memory_space<vmem>>) semaphore(%run_scoped3A_460 : memref<!tpu.dma_semaphore, #tpu.memory_space<semaphore_mem>>) {add = true}
      %dma_wait3A_467 = arith.constant 0 : i32
      %dma_wait3A_468 = tpu.memref_slice %arg10[%run_scoped3A_167, %dma_wait3A_467] : memref<32x128xi32, #tpu.memory_space<vmem>> -> memref<1x128xi32, #tpu.memory_space<vmem>>
      %dma_wait3A_469 = tpu.memref_squeeze %dma_wait3A_468 : memref<1x128xi32, #tpu.memory_space<vmem>> -> memref<128xi32, #tpu.memory_space<vmem>>
      %dma_wait3A_470 = arith.constant 0 : i32
      %dma_wait3A_471 = arith.constant 0 : i32
      %dma_wait3A_472 = tpu.memref_slice %arg13[%dma_wait3A_470, %dma_wait3A_471] : memref<10112x128xf32, #tpu.memory_space<vmem_shared>> -> memref<10112x128xf32, #tpu.memory_space<vmem_shared>>
      tpu.wait_indirect_dma semaphore(%run_scoped3A_460 : memref<!tpu.dma_semaphore, #tpu.memory_space<semaphore_mem>>) src(%arg11 : memref<128x128xf32, #tpu.memory_space<vmem>>) dst(%dma_wait3A_472 : memref<10112x128xf32, #tpu.memory_space<vmem_shared>>)
      tpu.yield
    }) : () -> ()
    %dma_wait3A_168 = arith.constant 64 : i32
    %dma_wait3A_169 = arith.constant 0 : i32
    %dma_wait3A_170 = tpu.memref_slice %arg3[%arg0, %arg1, %dma_wait3A_168, %dma_wait3A_169] : memref<2x16x160x128xi32, #tpu.memory_space<hbm>> -> memref<1x1x32x128xi32, #tpu.memory_space<hbm>>
    %dma_wait3A_171 = tpu.memref_squeeze %dma_wait3A_170 : memref<1x1x32x128xi32, #tpu.memory_space<hbm>> -> memref<32x128xi32, #tpu.memory_space<hbm>>
    %dma_wait3A_172 = arith.constant 64 : i32
    %dma_wait3A_173 = arith.constant 0 : i32
    %dma_wait3A_174 = tpu.memref_slice %arg3[%arg0, %arg1, %dma_wait3A_172, %dma_wait3A_173] : memref<2x16x160x128xi32, #tpu.memory_space<hbm>> -> memref<1x1x32x128xi32, #tpu.memory_space<hbm>>
    %dma_wait3A_175 = tpu.memref_squeeze %dma_wait3A_174 : memref<1x1x32x128xi32, #tpu.memory_space<hbm>> -> memref<32x128xi32, #tpu.memory_space<hbm>>
    tpu.wait_dma2 semaphore(%arg16 : memref<!tpu.dma_semaphore, #tpu.memory_space<semaphore_mem>>) src(%dma_wait3A_175 : memref<32x128xi32, #tpu.memory_space<hbm>>) dst(%arg7 : memref<32x128xi32, #tpu.memory_space<vmem>>)
    %dma_wait3A_176 = arith.constant 64 : i32
    %dma_wait3A_177 = arith.constant 0 : i32
    %dma_wait3A_178 = tpu.memref_slice %arg4[%arg1, %dma_wait3A_176, %dma_wait3A_177] : memref<16x160x128xi32, #tpu.memory_space<hbm>> -> memref<1x32x128xi32, #tpu.memory_space<hbm>>
    %dma_wait3A_179 = tpu.memref_squeeze %dma_wait3A_178 : memref<1x32x128xi32, #tpu.memory_space<hbm>> -> memref<32x128xi32, #tpu.memory_space<hbm>>
    %dma_wait3A_180 = arith.constant 64 : i32
    %dma_wait3A_181 = arith.constant 0 : i32
    %dma_wait3A_182 = tpu.memref_slice %arg4[%arg1, %dma_wait3A_180, %dma_wait3A_181] : memref<16x160x128xi32, #tpu.memory_space<hbm>> -> memref<1x32x128xi32, #tpu.memory_space<hbm>>
    %dma_wait3A_183 = tpu.memref_squeeze %dma_wait3A_182 : memref<1x32x128xi32, #tpu.memory_space<hbm>> -> memref<32x128xi32, #tpu.memory_space<hbm>>
    tpu.wait_dma2 semaphore(%arg16 : memref<!tpu.dma_semaphore, #tpu.memory_space<semaphore_mem>>) src(%dma_wait3A_183 : memref<32x128xi32, #tpu.memory_space<hbm>>) dst(%arg8 : memref<32x128xi32, #tpu.memory_space<vmem>>)
    %dma_start3A_184 = arith.constant 0 : i32
    %dma_start3A_185 = arith.constant 0 : i32
    %dma_start3A_186 = arith.constant 0 : i32
    %dma_start3A_187 = tpu.memref_slice %arg11[%dma_start3A_185, %dma_start3A_186] : memref<128x128xf32, #tpu.memory_space<vmem>> -> memref<64x128xf32, #tpu.memory_space<vmem>>
    %dma_start3A_188 = arith.constant 0 : i32
    %dma_start3A_189 = tpu.memref_slice %arg7[%dma_start3A_184, %dma_start3A_188] : memref<32x128xi32, #tpu.memory_space<vmem>> -> memref<1x64xi32, #tpu.memory_space<vmem>>
    %dma_start3A_190 = tpu.memref_squeeze %dma_start3A_189 : memref<1x64xi32, #tpu.memory_space<vmem>> -> memref<64xi32, #tpu.memory_space<vmem>>
    %dma_start3A_191 = arith.constant 0 : i32
    %dma_start3A_192 = arith.constant 0 : i32
    %dma_start3A_193 = tpu.memref_slice %arg2[%dma_start3A_191, %dma_start3A_192] : memref<20000x128xf32, #tpu.memory_space<hbm>> -> memref<20000x128xf32, #tpu.memory_space<hbm>>
    tpu.enqueue_indirect_dma source(%dma_start3A_193 : memref<20000x128xf32, #tpu.memory_space<hbm>>) target(%dma_start3A_187 : memref<64x128xf32, #tpu.memory_space<vmem>>) offsets(%dma_start3A_190 : memref<64xi32, #tpu.memory_space<vmem>>) semaphore(%arg14 : memref<!tpu.dma_semaphore, #tpu.memory_space<semaphore_mem>>)
    %dma_start3A_194 = arith.constant 0 : i32
    %dma_start3A_195 = arith.constant 64 : i32
    %dma_start3A_196 = arith.constant 0 : i32
    %dma_start3A_197 = tpu.memref_slice %arg11[%dma_start3A_195, %dma_start3A_196] : memref<128x128xf32, #tpu.memory_space<vmem>> -> memref<64x128xf32, #tpu.memory_space<vmem>>
    %dma_start3A_198 = arith.constant 64 : i32
    %dma_start3A_199 = tpu.memref_slice %arg7[%dma_start3A_194, %dma_start3A_198] : memref<32x128xi32, #tpu.memory_space<vmem>> -> memref<1x64xi32, #tpu.memory_space<vmem>>
    %dma_start3A_200 = tpu.memref_squeeze %dma_start3A_199 : memref<1x64xi32, #tpu.memory_space<vmem>> -> memref<64xi32, #tpu.memory_space<vmem>>
    %dma_start3A_201 = arith.constant 0 : i32
    %dma_start3A_202 = arith.constant 0 : i32
    %dma_start3A_203 = tpu.memref_slice %arg2[%dma_start3A_201, %dma_start3A_202] : memref<20000x128xf32, #tpu.memory_space<hbm>> -> memref<20000x128xf32, #tpu.memory_space<hbm>>
    tpu.enqueue_indirect_dma source(%dma_start3A_203 : memref<20000x128xf32, #tpu.memory_space<hbm>>) target(%dma_start3A_197 : memref<64x128xf32, #tpu.memory_space<vmem>>) offsets(%dma_start3A_200 : memref<64xi32, #tpu.memory_space<vmem>>) semaphore(%arg14 : memref<!tpu.dma_semaphore, #tpu.memory_space<semaphore_mem>>)
    %dma_wait3A_204 = arith.constant 31 : i32
    %dma_wait3A_205 = arith.constant 0 : i32
    %dma_wait3A_206 = tpu.memref_slice %arg10[%dma_wait3A_204, %dma_wait3A_205] : memref<32x128xi32, #tpu.memory_space<vmem>> -> memref<1x128xi32, #tpu.memory_space<vmem>>
    %dma_wait3A_207 = tpu.memref_squeeze %dma_wait3A_206 : memref<1x128xi32, #tpu.memory_space<vmem>> -> memref<128xi32, #tpu.memory_space<vmem>>
    %dma_wait3A_208 = arith.constant 0 : i32
    %dma_wait3A_209 = arith.constant 0 : i32
    %dma_wait3A_210 = tpu.memref_slice %arg2[%dma_wait3A_208, %dma_wait3A_209] : memref<20000x128xf32, #tpu.memory_space<hbm>> -> memref<20000x128xf32, #tpu.memory_space<hbm>>
    tpu.wait_indirect_dma semaphore(%arg15 : memref<!tpu.dma_semaphore, #tpu.memory_space<semaphore_mem>>) src(%dma_wait3A_210 : memref<20000x128xf32, #tpu.memory_space<hbm>>) dst(%arg12 : memref<128x128xf32, #tpu.memory_space<vmem>>)
    %run_scoped3A_211 = arith.constant 31 : i32
    "tpu.region"() ({
      %run_scoped3A_460 = tpu.sem_alloc : memref<!tpu.dma_semaphore, #tpu.memory_space<semaphore_mem>>
      %dma_start3A_461 = arith.constant 0 : i32
      %dma_start3A_462 = tpu.memref_slice %arg10[%run_scoped3A_211, %dma_start3A_461] : memref<32x128xi32, #tpu.memory_space<vmem>> -> memref<1x128xi32, #tpu.memory_space<vmem>>
      %dma_start3A_463 = tpu.memref_squeeze %dma_start3A_462 : memref<1x128xi32, #tpu.memory_space<vmem>> -> memref<128xi32, #tpu.memory_space<vmem>>
      %dma_start3A_464 = arith.constant 0 : i32
      %dma_start3A_465 = arith.constant 0 : i32
      %dma_start3A_466 = tpu.memref_slice %arg13[%dma_start3A_464, %dma_start3A_465] : memref<10112x128xf32, #tpu.memory_space<vmem_shared>> -> memref<10112x128xf32, #tpu.memory_space<vmem_shared>>
      tpu.enqueue_indirect_dma source(%arg12 : memref<128x128xf32, #tpu.memory_space<vmem>>) target(%dma_start3A_466 : memref<10112x128xf32, #tpu.memory_space<vmem_shared>>) offsets(%dma_start3A_463 : memref<128xi32, #tpu.memory_space<vmem>>) semaphore(%run_scoped3A_460 : memref<!tpu.dma_semaphore, #tpu.memory_space<semaphore_mem>>) {add = true}
      %dma_wait3A_467 = arith.constant 0 : i32
      %dma_wait3A_468 = tpu.memref_slice %arg10[%run_scoped3A_211, %dma_wait3A_467] : memref<32x128xi32, #tpu.memory_space<vmem>> -> memref<1x128xi32, #tpu.memory_space<vmem>>
      %dma_wait3A_469 = tpu.memref_squeeze %dma_wait3A_468 : memref<1x128xi32, #tpu.memory_space<vmem>> -> memref<128xi32, #tpu.memory_space<vmem>>
      %dma_wait3A_470 = arith.constant 0 : i32
      %dma_wait3A_471 = arith.constant 0 : i32
      %dma_wait3A_472 = tpu.memref_slice %arg13[%dma_wait3A_470, %dma_wait3A_471] : memref<10112x128xf32, #tpu.memory_space<vmem_shared>> -> memref<10112x128xf32, #tpu.memory_space<vmem_shared>>
      tpu.wait_indirect_dma semaphore(%run_scoped3A_460 : memref<!tpu.dma_semaphore, #tpu.memory_space<semaphore_mem>>) src(%arg12 : memref<128x128xf32, #tpu.memory_space<vmem>>) dst(%dma_wait3A_472 : memref<10112x128xf32, #tpu.memory_space<vmem_shared>>)
      tpu.yield
    }) : () -> ()
    %dma_start3A_212 = arith.constant 96 : i32
    %dma_start3A_213 = arith.constant 0 : i32
    %dma_start3A_214 = tpu.memref_slice %arg3[%arg0, %arg1, %dma_start3A_212, %dma_start3A_213] : memref<2x16x160x128xi32, #tpu.memory_space<hbm>> -> memref<1x1x32x128xi32, #tpu.memory_space<hbm>>
    %dma_start3A_215 = tpu.memref_squeeze %dma_start3A_214 : memref<1x1x32x128xi32, #tpu.memory_space<hbm>> -> memref<32x128xi32, #tpu.memory_space<hbm>>
    %dma_start3A_216 = arith.constant 96 : i32
    %dma_start3A_217 = arith.constant 0 : i32
    %dma_start3A_218 = tpu.memref_slice %arg3[%arg0, %arg1, %dma_start3A_216, %dma_start3A_217] : memref<2x16x160x128xi32, #tpu.memory_space<hbm>> -> memref<1x1x32x128xi32, #tpu.memory_space<hbm>>
    %dma_start3A_219 = tpu.memref_squeeze %dma_start3A_218 : memref<1x1x32x128xi32, #tpu.memory_space<hbm>> -> memref<32x128xi32, #tpu.memory_space<hbm>>
    tpu.enqueue_dma source(%dma_start3A_219 : memref<32x128xi32, #tpu.memory_space<hbm>>) target(%arg9 : memref<32x128xi32, #tpu.memory_space<vmem>>) target_semaphore(%arg16 : memref<!tpu.dma_semaphore, #tpu.memory_space<semaphore_mem>>)
    %dma_start3A_220 = arith.constant 96 : i32
    %dma_start3A_221 = arith.constant 0 : i32
    %dma_start3A_222 = tpu.memref_slice %arg4[%arg1, %dma_start3A_220, %dma_start3A_221] : memref<16x160x128xi32, #tpu.memory_space<hbm>> -> memref<1x32x128xi32, #tpu.memory_space<hbm>>
    %dma_start3A_223 = tpu.memref_squeeze %dma_start3A_222 : memref<1x32x128xi32, #tpu.memory_space<hbm>> -> memref<32x128xi32, #tpu.memory_space<hbm>>
    %dma_start3A_224 = arith.constant 96 : i32
    %dma_start3A_225 = arith.constant 0 : i32
    %dma_start3A_226 = tpu.memref_slice %arg4[%arg1, %dma_start3A_224, %dma_start3A_225] : memref<16x160x128xi32, #tpu.memory_space<hbm>> -> memref<1x32x128xi32, #tpu.memory_space<hbm>>
    %dma_start3A_227 = tpu.memref_squeeze %dma_start3A_226 : memref<1x32x128xi32, #tpu.memory_space<hbm>> -> memref<32x128xi32, #tpu.memory_space<hbm>>
    tpu.enqueue_dma source(%dma_start3A_227 : memref<32x128xi32, #tpu.memory_space<hbm>>) target(%arg10 : memref<32x128xi32, #tpu.memory_space<vmem>>) target_semaphore(%arg16 : memref<!tpu.dma_semaphore, #tpu.memory_space<semaphore_mem>>)
    %scan3A_228 = arith.constant 0 : i32
    %scan3A_229 = arith.constant 15 : i32
    %scan3A_230 = arith.addi %scan3A_228, %scan3A_229 : i32
    %scan3A_231 = arith.constant 1 : i32
    scf.for %scan3A_460 = %scan3A_228 to %scan3A_230 step %scan3A_231  : i32 {
      %mul3A_461 = arith.constant 2 : i32
      %mul3A_462 = arith.muli %mul3A_461, %scan3A_460 : i32
      %add3A_463 = arith.constant 1 : i32
      %add3A_464 = arith.addi %mul3A_462, %add3A_463 : i32
      %dma_start3A_465 = arith.constant 0 : i32
      %dma_start3A_466 = arith.constant 0 : i32
      %dma_start3A_467 = tpu.memref_slice %arg12[%dma_start3A_465, %dma_start3A_466] : memref<128x128xf32, #tpu.memory_space<vmem>> -> memref<64x128xf32, #tpu.memory_space<vmem>>
      %dma_start3A_468 = arith.constant 0 : i32
      %dma_start3A_469 = tpu.memref_slice %arg7[%add3A_464, %dma_start3A_468] : memref<32x128xi32, #tpu.memory_space<vmem>> -> memref<1x64xi32, #tpu.memory_space<vmem>>
      %dma_start3A_470 = tpu.memref_squeeze %dma_start3A_469 : memref<1x64xi32, #tpu.memory_space<vmem>> -> memref<64xi32, #tpu.memory_space<vmem>>
      %dma_start3A_471 = arith.constant 0 : i32
      %dma_start3A_472 = arith.constant 0 : i32
      %dma_start3A_473 = tpu.memref_slice %arg2[%dma_start3A_471, %dma_start3A_472] : memref<20000x128xf32, #tpu.memory_space<hbm>> -> memref<20000x128xf32, #tpu.memory_space<hbm>>
      tpu.enqueue_indirect_dma source(%dma_start3A_473 : memref<20000x128xf32, #tpu.memory_space<hbm>>) target(%dma_start3A_467 : memref<64x128xf32, #tpu.memory_space<vmem>>) offsets(%dma_start3A_470 : memref<64xi32, #tpu.memory_space<vmem>>) semaphore(%arg15 : memref<!tpu.dma_semaphore, #tpu.memory_space<semaphore_mem>>)
      %dma_start3A_474 = arith.constant 64 : i32
      %dma_start3A_475 = arith.constant 0 : i32
      %dma_start3A_476 = tpu.memref_slice %arg12[%dma_start3A_474, %dma_start3A_475] : memref<128x128xf32, #tpu.memory_space<vmem>> -> memref<64x128xf32, #tpu.memory_space<vmem>>
      %dma_start3A_477 = arith.constant 64 : i32
      %dma_start3A_478 = tpu.memref_slice %arg7[%add3A_464, %dma_start3A_477] : memref<32x128xi32, #tpu.memory_space<vmem>> -> memref<1x64xi32, #tpu.memory_space<vmem>>
      %dma_start3A_479 = tpu.memref_squeeze %dma_start3A_478 : memref<1x64xi32, #tpu.memory_space<vmem>> -> memref<64xi32, #tpu.memory_space<vmem>>
      %dma_start3A_480 = arith.constant 0 : i32
      %dma_start3A_481 = arith.constant 0 : i32
      %dma_start3A_482 = tpu.memref_slice %arg2[%dma_start3A_480, %dma_start3A_481] : memref<20000x128xf32, #tpu.memory_space<hbm>> -> memref<20000x128xf32, #tpu.memory_space<hbm>>
      tpu.enqueue_indirect_dma source(%dma_start3A_482 : memref<20000x128xf32, #tpu.memory_space<hbm>>) target(%dma_start3A_476 : memref<64x128xf32, #tpu.memory_space<vmem>>) offsets(%dma_start3A_479 : memref<64xi32, #tpu.memory_space<vmem>>) semaphore(%arg15 : memref<!tpu.dma_semaphore, #tpu.memory_space<semaphore_mem>>)
      %dma_wait3A_483 = arith.constant 0 : i32
      %dma_wait3A_484 = tpu.memref_slice %arg8[%mul3A_462, %dma_wait3A_483] : memref<32x128xi32, #tpu.memory_space<vmem>> -> memref<1x128xi32, #tpu.memory_space<vmem>>
      %dma_wait3A_485 = tpu.memref_squeeze %dma_wait3A_484 : memref<1x128xi32, #tpu.memory_space<vmem>> -> memref<128xi32, #tpu.memory_space<vmem>>
      %dma_wait3A_486 = arith.constant 0 : i32
      %dma_wait3A_487 = arith.constant 0 : i32
      %dma_wait3A_488 = tpu.memref_slice %arg2[%dma_wait3A_486, %dma_wait3A_487] : memref<20000x128xf32, #tpu.memory_space<hbm>> -> memref<20000x128xf32, #tpu.memory_space<hbm>>
      tpu.wait_indirect_dma semaphore(%arg14 : memref<!tpu.dma_semaphore, #tpu.memory_space<semaphore_mem>>) src(%dma_wait3A_488 : memref<20000x128xf32, #tpu.memory_space<hbm>>) dst(%arg11 : memref<128x128xf32, #tpu.memory_space<vmem>>)
      "tpu.region"() ({
        %run_scoped3A_517 = tpu.sem_alloc : memref<!tpu.dma_semaphore, #tpu.memory_space<semaphore_mem>>
        %dma_start3A_518 = arith.constant 0 : i32
        %dma_start3A_519 = tpu.memref_slice %arg8[%mul3A_462, %dma_start3A_518] : memref<32x128xi32, #tpu.memory_space<vmem>> -> memref<1x128xi32, #tpu.memory_space<vmem>>
        %dma_start3A_520 = tpu.memref_squeeze %dma_start3A_519 : memref<1x128xi32, #tpu.memory_space<vmem>> -> memref<128xi32, #tpu.memory_space<vmem>>
        %dma_start3A_521 = arith.constant 0 : i32
        %dma_start3A_522 = arith.constant 0 : i32
        %dma_start3A_523 = tpu.memref_slice %arg13[%dma_start3A_521, %dma_start3A_522] : memref<10112x128xf32, #tpu.memory_space<vmem_shared>> -> memref<10112x128xf32, #tpu.memory_space<vmem_shared>>
        tpu.enqueue_indirect_dma source(%arg11 : memref<128x128xf32, #tpu.memory_space<vmem>>) target(%dma_start3A_523 : memref<10112x128xf32, #tpu.memory_space<vmem_shared>>) offsets(%dma_start3A_520 : memref<128xi32, #tpu.memory_space<vmem>>) semaphore(%run_scoped3A_517 : memref<!tpu.dma_semaphore, #tpu.memory_space<semaphore_mem>>) {add = true}
        %dma_wait3A_524 = arith.constant 0 : i32
        %dma_wait3A_525 = tpu.memref_slice %arg8[%mul3A_462, %dma_wait3A_524] : memref<32x128xi32, #tpu.memory_space<vmem>> -> memref<1x128xi32, #tpu.memory_space<vmem>>
        %dma_wait3A_526 = tpu.memref_squeeze %dma_wait3A_525 : memref<1x128xi32, #tpu.memory_space<vmem>> -> memref<128xi32, #tpu.memory_space<vmem>>
        %dma_wait3A_527 = arith.constant 0 : i32
        %dma_wait3A_528 = arith.constant 0 : i32
        %dma_wait3A_529 = tpu.memref_slice %arg13[%dma_wait3A_527, %dma_wait3A_528] : memref<10112x128xf32, #tpu.memory_space<vmem_shared>> -> memref<10112x128xf32, #tpu.memory_space<vmem_shared>>
        tpu.wait_indirect_dma semaphore(%run_scoped3A_517 : memref<!tpu.dma_semaphore, #tpu.memory_space<semaphore_mem>>) src(%arg11 : memref<128x128xf32, #tpu.memory_space<vmem>>) dst(%dma_wait3A_529 : memref<10112x128xf32, #tpu.memory_space<vmem_shared>>)
        tpu.yield
      }) : () -> ()
      %add3A_489 = arith.constant 2 : i32
      %add3A_490 = arith.addi %mul3A_462, %add3A_489 : i32
      %dma_start3A_491 = arith.constant 0 : i32
      %dma_start3A_492 = arith.constant 0 : i32
      %dma_start3A_493 = tpu.memref_slice %arg11[%dma_start3A_491, %dma_start3A_492] : memref<128x128xf32, #tpu.memory_space<vmem>> -> memref<64x128xf32, #tpu.memory_space<vmem>>
      %dma_start3A_494 = arith.constant 0 : i32
      %dma_start3A_495 = tpu.memref_slice %arg7[%add3A_490, %dma_start3A_494] : memref<32x128xi32, #tpu.memory_space<vmem>> -> memref<1x64xi32, #tpu.memory_space<vmem>>
      %dma_start3A_496 = tpu.memref_squeeze %dma_start3A_495 : memref<1x64xi32, #tpu.memory_space<vmem>> -> memref<64xi32, #tpu.memory_space<vmem>>
      %dma_start3A_497 = arith.constant 0 : i32
      %dma_start3A_498 = arith.constant 0 : i32
      %dma_start3A_499 = tpu.memref_slice %arg2[%dma_start3A_497, %dma_start3A_498] : memref<20000x128xf32, #tpu.memory_space<hbm>> -> memref<20000x128xf32, #tpu.memory_space<hbm>>
      tpu.enqueue_indirect_dma source(%dma_start3A_499 : memref<20000x128xf32, #tpu.memory_space<hbm>>) target(%dma_start3A_493 : memref<64x128xf32, #tpu.memory_space<vmem>>) offsets(%dma_start3A_496 : memref<64xi32, #tpu.memory_space<vmem>>) semaphore(%arg14 : memref<!tpu.dma_semaphore, #tpu.memory_space<semaphore_mem>>)
      %dma_start3A_500 = arith.constant 64 : i32
      %dma_start3A_501 = arith.constant 0 : i32
      %dma_start3A_502 = tpu.memref_slice %arg11[%dma_start3A_500, %dma_start3A_501] : memref<128x128xf32, #tpu.memory_space<vmem>> -> memref<64x128xf32, #tpu.memory_space<vmem>>
      %dma_start3A_503 = arith.constant 64 : i32
      %dma_start3A_504 = tpu.memref_slice %arg7[%add3A_490, %dma_start3A_503] : memref<32x128xi32, #tpu.memory_space<vmem>> -> memref<1x64xi32, #tpu.memory_space<vmem>>
      %dma_start3A_505 = tpu.memref_squeeze %dma_start3A_504 : memref<1x64xi32, #tpu.memory_space<vmem>> -> memref<64xi32, #tpu.memory_space<vmem>>
      %dma_start3A_506 = arith.constant 0 : i32
      %dma_start3A_507 = arith.constant 0 : i32
      %dma_start3A_508 = tpu.memref_slice %arg2[%dma_start3A_506, %dma_start3A_507] : memref<20000x128xf32, #tpu.memory_space<hbm>> -> memref<20000x128xf32, #tpu.memory_space<hbm>>
      tpu.enqueue_indirect_dma source(%dma_start3A_508 : memref<20000x128xf32, #tpu.memory_space<hbm>>) target(%dma_start3A_502 : memref<64x128xf32, #tpu.memory_space<vmem>>) offsets(%dma_start3A_505 : memref<64xi32, #tpu.memory_space<vmem>>) semaphore(%arg14 : memref<!tpu.dma_semaphore, #tpu.memory_space<semaphore_mem>>)
      %add3A_509 = arith.constant 1 : i32
      %add3A_510 = arith.addi %mul3A_462, %add3A_509 : i32
      %dma_wait3A_511 = arith.constant 0 : i32
      %dma_wait3A_512 = tpu.memref_slice %arg8[%add3A_510, %dma_wait3A_511] : memref<32x128xi32, #tpu.memory_space<vmem>> -> memref<1x128xi32, #tpu.memory_space<vmem>>
      %dma_wait3A_513 = tpu.memref_squeeze %dma_wait3A_512 : memref<1x128xi32, #tpu.memory_space<vmem>> -> memref<128xi32, #tpu.memory_space<vmem>>
      %dma_wait3A_514 = arith.constant 0 : i32
      %dma_wait3A_515 = arith.constant 0 : i32
      %dma_wait3A_516 = tpu.memref_slice %arg2[%dma_wait3A_514, %dma_wait3A_515] : memref<20000x128xf32, #tpu.memory_space<hbm>> -> memref<20000x128xf32, #tpu.memory_space<hbm>>
      tpu.wait_indirect_dma semaphore(%arg15 : memref<!tpu.dma_semaphore, #tpu.memory_space<semaphore_mem>>) src(%dma_wait3A_516 : memref<20000x128xf32, #tpu.memory_space<hbm>>) dst(%arg12 : memref<128x128xf32, #tpu.memory_space<vmem>>)
      "tpu.region"() ({
        %run_scoped3A_517 = tpu.sem_alloc : memref<!tpu.dma_semaphore, #tpu.memory_space<semaphore_mem>>
        %dma_start3A_518 = arith.constant 0 : i32
        %dma_start3A_519 = tpu.memref_slice %arg8[%add3A_510, %dma_start3A_518] : memref<32x128xi32, #tpu.memory_space<vmem>> -> memref<1x128xi32, #tpu.memory_space<vmem>>
        %dma_start3A_520 = tpu.memref_squeeze %dma_start3A_519 : memref<1x128xi32, #tpu.memory_space<vmem>> -> memref<128xi32, #tpu.memory_space<vmem>>
        %dma_start3A_521 = arith.constant 0 : i32
        %dma_start3A_522 = arith.constant 0 : i32
        %dma_start3A_523 = tpu.memref_slice %arg13[%dma_start3A_521, %dma_start3A_522] : memref<10112x128xf32, #tpu.memory_space<vmem_shared>> -> memref<10112x128xf32, #tpu.memory_space<vmem_shared>>
        tpu.enqueue_indirect_dma source(%arg12 : memref<128x128xf32, #tpu.memory_space<vmem>>) target(%dma_start3A_523 : memref<10112x128xf32, #tpu.memory_space<vmem_shared>>) offsets(%dma_start3A_520 : memref<128xi32, #tpu.memory_space<vmem>>) semaphore(%run_scoped3A_517 : memref<!tpu.dma_semaphore, #tpu.memory_space<semaphore_mem>>) {add = true}
        %dma_wait3A_524 = arith.constant 0 : i32
        %dma_wait3A_525 = tpu.memref_slice %arg8[%add3A_510, %dma_wait3A_524] : memref<32x128xi32, #tpu.memory_space<vmem>> -> memref<1x128xi32, #tpu.memory_space<vmem>>
        %dma_wait3A_526 = tpu.memref_squeeze %dma_wait3A_525 : memref<1x128xi32, #tpu.memory_space<vmem>> -> memref<128xi32, #tpu.memory_space<vmem>>
        %dma_wait3A_527 = arith.constant 0 : i32
        %dma_wait3A_528 = arith.constant 0 : i32
        %dma_wait3A_529 = tpu.memref_slice %arg13[%dma_wait3A_527, %dma_wait3A_528] : memref<10112x128xf32, #tpu.memory_space<vmem_shared>> -> memref<10112x128xf32, #tpu.memory_space<vmem_shared>>
        tpu.wait_indirect_dma semaphore(%run_scoped3A_517 : memref<!tpu.dma_semaphore, #tpu.memory_space<semaphore_mem>>) src(%arg12 : memref<128x128xf32, #tpu.memory_space<vmem>>) dst(%dma_wait3A_529 : memref<10112x128xf32, #tpu.memory_space<vmem_shared>>)
        tpu.yield
      }) : () -> ()
    }
    %scan3A_232 = arith.constant 15 : i32
    %dma_start3A_233 = arith.constant 31 : i32
    %dma_start3A_234 = arith.constant 0 : i32
    %dma_start3A_235 = arith.constant 0 : i32
    %dma_start3A_236 = tpu.memref_slice %arg12[%dma_start3A_234, %dma_start3A_235] : memref<128x128xf32, #tpu.memory_space<vmem>> -> memref<64x128xf32, #tpu.memory_space<vmem>>
    %dma_start3A_237 = arith.constant 0 : i32
    %dma_start3A_238 = tpu.memref_slice %arg7[%dma_start3A_233, %dma_start3A_237] : memref<32x128xi32, #tpu.memory_space<vmem>> -> memref<1x64xi32, #tpu.memory_space<vmem>>
    %dma_start3A_239 = tpu.memref_squeeze %dma_start3A_238 : memref<1x64xi32, #tpu.memory_space<vmem>> -> memref<64xi32, #tpu.memory_space<vmem>>
    %dma_start3A_240 = arith.constant 0 : i32
    %dma_start3A_241 = arith.constant 0 : i32
    %dma_start3A_242 = tpu.memref_slice %arg2[%dma_start3A_240, %dma_start3A_241] : memref<20000x128xf32, #tpu.memory_space<hbm>> -> memref<20000x128xf32, #tpu.memory_space<hbm>>
    tpu.enqueue_indirect_dma source(%dma_start3A_242 : memref<20000x128xf32, #tpu.memory_space<hbm>>) target(%dma_start3A_236 : memref<64x128xf32, #tpu.memory_space<vmem>>) offsets(%dma_start3A_239 : memref<64xi32, #tpu.memory_space<vmem>>) semaphore(%arg15 : memref<!tpu.dma_semaphore, #tpu.memory_space<semaphore_mem>>)
    %dma_start3A_243 = arith.constant 31 : i32
    %dma_start3A_244 = arith.constant 64 : i32
    %dma_start3A_245 = arith.constant 0 : i32
    %dma_start3A_246 = tpu.memref_slice %arg12[%dma_start3A_244, %dma_start3A_245] : memref<128x128xf32, #tpu.memory_space<vmem>> -> memref<64x128xf32, #tpu.memory_space<vmem>>
    %dma_start3A_247 = arith.constant 64 : i32
    %dma_start3A_248 = tpu.memref_slice %arg7[%dma_start3A_243, %dma_start3A_247] : memref<32x128xi32, #tpu.memory_space<vmem>> -> memref<1x64xi32, #tpu.memory_space<vmem>>
    %dma_start3A_249 = tpu.memref_squeeze %dma_start3A_248 : memref<1x64xi32, #tpu.memory_space<vmem>> -> memref<64xi32, #tpu.memory_space<vmem>>
    %dma_start3A_250 = arith.constant 0 : i32
    %dma_start3A_251 = arith.constant 0 : i32
    %dma_start3A_252 = tpu.memref_slice %arg2[%dma_start3A_250, %dma_start3A_251] : memref<20000x128xf32, #tpu.memory_space<hbm>> -> memref<20000x128xf32, #tpu.memory_space<hbm>>
    tpu.enqueue_indirect_dma source(%dma_start3A_252 : memref<20000x128xf32, #tpu.memory_space<hbm>>) target(%dma_start3A_246 : memref<64x128xf32, #tpu.memory_space<vmem>>) offsets(%dma_start3A_249 : memref<64xi32, #tpu.memory_space<vmem>>) semaphore(%arg15 : memref<!tpu.dma_semaphore, #tpu.memory_space<semaphore_mem>>)
    %dma_wait3A_253 = arith.constant 30 : i32
    %dma_wait3A_254 = arith.constant 0 : i32
    %dma_wait3A_255 = tpu.memref_slice %arg8[%dma_wait3A_253, %dma_wait3A_254] : memref<32x128xi32, #tpu.memory_space<vmem>> -> memref<1x128xi32, #tpu.memory_space<vmem>>
    %dma_wait3A_256 = tpu.memref_squeeze %dma_wait3A_255 : memref<1x128xi32, #tpu.memory_space<vmem>> -> memref<128xi32, #tpu.memory_space<vmem>>
    %dma_wait3A_257 = arith.constant 0 : i32
    %dma_wait3A_258 = arith.constant 0 : i32
    %dma_wait3A_259 = tpu.memref_slice %arg2[%dma_wait3A_257, %dma_wait3A_258] : memref<20000x128xf32, #tpu.memory_space<hbm>> -> memref<20000x128xf32, #tpu.memory_space<hbm>>
    tpu.wait_indirect_dma semaphore(%arg14 : memref<!tpu.dma_semaphore, #tpu.memory_space<semaphore_mem>>) src(%dma_wait3A_259 : memref<20000x128xf32, #tpu.memory_space<hbm>>) dst(%arg11 : memref<128x128xf32, #tpu.memory_space<vmem>>)
    %run_scoped3A_260 = arith.constant 30 : i32
    "tpu.region"() ({
      %run_scoped3A_460 = tpu.sem_alloc : memref<!tpu.dma_semaphore, #tpu.memory_space<semaphore_mem>>
      %dma_start3A_461 = arith.constant 0 : i32
      %dma_start3A_462 = tpu.memref_slice %arg8[%run_scoped3A_260, %dma_start3A_461] : memref<32x128xi32, #tpu.memory_space<vmem>> -> memref<1x128xi32, #tpu.memory_space<vmem>>
      %dma_start3A_463 = tpu.memref_squeeze %dma_start3A_462 : memref<1x128xi32, #tpu.memory_space<vmem>> -> memref<128xi32, #tpu.memory_space<vmem>>
      %dma_start3A_464 = arith.constant 0 : i32
      %dma_start3A_465 = arith.constant 0 : i32
      %dma_start3A_466 = tpu.memref_slice %arg13[%dma_start3A_464, %dma_start3A_465] : memref<10112x128xf32, #tpu.memory_space<vmem_shared>> -> memref<10112x128xf32, #tpu.memory_space<vmem_shared>>
      tpu.enqueue_indirect_dma source(%arg11 : memref<128x128xf32, #tpu.memory_space<vmem>>) target(%dma_start3A_466 : memref<10112x128xf32, #tpu.memory_space<vmem_shared>>) offsets(%dma_start3A_463 : memref<128xi32, #tpu.memory_space<vmem>>) semaphore(%run_scoped3A_460 : memref<!tpu.dma_semaphore, #tpu.memory_space<semaphore_mem>>) {add = true}
      %dma_wait3A_467 = arith.constant 0 : i32
      %dma_wait3A_468 = tpu.memref_slice %arg8[%run_scoped3A_260, %dma_wait3A_467] : memref<32x128xi32, #tpu.memory_space<vmem>> -> memref<1x128xi32, #tpu.memory_space<vmem>>
      %dma_wait3A_469 = tpu.memref_squeeze %dma_wait3A_468 : memref<1x128xi32, #tpu.memory_space<vmem>> -> memref<128xi32, #tpu.memory_space<vmem>>
      %dma_wait3A_470 = arith.constant 0 : i32
      %dma_wait3A_471 = arith.constant 0 : i32
      %dma_wait3A_472 = tpu.memref_slice %arg13[%dma_wait3A_470, %dma_wait3A_471] : memref<10112x128xf32, #tpu.memory_space<vmem_shared>> -> memref<10112x128xf32, #tpu.memory_space<vmem_shared>>
      tpu.wait_indirect_dma semaphore(%run_scoped3A_460 : memref<!tpu.dma_semaphore, #tpu.memory_space<semaphore_mem>>) src(%arg11 : memref<128x128xf32, #tpu.memory_space<vmem>>) dst(%dma_wait3A_472 : memref<10112x128xf32, #tpu.memory_space<vmem_shared>>)
      tpu.yield
    }) : () -> ()
    %dma_wait3A_261 = arith.constant 96 : i32
    %dma_wait3A_262 = arith.constant 0 : i32
    %dma_wait3A_263 = tpu.memref_slice %arg3[%arg0, %arg1, %dma_wait3A_261, %dma_wait3A_262] : memref<2x16x160x128xi32, #tpu.memory_space<hbm>> -> memref<1x1x32x128xi32, #tpu.memory_space<hbm>>
    %dma_wait3A_264 = tpu.memref_squeeze %dma_wait3A_263 : memref<1x1x32x128xi32, #tpu.memory_space<hbm>> -> memref<32x128xi32, #tpu.memory_space<hbm>>
    %dma_wait3A_265 = arith.constant 96 : i32
    %dma_wait3A_266 = arith.constant 0 : i32
    %dma_wait3A_267 = tpu.memref_slice %arg3[%arg0, %arg1, %dma_wait3A_265, %dma_wait3A_266] : memref<2x16x160x128xi32, #tpu.memory_space<hbm>> -> memref<1x1x32x128xi32, #tpu.memory_space<hbm>>
    %dma_wait3A_268 = tpu.memref_squeeze %dma_wait3A_267 : memref<1x1x32x128xi32, #tpu.memory_space<hbm>> -> memref<32x128xi32, #tpu.memory_space<hbm>>
    tpu.wait_dma2 semaphore(%arg16 : memref<!tpu.dma_semaphore, #tpu.memory_space<semaphore_mem>>) src(%dma_wait3A_268 : memref<32x128xi32, #tpu.memory_space<hbm>>) dst(%arg9 : memref<32x128xi32, #tpu.memory_space<vmem>>)
    %dma_wait3A_269 = arith.constant 96 : i32
    %dma_wait3A_270 = arith.constant 0 : i32
    %dma_wait3A_271 = tpu.memref_slice %arg4[%arg1, %dma_wait3A_269, %dma_wait3A_270] : memref<16x160x128xi32, #tpu.memory_space<hbm>> -> memref<1x32x128xi32, #tpu.memory_space<hbm>>
    %dma_wait3A_272 = tpu.memref_squeeze %dma_wait3A_271 : memref<1x32x128xi32, #tpu.memory_space<hbm>> -> memref<32x128xi32, #tpu.memory_space<hbm>>
    %dma_wait3A_273 = arith.constant 96 : i32
    %dma_wait3A_274 = arith.constant 0 : i32
    %dma_wait3A_275 = tpu.memref_slice %arg4[%arg1, %dma_wait3A_273, %dma_wait3A_274] : memref<16x160x128xi32, #tpu.memory_space<hbm>> -> memref<1x32x128xi32, #tpu.memory_space<hbm>>
    %dma_wait3A_276 = tpu.memref_squeeze %dma_wait3A_275 : memref<1x32x128xi32, #tpu.memory_space<hbm>> -> memref<32x128xi32, #tpu.memory_space<hbm>>
    tpu.wait_dma2 semaphore(%arg16 : memref<!tpu.dma_semaphore, #tpu.memory_space<semaphore_mem>>) src(%dma_wait3A_276 : memref<32x128xi32, #tpu.memory_space<hbm>>) dst(%arg10 : memref<32x128xi32, #tpu.memory_space<vmem>>)
    %dma_start3A_277 = arith.constant 0 : i32
    %dma_start3A_278 = arith.constant 0 : i32
    %dma_start3A_279 = arith.constant 0 : i32
    %dma_start3A_280 = tpu.memref_slice %arg11[%dma_start3A_278, %dma_start3A_279] : memref<128x128xf32, #tpu.memory_space<vmem>> -> memref<64x128xf32, #tpu.memory_space<vmem>>
    %dma_start3A_281 = arith.constant 0 : i32
    %dma_start3A_282 = tpu.memref_slice %arg9[%dma_start3A_277, %dma_start3A_281] : memref<32x128xi32, #tpu.memory_space<vmem>> -> memref<1x64xi32, #tpu.memory_space<vmem>>
    %dma_start3A_283 = tpu.memref_squeeze %dma_start3A_282 : memref<1x64xi32, #tpu.memory_space<vmem>> -> memref<64xi32, #tpu.memory_space<vmem>>
    %dma_start3A_284 = arith.constant 0 : i32
    %dma_start3A_285 = arith.constant 0 : i32
    %dma_start3A_286 = tpu.memref_slice %arg2[%dma_start3A_284, %dma_start3A_285] : memref<20000x128xf32, #tpu.memory_space<hbm>> -> memref<20000x128xf32, #tpu.memory_space<hbm>>
    tpu.enqueue_indirect_dma source(%dma_start3A_286 : memref<20000x128xf32, #tpu.memory_space<hbm>>) target(%dma_start3A_280 : memref<64x128xf32, #tpu.memory_space<vmem>>) offsets(%dma_start3A_283 : memref<64xi32, #tpu.memory_space<vmem>>) semaphore(%arg14 : memref<!tpu.dma_semaphore, #tpu.memory_space<semaphore_mem>>)
    %dma_start3A_287 = arith.constant 0 : i32
    %dma_start3A_288 = arith.constant 64 : i32
    %dma_start3A_289 = arith.constant 0 : i32
    %dma_start3A_290 = tpu.memref_slice %arg11[%dma_start3A_288, %dma_start3A_289] : memref<128x128xf32, #tpu.memory_space<vmem>> -> memref<64x128xf32, #tpu.memory_space<vmem>>
    %dma_start3A_291 = arith.constant 64 : i32
    %dma_start3A_292 = tpu.memref_slice %arg9[%dma_start3A_287, %dma_start3A_291] : memref<32x128xi32, #tpu.memory_space<vmem>> -> memref<1x64xi32, #tpu.memory_space<vmem>>
    %dma_start3A_293 = tpu.memref_squeeze %dma_start3A_292 : memref<1x64xi32, #tpu.memory_space<vmem>> -> memref<64xi32, #tpu.memory_space<vmem>>
    %dma_start3A_294 = arith.constant 0 : i32
    %dma_start3A_295 = arith.constant 0 : i32
    %dma_start3A_296 = tpu.memref_slice %arg2[%dma_start3A_294, %dma_start3A_295] : memref<20000x128xf32, #tpu.memory_space<hbm>> -> memref<20000x128xf32, #tpu.memory_space<hbm>>
    tpu.enqueue_indirect_dma source(%dma_start3A_296 : memref<20000x128xf32, #tpu.memory_space<hbm>>) target(%dma_start3A_290 : memref<64x128xf32, #tpu.memory_space<vmem>>) offsets(%dma_start3A_293 : memref<64xi32, #tpu.memory_space<vmem>>) semaphore(%arg14 : memref<!tpu.dma_semaphore, #tpu.memory_space<semaphore_mem>>)
    %dma_wait3A_297 = arith.constant 31 : i32
    %dma_wait3A_298 = arith.constant 0 : i32
    %dma_wait3A_299 = tpu.memref_slice %arg8[%dma_wait3A_297, %dma_wait3A_298] : memref<32x128xi32, #tpu.memory_space<vmem>> -> memref<1x128xi32, #tpu.memory_space<vmem>>
    %dma_wait3A_300 = tpu.memref_squeeze %dma_wait3A_299 : memref<1x128xi32, #tpu.memory_space<vmem>> -> memref<128xi32, #tpu.memory_space<vmem>>
    %dma_wait3A_301 = arith.constant 0 : i32
    %dma_wait3A_302 = arith.constant 0 : i32
    %dma_wait3A_303 = tpu.memref_slice %arg2[%dma_wait3A_301, %dma_wait3A_302] : memref<20000x128xf32, #tpu.memory_space<hbm>> -> memref<20000x128xf32, #tpu.memory_space<hbm>>
    tpu.wait_indirect_dma semaphore(%arg15 : memref<!tpu.dma_semaphore, #tpu.memory_space<semaphore_mem>>) src(%dma_wait3A_303 : memref<20000x128xf32, #tpu.memory_space<hbm>>) dst(%arg12 : memref<128x128xf32, #tpu.memory_space<vmem>>)
    %run_scoped3A_304 = arith.constant 31 : i32
    "tpu.region"() ({
      %run_scoped3A_460 = tpu.sem_alloc : memref<!tpu.dma_semaphore, #tpu.memory_space<semaphore_mem>>
      %dma_start3A_461 = arith.constant 0 : i32
      %dma_start3A_462 = tpu.memref_slice %arg8[%run_scoped3A_304, %dma_start3A_461] : memref<32x128xi32, #tpu.memory_space<vmem>> -> memref<1x128xi32, #tpu.memory_space<vmem>>
      %dma_start3A_463 = tpu.memref_squeeze %dma_start3A_462 : memref<1x128xi32, #tpu.memory_space<vmem>> -> memref<128xi32, #tpu.memory_space<vmem>>
      %dma_start3A_464 = arith.constant 0 : i32
      %dma_start3A_465 = arith.constant 0 : i32
      %dma_start3A_466 = tpu.memref_slice %arg13[%dma_start3A_464, %dma_start3A_465] : memref<10112x128xf32, #tpu.memory_space<vmem_shared>> -> memref<10112x128xf32, #tpu.memory_space<vmem_shared>>
      tpu.enqueue_indirect_dma source(%arg12 : memref<128x128xf32, #tpu.memory_space<vmem>>) target(%dma_start3A_466 : memref<10112x128xf32, #tpu.memory_space<vmem_shared>>) offsets(%dma_start3A_463 : memref<128xi32, #tpu.memory_space<vmem>>) semaphore(%run_scoped3A_460 : memref<!tpu.dma_semaphore, #tpu.memory_space<semaphore_mem>>) {add = true}
      %dma_wait3A_467 = arith.constant 0 : i32
      %dma_wait3A_468 = tpu.memref_slice %arg8[%run_scoped3A_304, %dma_wait3A_467] : memref<32x128xi32, #tpu.memory_space<vmem>> -> memref<1x128xi32, #tpu.memory_space<vmem>>
      %dma_wait3A_469 = tpu.memref_squeeze %dma_wait3A_468 : memref<1x128xi32, #tpu.memory_space<vmem>> -> memref<128xi32, #tpu.memory_space<vmem>>
      %dma_wait3A_470 = arith.constant 0 : i32
      %dma_wait3A_471 = arith.constant 0 : i32
      %dma_wait3A_472 = tpu.memref_slice %arg13[%dma_wait3A_470, %dma_wait3A_471] : memref<10112x128xf32, #tpu.memory_space<vmem_shared>> -> memref<10112x128xf32, #tpu.memory_space<vmem_shared>>
      tpu.wait_indirect_dma semaphore(%run_scoped3A_460 : memref<!tpu.dma_semaphore, #tpu.memory_space<semaphore_mem>>) src(%arg12 : memref<128x128xf32, #tpu.memory_space<vmem>>) dst(%dma_wait3A_472 : memref<10112x128xf32, #tpu.memory_space<vmem_shared>>)
      tpu.yield
    }) : () -> ()
    %dma_start3A_305 = arith.constant 128 : i32
    %dma_start3A_306 = arith.constant 0 : i32
    %dma_start3A_307 = tpu.memref_slice %arg3[%arg0, %arg1, %dma_start3A_305, %dma_start3A_306] : memref<2x16x160x128xi32, #tpu.memory_space<hbm>> -> memref<1x1x32x128xi32, #tpu.memory_space<hbm>>
    %dma_start3A_308 = tpu.memref_squeeze %dma_start3A_307 : memref<1x1x32x128xi32, #tpu.memory_space<hbm>> -> memref<32x128xi32, #tpu.memory_space<hbm>>
    %dma_start3A_309 = arith.constant 128 : i32
    %dma_start3A_310 = arith.constant 0 : i32
    %dma_start3A_311 = tpu.memref_slice %arg3[%arg0, %arg1, %dma_start3A_309, %dma_start3A_310] : memref<2x16x160x128xi32, #tpu.memory_space<hbm>> -> memref<1x1x32x128xi32, #tpu.memory_space<hbm>>
    %dma_start3A_312 = tpu.memref_squeeze %dma_start3A_311 : memref<1x1x32x128xi32, #tpu.memory_space<hbm>> -> memref<32x128xi32, #tpu.memory_space<hbm>>
    tpu.enqueue_dma source(%dma_start3A_312 : memref<32x128xi32, #tpu.memory_space<hbm>>) target(%arg7 : memref<32x128xi32, #tpu.memory_space<vmem>>) target_semaphore(%arg16 : memref<!tpu.dma_semaphore, #tpu.memory_space<semaphore_mem>>)
    %dma_start3A_313 = arith.constant 128 : i32
    %dma_start3A_314 = arith.constant 0 : i32
    %dma_start3A_315 = tpu.memref_slice %arg4[%arg1, %dma_start3A_313, %dma_start3A_314] : memref<16x160x128xi32, #tpu.memory_space<hbm>> -> memref<1x32x128xi32, #tpu.memory_space<hbm>>
    %dma_start3A_316 = tpu.memref_squeeze %dma_start3A_315 : memref<1x32x128xi32, #tpu.memory_space<hbm>> -> memref<32x128xi32, #tpu.memory_space<hbm>>
    %dma_start3A_317 = arith.constant 128 : i32
    %dma_start3A_318 = arith.constant 0 : i32
    %dma_start3A_319 = tpu.memref_slice %arg4[%arg1, %dma_start3A_317, %dma_start3A_318] : memref<16x160x128xi32, #tpu.memory_space<hbm>> -> memref<1x32x128xi32, #tpu.memory_space<hbm>>
    %dma_start3A_320 = tpu.memref_squeeze %dma_start3A_319 : memref<1x32x128xi32, #tpu.memory_space<hbm>> -> memref<32x128xi32, #tpu.memory_space<hbm>>
    tpu.enqueue_dma source(%dma_start3A_320 : memref<32x128xi32, #tpu.memory_space<hbm>>) target(%arg8 : memref<32x128xi32, #tpu.memory_space<vmem>>) target_semaphore(%arg16 : memref<!tpu.dma_semaphore, #tpu.memory_space<semaphore_mem>>)
    %scan3A_321 = arith.constant 0 : i32
    %scan3A_322 = arith.constant 15 : i32
    %scan3A_323 = arith.addi %scan3A_321, %scan3A_322 : i32
    %scan3A_324 = arith.constant 1 : i32
    scf.for %scan3A_460 = %scan3A_321 to %scan3A_323 step %scan3A_324  : i32 {
      %mul3A_461 = arith.constant 2 : i32
      %mul3A_462 = arith.muli %mul3A_461, %scan3A_460 : i32
      %add3A_463 = arith.constant 1 : i32
      %add3A_464 = arith.addi %mul3A_462, %add3A_463 : i32
      %dma_start3A_465 = arith.constant 0 : i32
      %dma_start3A_466 = arith.constant 0 : i32
      %dma_start3A_467 = tpu.memref_slice %arg12[%dma_start3A_465, %dma_start3A_466] : memref<128x128xf32, #tpu.memory_space<vmem>> -> memref<64x128xf32, #tpu.memory_space<vmem>>
      %dma_start3A_468 = arith.constant 0 : i32
      %dma_start3A_469 = tpu.memref_slice %arg9[%add3A_464, %dma_start3A_468] : memref<32x128xi32, #tpu.memory_space<vmem>> -> memref<1x64xi32, #tpu.memory_space<vmem>>
      %dma_start3A_470 = tpu.memref_squeeze %dma_start3A_469 : memref<1x64xi32, #tpu.memory_space<vmem>> -> memref<64xi32, #tpu.memory_space<vmem>>
      %dma_start3A_471 = arith.constant 0 : i32
      %dma_start3A_472 = arith.constant 0 : i32
      %dma_start3A_473 = tpu.memref_slice %arg2[%dma_start3A_471, %dma_start3A_472] : memref<20000x128xf32, #tpu.memory_space<hbm>> -> memref<20000x128xf32, #tpu.memory_space<hbm>>
      tpu.enqueue_indirect_dma source(%dma_start3A_473 : memref<20000x128xf32, #tpu.memory_space<hbm>>) target(%dma_start3A_467 : memref<64x128xf32, #tpu.memory_space<vmem>>) offsets(%dma_start3A_470 : memref<64xi32, #tpu.memory_space<vmem>>) semaphore(%arg15 : memref<!tpu.dma_semaphore, #tpu.memory_space<semaphore_mem>>)
      %dma_start3A_474 = arith.constant 64 : i32
      %dma_start3A_475 = arith.constant 0 : i32
      %dma_start3A_476 = tpu.memref_slice %arg12[%dma_start3A_474, %dma_start3A_475] : memref<128x128xf32, #tpu.memory_space<vmem>> -> memref<64x128xf32, #tpu.memory_space<vmem>>
      %dma_start3A_477 = arith.constant 64 : i32
      %dma_start3A_478 = tpu.memref_slice %arg9[%add3A_464, %dma_start3A_477] : memref<32x128xi32, #tpu.memory_space<vmem>> -> memref<1x64xi32, #tpu.memory_space<vmem>>
      %dma_start3A_479 = tpu.memref_squeeze %dma_start3A_478 : memref<1x64xi32, #tpu.memory_space<vmem>> -> memref<64xi32, #tpu.memory_space<vmem>>
      %dma_start3A_480 = arith.constant 0 : i32
      %dma_start3A_481 = arith.constant 0 : i32
      %dma_start3A_482 = tpu.memref_slice %arg2[%dma_start3A_480, %dma_start3A_481] : memref<20000x128xf32, #tpu.memory_space<hbm>> -> memref<20000x128xf32, #tpu.memory_space<hbm>>
      tpu.enqueue_indirect_dma source(%dma_start3A_482 : memref<20000x128xf32, #tpu.memory_space<hbm>>) target(%dma_start3A_476 : memref<64x128xf32, #tpu.memory_space<vmem>>) offsets(%dma_start3A_479 : memref<64xi32, #tpu.memory_space<vmem>>) semaphore(%arg15 : memref<!tpu.dma_semaphore, #tpu.memory_space<semaphore_mem>>)
      %dma_wait3A_483 = arith.constant 0 : i32
      %dma_wait3A_484 = tpu.memref_slice %arg10[%mul3A_462, %dma_wait3A_483] : memref<32x128xi32, #tpu.memory_space<vmem>> -> memref<1x128xi32, #tpu.memory_space<vmem>>
      %dma_wait3A_485 = tpu.memref_squeeze %dma_wait3A_484 : memref<1x128xi32, #tpu.memory_space<vmem>> -> memref<128xi32, #tpu.memory_space<vmem>>
      %dma_wait3A_486 = arith.constant 0 : i32
      %dma_wait3A_487 = arith.constant 0 : i32
      %dma_wait3A_488 = tpu.memref_slice %arg2[%dma_wait3A_486, %dma_wait3A_487] : memref<20000x128xf32, #tpu.memory_space<hbm>> -> memref<20000x128xf32, #tpu.memory_space<hbm>>
      tpu.wait_indirect_dma semaphore(%arg14 : memref<!tpu.dma_semaphore, #tpu.memory_space<semaphore_mem>>) src(%dma_wait3A_488 : memref<20000x128xf32, #tpu.memory_space<hbm>>) dst(%arg11 : memref<128x128xf32, #tpu.memory_space<vmem>>)
      "tpu.region"() ({
        %run_scoped3A_517 = tpu.sem_alloc : memref<!tpu.dma_semaphore, #tpu.memory_space<semaphore_mem>>
        %dma_start3A_518 = arith.constant 0 : i32
        %dma_start3A_519 = tpu.memref_slice %arg10[%mul3A_462, %dma_start3A_518] : memref<32x128xi32, #tpu.memory_space<vmem>> -> memref<1x128xi32, #tpu.memory_space<vmem>>
        %dma_start3A_520 = tpu.memref_squeeze %dma_start3A_519 : memref<1x128xi32, #tpu.memory_space<vmem>> -> memref<128xi32, #tpu.memory_space<vmem>>
        %dma_start3A_521 = arith.constant 0 : i32
        %dma_start3A_522 = arith.constant 0 : i32
        %dma_start3A_523 = tpu.memref_slice %arg13[%dma_start3A_521, %dma_start3A_522] : memref<10112x128xf32, #tpu.memory_space<vmem_shared>> -> memref<10112x128xf32, #tpu.memory_space<vmem_shared>>
        tpu.enqueue_indirect_dma source(%arg11 : memref<128x128xf32, #tpu.memory_space<vmem>>) target(%dma_start3A_523 : memref<10112x128xf32, #tpu.memory_space<vmem_shared>>) offsets(%dma_start3A_520 : memref<128xi32, #tpu.memory_space<vmem>>) semaphore(%run_scoped3A_517 : memref<!tpu.dma_semaphore, #tpu.memory_space<semaphore_mem>>) {add = true}
        %dma_wait3A_524 = arith.constant 0 : i32
        %dma_wait3A_525 = tpu.memref_slice %arg10[%mul3A_462, %dma_wait3A_524] : memref<32x128xi32, #tpu.memory_space<vmem>> -> memref<1x128xi32, #tpu.memory_space<vmem>>
        %dma_wait3A_526 = tpu.memref_squeeze %dma_wait3A_525 : memref<1x128xi32, #tpu.memory_space<vmem>> -> memref<128xi32, #tpu.memory_space<vmem>>
        %dma_wait3A_527 = arith.constant 0 : i32
        %dma_wait3A_528 = arith.constant 0 : i32
        %dma_wait3A_529 = tpu.memref_slice %arg13[%dma_wait3A_527, %dma_wait3A_528] : memref<10112x128xf32, #tpu.memory_space<vmem_shared>> -> memref<10112x128xf32, #tpu.memory_space<vmem_shared>>
        tpu.wait_indirect_dma semaphore(%run_scoped3A_517 : memref<!tpu.dma_semaphore, #tpu.memory_space<semaphore_mem>>) src(%arg11 : memref<128x128xf32, #tpu.memory_space<vmem>>) dst(%dma_wait3A_529 : memref<10112x128xf32, #tpu.memory_space<vmem_shared>>)
        tpu.yield
      }) : () -> ()
      %add3A_489 = arith.constant 2 : i32
      %add3A_490 = arith.addi %mul3A_462, %add3A_489 : i32
      %dma_start3A_491 = arith.constant 0 : i32
      %dma_start3A_492 = arith.constant 0 : i32
      %dma_start3A_493 = tpu.memref_slice %arg11[%dma_start3A_491, %dma_start3A_492] : memref<128x128xf32, #tpu.memory_space<vmem>> -> memref<64x128xf32, #tpu.memory_space<vmem>>
      %dma_start3A_494 = arith.constant 0 : i32
      %dma_start3A_495 = tpu.memref_slice %arg9[%add3A_490, %dma_start3A_494] : memref<32x128xi32, #tpu.memory_space<vmem>> -> memref<1x64xi32, #tpu.memory_space<vmem>>
      %dma_start3A_496 = tpu.memref_squeeze %dma_start3A_495 : memref<1x64xi32, #tpu.memory_space<vmem>> -> memref<64xi32, #tpu.memory_space<vmem>>
      %dma_start3A_497 = arith.constant 0 : i32
      %dma_start3A_498 = arith.constant 0 : i32
      %dma_start3A_499 = tpu.memref_slice %arg2[%dma_start3A_497, %dma_start3A_498] : memref<20000x128xf32, #tpu.memory_space<hbm>> -> memref<20000x128xf32, #tpu.memory_space<hbm>>
      tpu.enqueue_indirect_dma source(%dma_start3A_499 : memref<20000x128xf32, #tpu.memory_space<hbm>>) target(%dma_start3A_493 : memref<64x128xf32, #tpu.memory_space<vmem>>) offsets(%dma_start3A_496 : memref<64xi32, #tpu.memory_space<vmem>>) semaphore(%arg14 : memref<!tpu.dma_semaphore, #tpu.memory_space<semaphore_mem>>)
      %dma_start3A_500 = arith.constant 64 : i32
      %dma_start3A_501 = arith.constant 0 : i32
      %dma_start3A_502 = tpu.memref_slice %arg11[%dma_start3A_500, %dma_start3A_501] : memref<128x128xf32, #tpu.memory_space<vmem>> -> memref<64x128xf32, #tpu.memory_space<vmem>>
      %dma_start3A_503 = arith.constant 64 : i32
      %dma_start3A_504 = tpu.memref_slice %arg9[%add3A_490, %dma_start3A_503] : memref<32x128xi32, #tpu.memory_space<vmem>> -> memref<1x64xi32, #tpu.memory_space<vmem>>
      %dma_start3A_505 = tpu.memref_squeeze %dma_start3A_504 : memref<1x64xi32, #tpu.memory_space<vmem>> -> memref<64xi32, #tpu.memory_space<vmem>>
      %dma_start3A_506 = arith.constant 0 : i32
      %dma_start3A_507 = arith.constant 0 : i32
      %dma_start3A_508 = tpu.memref_slice %arg2[%dma_start3A_506, %dma_start3A_507] : memref<20000x128xf32, #tpu.memory_space<hbm>> -> memref<20000x128xf32, #tpu.memory_space<hbm>>
      tpu.enqueue_indirect_dma source(%dma_start3A_508 : memref<20000x128xf32, #tpu.memory_space<hbm>>) target(%dma_start3A_502 : memref<64x128xf32, #tpu.memory_space<vmem>>) offsets(%dma_start3A_505 : memref<64xi32, #tpu.memory_space<vmem>>) semaphore(%arg14 : memref<!tpu.dma_semaphore, #tpu.memory_space<semaphore_mem>>)
      %add3A_509 = arith.constant 1 : i32
      %add3A_510 = arith.addi %mul3A_462, %add3A_509 : i32
      %dma_wait3A_511 = arith.constant 0 : i32
      %dma_wait3A_512 = tpu.memref_slice %arg10[%add3A_510, %dma_wait3A_511] : memref<32x128xi32, #tpu.memory_space<vmem>> -> memref<1x128xi32, #tpu.memory_space<vmem>>
      %dma_wait3A_513 = tpu.memref_squeeze %dma_wait3A_512 : memref<1x128xi32, #tpu.memory_space<vmem>> -> memref<128xi32, #tpu.memory_space<vmem>>
      %dma_wait3A_514 = arith.constant 0 : i32
      %dma_wait3A_515 = arith.constant 0 : i32
      %dma_wait3A_516 = tpu.memref_slice %arg2[%dma_wait3A_514, %dma_wait3A_515] : memref<20000x128xf32, #tpu.memory_space<hbm>> -> memref<20000x128xf32, #tpu.memory_space<hbm>>
      tpu.wait_indirect_dma semaphore(%arg15 : memref<!tpu.dma_semaphore, #tpu.memory_space<semaphore_mem>>) src(%dma_wait3A_516 : memref<20000x128xf32, #tpu.memory_space<hbm>>) dst(%arg12 : memref<128x128xf32, #tpu.memory_space<vmem>>)
      "tpu.region"() ({
        %run_scoped3A_517 = tpu.sem_alloc : memref<!tpu.dma_semaphore, #tpu.memory_space<semaphore_mem>>
        %dma_start3A_518 = arith.constant 0 : i32
        %dma_start3A_519 = tpu.memref_slice %arg10[%add3A_510, %dma_start3A_518] : memref<32x128xi32, #tpu.memory_space<vmem>> -> memref<1x128xi32, #tpu.memory_space<vmem>>
        %dma_start3A_520 = tpu.memref_squeeze %dma_start3A_519 : memref<1x128xi32, #tpu.memory_space<vmem>> -> memref<128xi32, #tpu.memory_space<vmem>>
        %dma_start3A_521 = arith.constant 0 : i32
        %dma_start3A_522 = arith.constant 0 : i32
        %dma_start3A_523 = tpu.memref_slice %arg13[%dma_start3A_521, %dma_start3A_522] : memref<10112x128xf32, #tpu.memory_space<vmem_shared>> -> memref<10112x128xf32, #tpu.memory_space<vmem_shared>>
        tpu.enqueue_indirect_dma source(%arg12 : memref<128x128xf32, #tpu.memory_space<vmem>>) target(%dma_start3A_523 : memref<10112x128xf32, #tpu.memory_space<vmem_shared>>) offsets(%dma_start3A_520 : memref<128xi32, #tpu.memory_space<vmem>>) semaphore(%run_scoped3A_517 : memref<!tpu.dma_semaphore, #tpu.memory_space<semaphore_mem>>) {add = true}
        %dma_wait3A_524 = arith.constant 0 : i32
        %dma_wait3A_525 = tpu.memref_slice %arg10[%add3A_510, %dma_wait3A_524] : memref<32x128xi32, #tpu.memory_space<vmem>> -> memref<1x128xi32, #tpu.memory_space<vmem>>
        %dma_wait3A_526 = tpu.memref_squeeze %dma_wait3A_525 : memref<1x128xi32, #tpu.memory_space<vmem>> -> memref<128xi32, #tpu.memory_space<vmem>>
        %dma_wait3A_527 = arith.constant 0 : i32
        %dma_wait3A_528 = arith.constant 0 : i32
        %dma_wait3A_529 = tpu.memref_slice %arg13[%dma_wait3A_527, %dma_wait3A_528] : memref<10112x128xf32, #tpu.memory_space<vmem_shared>> -> memref<10112x128xf32, #tpu.memory_space<vmem_shared>>
        tpu.wait_indirect_dma semaphore(%run_scoped3A_517 : memref<!tpu.dma_semaphore, #tpu.memory_space<semaphore_mem>>) src(%arg12 : memref<128x128xf32, #tpu.memory_space<vmem>>) dst(%dma_wait3A_529 : memref<10112x128xf32, #tpu.memory_space<vmem_shared>>)
        tpu.yield
      }) : () -> ()
    }
    %scan3A_325 = arith.constant 15 : i32
    %dma_start3A_326 = arith.constant 31 : i32
    %dma_start3A_327 = arith.constant 0 : i32
    %dma_start3A_328 = arith.constant 0 : i32
    %dma_start3A_329 = tpu.memref_slice %arg12[%dma_start3A_327, %dma_start3A_328] : memref<128x128xf32, #tpu.memory_space<vmem>> -> memref<64x128xf32, #tpu.memory_space<vmem>>
    %dma_start3A_330 = arith.constant 0 : i32
    %dma_start3A_331 = tpu.memref_slice %arg9[%dma_start3A_326, %dma_start3A_330] : memref<32x128xi32, #tpu.memory_space<vmem>> -> memref<1x64xi32, #tpu.memory_space<vmem>>
    %dma_start3A_332 = tpu.memref_squeeze %dma_start3A_331 : memref<1x64xi32, #tpu.memory_space<vmem>> -> memref<64xi32, #tpu.memory_space<vmem>>
    %dma_start3A_333 = arith.constant 0 : i32
    %dma_start3A_334 = arith.constant 0 : i32
    %dma_start3A_335 = tpu.memref_slice %arg2[%dma_start3A_333, %dma_start3A_334] : memref<20000x128xf32, #tpu.memory_space<hbm>> -> memref<20000x128xf32, #tpu.memory_space<hbm>>
    tpu.enqueue_indirect_dma source(%dma_start3A_335 : memref<20000x128xf32, #tpu.memory_space<hbm>>) target(%dma_start3A_329 : memref<64x128xf32, #tpu.memory_space<vmem>>) offsets(%dma_start3A_332 : memref<64xi32, #tpu.memory_space<vmem>>) semaphore(%arg15 : memref<!tpu.dma_semaphore, #tpu.memory_space<semaphore_mem>>)
    %dma_start3A_336 = arith.constant 31 : i32
    %dma_start3A_337 = arith.constant 64 : i32
    %dma_start3A_338 = arith.constant 0 : i32
    %dma_start3A_339 = tpu.memref_slice %arg12[%dma_start3A_337, %dma_start3A_338] : memref<128x128xf32, #tpu.memory_space<vmem>> -> memref<64x128xf32, #tpu.memory_space<vmem>>
    %dma_start3A_340 = arith.constant 64 : i32
    %dma_start3A_341 = tpu.memref_slice %arg9[%dma_start3A_336, %dma_start3A_340] : memref<32x128xi32, #tpu.memory_space<vmem>> -> memref<1x64xi32, #tpu.memory_space<vmem>>
    %dma_start3A_342 = tpu.memref_squeeze %dma_start3A_341 : memref<1x64xi32, #tpu.memory_space<vmem>> -> memref<64xi32, #tpu.memory_space<vmem>>
    %dma_start3A_343 = arith.constant 0 : i32
    %dma_start3A_344 = arith.constant 0 : i32
    %dma_start3A_345 = tpu.memref_slice %arg2[%dma_start3A_343, %dma_start3A_344] : memref<20000x128xf32, #tpu.memory_space<hbm>> -> memref<20000x128xf32, #tpu.memory_space<hbm>>
    tpu.enqueue_indirect_dma source(%dma_start3A_345 : memref<20000x128xf32, #tpu.memory_space<hbm>>) target(%dma_start3A_339 : memref<64x128xf32, #tpu.memory_space<vmem>>) offsets(%dma_start3A_342 : memref<64xi32, #tpu.memory_space<vmem>>) semaphore(%arg15 : memref<!tpu.dma_semaphore, #tpu.memory_space<semaphore_mem>>)
    %dma_wait3A_346 = arith.constant 30 : i32
    %dma_wait3A_347 = arith.constant 0 : i32
    %dma_wait3A_348 = tpu.memref_slice %arg10[%dma_wait3A_346, %dma_wait3A_347] : memref<32x128xi32, #tpu.memory_space<vmem>> -> memref<1x128xi32, #tpu.memory_space<vmem>>
    %dma_wait3A_349 = tpu.memref_squeeze %dma_wait3A_348 : memref<1x128xi32, #tpu.memory_space<vmem>> -> memref<128xi32, #tpu.memory_space<vmem>>
    %dma_wait3A_350 = arith.constant 0 : i32
    %dma_wait3A_351 = arith.constant 0 : i32
    %dma_wait3A_352 = tpu.memref_slice %arg2[%dma_wait3A_350, %dma_wait3A_351] : memref<20000x128xf32, #tpu.memory_space<hbm>> -> memref<20000x128xf32, #tpu.memory_space<hbm>>
    tpu.wait_indirect_dma semaphore(%arg14 : memref<!tpu.dma_semaphore, #tpu.memory_space<semaphore_mem>>) src(%dma_wait3A_352 : memref<20000x128xf32, #tpu.memory_space<hbm>>) dst(%arg11 : memref<128x128xf32, #tpu.memory_space<vmem>>)
    %run_scoped3A_353 = arith.constant 30 : i32
    "tpu.region"() ({
      %run_scoped3A_460 = tpu.sem_alloc : memref<!tpu.dma_semaphore, #tpu.memory_space<semaphore_mem>>
      %dma_start3A_461 = arith.constant 0 : i32
      %dma_start3A_462 = tpu.memref_slice %arg10[%run_scoped3A_353, %dma_start3A_461] : memref<32x128xi32, #tpu.memory_space<vmem>> -> memref<1x128xi32, #tpu.memory_space<vmem>>
      %dma_start3A_463 = tpu.memref_squeeze %dma_start3A_462 : memref<1x128xi32, #tpu.memory_space<vmem>> -> memref<128xi32, #tpu.memory_space<vmem>>
      %dma_start3A_464 = arith.constant 0 : i32
      %dma_start3A_465 = arith.constant 0 : i32
      %dma_start3A_466 = tpu.memref_slice %arg13[%dma_start3A_464, %dma_start3A_465] : memref<10112x128xf32, #tpu.memory_space<vmem_shared>> -> memref<10112x128xf32, #tpu.memory_space<vmem_shared>>
      tpu.enqueue_indirect_dma source(%arg11 : memref<128x128xf32, #tpu.memory_space<vmem>>) target(%dma_start3A_466 : memref<10112x128xf32, #tpu.memory_space<vmem_shared>>) offsets(%dma_start3A_463 : memref<128xi32, #tpu.memory_space<vmem>>) semaphore(%run_scoped3A_460 : memref<!tpu.dma_semaphore, #tpu.memory_space<semaphore_mem>>) {add = true}
      %dma_wait3A_467 = arith.constant 0 : i32
      %dma_wait3A_468 = tpu.memref_slice %arg10[%run_scoped3A_353, %dma_wait3A_467] : memref<32x128xi32, #tpu.memory_space<vmem>> -> memref<1x128xi32, #tpu.memory_space<vmem>>
      %dma_wait3A_469 = tpu.memref_squeeze %dma_wait3A_468 : memref<1x128xi32, #tpu.memory_space<vmem>> -> memref<128xi32, #tpu.memory_space<vmem>>
      %dma_wait3A_470 = arith.constant 0 : i32
      %dma_wait3A_471 = arith.constant 0 : i32
      %dma_wait3A_472 = tpu.memref_slice %arg13[%dma_wait3A_470, %dma_wait3A_471] : memref<10112x128xf32, #tpu.memory_space<vmem_shared>> -> memref<10112x128xf32, #tpu.memory_space<vmem_shared>>
      tpu.wait_indirect_dma semaphore(%run_scoped3A_460 : memref<!tpu.dma_semaphore, #tpu.memory_space<semaphore_mem>>) src(%arg11 : memref<128x128xf32, #tpu.memory_space<vmem>>) dst(%dma_wait3A_472 : memref<10112x128xf32, #tpu.memory_space<vmem_shared>>)
      tpu.yield
    }) : () -> ()
    %dma_wait3A_354 = arith.constant 128 : i32
    %dma_wait3A_355 = arith.constant 0 : i32
    %dma_wait3A_356 = tpu.memref_slice %arg3[%arg0, %arg1, %dma_wait3A_354, %dma_wait3A_355] : memref<2x16x160x128xi32, #tpu.memory_space<hbm>> -> memref<1x1x32x128xi32, #tpu.memory_space<hbm>>
    %dma_wait3A_357 = tpu.memref_squeeze %dma_wait3A_356 : memref<1x1x32x128xi32, #tpu.memory_space<hbm>> -> memref<32x128xi32, #tpu.memory_space<hbm>>
    %dma_wait3A_358 = arith.constant 128 : i32
    %dma_wait3A_359 = arith.constant 0 : i32
    %dma_wait3A_360 = tpu.memref_slice %arg3[%arg0, %arg1, %dma_wait3A_358, %dma_wait3A_359] : memref<2x16x160x128xi32, #tpu.memory_space<hbm>> -> memref<1x1x32x128xi32, #tpu.memory_space<hbm>>
    %dma_wait3A_361 = tpu.memref_squeeze %dma_wait3A_360 : memref<1x1x32x128xi32, #tpu.memory_space<hbm>> -> memref<32x128xi32, #tpu.memory_space<hbm>>
    tpu.wait_dma2 semaphore(%arg16 : memref<!tpu.dma_semaphore, #tpu.memory_space<semaphore_mem>>) src(%dma_wait3A_361 : memref<32x128xi32, #tpu.memory_space<hbm>>) dst(%arg7 : memref<32x128xi32, #tpu.memory_space<vmem>>)
    %dma_wait3A_362 = arith.constant 128 : i32
    %dma_wait3A_363 = arith.constant 0 : i32
    %dma_wait3A_364 = tpu.memref_slice %arg4[%arg1, %dma_wait3A_362, %dma_wait3A_363] : memref<16x160x128xi32, #tpu.memory_space<hbm>> -> memref<1x32x128xi32, #tpu.memory_space<hbm>>
    %dma_wait3A_365 = tpu.memref_squeeze %dma_wait3A_364 : memref<1x32x128xi32, #tpu.memory_space<hbm>> -> memref<32x128xi32, #tpu.memory_space<hbm>>
    %dma_wait3A_366 = arith.constant 128 : i32
    %dma_wait3A_367 = arith.constant 0 : i32
    %dma_wait3A_368 = tpu.memref_slice %arg4[%arg1, %dma_wait3A_366, %dma_wait3A_367] : memref<16x160x128xi32, #tpu.memory_space<hbm>> -> memref<1x32x128xi32, #tpu.memory_space<hbm>>
    %dma_wait3A_369 = tpu.memref_squeeze %dma_wait3A_368 : memref<1x32x128xi32, #tpu.memory_space<hbm>> -> memref<32x128xi32, #tpu.memory_space<hbm>>
    tpu.wait_dma2 semaphore(%arg16 : memref<!tpu.dma_semaphore, #tpu.memory_space<semaphore_mem>>) src(%dma_wait3A_369 : memref<32x128xi32, #tpu.memory_space<hbm>>) dst(%arg8 : memref<32x128xi32, #tpu.memory_space<vmem>>)
    %dma_start3A_370 = arith.constant 0 : i32
    %dma_start3A_371 = arith.constant 0 : i32
    %dma_start3A_372 = arith.constant 0 : i32
    %dma_start3A_373 = tpu.memref_slice %arg11[%dma_start3A_371, %dma_start3A_372] : memref<128x128xf32, #tpu.memory_space<vmem>> -> memref<64x128xf32, #tpu.memory_space<vmem>>
    %dma_start3A_374 = arith.constant 0 : i32
    %dma_start3A_375 = tpu.memref_slice %arg7[%dma_start3A_370, %dma_start3A_374] : memref<32x128xi32, #tpu.memory_space<vmem>> -> memref<1x64xi32, #tpu.memory_space<vmem>>
    %dma_start3A_376 = tpu.memref_squeeze %dma_start3A_375 : memref<1x64xi32, #tpu.memory_space<vmem>> -> memref<64xi32, #tpu.memory_space<vmem>>
    %dma_start3A_377 = arith.constant 0 : i32
    %dma_start3A_378 = arith.constant 0 : i32
    %dma_start3A_379 = tpu.memref_slice %arg2[%dma_start3A_377, %dma_start3A_378] : memref<20000x128xf32, #tpu.memory_space<hbm>> -> memref<20000x128xf32, #tpu.memory_space<hbm>>
    tpu.enqueue_indirect_dma source(%dma_start3A_379 : memref<20000x128xf32, #tpu.memory_space<hbm>>) target(%dma_start3A_373 : memref<64x128xf32, #tpu.memory_space<vmem>>) offsets(%dma_start3A_376 : memref<64xi32, #tpu.memory_space<vmem>>) semaphore(%arg14 : memref<!tpu.dma_semaphore, #tpu.memory_space<semaphore_mem>>)
    %dma_start3A_380 = arith.constant 0 : i32
    %dma_start3A_381 = arith.constant 64 : i32
    %dma_start3A_382 = arith.constant 0 : i32
    %dma_start3A_383 = tpu.memref_slice %arg11[%dma_start3A_381, %dma_start3A_382] : memref<128x128xf32, #tpu.memory_space<vmem>> -> memref<64x128xf32, #tpu.memory_space<vmem>>
    %dma_start3A_384 = arith.constant 64 : i32
    %dma_start3A_385 = tpu.memref_slice %arg7[%dma_start3A_380, %dma_start3A_384] : memref<32x128xi32, #tpu.memory_space<vmem>> -> memref<1x64xi32, #tpu.memory_space<vmem>>
    %dma_start3A_386 = tpu.memref_squeeze %dma_start3A_385 : memref<1x64xi32, #tpu.memory_space<vmem>> -> memref<64xi32, #tpu.memory_space<vmem>>
    %dma_start3A_387 = arith.constant 0 : i32
    %dma_start3A_388 = arith.constant 0 : i32
    %dma_start3A_389 = tpu.memref_slice %arg2[%dma_start3A_387, %dma_start3A_388] : memref<20000x128xf32, #tpu.memory_space<hbm>> -> memref<20000x128xf32, #tpu.memory_space<hbm>>
    tpu.enqueue_indirect_dma source(%dma_start3A_389 : memref<20000x128xf32, #tpu.memory_space<hbm>>) target(%dma_start3A_383 : memref<64x128xf32, #tpu.memory_space<vmem>>) offsets(%dma_start3A_386 : memref<64xi32, #tpu.memory_space<vmem>>) semaphore(%arg14 : memref<!tpu.dma_semaphore, #tpu.memory_space<semaphore_mem>>)
    %dma_wait3A_390 = arith.constant 31 : i32
    %dma_wait3A_391 = arith.constant 0 : i32
    %dma_wait3A_392 = tpu.memref_slice %arg10[%dma_wait3A_390, %dma_wait3A_391] : memref<32x128xi32, #tpu.memory_space<vmem>> -> memref<1x128xi32, #tpu.memory_space<vmem>>
    %dma_wait3A_393 = tpu.memref_squeeze %dma_wait3A_392 : memref<1x128xi32, #tpu.memory_space<vmem>> -> memref<128xi32, #tpu.memory_space<vmem>>
    %dma_wait3A_394 = arith.constant 0 : i32
    %dma_wait3A_395 = arith.constant 0 : i32
    %dma_wait3A_396 = tpu.memref_slice %arg2[%dma_wait3A_394, %dma_wait3A_395] : memref<20000x128xf32, #tpu.memory_space<hbm>> -> memref<20000x128xf32, #tpu.memory_space<hbm>>
    tpu.wait_indirect_dma semaphore(%arg15 : memref<!tpu.dma_semaphore, #tpu.memory_space<semaphore_mem>>) src(%dma_wait3A_396 : memref<20000x128xf32, #tpu.memory_space<hbm>>) dst(%arg12 : memref<128x128xf32, #tpu.memory_space<vmem>>)
    %run_scoped3A_397 = arith.constant 31 : i32
    "tpu.region"() ({
      %run_scoped3A_460 = tpu.sem_alloc : memref<!tpu.dma_semaphore, #tpu.memory_space<semaphore_mem>>
      %dma_start3A_461 = arith.constant 0 : i32
      %dma_start3A_462 = tpu.memref_slice %arg10[%run_scoped3A_397, %dma_start3A_461] : memref<32x128xi32, #tpu.memory_space<vmem>> -> memref<1x128xi32, #tpu.memory_space<vmem>>
      %dma_start3A_463 = tpu.memref_squeeze %dma_start3A_462 : memref<1x128xi32, #tpu.memory_space<vmem>> -> memref<128xi32, #tpu.memory_space<vmem>>
      %dma_start3A_464 = arith.constant 0 : i32
      %dma_start3A_465 = arith.constant 0 : i32
      %dma_start3A_466 = tpu.memref_slice %arg13[%dma_start3A_464, %dma_start3A_465] : memref<10112x128xf32, #tpu.memory_space<vmem_shared>> -> memref<10112x128xf32, #tpu.memory_space<vmem_shared>>
      tpu.enqueue_indirect_dma source(%arg12 : memref<128x128xf32, #tpu.memory_space<vmem>>) target(%dma_start3A_466 : memref<10112x128xf32, #tpu.memory_space<vmem_shared>>) offsets(%dma_start3A_463 : memref<128xi32, #tpu.memory_space<vmem>>) semaphore(%run_scoped3A_460 : memref<!tpu.dma_semaphore, #tpu.memory_space<semaphore_mem>>) {add = true}
      %dma_wait3A_467 = arith.constant 0 : i32
      %dma_wait3A_468 = tpu.memref_slice %arg10[%run_scoped3A_397, %dma_wait3A_467] : memref<32x128xi32, #tpu.memory_space<vmem>> -> memref<1x128xi32, #tpu.memory_space<vmem>>
      %dma_wait3A_469 = tpu.memref_squeeze %dma_wait3A_468 : memref<1x128xi32, #tpu.memory_space<vmem>> -> memref<128xi32, #tpu.memory_space<vmem>>
      %dma_wait3A_470 = arith.constant 0 : i32
      %dma_wait3A_471 = arith.constant 0 : i32
      %dma_wait3A_472 = tpu.memref_slice %arg13[%dma_wait3A_470, %dma_wait3A_471] : memref<10112x128xf32, #tpu.memory_space<vmem_shared>> -> memref<10112x128xf32, #tpu.memory_space<vmem_shared>>
      tpu.wait_indirect_dma semaphore(%run_scoped3A_460 : memref<!tpu.dma_semaphore, #tpu.memory_space<semaphore_mem>>) src(%arg12 : memref<128x128xf32, #tpu.memory_space<vmem>>) dst(%dma_wait3A_472 : memref<10112x128xf32, #tpu.memory_space<vmem_shared>>)
      tpu.yield
    }) : () -> ()
    %scan3A_398 = arith.constant 0 : i32
    %scan3A_399 = arith.constant 15 : i32
    %scan3A_400 = arith.addi %scan3A_398, %scan3A_399 : i32
    %scan3A_401 = arith.constant 1 : i32
    scf.for %scan3A_460 = %scan3A_398 to %scan3A_400 step %scan3A_401  : i32 {
      %mul3A_461 = arith.constant 2 : i32
      %mul3A_462 = arith.muli %mul3A_461, %scan3A_460 : i32
      %add3A_463 = arith.constant 1 : i32
      %add3A_464 = arith.addi %mul3A_462, %add3A_463 : i32
      %dma_start3A_465 = arith.constant 0 : i32
      %dma_start3A_466 = arith.constant 0 : i32
      %dma_start3A_467 = tpu.memref_slice %arg12[%dma_start3A_465, %dma_start3A_466] : memref<128x128xf32, #tpu.memory_space<vmem>> -> memref<64x128xf32, #tpu.memory_space<vmem>>
      %dma_start3A_468 = arith.constant 0 : i32
      %dma_start3A_469 = tpu.memref_slice %arg7[%add3A_464, %dma_start3A_468] : memref<32x128xi32, #tpu.memory_space<vmem>> -> memref<1x64xi32, #tpu.memory_space<vmem>>
      %dma_start3A_470 = tpu.memref_squeeze %dma_start3A_469 : memref<1x64xi32, #tpu.memory_space<vmem>> -> memref<64xi32, #tpu.memory_space<vmem>>
      %dma_start3A_471 = arith.constant 0 : i32
      %dma_start3A_472 = arith.constant 0 : i32
      %dma_start3A_473 = tpu.memref_slice %arg2[%dma_start3A_471, %dma_start3A_472] : memref<20000x128xf32, #tpu.memory_space<hbm>> -> memref<20000x128xf32, #tpu.memory_space<hbm>>
      tpu.enqueue_indirect_dma source(%dma_start3A_473 : memref<20000x128xf32, #tpu.memory_space<hbm>>) target(%dma_start3A_467 : memref<64x128xf32, #tpu.memory_space<vmem>>) offsets(%dma_start3A_470 : memref<64xi32, #tpu.memory_space<vmem>>) semaphore(%arg15 : memref<!tpu.dma_semaphore, #tpu.memory_space<semaphore_mem>>)
      %dma_start3A_474 = arith.constant 64 : i32
      %dma_start3A_475 = arith.constant 0 : i32
      %dma_start3A_476 = tpu.memref_slice %arg12[%dma_start3A_474, %dma_start3A_475] : memref<128x128xf32, #tpu.memory_space<vmem>> -> memref<64x128xf32, #tpu.memory_space<vmem>>
      %dma_start3A_477 = arith.constant 64 : i32
      %dma_start3A_478 = tpu.memref_slice %arg7[%add3A_464, %dma_start3A_477] : memref<32x128xi32, #tpu.memory_space<vmem>> -> memref<1x64xi32, #tpu.memory_space<vmem>>
      %dma_start3A_479 = tpu.memref_squeeze %dma_start3A_478 : memref<1x64xi32, #tpu.memory_space<vmem>> -> memref<64xi32, #tpu.memory_space<vmem>>
      %dma_start3A_480 = arith.constant 0 : i32
      %dma_start3A_481 = arith.constant 0 : i32
      %dma_start3A_482 = tpu.memref_slice %arg2[%dma_start3A_480, %dma_start3A_481] : memref<20000x128xf32, #tpu.memory_space<hbm>> -> memref<20000x128xf32, #tpu.memory_space<hbm>>
      tpu.enqueue_indirect_dma source(%dma_start3A_482 : memref<20000x128xf32, #tpu.memory_space<hbm>>) target(%dma_start3A_476 : memref<64x128xf32, #tpu.memory_space<vmem>>) offsets(%dma_start3A_479 : memref<64xi32, #tpu.memory_space<vmem>>) semaphore(%arg15 : memref<!tpu.dma_semaphore, #tpu.memory_space<semaphore_mem>>)
      %dma_wait3A_483 = arith.constant 0 : i32
      %dma_wait3A_484 = tpu.memref_slice %arg8[%mul3A_462, %dma_wait3A_483] : memref<32x128xi32, #tpu.memory_space<vmem>> -> memref<1x128xi32, #tpu.memory_space<vmem>>
      %dma_wait3A_485 = tpu.memref_squeeze %dma_wait3A_484 : memref<1x128xi32, #tpu.memory_space<vmem>> -> memref<128xi32, #tpu.memory_space<vmem>>
      %dma_wait3A_486 = arith.constant 0 : i32
      %dma_wait3A_487 = arith.constant 0 : i32
      %dma_wait3A_488 = tpu.memref_slice %arg2[%dma_wait3A_486, %dma_wait3A_487] : memref<20000x128xf32, #tpu.memory_space<hbm>> -> memref<20000x128xf32, #tpu.memory_space<hbm>>
      tpu.wait_indirect_dma semaphore(%arg14 : memref<!tpu.dma_semaphore, #tpu.memory_space<semaphore_mem>>) src(%dma_wait3A_488 : memref<20000x128xf32, #tpu.memory_space<hbm>>) dst(%arg11 : memref<128x128xf32, #tpu.memory_space<vmem>>)
      "tpu.region"() ({
        %run_scoped3A_517 = tpu.sem_alloc : memref<!tpu.dma_semaphore, #tpu.memory_space<semaphore_mem>>
        %dma_start3A_518 = arith.constant 0 : i32
        %dma_start3A_519 = tpu.memref_slice %arg8[%mul3A_462, %dma_start3A_518] : memref<32x128xi32, #tpu.memory_space<vmem>> -> memref<1x128xi32, #tpu.memory_space<vmem>>
        %dma_start3A_520 = tpu.memref_squeeze %dma_start3A_519 : memref<1x128xi32, #tpu.memory_space<vmem>> -> memref<128xi32, #tpu.memory_space<vmem>>
        %dma_start3A_521 = arith.constant 0 : i32
        %dma_start3A_522 = arith.constant 0 : i32
        %dma_start3A_523 = tpu.memref_slice %arg13[%dma_start3A_521, %dma_start3A_522] : memref<10112x128xf32, #tpu.memory_space<vmem_shared>> -> memref<10112x128xf32, #tpu.memory_space<vmem_shared>>
        tpu.enqueue_indirect_dma source(%arg11 : memref<128x128xf32, #tpu.memory_space<vmem>>) target(%dma_start3A_523 : memref<10112x128xf32, #tpu.memory_space<vmem_shared>>) offsets(%dma_start3A_520 : memref<128xi32, #tpu.memory_space<vmem>>) semaphore(%run_scoped3A_517 : memref<!tpu.dma_semaphore, #tpu.memory_space<semaphore_mem>>) {add = true}
        %dma_wait3A_524 = arith.constant 0 : i32
        %dma_wait3A_525 = tpu.memref_slice %arg8[%mul3A_462, %dma_wait3A_524] : memref<32x128xi32, #tpu.memory_space<vmem>> -> memref<1x128xi32, #tpu.memory_space<vmem>>
        %dma_wait3A_526 = tpu.memref_squeeze %dma_wait3A_525 : memref<1x128xi32, #tpu.memory_space<vmem>> -> memref<128xi32, #tpu.memory_space<vmem>>
        %dma_wait3A_527 = arith.constant 0 : i32
        %dma_wait3A_528 = arith.constant 0 : i32
        %dma_wait3A_529 = tpu.memref_slice %arg13[%dma_wait3A_527, %dma_wait3A_528] : memref<10112x128xf32, #tpu.memory_space<vmem_shared>> -> memref<10112x128xf32, #tpu.memory_space<vmem_shared>>
        tpu.wait_indirect_dma semaphore(%run_scoped3A_517 : memref<!tpu.dma_semaphore, #tpu.memory_space<semaphore_mem>>) src(%arg11 : memref<128x128xf32, #tpu.memory_space<vmem>>) dst(%dma_wait3A_529 : memref<10112x128xf32, #tpu.memory_space<vmem_shared>>)
        tpu.yield
      }) : () -> ()
      %add3A_489 = arith.constant 2 : i32
      %add3A_490 = arith.addi %mul3A_462, %add3A_489 : i32
      %dma_start3A_491 = arith.constant 0 : i32
      %dma_start3A_492 = arith.constant 0 : i32
      %dma_start3A_493 = tpu.memref_slice %arg11[%dma_start3A_491, %dma_start3A_492] : memref<128x128xf32, #tpu.memory_space<vmem>> -> memref<64x128xf32, #tpu.memory_space<vmem>>
      %dma_start3A_494 = arith.constant 0 : i32
      %dma_start3A_495 = tpu.memref_slice %arg7[%add3A_490, %dma_start3A_494] : memref<32x128xi32, #tpu.memory_space<vmem>> -> memref<1x64xi32, #tpu.memory_space<vmem>>
      %dma_start3A_496 = tpu.memref_squeeze %dma_start3A_495 : memref<1x64xi32, #tpu.memory_space<vmem>> -> memref<64xi32, #tpu.memory_space<vmem>>
      %dma_start3A_497 = arith.constant 0 : i32
      %dma_start3A_498 = arith.constant 0 : i32
      %dma_start3A_499 = tpu.memref_slice %arg2[%dma_start3A_497, %dma_start3A_498] : memref<20000x128xf32, #tpu.memory_space<hbm>> -> memref<20000x128xf32, #tpu.memory_space<hbm>>
      tpu.enqueue_indirect_dma source(%dma_start3A_499 : memref<20000x128xf32, #tpu.memory_space<hbm>>) target(%dma_start3A_493 : memref<64x128xf32, #tpu.memory_space<vmem>>) offsets(%dma_start3A_496 : memref<64xi32, #tpu.memory_space<vmem>>) semaphore(%arg14 : memref<!tpu.dma_semaphore, #tpu.memory_space<semaphore_mem>>)
      %dma_start3A_500 = arith.constant 64 : i32
      %dma_start3A_501 = arith.constant 0 : i32
      %dma_start3A_502 = tpu.memref_slice %arg11[%dma_start3A_500, %dma_start3A_501] : memref<128x128xf32, #tpu.memory_space<vmem>> -> memref<64x128xf32, #tpu.memory_space<vmem>>
      %dma_start3A_503 = arith.constant 64 : i32
      %dma_start3A_504 = tpu.memref_slice %arg7[%add3A_490, %dma_start3A_503] : memref<32x128xi32, #tpu.memory_space<vmem>> -> memref<1x64xi32, #tpu.memory_space<vmem>>
      %dma_start3A_505 = tpu.memref_squeeze %dma_start3A_504 : memref<1x64xi32, #tpu.memory_space<vmem>> -> memref<64xi32, #tpu.memory_space<vmem>>
      %dma_start3A_506 = arith.constant 0 : i32
      %dma_start3A_507 = arith.constant 0 : i32
      %dma_start3A_508 = tpu.memref_slice %arg2[%dma_start3A_506, %dma_start3A_507] : memref<20000x128xf32, #tpu.memory_space<hbm>> -> memref<20000x128xf32, #tpu.memory_space<hbm>>
      tpu.enqueue_indirect_dma source(%dma_start3A_508 : memref<20000x128xf32, #tpu.memory_space<hbm>>) target(%dma_start3A_502 : memref<64x128xf32, #tpu.memory_space<vmem>>) offsets(%dma_start3A_505 : memref<64xi32, #tpu.memory_space<vmem>>) semaphore(%arg14 : memref<!tpu.dma_semaphore, #tpu.memory_space<semaphore_mem>>)
      %add3A_509 = arith.constant 1 : i32
      %add3A_510 = arith.addi %mul3A_462, %add3A_509 : i32
      %dma_wait3A_511 = arith.constant 0 : i32
      %dma_wait3A_512 = tpu.memref_slice %arg8[%add3A_510, %dma_wait3A_511] : memref<32x128xi32, #tpu.memory_space<vmem>> -> memref<1x128xi32, #tpu.memory_space<vmem>>
      %dma_wait3A_513 = tpu.memref_squeeze %dma_wait3A_512 : memref<1x128xi32, #tpu.memory_space<vmem>> -> memref<128xi32, #tpu.memory_space<vmem>>
      %dma_wait3A_514 = arith.constant 0 : i32
      %dma_wait3A_515 = arith.constant 0 : i32
      %dma_wait3A_516 = tpu.memref_slice %arg2[%dma_wait3A_514, %dma_wait3A_515] : memref<20000x128xf32, #tpu.memory_space<hbm>> -> memref<20000x128xf32, #tpu.memory_space<hbm>>
      tpu.wait_indirect_dma semaphore(%arg15 : memref<!tpu.dma_semaphore, #tpu.memory_space<semaphore_mem>>) src(%dma_wait3A_516 : memref<20000x128xf32, #tpu.memory_space<hbm>>) dst(%arg12 : memref<128x128xf32, #tpu.memory_space<vmem>>)
      "tpu.region"() ({
        %run_scoped3A_517 = tpu.sem_alloc : memref<!tpu.dma_semaphore, #tpu.memory_space<semaphore_mem>>
        %dma_start3A_518 = arith.constant 0 : i32
        %dma_start3A_519 = tpu.memref_slice %arg8[%add3A_510, %dma_start3A_518] : memref<32x128xi32, #tpu.memory_space<vmem>> -> memref<1x128xi32, #tpu.memory_space<vmem>>
        %dma_start3A_520 = tpu.memref_squeeze %dma_start3A_519 : memref<1x128xi32, #tpu.memory_space<vmem>> -> memref<128xi32, #tpu.memory_space<vmem>>
        %dma_start3A_521 = arith.constant 0 : i32
        %dma_start3A_522 = arith.constant 0 : i32
        %dma_start3A_523 = tpu.memref_slice %arg13[%dma_start3A_521, %dma_start3A_522] : memref<10112x128xf32, #tpu.memory_space<vmem_shared>> -> memref<10112x128xf32, #tpu.memory_space<vmem_shared>>
        tpu.enqueue_indirect_dma source(%arg12 : memref<128x128xf32, #tpu.memory_space<vmem>>) target(%dma_start3A_523 : memref<10112x128xf32, #tpu.memory_space<vmem_shared>>) offsets(%dma_start3A_520 : memref<128xi32, #tpu.memory_space<vmem>>) semaphore(%run_scoped3A_517 : memref<!tpu.dma_semaphore, #tpu.memory_space<semaphore_mem>>) {add = true}
        %dma_wait3A_524 = arith.constant 0 : i32
        %dma_wait3A_525 = tpu.memref_slice %arg8[%add3A_510, %dma_wait3A_524] : memref<32x128xi32, #tpu.memory_space<vmem>> -> memref<1x128xi32, #tpu.memory_space<vmem>>
        %dma_wait3A_526 = tpu.memref_squeeze %dma_wait3A_525 : memref<1x128xi32, #tpu.memory_space<vmem>> -> memref<128xi32, #tpu.memory_space<vmem>>
        %dma_wait3A_527 = arith.constant 0 : i32
        %dma_wait3A_528 = arith.constant 0 : i32
        %dma_wait3A_529 = tpu.memref_slice %arg13[%dma_wait3A_527, %dma_wait3A_528] : memref<10112x128xf32, #tpu.memory_space<vmem_shared>> -> memref<10112x128xf32, #tpu.memory_space<vmem_shared>>
        tpu.wait_indirect_dma semaphore(%run_scoped3A_517 : memref<!tpu.dma_semaphore, #tpu.memory_space<semaphore_mem>>) src(%arg12 : memref<128x128xf32, #tpu.memory_space<vmem>>) dst(%dma_wait3A_529 : memref<10112x128xf32, #tpu.memory_space<vmem_shared>>)
        tpu.yield
      }) : () -> ()
    }
    %scan3A_402 = arith.constant 15 : i32
    %dma_start3A_403 = arith.constant 31 : i32
    %dma_start3A_404 = arith.constant 0 : i32
    %dma_start3A_405 = arith.constant 0 : i32
    %dma_start3A_406 = tpu.memref_slice %arg12[%dma_start3A_404, %dma_start3A_405] : memref<128x128xf32, #tpu.memory_space<vmem>> -> memref<64x128xf32, #tpu.memory_space<vmem>>
    %dma_start3A_407 = arith.constant 0 : i32
    %dma_start3A_408 = tpu.memref_slice %arg7[%dma_start3A_403, %dma_start3A_407] : memref<32x128xi32, #tpu.memory_space<vmem>> -> memref<1x64xi32, #tpu.memory_space<vmem>>
    %dma_start3A_409 = tpu.memref_squeeze %dma_start3A_408 : memref<1x64xi32, #tpu.memory_space<vmem>> -> memref<64xi32, #tpu.memory_space<vmem>>
    %dma_start3A_410 = arith.constant 0 : i32
    %dma_start3A_411 = arith.constant 0 : i32
    %dma_start3A_412 = tpu.memref_slice %arg2[%dma_start3A_410, %dma_start3A_411] : memref<20000x128xf32, #tpu.memory_space<hbm>> -> memref<20000x128xf32, #tpu.memory_space<hbm>>
    tpu.enqueue_indirect_dma source(%dma_start3A_412 : memref<20000x128xf32, #tpu.memory_space<hbm>>) target(%dma_start3A_406 : memref<64x128xf32, #tpu.memory_space<vmem>>) offsets(%dma_start3A_409 : memref<64xi32, #tpu.memory_space<vmem>>) semaphore(%arg15 : memref<!tpu.dma_semaphore, #tpu.memory_space<semaphore_mem>>)
    %dma_start3A_413 = arith.constant 31 : i32
    %dma_start3A_414 = arith.constant 64 : i32
    %dma_start3A_415 = arith.constant 0 : i32
    %dma_start3A_416 = tpu.memref_slice %arg12[%dma_start3A_414, %dma_start3A_415] : memref<128x128xf32, #tpu.memory_space<vmem>> -> memref<64x128xf32, #tpu.memory_space<vmem>>
    %dma_start3A_417 = arith.constant 64 : i32
    %dma_start3A_418 = tpu.memref_slice %arg7[%dma_start3A_413, %dma_start3A_417] : memref<32x128xi32, #tpu.memory_space<vmem>> -> memref<1x64xi32, #tpu.memory_space<vmem>>
    %dma_start3A_419 = tpu.memref_squeeze %dma_start3A_418 : memref<1x64xi32, #tpu.memory_space<vmem>> -> memref<64xi32, #tpu.memory_space<vmem>>
    %dma_start3A_420 = arith.constant 0 : i32
    %dma_start3A_421 = arith.constant 0 : i32
    %dma_start3A_422 = tpu.memref_slice %arg2[%dma_start3A_420, %dma_start3A_421] : memref<20000x128xf32, #tpu.memory_space<hbm>> -> memref<20000x128xf32, #tpu.memory_space<hbm>>
    tpu.enqueue_indirect_dma source(%dma_start3A_422 : memref<20000x128xf32, #tpu.memory_space<hbm>>) target(%dma_start3A_416 : memref<64x128xf32, #tpu.memory_space<vmem>>) offsets(%dma_start3A_419 : memref<64xi32, #tpu.memory_space<vmem>>) semaphore(%arg15 : memref<!tpu.dma_semaphore, #tpu.memory_space<semaphore_mem>>)
    %dma_wait3A_423 = arith.constant 30 : i32
    %dma_wait3A_424 = arith.constant 0 : i32
    %dma_wait3A_425 = tpu.memref_slice %arg8[%dma_wait3A_423, %dma_wait3A_424] : memref<32x128xi32, #tpu.memory_space<vmem>> -> memref<1x128xi32, #tpu.memory_space<vmem>>
    %dma_wait3A_426 = tpu.memref_squeeze %dma_wait3A_425 : memref<1x128xi32, #tpu.memory_space<vmem>> -> memref<128xi32, #tpu.memory_space<vmem>>
    %dma_wait3A_427 = arith.constant 0 : i32
    %dma_wait3A_428 = arith.constant 0 : i32
    %dma_wait3A_429 = tpu.memref_slice %arg2[%dma_wait3A_427, %dma_wait3A_428] : memref<20000x128xf32, #tpu.memory_space<hbm>> -> memref<20000x128xf32, #tpu.memory_space<hbm>>
    tpu.wait_indirect_dma semaphore(%arg14 : memref<!tpu.dma_semaphore, #tpu.memory_space<semaphore_mem>>) src(%dma_wait3A_429 : memref<20000x128xf32, #tpu.memory_space<hbm>>) dst(%arg11 : memref<128x128xf32, #tpu.memory_space<vmem>>)
    %run_scoped3A_430 = arith.constant 30 : i32
    "tpu.region"() ({
      %run_scoped3A_460 = tpu.sem_alloc : memref<!tpu.dma_semaphore, #tpu.memory_space<semaphore_mem>>
      %dma_start3A_461 = arith.constant 0 : i32
      %dma_start3A_462 = tpu.memref_slice %arg8[%run_scoped3A_430, %dma_start3A_461] : memref<32x128xi32, #tpu.memory_space<vmem>> -> memref<1x128xi32, #tpu.memory_space<vmem>>
      %dma_start3A_463 = tpu.memref_squeeze %dma_start3A_462 : memref<1x128xi32, #tpu.memory_space<vmem>> -> memref<128xi32, #tpu.memory_space<vmem>>
      %dma_start3A_464 = arith.constant 0 : i32
      %dma_start3A_465 = arith.constant 0 : i32
      %dma_start3A_466 = tpu.memref_slice %arg13[%dma_start3A_464, %dma_start3A_465] : memref<10112x128xf32, #tpu.memory_space<vmem_shared>> -> memref<10112x128xf32, #tpu.memory_space<vmem_shared>>
      tpu.enqueue_indirect_dma source(%arg11 : memref<128x128xf32, #tpu.memory_space<vmem>>) target(%dma_start3A_466 : memref<10112x128xf32, #tpu.memory_space<vmem_shared>>) offsets(%dma_start3A_463 : memref<128xi32, #tpu.memory_space<vmem>>) semaphore(%run_scoped3A_460 : memref<!tpu.dma_semaphore, #tpu.memory_space<semaphore_mem>>) {add = true}
      %dma_wait3A_467 = arith.constant 0 : i32
      %dma_wait3A_468 = tpu.memref_slice %arg8[%run_scoped3A_430, %dma_wait3A_467] : memref<32x128xi32, #tpu.memory_space<vmem>> -> memref<1x128xi32, #tpu.memory_space<vmem>>
      %dma_wait3A_469 = tpu.memref_squeeze %dma_wait3A_468 : memref<1x128xi32, #tpu.memory_space<vmem>> -> memref<128xi32, #tpu.memory_space<vmem>>
      %dma_wait3A_470 = arith.constant 0 : i32
      %dma_wait3A_471 = arith.constant 0 : i32
      %dma_wait3A_472 = tpu.memref_slice %arg13[%dma_wait3A_470, %dma_wait3A_471] : memref<10112x128xf32, #tpu.memory_space<vmem_shared>> -> memref<10112x128xf32, #tpu.memory_space<vmem_shared>>
      tpu.wait_indirect_dma semaphore(%run_scoped3A_460 : memref<!tpu.dma_semaphore, #tpu.memory_space<semaphore_mem>>) src(%arg11 : memref<128x128xf32, #tpu.memory_space<vmem>>) dst(%dma_wait3A_472 : memref<10112x128xf32, #tpu.memory_space<vmem_shared>>)
      tpu.yield
    }) : () -> ()
    %dma_wait3A_431 = arith.constant 31 : i32
    %dma_wait3A_432 = arith.constant 0 : i32
    %dma_wait3A_433 = tpu.memref_slice %arg8[%dma_wait3A_431, %dma_wait3A_432] : memref<32x128xi32, #tpu.memory_space<vmem>> -> memref<1x128xi32, #tpu.memory_space<vmem>>
    %dma_wait3A_434 = tpu.memref_squeeze %dma_wait3A_433 : memref<1x128xi32, #tpu.memory_space<vmem>> -> memref<128xi32, #tpu.memory_space<vmem>>
    %dma_wait3A_435 = arith.constant 0 : i32
    %dma_wait3A_436 = arith.constant 0 : i32
    %dma_wait3A_437 = tpu.memref_slice %arg2[%dma_wait3A_435, %dma_wait3A_436] : memref<20000x128xf32, #tpu.memory_space<hbm>> -> memref<20000x128xf32, #tpu.memory_space<hbm>>
    tpu.wait_indirect_dma semaphore(%arg15 : memref<!tpu.dma_semaphore, #tpu.memory_space<semaphore_mem>>) src(%dma_wait3A_437 : memref<20000x128xf32, #tpu.memory_space<hbm>>) dst(%arg12 : memref<128x128xf32, #tpu.memory_space<vmem>>)
    %run_scoped3A_438 = arith.constant 31 : i32
    "tpu.region"() ({
      %run_scoped3A_460 = tpu.sem_alloc : memref<!tpu.dma_semaphore, #tpu.memory_space<semaphore_mem>>
      %dma_start3A_461 = arith.constant 0 : i32
      %dma_start3A_462 = tpu.memref_slice %arg8[%run_scoped3A_438, %dma_start3A_461] : memref<32x128xi32, #tpu.memory_space<vmem>> -> memref<1x128xi32, #tpu.memory_space<vmem>>
      %dma_start3A_463 = tpu.memref_squeeze %dma_start3A_462 : memref<1x128xi32, #tpu.memory_space<vmem>> -> memref<128xi32, #tpu.memory_space<vmem>>
      %dma_start3A_464 = arith.constant 0 : i32
      %dma_start3A_465 = arith.constant 0 : i32
      %dma_start3A_466 = tpu.memref_slice %arg13[%dma_start3A_464, %dma_start3A_465] : memref<10112x128xf32, #tpu.memory_space<vmem_shared>> -> memref<10112x128xf32, #tpu.memory_space<vmem_shared>>
      tpu.enqueue_indirect_dma source(%arg12 : memref<128x128xf32, #tpu.memory_space<vmem>>) target(%dma_start3A_466 : memref<10112x128xf32, #tpu.memory_space<vmem_shared>>) offsets(%dma_start3A_463 : memref<128xi32, #tpu.memory_space<vmem>>) semaphore(%run_scoped3A_460 : memref<!tpu.dma_semaphore, #tpu.memory_space<semaphore_mem>>) {add = true}
      %dma_wait3A_467 = arith.constant 0 : i32
      %dma_wait3A_468 = tpu.memref_slice %arg8[%run_scoped3A_438, %dma_wait3A_467] : memref<32x128xi32, #tpu.memory_space<vmem>> -> memref<1x128xi32, #tpu.memory_space<vmem>>
      %dma_wait3A_469 = tpu.memref_squeeze %dma_wait3A_468 : memref<1x128xi32, #tpu.memory_space<vmem>> -> memref<128xi32, #tpu.memory_space<vmem>>
      %dma_wait3A_470 = arith.constant 0 : i32
      %dma_wait3A_471 = arith.constant 0 : i32
      %dma_wait3A_472 = tpu.memref_slice %arg13[%dma_wait3A_470, %dma_wait3A_471] : memref<10112x128xf32, #tpu.memory_space<vmem_shared>> -> memref<10112x128xf32, #tpu.memory_space<vmem_shared>>
      tpu.wait_indirect_dma semaphore(%run_scoped3A_460 : memref<!tpu.dma_semaphore, #tpu.memory_space<semaphore_mem>>) src(%arg12 : memref<128x128xf32, #tpu.memory_space<vmem>>) dst(%dma_wait3A_472 : memref<10112x128xf32, #tpu.memory_space<vmem_shared>>)
      tpu.yield
    }) : () -> ()
    %barrier3A_439 = arith.constant 0 : index
    tpu.barrier barrier_id(%barrier3A_439)
    %add3A_440 = arith.constant 0 : i32
    %add3A_441 = arith.addi %mul3A_0, %add3A_440 : i32
    "tpu.region"() ({
      %run_scoped3A_460 = tpu.sem_alloc : memref<!tpu.dma_semaphore, #tpu.memory_space<semaphore_mem>>
      %dma_start3A_461 = arith.constant 0 : i32
      %dma_start3A_462 = arith.constant 0 : i32
      %dma_start3A_463 = tpu.memref_slice %arg11[%dma_start3A_461, %dma_start3A_462] : memref<128x128xf32, #tpu.memory_space<vmem>> -> memref<128x128xf32, #tpu.memory_space<vmem>>
      %dma_start3A_464 = arith.constant 0 : i32
      %dma_start3A_465 = tpu.memref_slice %arg13[%add3A_441, %dma_start3A_464] : memref<10112x128xf32, #tpu.memory_space<vmem_shared>> -> memref<128x128xf32, #tpu.memory_space<vmem_shared>>
      %dma_start3A_466 = arith.constant 0 : i32
      %dma_start3A_467 = arith.constant 0 : i32
      %dma_start3A_468 = tpu.memref_slice %arg11[%dma_start3A_466, %dma_start3A_467] : memref<128x128xf32, #tpu.memory_space<vmem>> -> memref<128x128xf32, #tpu.memory_space<vmem>>
      %dma_start3A_469 = arith.constant 0 : i32
      %dma_start3A_470 = tpu.memref_slice %arg13[%add3A_441, %dma_start3A_469] : memref<10112x128xf32, #tpu.memory_space<vmem_shared>> -> memref<128x128xf32, #tpu.memory_space<vmem_shared>>
      tpu.enqueue_dma source(%dma_start3A_470 : memref<128x128xf32, #tpu.memory_space<vmem_shared>>) target(%dma_start3A_468 : memref<128x128xf32, #tpu.memory_space<vmem>>) target_semaphore(%run_scoped3A_460 : memref<!tpu.dma_semaphore, #tpu.memory_space<semaphore_mem>>)
      %dma_wait3A_471 = arith.constant 0 : i32
      %dma_wait3A_472 = arith.constant 0 : i32
      %dma_wait3A_473 = tpu.memref_slice %arg11[%dma_wait3A_471, %dma_wait3A_472] : memref<128x128xf32, #tpu.memory_space<vmem>> -> memref<128x128xf32, #tpu.memory_space<vmem>>
      %dma_wait3A_474 = arith.constant 0 : i32
      %dma_wait3A_475 = tpu.memref_slice %arg13[%add3A_441, %dma_wait3A_474] : memref<10112x128xf32, #tpu.memory_space<vmem_shared>> -> memref<128x128xf32, #tpu.memory_space<vmem_shared>>
      %dma_wait3A_476 = arith.constant 0 : i32
      %dma_wait3A_477 = arith.constant 0 : i32
      %dma_wait3A_478 = tpu.memref_slice %arg11[%dma_wait3A_476, %dma_wait3A_477] : memref<128x128xf32, #tpu.memory_space<vmem>> -> memref<128x128xf32, #tpu.memory_space<vmem>>
      %dma_wait3A_479 = arith.constant 0 : i32
      %dma_wait3A_480 = tpu.memref_slice %arg13[%add3A_441, %dma_wait3A_479] : memref<10112x128xf32, #tpu.memory_space<vmem_shared>> -> memref<128x128xf32, #tpu.memory_space<vmem_shared>>
      tpu.wait_dma2 semaphore(%run_scoped3A_460 : memref<!tpu.dma_semaphore, #tpu.memory_space<semaphore_mem>>) src(%dma_wait3A_480 : memref<128x128xf32, #tpu.memory_space<vmem_shared>>) dst(%dma_wait3A_478 : memref<128x128xf32, #tpu.memory_space<vmem>>)
      tpu.yield
    }) : () -> ()
    %add3A_442 = arith.constant 0 : i32
    %add3A_443 = arith.addi %mul3A_0, %add3A_442 : i32
    "tpu.region"() ({
      %run_scoped3A_460 = tpu.sem_alloc : memref<!tpu.dma_semaphore, #tpu.memory_space<semaphore_mem>>
      %dma_start3A_461 = arith.constant 0 : i32
      %dma_start3A_462 = arith.constant 0 : i32
      %dma_start3A_463 = tpu.memref_slice %arg11[%dma_start3A_461, %dma_start3A_462] : memref<128x128xf32, #tpu.memory_space<vmem>> -> memref<128x128xf32, #tpu.memory_space<vmem>>
      %dma_start3A_464 = arith.constant 0 : i32
      %dma_start3A_465 = tpu.memref_slice %arg6[%arg0, %add3A_443, %dma_start3A_464] : memref<2x10112x128xf32, #tpu.memory_space<hbm>> -> memref<1x128x128xf32, #tpu.memory_space<hbm>>
      %dma_start3A_466 = tpu.memref_squeeze %dma_start3A_465 : memref<1x128x128xf32, #tpu.memory_space<hbm>> -> memref<128x128xf32, #tpu.memory_space<hbm>>
      %dma_start3A_467 = arith.constant 0 : i32
      %dma_start3A_468 = tpu.memref_slice %arg6[%arg0, %add3A_443, %dma_start3A_467] : memref<2x10112x128xf32, #tpu.memory_space<hbm>> -> memref<1x128x128xf32, #tpu.memory_space<hbm>>
      %dma_start3A_469 = tpu.memref_squeeze %dma_start3A_468 : memref<1x128x128xf32, #tpu.memory_space<hbm>> -> memref<128x128xf32, #tpu.memory_space<hbm>>
      %dma_start3A_470 = arith.constant 0 : i32
      %dma_start3A_471 = arith.constant 0 : i32
      %dma_start3A_472 = tpu.memref_slice %arg11[%dma_start3A_470, %dma_start3A_471] : memref<128x128xf32, #tpu.memory_space<vmem>> -> memref<128x128xf32, #tpu.memory_space<vmem>>
      tpu.enqueue_dma source(%dma_start3A_472 : memref<128x128xf32, #tpu.memory_space<vmem>>) target(%dma_start3A_469 : memref<128x128xf32, #tpu.memory_space<hbm>>) target_semaphore(%run_scoped3A_460 : memref<!tpu.dma_semaphore, #tpu.memory_space<semaphore_mem>>)
      %dma_wait3A_473 = arith.constant 0 : i32
      %dma_wait3A_474 = arith.constant 0 : i32
      %dma_wait3A_475 = tpu.memref_slice %arg11[%dma_wait3A_473, %dma_wait3A_474] : memref<128x128xf32, #tpu.memory_space<vmem>> -> memref<128x128xf32, #tpu.memory_space<vmem>>
      %dma_wait3A_476 = arith.constant 0 : i32
      %dma_wait3A_477 = tpu.memref_slice %arg6[%arg0, %add3A_443, %dma_wait3A_476] : memref<2x10112x128xf32, #tpu.memory_space<hbm>> -> memref<1x128x128xf32, #tpu.memory_space<hbm>>
      %dma_wait3A_478 = tpu.memref_squeeze %dma_wait3A_477 : memref<1x128x128xf32, #tpu.memory_space<hbm>> -> memref<128x128xf32, #tpu.memory_space<hbm>>
      %dma_wait3A_479 = arith.constant 0 : i32
      %dma_wait3A_480 = tpu.memref_slice %arg6[%arg0, %add3A_443, %dma_wait3A_479] : memref<2x10112x128xf32, #tpu.memory_space<hbm>> -> memref<1x128x128xf32, #tpu.memory_space<hbm>>
      %dma_wait3A_481 = tpu.memref_squeeze %dma_wait3A_480 : memref<1x128x128xf32, #tpu.memory_space<hbm>> -> memref<128x128xf32, #tpu.memory_space<hbm>>
      %dma_wait3A_482 = arith.constant 0 : i32
      %dma_wait3A_483 = arith.constant 0 : i32
      %dma_wait3A_484 = tpu.memref_slice %arg11[%dma_wait3A_482, %dma_wait3A_483] : memref<128x128xf32, #tpu.memory_space<vmem>> -> memref<128x128xf32, #tpu.memory_space<vmem>>
      tpu.wait_dma2 semaphore(%run_scoped3A_460 : memref<!tpu.dma_semaphore, #tpu.memory_space<semaphore_mem>>) src(%dma_wait3A_484 : memref<128x128xf32, #tpu.memory_space<vmem>>) dst(%dma_wait3A_481 : memref<128x128xf32, #tpu.memory_space<hbm>>)
      tpu.yield
    }) : () -> ()
    %add3A_444 = arith.constant 128 : i32
    %add3A_445 = arith.addi %mul3A_0, %add3A_444 : i32
    "tpu.region"() ({
      %run_scoped3A_460 = tpu.sem_alloc : memref<!tpu.dma_semaphore, #tpu.memory_space<semaphore_mem>>
      %dma_start3A_461 = arith.constant 0 : i32
      %dma_start3A_462 = arith.constant 0 : i32
      %dma_start3A_463 = tpu.memref_slice %arg11[%dma_start3A_461, %dma_start3A_462] : memref<128x128xf32, #tpu.memory_space<vmem>> -> memref<128x128xf32, #tpu.memory_space<vmem>>
      %dma_start3A_464 = arith.constant 0 : i32
      %dma_start3A_465 = tpu.memref_slice %arg13[%add3A_445, %dma_start3A_464] : memref<10112x128xf32, #tpu.memory_space<vmem_shared>> -> memref<128x128xf32, #tpu.memory_space<vmem_shared>>
      %dma_start3A_466 = arith.constant 0 : i32
      %dma_start3A_467 = arith.constant 0 : i32
      %dma_start3A_468 = tpu.memref_slice %arg11[%dma_start3A_466, %dma_start3A_467] : memref<128x128xf32, #tpu.memory_space<vmem>> -> memref<128x128xf32, #tpu.memory_space<vmem>>
      %dma_start3A_469 = arith.constant 0 : i32
      %dma_start3A_470 = tpu.memref_slice %arg13[%add3A_445, %dma_start3A_469] : memref<10112x128xf32, #tpu.memory_space<vmem_shared>> -> memref<128x128xf32, #tpu.memory_space<vmem_shared>>
      tpu.enqueue_dma source(%dma_start3A_470 : memref<128x128xf32, #tpu.memory_space<vmem_shared>>) target(%dma_start3A_468 : memref<128x128xf32, #tpu.memory_space<vmem>>) target_semaphore(%run_scoped3A_460 : memref<!tpu.dma_semaphore, #tpu.memory_space<semaphore_mem>>)
      %dma_wait3A_471 = arith.constant 0 : i32
      %dma_wait3A_472 = arith.constant 0 : i32
      %dma_wait3A_473 = tpu.memref_slice %arg11[%dma_wait3A_471, %dma_wait3A_472] : memref<128x128xf32, #tpu.memory_space<vmem>> -> memref<128x128xf32, #tpu.memory_space<vmem>>
      %dma_wait3A_474 = arith.constant 0 : i32
      %dma_wait3A_475 = tpu.memref_slice %arg13[%add3A_445, %dma_wait3A_474] : memref<10112x128xf32, #tpu.memory_space<vmem_shared>> -> memref<128x128xf32, #tpu.memory_space<vmem_shared>>
      %dma_wait3A_476 = arith.constant 0 : i32
      %dma_wait3A_477 = arith.constant 0 : i32
      %dma_wait3A_478 = tpu.memref_slice %arg11[%dma_wait3A_476, %dma_wait3A_477] : memref<128x128xf32, #tpu.memory_space<vmem>> -> memref<128x128xf32, #tpu.memory_space<vmem>>
      %dma_wait3A_479 = arith.constant 0 : i32
      %dma_wait3A_480 = tpu.memref_slice %arg13[%add3A_445, %dma_wait3A_479] : memref<10112x128xf32, #tpu.memory_space<vmem_shared>> -> memref<128x128xf32, #tpu.memory_space<vmem_shared>>
      tpu.wait_dma2 semaphore(%run_scoped3A_460 : memref<!tpu.dma_semaphore, #tpu.memory_space<semaphore_mem>>) src(%dma_wait3A_480 : memref<128x128xf32, #tpu.memory_space<vmem_shared>>) dst(%dma_wait3A_478 : memref<128x128xf32, #tpu.memory_space<vmem>>)
      tpu.yield
    }) : () -> ()
    %add3A_446 = arith.constant 128 : i32
    %add3A_447 = arith.addi %mul3A_0, %add3A_446 : i32
    "tpu.region"() ({
      %run_scoped3A_460 = tpu.sem_alloc : memref<!tpu.dma_semaphore, #tpu.memory_space<semaphore_mem>>
      %dma_start3A_461 = arith.constant 0 : i32
      %dma_start3A_462 = arith.constant 0 : i32
      %dma_start3A_463 = tpu.memref_slice %arg11[%dma_start3A_461, %dma_start3A_462] : memref<128x128xf32, #tpu.memory_space<vmem>> -> memref<128x128xf32, #tpu.memory_space<vmem>>
      %dma_start3A_464 = arith.constant 0 : i32
      %dma_start3A_465 = tpu.memref_slice %arg6[%arg0, %add3A_447, %dma_start3A_464] : memref<2x10112x128xf32, #tpu.memory_space<hbm>> -> memref<1x128x128xf32, #tpu.memory_space<hbm>>
      %dma_start3A_466 = tpu.memref_squeeze %dma_start3A_465 : memref<1x128x128xf32, #tpu.memory_space<hbm>> -> memref<128x128xf32, #tpu.memory_space<hbm>>
      %dma_start3A_467 = arith.constant 0 : i32
      %dma_start3A_468 = tpu.memref_slice %arg6[%arg0, %add3A_447, %dma_start3A_467] : memref<2x10112x128xf32, #tpu.memory_space<hbm>> -> memref<1x128x128xf32, #tpu.memory_space<hbm>>
      %dma_start3A_469 = tpu.memref_squeeze %dma_start3A_468 : memref<1x128x128xf32, #tpu.memory_space<hbm>> -> memref<128x128xf32, #tpu.memory_space<hbm>>
      %dma_start3A_470 = arith.constant 0 : i32
      %dma_start3A_471 = arith.constant 0 : i32
      %dma_start3A_472 = tpu.memref_slice %arg11[%dma_start3A_470, %dma_start3A_471] : memref<128x128xf32, #tpu.memory_space<vmem>> -> memref<128x128xf32, #tpu.memory_space<vmem>>
      tpu.enqueue_dma source(%dma_start3A_472 : memref<128x128xf32, #tpu.memory_space<vmem>>) target(%dma_start3A_469 : memref<128x128xf32, #tpu.memory_space<hbm>>) target_semaphore(%run_scoped3A_460 : memref<!tpu.dma_semaphore, #tpu.memory_space<semaphore_mem>>)
      %dma_wait3A_473 = arith.constant 0 : i32
      %dma_wait3A_474 = arith.constant 0 : i32
      %dma_wait3A_475 = tpu.memref_slice %arg11[%dma_wait3A_473, %dma_wait3A_474] : memref<128x128xf32, #tpu.memory_space<vmem>> -> memref<128x128xf32, #tpu.memory_space<vmem>>
      %dma_wait3A_476 = arith.constant 0 : i32
      %dma_wait3A_477 = tpu.memref_slice %arg6[%arg0, %add3A_447, %dma_wait3A_476] : memref<2x10112x128xf32, #tpu.memory_space<hbm>> -> memref<1x128x128xf32, #tpu.memory_space<hbm>>
      %dma_wait3A_478 = tpu.memref_squeeze %dma_wait3A_477 : memref<1x128x128xf32, #tpu.memory_space<hbm>> -> memref<128x128xf32, #tpu.memory_space<hbm>>
      %dma_wait3A_479 = arith.constant 0 : i32
      %dma_wait3A_480 = tpu.memref_slice %arg6[%arg0, %add3A_447, %dma_wait3A_479] : memref<2x10112x128xf32, #tpu.memory_space<hbm>> -> memref<1x128x128xf32, #tpu.memory_space<hbm>>
      %dma_wait3A_481 = tpu.memref_squeeze %dma_wait3A_480 : memref<1x128x128xf32, #tpu.memory_space<hbm>> -> memref<128x128xf32, #tpu.memory_space<hbm>>
      %dma_wait3A_482 = arith.constant 0 : i32
      %dma_wait3A_483 = arith.constant 0 : i32
      %dma_wait3A_484 = tpu.memref_slice %arg11[%dma_wait3A_482, %dma_wait3A_483] : memref<128x128xf32, #tpu.memory_space<vmem>> -> memref<128x128xf32, #tpu.memory_space<vmem>>
      tpu.wait_dma2 semaphore(%run_scoped3A_460 : memref<!tpu.dma_semaphore, #tpu.memory_space<semaphore_mem>>) src(%dma_wait3A_484 : memref<128x128xf32, #tpu.memory_space<vmem>>) dst(%dma_wait3A_481 : memref<128x128xf32, #tpu.memory_space<hbm>>)
      tpu.yield
    }) : () -> ()
    %add3A_448 = arith.constant 256 : i32
    %add3A_449 = arith.addi %mul3A_0, %add3A_448 : i32
    "tpu.region"() ({
      %run_scoped3A_460 = tpu.sem_alloc : memref<!tpu.dma_semaphore, #tpu.memory_space<semaphore_mem>>
      %dma_start3A_461 = arith.constant 0 : i32
      %dma_start3A_462 = arith.constant 0 : i32
      %dma_start3A_463 = tpu.memref_slice %arg11[%dma_start3A_461, %dma_start3A_462] : memref<128x128xf32, #tpu.memory_space<vmem>> -> memref<128x128xf32, #tpu.memory_space<vmem>>
      %dma_start3A_464 = arith.constant 0 : i32
      %dma_start3A_465 = tpu.memref_slice %arg13[%add3A_449, %dma_start3A_464] : memref<10112x128xf32, #tpu.memory_space<vmem_shared>> -> memref<128x128xf32, #tpu.memory_space<vmem_shared>>
      %dma_start3A_466 = arith.constant 0 : i32
      %dma_start3A_467 = arith.constant 0 : i32
      %dma_start3A_468 = tpu.memref_slice %arg11[%dma_start3A_466, %dma_start3A_467] : memref<128x128xf32, #tpu.memory_space<vmem>> -> memref<128x128xf32, #tpu.memory_space<vmem>>
      %dma_start3A_469 = arith.constant 0 : i32
      %dma_start3A_470 = tpu.memref_slice %arg13[%add3A_449, %dma_start3A_469] : memref<10112x128xf32, #tpu.memory_space<vmem_shared>> -> memref<128x128xf32, #tpu.memory_space<vmem_shared>>
      tpu.enqueue_dma source(%dma_start3A_470 : memref<128x128xf32, #tpu.memory_space<vmem_shared>>) target(%dma_start3A_468 : memref<128x128xf32, #tpu.memory_space<vmem>>) target_semaphore(%run_scoped3A_460 : memref<!tpu.dma_semaphore, #tpu.memory_space<semaphore_mem>>)
      %dma_wait3A_471 = arith.constant 0 : i32
      %dma_wait3A_472 = arith.constant 0 : i32
      %dma_wait3A_473 = tpu.memref_slice %arg11[%dma_wait3A_471, %dma_wait3A_472] : memref<128x128xf32, #tpu.memory_space<vmem>> -> memref<128x128xf32, #tpu.memory_space<vmem>>
      %dma_wait3A_474 = arith.constant 0 : i32
      %dma_wait3A_475 = tpu.memref_slice %arg13[%add3A_449, %dma_wait3A_474] : memref<10112x128xf32, #tpu.memory_space<vmem_shared>> -> memref<128x128xf32, #tpu.memory_space<vmem_shared>>
      %dma_wait3A_476 = arith.constant 0 : i32
      %dma_wait3A_477 = arith.constant 0 : i32
      %dma_wait3A_478 = tpu.memref_slice %arg11[%dma_wait3A_476, %dma_wait3A_477] : memref<128x128xf32, #tpu.memory_space<vmem>> -> memref<128x128xf32, #tpu.memory_space<vmem>>
      %dma_wait3A_479 = arith.constant 0 : i32
      %dma_wait3A_480 = tpu.memref_slice %arg13[%add3A_449, %dma_wait3A_479] : memref<10112x128xf32, #tpu.memory_space<vmem_shared>> -> memref<128x128xf32, #tpu.memory_space<vmem_shared>>
      tpu.wait_dma2 semaphore(%run_scoped3A_460 : memref<!tpu.dma_semaphore, #tpu.memory_space<semaphore_mem>>) src(%dma_wait3A_480 : memref<128x128xf32, #tpu.memory_space<vmem_shared>>) dst(%dma_wait3A_478 : memref<128x128xf32, #tpu.memory_space<vmem>>)
      tpu.yield
    }) : () -> ()
    %add3A_450 = arith.constant 256 : i32
    %add3A_451 = arith.addi %mul3A_0, %add3A_450 : i32
    "tpu.region"() ({
      %run_scoped3A_460 = tpu.sem_alloc : memref<!tpu.dma_semaphore, #tpu.memory_space<semaphore_mem>>
      %dma_start3A_461 = arith.constant 0 : i32
      %dma_start3A_462 = arith.constant 0 : i32
      %dma_start3A_463 = tpu.memref_slice %arg11[%dma_start3A_461, %dma_start3A_462] : memref<128x128xf32, #tpu.memory_space<vmem>> -> memref<128x128xf32, #tpu.memory_space<vmem>>
      %dma_start3A_464 = arith.constant 0 : i32
      %dma_start3A_465 = tpu.memref_slice %arg6[%arg0, %add3A_451, %dma_start3A_464] : memref<2x10112x128xf32, #tpu.memory_space<hbm>> -> memref<1x128x128xf32, #tpu.memory_space<hbm>>
      %dma_start3A_466 = tpu.memref_squeeze %dma_start3A_465 : memref<1x128x128xf32, #tpu.memory_space<hbm>> -> memref<128x128xf32, #tpu.memory_space<hbm>>
      %dma_start3A_467 = arith.constant 0 : i32
      %dma_start3A_468 = tpu.memref_slice %arg6[%arg0, %add3A_451, %dma_start3A_467] : memref<2x10112x128xf32, #tpu.memory_space<hbm>> -> memref<1x128x128xf32, #tpu.memory_space<hbm>>
      %dma_start3A_469 = tpu.memref_squeeze %dma_start3A_468 : memref<1x128x128xf32, #tpu.memory_space<hbm>> -> memref<128x128xf32, #tpu.memory_space<hbm>>
      %dma_start3A_470 = arith.constant 0 : i32
      %dma_start3A_471 = arith.constant 0 : i32
      %dma_start3A_472 = tpu.memref_slice %arg11[%dma_start3A_470, %dma_start3A_471] : memref<128x128xf32, #tpu.memory_space<vmem>> -> memref<128x128xf32, #tpu.memory_space<vmem>>
      tpu.enqueue_dma source(%dma_start3A_472 : memref<128x128xf32, #tpu.memory_space<vmem>>) target(%dma_start3A_469 : memref<128x128xf32, #tpu.memory_space<hbm>>) target_semaphore(%run_scoped3A_460 : memref<!tpu.dma_semaphore, #tpu.memory_space<semaphore_mem>>)
      %dma_wait3A_473 = arith.constant 0 : i32
      %dma_wait3A_474 = arith.constant 0 : i32
      %dma_wait3A_475 = tpu.memref_slice %arg11[%dma_wait3A_473, %dma_wait3A_474] : memref<128x128xf32, #tpu.memory_space<vmem>> -> memref<128x128xf32, #tpu.memory_space<vmem>>
      %dma_wait3A_476 = arith.constant 0 : i32
      %dma_wait3A_477 = tpu.memref_slice %arg6[%arg0, %add3A_451, %dma_wait3A_476] : memref<2x10112x128xf32, #tpu.memory_space<hbm>> -> memref<1x128x128xf32, #tpu.memory_space<hbm>>
      %dma_wait3A_478 = tpu.memref_squeeze %dma_wait3A_477 : memref<1x128x128xf32, #tpu.memory_space<hbm>> -> memref<128x128xf32, #tpu.memory_space<hbm>>
      %dma_wait3A_479 = arith.constant 0 : i32
      %dma_wait3A_480 = tpu.memref_slice %arg6[%arg0, %add3A_451, %dma_wait3A_479] : memref<2x10112x128xf32, #tpu.memory_space<hbm>> -> memref<1x128x128xf32, #tpu.memory_space<hbm>>
      %dma_wait3A_481 = tpu.memref_squeeze %dma_wait3A_480 : memref<1x128x128xf32, #tpu.memory_space<hbm>> -> memref<128x128xf32, #tpu.memory_space<hbm>>
      %dma_wait3A_482 = arith.constant 0 : i32
      %dma_wait3A_483 = arith.constant 0 : i32
      %dma_wait3A_484 = tpu.memref_slice %arg11[%dma_wait3A_482, %dma_wait3A_483] : memref<128x128xf32, #tpu.memory_space<vmem>> -> memref<128x128xf32, #tpu.memory_space<vmem>>
      tpu.wait_dma2 semaphore(%run_scoped3A_460 : memref<!tpu.dma_semaphore, #tpu.memory_space<semaphore_mem>>) src(%dma_wait3A_484 : memref<128x128xf32, #tpu.memory_space<vmem>>) dst(%dma_wait3A_481 : memref<128x128xf32, #tpu.memory_space<hbm>>)
      tpu.yield
    }) : () -> ()
    %add3A_452 = arith.constant 384 : i32
    %add3A_453 = arith.addi %mul3A_0, %add3A_452 : i32
    "tpu.region"() ({
      %run_scoped3A_460 = tpu.sem_alloc : memref<!tpu.dma_semaphore, #tpu.memory_space<semaphore_mem>>
      %dma_start3A_461 = arith.constant 0 : i32
      %dma_start3A_462 = arith.constant 0 : i32
      %dma_start3A_463 = tpu.memref_slice %arg11[%dma_start3A_461, %dma_start3A_462] : memref<128x128xf32, #tpu.memory_space<vmem>> -> memref<128x128xf32, #tpu.memory_space<vmem>>
      %dma_start3A_464 = arith.constant 0 : i32
      %dma_start3A_465 = tpu.memref_slice %arg13[%add3A_453, %dma_start3A_464] : memref<10112x128xf32, #tpu.memory_space<vmem_shared>> -> memref<128x128xf32, #tpu.memory_space<vmem_shared>>
      %dma_start3A_466 = arith.constant 0 : i32
      %dma_start3A_467 = arith.constant 0 : i32
      %dma_start3A_468 = tpu.memref_slice %arg11[%dma_start3A_466, %dma_start3A_467] : memref<128x128xf32, #tpu.memory_space<vmem>> -> memref<128x128xf32, #tpu.memory_space<vmem>>
      %dma_start3A_469 = arith.constant 0 : i32
      %dma_start3A_470 = tpu.memref_slice %arg13[%add3A_453, %dma_start3A_469] : memref<10112x128xf32, #tpu.memory_space<vmem_shared>> -> memref<128x128xf32, #tpu.memory_space<vmem_shared>>
      tpu.enqueue_dma source(%dma_start3A_470 : memref<128x128xf32, #tpu.memory_space<vmem_shared>>) target(%dma_start3A_468 : memref<128x128xf32, #tpu.memory_space<vmem>>) target_semaphore(%run_scoped3A_460 : memref<!tpu.dma_semaphore, #tpu.memory_space<semaphore_mem>>)
      %dma_wait3A_471 = arith.constant 0 : i32
      %dma_wait3A_472 = arith.constant 0 : i32
      %dma_wait3A_473 = tpu.memref_slice %arg11[%dma_wait3A_471, %dma_wait3A_472] : memref<128x128xf32, #tpu.memory_space<vmem>> -> memref<128x128xf32, #tpu.memory_space<vmem>>
      %dma_wait3A_474 = arith.constant 0 : i32
      %dma_wait3A_475 = tpu.memref_slice %arg13[%add3A_453, %dma_wait3A_474] : memref<10112x128xf32, #tpu.memory_space<vmem_shared>> -> memref<128x128xf32, #tpu.memory_space<vmem_shared>>
      %dma_wait3A_476 = arith.constant 0 : i32
      %dma_wait3A_477 = arith.constant 0 : i32
      %dma_wait3A_478 = tpu.memref_slice %arg11[%dma_wait3A_476, %dma_wait3A_477] : memref<128x128xf32, #tpu.memory_space<vmem>> -> memref<128x128xf32, #tpu.memory_space<vmem>>
      %dma_wait3A_479 = arith.constant 0 : i32
      %dma_wait3A_480 = tpu.memref_slice %arg13[%add3A_453, %dma_wait3A_479] : memref<10112x128xf32, #tpu.memory_space<vmem_shared>> -> memref<128x128xf32, #tpu.memory_space<vmem_shared>>
      tpu.wait_dma2 semaphore(%run_scoped3A_460 : memref<!tpu.dma_semaphore, #tpu.memory_space<semaphore_mem>>) src(%dma_wait3A_480 : memref<128x128xf32, #tpu.memory_space<vmem_shared>>) dst(%dma_wait3A_478 : memref<128x128xf32, #tpu.memory_space<vmem>>)
      tpu.yield
    }) : () -> ()
    %add3A_454 = arith.constant 384 : i32
    %add3A_455 = arith.addi %mul3A_0, %add3A_454 : i32
    "tpu.region"() ({
      %run_scoped3A_460 = tpu.sem_alloc : memref<!tpu.dma_semaphore, #tpu.memory_space<semaphore_mem>>
      %dma_start3A_461 = arith.constant 0 : i32
      %dma_start3A_462 = arith.constant 0 : i32
      %dma_start3A_463 = tpu.memref_slice %arg11[%dma_start3A_461, %dma_start3A_462] : memref<128x128xf32, #tpu.memory_space<vmem>> -> memref<128x128xf32, #tpu.memory_space<vmem>>
      %dma_start3A_464 = arith.constant 0 : i32
      %dma_start3A_465 = tpu.memref_slice %arg6[%arg0, %add3A_455, %dma_start3A_464] : memref<2x10112x128xf32, #tpu.memory_space<hbm>> -> memref<1x128x128xf32, #tpu.memory_space<hbm>>
      %dma_start3A_466 = tpu.memref_squeeze %dma_start3A_465 : memref<1x128x128xf32, #tpu.memory_space<hbm>> -> memref<128x128xf32, #tpu.memory_space<hbm>>
      %dma_start3A_467 = arith.constant 0 : i32
      %dma_start3A_468 = tpu.memref_slice %arg6[%arg0, %add3A_455, %dma_start3A_467] : memref<2x10112x128xf32, #tpu.memory_space<hbm>> -> memref<1x128x128xf32, #tpu.memory_space<hbm>>
      %dma_start3A_469 = tpu.memref_squeeze %dma_start3A_468 : memref<1x128x128xf32, #tpu.memory_space<hbm>> -> memref<128x128xf32, #tpu.memory_space<hbm>>
      %dma_start3A_470 = arith.constant 0 : i32
      %dma_start3A_471 = arith.constant 0 : i32
      %dma_start3A_472 = tpu.memref_slice %arg11[%dma_start3A_470, %dma_start3A_471] : memref<128x128xf32, #tpu.memory_space<vmem>> -> memref<128x128xf32, #tpu.memory_space<vmem>>
      tpu.enqueue_dma source(%dma_start3A_472 : memref<128x128xf32, #tpu.memory_space<vmem>>) target(%dma_start3A_469 : memref<128x128xf32, #tpu.memory_space<hbm>>) target_semaphore(%run_scoped3A_460 : memref<!tpu.dma_semaphore, #tpu.memory_space<semaphore_mem>>)
      %dma_wait3A_473 = arith.constant 0 : i32
      %dma_wait3A_474 = arith.constant 0 : i32
      %dma_wait3A_475 = tpu.memref_slice %arg11[%dma_wait3A_473, %dma_wait3A_474] : memref<128x128xf32, #tpu.memory_space<vmem>> -> memref<128x128xf32, #tpu.memory_space<vmem>>
      %dma_wait3A_476 = arith.constant 0 : i32
      %dma_wait3A_477 = tpu.memref_slice %arg6[%arg0, %add3A_455, %dma_wait3A_476] : memref<2x10112x128xf32, #tpu.memory_space<hbm>> -> memref<1x128x128xf32, #tpu.memory_space<hbm>>
      %dma_wait3A_478 = tpu.memref_squeeze %dma_wait3A_477 : memref<1x128x128xf32, #tpu.memory_space<hbm>> -> memref<128x128xf32, #tpu.memory_space<hbm>>
      %dma_wait3A_479 = arith.constant 0 : i32
      %dma_wait3A_480 = tpu.memref_slice %arg6[%arg0, %add3A_455, %dma_wait3A_479] : memref<2x10112x128xf32, #tpu.memory_space<hbm>> -> memref<1x128x128xf32, #tpu.memory_space<hbm>>
      %dma_wait3A_481 = tpu.memref_squeeze %dma_wait3A_480 : memref<1x128x128xf32, #tpu.memory_space<hbm>> -> memref<128x128xf32, #tpu.memory_space<hbm>>
      %dma_wait3A_482 = arith.constant 0 : i32
      %dma_wait3A_483 = arith.constant 0 : i32
      %dma_wait3A_484 = tpu.memref_slice %arg11[%dma_wait3A_482, %dma_wait3A_483] : memref<128x128xf32, #tpu.memory_space<vmem>> -> memref<128x128xf32, #tpu.memory_space<vmem>>
      tpu.wait_dma2 semaphore(%run_scoped3A_460 : memref<!tpu.dma_semaphore, #tpu.memory_space<semaphore_mem>>) src(%dma_wait3A_484 : memref<128x128xf32, #tpu.memory_space<vmem>>) dst(%dma_wait3A_481 : memref<128x128xf32, #tpu.memory_space<hbm>>)
      tpu.yield
    }) : () -> ()
    %add3A_456 = arith.constant 512 : i32
    %add3A_457 = arith.addi %mul3A_0, %add3A_456 : i32
    "tpu.region"() ({
      %run_scoped3A_460 = tpu.sem_alloc : memref<!tpu.dma_semaphore, #tpu.memory_space<semaphore_mem>>
      %dma_start3A_461 = arith.constant 0 : i32
      %dma_start3A_462 = arith.constant 0 : i32
      %dma_start3A_463 = tpu.memref_slice %arg11[%dma_start3A_461, %dma_start3A_462] : memref<128x128xf32, #tpu.memory_space<vmem>> -> memref<120x128xf32, #tpu.memory_space<vmem>>
      %dma_start3A_464 = arith.constant 0 : i32
      %dma_start3A_465 = tpu.memref_slice %arg13[%add3A_457, %dma_start3A_464] : memref<10112x128xf32, #tpu.memory_space<vmem_shared>> -> memref<120x128xf32, #tpu.memory_space<vmem_shared>>
      %dma_start3A_466 = arith.constant 0 : i32
      %dma_start3A_467 = arith.constant 0 : i32
      %dma_start3A_468 = tpu.memref_slice %arg11[%dma_start3A_466, %dma_start3A_467] : memref<128x128xf32, #tpu.memory_space<vmem>> -> memref<120x128xf32, #tpu.memory_space<vmem>>
      %dma_start3A_469 = arith.constant 0 : i32
      %dma_start3A_470 = tpu.memref_slice %arg13[%add3A_457, %dma_start3A_469] : memref<10112x128xf32, #tpu.memory_space<vmem_shared>> -> memref<120x128xf32, #tpu.memory_space<vmem_shared>>
      tpu.enqueue_dma source(%dma_start3A_470 : memref<120x128xf32, #tpu.memory_space<vmem_shared>>) target(%dma_start3A_468 : memref<120x128xf32, #tpu.memory_space<vmem>>) target_semaphore(%run_scoped3A_460 : memref<!tpu.dma_semaphore, #tpu.memory_space<semaphore_mem>>)
      %dma_wait3A_471 = arith.constant 0 : i32
      %dma_wait3A_472 = arith.constant 0 : i32
      %dma_wait3A_473 = tpu.memref_slice %arg11[%dma_wait3A_471, %dma_wait3A_472] : memref<128x128xf32, #tpu.memory_space<vmem>> -> memref<120x128xf32, #tpu.memory_space<vmem>>
      %dma_wait3A_474 = arith.constant 0 : i32
      %dma_wait3A_475 = tpu.memref_slice %arg13[%add3A_457, %dma_wait3A_474] : memref<10112x128xf32, #tpu.memory_space<vmem_shared>> -> memref<120x128xf32, #tpu.memory_space<vmem_shared>>
      %dma_wait3A_476 = arith.constant 0 : i32
      %dma_wait3A_477 = arith.constant 0 : i32
      %dma_wait3A_478 = tpu.memref_slice %arg11[%dma_wait3A_476, %dma_wait3A_477] : memref<128x128xf32, #tpu.memory_space<vmem>> -> memref<120x128xf32, #tpu.memory_space<vmem>>
      %dma_wait3A_479 = arith.constant 0 : i32
      %dma_wait3A_480 = tpu.memref_slice %arg13[%add3A_457, %dma_wait3A_479] : memref<10112x128xf32, #tpu.memory_space<vmem_shared>> -> memref<120x128xf32, #tpu.memory_space<vmem_shared>>
      tpu.wait_dma2 semaphore(%run_scoped3A_460 : memref<!tpu.dma_semaphore, #tpu.memory_space<semaphore_mem>>) src(%dma_wait3A_480 : memref<120x128xf32, #tpu.memory_space<vmem_shared>>) dst(%dma_wait3A_478 : memref<120x128xf32, #tpu.memory_space<vmem>>)
      tpu.yield
    }) : () -> ()
    %add3A_458 = arith.constant 512 : i32
    %add3A_459 = arith.addi %mul3A_0, %add3A_458 : i32
    "tpu.region"() ({
      %run_scoped3A_460 = tpu.sem_alloc : memref<!tpu.dma_semaphore, #tpu.memory_space<semaphore_mem>>
      %dma_start3A_461 = arith.constant 0 : i32
      %dma_start3A_462 = arith.constant 0 : i32
      %dma_start3A_463 = tpu.memref_slice %arg11[%dma_start3A_461, %dma_start3A_462] : memref<128x128xf32, #tpu.memory_space<vmem>> -> memref<120x128xf32, #tpu.memory_space<vmem>>
      %dma_start3A_464 = arith.constant 0 : i32
      %dma_start3A_465 = tpu.memref_slice %arg6[%arg0, %add3A_459, %dma_start3A_464] : memref<2x10112x128xf32, #tpu.memory_space<hbm>> -> memref<1x120x128xf32, #tpu.memory_space<hbm>>
      %dma_start3A_466 = tpu.memref_squeeze %dma_start3A_465 : memref<1x120x128xf32, #tpu.memory_space<hbm>> -> memref<120x128xf32, #tpu.memory_space<hbm>>
      %dma_start3A_467 = arith.constant 0 : i32
      %dma_start3A_468 = tpu.memref_slice %arg6[%arg0, %add3A_459, %dma_start3A_467] : memref<2x10112x128xf32, #tpu.memory_space<hbm>> -> memref<1x120x128xf32, #tpu.memory_space<hbm>>
      %dma_start3A_469 = tpu.memref_squeeze %dma_start3A_468 : memref<1x120x128xf32, #tpu.memory_space<hbm>> -> memref<120x128xf32, #tpu.memory_space<hbm>>
      %dma_start3A_470 = arith.constant 0 : i32
      %dma_start3A_471 = arith.constant 0 : i32
      %dma_start3A_472 = tpu.memref_slice %arg11[%dma_start3A_470, %dma_start3A_471] : memref<128x128xf32, #tpu.memory_space<vmem>> -> memref<120x128xf32, #tpu.memory_space<vmem>>
      tpu.enqueue_dma source(%dma_start3A_472 : memref<120x128xf32, #tpu.memory_space<vmem>>) target(%dma_start3A_469 : memref<120x128xf32, #tpu.memory_space<hbm>>) target_semaphore(%run_scoped3A_460 : memref<!tpu.dma_semaphore, #tpu.memory_space<semaphore_mem>>)
      %dma_wait3A_473 = arith.constant 0 : i32
      %dma_wait3A_474 = arith.constant 0 : i32
      %dma_wait3A_475 = tpu.memref_slice %arg11[%dma_wait3A_473, %dma_wait3A_474] : memref<128x128xf32, #tpu.memory_space<vmem>> -> memref<120x128xf32, #tpu.memory_space<vmem>>
      %dma_wait3A_476 = arith.constant 0 : i32
      %dma_wait3A_477 = tpu.memref_slice %arg6[%arg0, %add3A_459, %dma_wait3A_476] : memref<2x10112x128xf32, #tpu.memory_space<hbm>> -> memref<1x120x128xf32, #tpu.memory_space<hbm>>
      %dma_wait3A_478 = tpu.memref_squeeze %dma_wait3A_477 : memref<1x120x128xf32, #tpu.memory_space<hbm>> -> memref<120x128xf32, #tpu.memory_space<hbm>>
      %dma_wait3A_479 = arith.constant 0 : i32
      %dma_wait3A_480 = tpu.memref_slice %arg6[%arg0, %add3A_459, %dma_wait3A_479] : memref<2x10112x128xf32, #tpu.memory_space<hbm>> -> memref<1x120x128xf32, #tpu.memory_space<hbm>>
      %dma_wait3A_481 = tpu.memref_squeeze %dma_wait3A_480 : memref<1x120x128xf32, #tpu.memory_space<hbm>> -> memref<120x128xf32, #tpu.memory_space<hbm>>
      %dma_wait3A_482 = arith.constant 0 : i32
      %dma_wait3A_483 = arith.constant 0 : i32
      %dma_wait3A_484 = tpu.memref_slice %arg11[%dma_wait3A_482, %dma_wait3A_483] : memref<128x128xf32, #tpu.memory_space<vmem>> -> memref<120x128xf32, #tpu.memory_space<vmem>>
      tpu.wait_dma2 semaphore(%run_scoped3A_460 : memref<!tpu.dma_semaphore, #tpu.memory_space<semaphore_mem>>) src(%dma_wait3A_484 : memref<120x128xf32, #tpu.memory_space<vmem>>) dst(%dma_wait3A_481 : memref<120x128xf32, #tpu.memory_space<hbm>>)
      tpu.yield
    }) : () -> ()
    return
  }
}

#map = affine_map<(d0, d1) -> (0, 0, 0, 0)>
#map1 = affine_map<(d0, d1) -> (0, 0)>
module attributes {stable_mosaic.version = 14 : i64} {
  func.func @_deg_body(%arg0: i32, %arg1: i32, %arg2: memref<2x16x79x128xi32, #tpu.memory_space<hbm>>, %arg3: memref<2x10240xf32, #tpu.memory_space<hbm>>, %arg4: memref<79x128xi32, #tpu.memory_space<vmem>>, %arg5: memref<128xf32, #tpu.memory_space<vmem>>, %arg6: memref<128xf32, #tpu.memory_space<vmem>>, %arg7: memref<128xf32, #tpu.memory_space<vmem>>, %arg8: memref<10240xf32, #tpu.memory_space<vmem_shared>>) attributes {dimension_semantics = [#tpu.dimension_semantics<core_parallel>, #tpu.dimension_semantics<subcore_parallel>], iteration_bounds = array<i64: 2, 16>, scalar_prefetch = 0 : i64, scratch_operands = 5 : i64, tpu.core_type = #tpu.core_type<sc_vector_subcore>, window_params = [{transform_indices = #map}, {transform_indices = #map1}]} {
    %broadcast_in_dim3A = arith.constant 1.000000e+00 : f32
    %broadcast_in_dim3A_0 = vector.broadcast %broadcast_in_dim3A : f32 to vector<16xf32>
    %swap3A = arith.constant 0 : index
    %swap3A_1 = tpu.vector_load %arg5[%swap3A] {strides = array<i32>} : memref<128xf32, #tpu.memory_space<vmem>>, vector<16xf32>,
    %swap3A_2 = vector.shape_cast %swap3A_1 : vector<16xf32> to vector<16xf32>
    %swap3A_3 = vector.shape_cast %broadcast_in_dim3A_0 : vector<16xf32> to vector<16xf32>
    tpu.vector_store %arg5[%swap3A], %swap3A_3 {strides = array<i32>} : memref<128xf32, #tpu.memory_space<vmem>>, vector<16xf32>,
    %broadcast_in_dim3A_4 = arith.constant 0.000000e+00 : f32
    %broadcast_in_dim3A_5 = vector.broadcast %broadcast_in_dim3A_4 : f32 to vector<16xf32>
    %swap3A_6 = arith.constant 0 : index
    %swap3A_7 = tpu.vector_load %arg6[%swap3A_6] {strides = array<i32>} : memref<128xf32, #tpu.memory_space<vmem>>, vector<16xf32>,
    %swap3A_8 = vector.shape_cast %swap3A_7 : vector<16xf32> to vector<16xf32>
    %swap3A_9 = vector.shape_cast %broadcast_in_dim3A_5 : vector<16xf32> to vector<16xf32>
    tpu.vector_store %arg6[%swap3A_6], %swap3A_9 {strides = array<i32>} : memref<128xf32, #tpu.memory_space<vmem>>, vector<16xf32>,
    %broadcast_in_dim3A_10 = arith.constant 1.000000e+00 : f32
    %broadcast_in_dim3A_11 = vector.broadcast %broadcast_in_dim3A_10 : f32 to vector<16xf32>
    %swap3A_12 = arith.constant 16 : index
    %swap3A_13 = tpu.vector_load %arg5[%swap3A_12] {strides = array<i32>} : memref<128xf32, #tpu.memory_space<vmem>>, vector<16xf32>,
    %swap3A_14 = vector.shape_cast %swap3A_13 : vector<16xf32> to vector<16xf32>
    %swap3A_15 = vector.shape_cast %broadcast_in_dim3A_11 : vector<16xf32> to vector<16xf32>
    tpu.vector_store %arg5[%swap3A_12], %swap3A_15 {strides = array<i32>} : memref<128xf32, #tpu.memory_space<vmem>>, vector<16xf32>,
    %broadcast_in_dim3A_16 = arith.constant 0.000000e+00 : f32
    %broadcast_in_dim3A_17 = vector.broadcast %broadcast_in_dim3A_16 : f32 to vector<16xf32>
    %swap3A_18 = arith.constant 16 : index
    %swap3A_19 = tpu.vector_load %arg6[%swap3A_18] {strides = array<i32>} : memref<128xf32, #tpu.memory_space<vmem>>, vector<16xf32>,
    %swap3A_20 = vector.shape_cast %swap3A_19 : vector<16xf32> to vector<16xf32>
    %swap3A_21 = vector.shape_cast %broadcast_in_dim3A_17 : vector<16xf32> to vector<16xf32>
    tpu.vector_store %arg6[%swap3A_18], %swap3A_21 {strides = array<i32>} : memref<128xf32, #tpu.memory_space<vmem>>, vector<16xf32>,
    %broadcast_in_dim3A_22 = arith.constant 1.000000e+00 : f32
    %broadcast_in_dim3A_23 = vector.broadcast %broadcast_in_dim3A_22 : f32 to vector<16xf32>
    %swap3A_24 = arith.constant 32 : index
    %swap3A_25 = tpu.vector_load %arg5[%swap3A_24] {strides = array<i32>} : memref<128xf32, #tpu.memory_space<vmem>>, vector<16xf32>,
    %swap3A_26 = vector.shape_cast %swap3A_25 : vector<16xf32> to vector<16xf32>
    %swap3A_27 = vector.shape_cast %broadcast_in_dim3A_23 : vector<16xf32> to vector<16xf32>
    tpu.vector_store %arg5[%swap3A_24], %swap3A_27 {strides = array<i32>} : memref<128xf32, #tpu.memory_space<vmem>>, vector<16xf32>,
    %broadcast_in_dim3A_28 = arith.constant 0.000000e+00 : f32
    %broadcast_in_dim3A_29 = vector.broadcast %broadcast_in_dim3A_28 : f32 to vector<16xf32>
    %swap3A_30 = arith.constant 32 : index
    %swap3A_31 = tpu.vector_load %arg6[%swap3A_30] {strides = array<i32>} : memref<128xf32, #tpu.memory_space<vmem>>, vector<16xf32>,
    %swap3A_32 = vector.shape_cast %swap3A_31 : vector<16xf32> to vector<16xf32>
    %swap3A_33 = vector.shape_cast %broadcast_in_dim3A_29 : vector<16xf32> to vector<16xf32>
    tpu.vector_store %arg6[%swap3A_30], %swap3A_33 {strides = array<i32>} : memref<128xf32, #tpu.memory_space<vmem>>, vector<16xf32>,
    %broadcast_in_dim3A_34 = arith.constant 1.000000e+00 : f32
    %broadcast_in_dim3A_35 = vector.broadcast %broadcast_in_dim3A_34 : f32 to vector<16xf32>
    %swap3A_36 = arith.constant 48 : index
    %swap3A_37 = tpu.vector_load %arg5[%swap3A_36] {strides = array<i32>} : memref<128xf32, #tpu.memory_space<vmem>>, vector<16xf32>,
    %swap3A_38 = vector.shape_cast %swap3A_37 : vector<16xf32> to vector<16xf32>
    %swap3A_39 = vector.shape_cast %broadcast_in_dim3A_35 : vector<16xf32> to vector<16xf32>
    tpu.vector_store %arg5[%swap3A_36], %swap3A_39 {strides = array<i32>} : memref<128xf32, #tpu.memory_space<vmem>>, vector<16xf32>,
    %broadcast_in_dim3A_40 = arith.constant 0.000000e+00 : f32
    %broadcast_in_dim3A_41 = vector.broadcast %broadcast_in_dim3A_40 : f32 to vector<16xf32>
    %swap3A_42 = arith.constant 48 : index
    %swap3A_43 = tpu.vector_load %arg6[%swap3A_42] {strides = array<i32>} : memref<128xf32, #tpu.memory_space<vmem>>, vector<16xf32>,
    %swap3A_44 = vector.shape_cast %swap3A_43 : vector<16xf32> to vector<16xf32>
    %swap3A_45 = vector.shape_cast %broadcast_in_dim3A_41 : vector<16xf32> to vector<16xf32>
    tpu.vector_store %arg6[%swap3A_42], %swap3A_45 {strides = array<i32>} : memref<128xf32, #tpu.memory_space<vmem>>, vector<16xf32>,
    %broadcast_in_dim3A_46 = arith.constant 1.000000e+00 : f32
    %broadcast_in_dim3A_47 = vector.broadcast %broadcast_in_dim3A_46 : f32 to vector<16xf32>
    %swap3A_48 = arith.constant 64 : index
    %swap3A_49 = tpu.vector_load %arg5[%swap3A_48] {strides = array<i32>} : memref<128xf32, #tpu.memory_space<vmem>>, vector<16xf32>,
    %swap3A_50 = vector.shape_cast %swap3A_49 : vector<16xf32> to vector<16xf32>
    %swap3A_51 = vector.shape_cast %broadcast_in_dim3A_47 : vector<16xf32> to vector<16xf32>
    tpu.vector_store %arg5[%swap3A_48], %swap3A_51 {strides = array<i32>} : memref<128xf32, #tpu.memory_space<vmem>>, vector<16xf32>,
    %broadcast_in_dim3A_52 = arith.constant 0.000000e+00 : f32
    %broadcast_in_dim3A_53 = vector.broadcast %broadcast_in_dim3A_52 : f32 to vector<16xf32>
    %swap3A_54 = arith.constant 64 : index
    %swap3A_55 = tpu.vector_load %arg6[%swap3A_54] {strides = array<i32>} : memref<128xf32, #tpu.memory_space<vmem>>, vector<16xf32>,
    %swap3A_56 = vector.shape_cast %swap3A_55 : vector<16xf32> to vector<16xf32>
    %swap3A_57 = vector.shape_cast %broadcast_in_dim3A_53 : vector<16xf32> to vector<16xf32>
    tpu.vector_store %arg6[%swap3A_54], %swap3A_57 {strides = array<i32>} : memref<128xf32, #tpu.memory_space<vmem>>, vector<16xf32>,
    %broadcast_in_dim3A_58 = arith.constant 1.000000e+00 : f32
    %broadcast_in_dim3A_59 = vector.broadcast %broadcast_in_dim3A_58 : f32 to vector<16xf32>
    %swap3A_60 = arith.constant 80 : index
    %swap3A_61 = tpu.vector_load %arg5[%swap3A_60] {strides = array<i32>} : memref<128xf32, #tpu.memory_space<vmem>>, vector<16xf32>,
    %swap3A_62 = vector.shape_cast %swap3A_61 : vector<16xf32> to vector<16xf32>
    %swap3A_63 = vector.shape_cast %broadcast_in_dim3A_59 : vector<16xf32> to vector<16xf32>
    tpu.vector_store %arg5[%swap3A_60], %swap3A_63 {strides = array<i32>} : memref<128xf32, #tpu.memory_space<vmem>>, vector<16xf32>,
    %broadcast_in_dim3A_64 = arith.constant 0.000000e+00 : f32
    %broadcast_in_dim3A_65 = vector.broadcast %broadcast_in_dim3A_64 : f32 to vector<16xf32>
    %swap3A_66 = arith.constant 80 : index
    %swap3A_67 = tpu.vector_load %arg6[%swap3A_66] {strides = array<i32>} : memref<128xf32, #tpu.memory_space<vmem>>, vector<16xf32>,
    %swap3A_68 = vector.shape_cast %swap3A_67 : vector<16xf32> to vector<16xf32>
    %swap3A_69 = vector.shape_cast %broadcast_in_dim3A_65 : vector<16xf32> to vector<16xf32>
    tpu.vector_store %arg6[%swap3A_66], %swap3A_69 {strides = array<i32>} : memref<128xf32, #tpu.memory_space<vmem>>, vector<16xf32>,
    %broadcast_in_dim3A_70 = arith.constant 1.000000e+00 : f32
    %broadcast_in_dim3A_71 = vector.broadcast %broadcast_in_dim3A_70 : f32 to vector<16xf32>
    %swap3A_72 = arith.constant 96 : index
    %swap3A_73 = tpu.vector_load %arg5[%swap3A_72] {strides = array<i32>} : memref<128xf32, #tpu.memory_space<vmem>>, vector<16xf32>,
    %swap3A_74 = vector.shape_cast %swap3A_73 : vector<16xf32> to vector<16xf32>
    %swap3A_75 = vector.shape_cast %broadcast_in_dim3A_71 : vector<16xf32> to vector<16xf32>
    tpu.vector_store %arg5[%swap3A_72], %swap3A_75 {strides = array<i32>} : memref<128xf32, #tpu.memory_space<vmem>>, vector<16xf32>,
    %broadcast_in_dim3A_76 = arith.constant 0.000000e+00 : f32
    %broadcast_in_dim3A_77 = vector.broadcast %broadcast_in_dim3A_76 : f32 to vector<16xf32>
    %swap3A_78 = arith.constant 96 : index
    %swap3A_79 = tpu.vector_load %arg6[%swap3A_78] {strides = array<i32>} : memref<128xf32, #tpu.memory_space<vmem>>, vector<16xf32>,
    %swap3A_80 = vector.shape_cast %swap3A_79 : vector<16xf32> to vector<16xf32>
    %swap3A_81 = vector.shape_cast %broadcast_in_dim3A_77 : vector<16xf32> to vector<16xf32>
    tpu.vector_store %arg6[%swap3A_78], %swap3A_81 {strides = array<i32>} : memref<128xf32, #tpu.memory_space<vmem>>, vector<16xf32>,
    %broadcast_in_dim3A_82 = arith.constant 1.000000e+00 : f32
    %broadcast_in_dim3A_83 = vector.broadcast %broadcast_in_dim3A_82 : f32 to vector<16xf32>
    %swap3A_84 = arith.constant 112 : index
    %swap3A_85 = tpu.vector_load %arg5[%swap3A_84] {strides = array<i32>} : memref<128xf32, #tpu.memory_space<vmem>>, vector<16xf32>,
    %swap3A_86 = vector.shape_cast %swap3A_85 : vector<16xf32> to vector<16xf32>
    %swap3A_87 = vector.shape_cast %broadcast_in_dim3A_83 : vector<16xf32> to vector<16xf32>
    tpu.vector_store %arg5[%swap3A_84], %swap3A_87 {strides = array<i32>} : memref<128xf32, #tpu.memory_space<vmem>>, vector<16xf32>,
    %broadcast_in_dim3A_88 = arith.constant 0.000000e+00 : f32
    %broadcast_in_dim3A_89 = vector.broadcast %broadcast_in_dim3A_88 : f32 to vector<16xf32>
    %swap3A_90 = arith.constant 112 : index
    %swap3A_91 = tpu.vector_load %arg6[%swap3A_90] {strides = array<i32>} : memref<128xf32, #tpu.memory_space<vmem>>, vector<16xf32>,
    %swap3A_92 = vector.shape_cast %swap3A_91 : vector<16xf32> to vector<16xf32>
    %swap3A_93 = vector.shape_cast %broadcast_in_dim3A_89 : vector<16xf32> to vector<16xf32>
    tpu.vector_store %arg6[%swap3A_90], %swap3A_93 {strides = array<i32>} : memref<128xf32, #tpu.memory_space<vmem>>, vector<16xf32>,
    %mul3A = arith.constant 640 : i32
    %mul3A_94 = arith.muli %arg1, %mul3A : i32
    %add3A = arith.constant 0 : i32
    %add3A_95 = arith.addi %mul3A_94, %add3A : i32
    "tpu.region"() ({
      %run_scoped3A = tpu.sem_alloc : memref<!tpu.dma_semaphore, #tpu.memory_space<semaphore_mem>>
      %dma_start3A = tpu.memref_slice %arg8[%add3A_95] : memref<10240xf32, #tpu.memory_space<vmem_shared>> -> memref<128xf32, #tpu.memory_space<vmem_shared>>
      %dma_start3A_129 = tpu.memref_slice %arg8[%add3A_95] : memref<10240xf32, #tpu.memory_space<vmem_shared>> -> memref<128xf32, #tpu.memory_space<vmem_shared>>
      tpu.enqueue_dma source(%arg6 : memref<128xf32, #tpu.memory_space<vmem>>) target(%dma_start3A_129 : memref<128xf32, #tpu.memory_space<vmem_shared>>) target_semaphore(%run_scoped3A : memref<!tpu.dma_semaphore, #tpu.memory_space<semaphore_mem>>)
      %dma_wait3A = tpu.memref_slice %arg8[%add3A_95] : memref<10240xf32, #tpu.memory_space<vmem_shared>> -> memref<128xf32, #tpu.memory_space<vmem_shared>>
      %dma_wait3A_130 = tpu.memref_slice %arg8[%add3A_95] : memref<10240xf32, #tpu.memory_space<vmem_shared>> -> memref<128xf32, #tpu.memory_space<vmem_shared>>
      tpu.wait_dma2 semaphore(%run_scoped3A : memref<!tpu.dma_semaphore, #tpu.memory_space<semaphore_mem>>) src(%arg6 : memref<128xf32, #tpu.memory_space<vmem>>) dst(%dma_wait3A_130 : memref<128xf32, #tpu.memory_space<vmem_shared>>)
      tpu.yield
    }) : () -> ()
    %add3A_96 = arith.constant 128 : i32
    %add3A_97 = arith.addi %mul3A_94, %add3A_96 : i32
    "tpu.region"() ({
      %run_scoped3A = tpu.sem_alloc : memref<!tpu.dma_semaphore, #tpu.memory_space<semaphore_mem>>
      %dma_start3A = tpu.memref_slice %arg8[%add3A_97] : memref<10240xf32, #tpu.memory_space<vmem_shared>> -> memref<128xf32, #tpu.memory_space<vmem_shared>>
      %dma_start3A_129 = tpu.memref_slice %arg8[%add3A_97] : memref<10240xf32, #tpu.memory_space<vmem_shared>> -> memref<128xf32, #tpu.memory_space<vmem_shared>>
      tpu.enqueue_dma source(%arg6 : memref<128xf32, #tpu.memory_space<vmem>>) target(%dma_start3A_129 : memref<128xf32, #tpu.memory_space<vmem_shared>>) target_semaphore(%run_scoped3A : memref<!tpu.dma_semaphore, #tpu.memory_space<semaphore_mem>>)
      %dma_wait3A = tpu.memref_slice %arg8[%add3A_97] : memref<10240xf32, #tpu.memory_space<vmem_shared>> -> memref<128xf32, #tpu.memory_space<vmem_shared>>
      %dma_wait3A_130 = tpu.memref_slice %arg8[%add3A_97] : memref<10240xf32, #tpu.memory_space<vmem_shared>> -> memref<128xf32, #tpu.memory_space<vmem_shared>>
      tpu.wait_dma2 semaphore(%run_scoped3A : memref<!tpu.dma_semaphore, #tpu.memory_space<semaphore_mem>>) src(%arg6 : memref<128xf32, #tpu.memory_space<vmem>>) dst(%dma_wait3A_130 : memref<128xf32, #tpu.memory_space<vmem_shared>>)
      tpu.yield
    }) : () -> ()
    %add3A_98 = arith.constant 256 : i32
    %add3A_99 = arith.addi %mul3A_94, %add3A_98 : i32
    "tpu.region"() ({
      %run_scoped3A = tpu.sem_alloc : memref<!tpu.dma_semaphore, #tpu.memory_space<semaphore_mem>>
      %dma_start3A = tpu.memref_slice %arg8[%add3A_99] : memref<10240xf32, #tpu.memory_space<vmem_shared>> -> memref<128xf32, #tpu.memory_space<vmem_shared>>
      %dma_start3A_129 = tpu.memref_slice %arg8[%add3A_99] : memref<10240xf32, #tpu.memory_space<vmem_shared>> -> memref<128xf32, #tpu.memory_space<vmem_shared>>
      tpu.enqueue_dma source(%arg6 : memref<128xf32, #tpu.memory_space<vmem>>) target(%dma_start3A_129 : memref<128xf32, #tpu.memory_space<vmem_shared>>) target_semaphore(%run_scoped3A : memref<!tpu.dma_semaphore, #tpu.memory_space<semaphore_mem>>)
      %dma_wait3A = tpu.memref_slice %arg8[%add3A_99] : memref<10240xf32, #tpu.memory_space<vmem_shared>> -> memref<128xf32, #tpu.memory_space<vmem_shared>>
      %dma_wait3A_130 = tpu.memref_slice %arg8[%add3A_99] : memref<10240xf32, #tpu.memory_space<vmem_shared>> -> memref<128xf32, #tpu.memory_space<vmem_shared>>
      tpu.wait_dma2 semaphore(%run_scoped3A : memref<!tpu.dma_semaphore, #tpu.memory_space<semaphore_mem>>) src(%arg6 : memref<128xf32, #tpu.memory_space<vmem>>) dst(%dma_wait3A_130 : memref<128xf32, #tpu.memory_space<vmem_shared>>)
      tpu.yield
    }) : () -> ()
    %add3A_100 = arith.constant 384 : i32
    %add3A_101 = arith.addi %mul3A_94, %add3A_100 : i32
    "tpu.region"() ({
      %run_scoped3A = tpu.sem_alloc : memref<!tpu.dma_semaphore, #tpu.memory_space<semaphore_mem>>
      %dma_start3A = tpu.memref_slice %arg8[%add3A_101] : memref<10240xf32, #tpu.memory_space<vmem_shared>> -> memref<128xf32, #tpu.memory_space<vmem_shared>>
      %dma_start3A_129 = tpu.memref_slice %arg8[%add3A_101] : memref<10240xf32, #tpu.memory_space<vmem_shared>> -> memref<128xf32, #tpu.memory_space<vmem_shared>>
      tpu.enqueue_dma source(%arg6 : memref<128xf32, #tpu.memory_space<vmem>>) target(%dma_start3A_129 : memref<128xf32, #tpu.memory_space<vmem_shared>>) target_semaphore(%run_scoped3A : memref<!tpu.dma_semaphore, #tpu.memory_space<semaphore_mem>>)
      %dma_wait3A = tpu.memref_slice %arg8[%add3A_101] : memref<10240xf32, #tpu.memory_space<vmem_shared>> -> memref<128xf32, #tpu.memory_space<vmem_shared>>
      %dma_wait3A_130 = tpu.memref_slice %arg8[%add3A_101] : memref<10240xf32, #tpu.memory_space<vmem_shared>> -> memref<128xf32, #tpu.memory_space<vmem_shared>>
      tpu.wait_dma2 semaphore(%run_scoped3A : memref<!tpu.dma_semaphore, #tpu.memory_space<semaphore_mem>>) src(%arg6 : memref<128xf32, #tpu.memory_space<vmem>>) dst(%dma_wait3A_130 : memref<128xf32, #tpu.memory_space<vmem_shared>>)
      tpu.yield
    }) : () -> ()
    %add3A_102 = arith.constant 512 : i32
    %add3A_103 = arith.addi %mul3A_94, %add3A_102 : i32
    "tpu.region"() ({
      %run_scoped3A = tpu.sem_alloc : memref<!tpu.dma_semaphore, #tpu.memory_space<semaphore_mem>>
      %dma_start3A = tpu.memref_slice %arg8[%add3A_103] : memref<10240xf32, #tpu.memory_space<vmem_shared>> -> memref<128xf32, #tpu.memory_space<vmem_shared>>
      %dma_start3A_129 = tpu.memref_slice %arg8[%add3A_103] : memref<10240xf32, #tpu.memory_space<vmem_shared>> -> memref<128xf32, #tpu.memory_space<vmem_shared>>
      tpu.enqueue_dma source(%arg6 : memref<128xf32, #tpu.memory_space<vmem>>) target(%dma_start3A_129 : memref<128xf32, #tpu.memory_space<vmem_shared>>) target_semaphore(%run_scoped3A : memref<!tpu.dma_semaphore, #tpu.memory_space<semaphore_mem>>)
      %dma_wait3A = tpu.memref_slice %arg8[%add3A_103] : memref<10240xf32, #tpu.memory_space<vmem_shared>> -> memref<128xf32, #tpu.memory_space<vmem_shared>>
      %dma_wait3A_130 = tpu.memref_slice %arg8[%add3A_103] : memref<10240xf32, #tpu.memory_space<vmem_shared>> -> memref<128xf32, #tpu.memory_space<vmem_shared>>
      tpu.wait_dma2 semaphore(%run_scoped3A : memref<!tpu.dma_semaphore, #tpu.memory_space<semaphore_mem>>) src(%arg6 : memref<128xf32, #tpu.memory_space<vmem>>) dst(%dma_wait3A_130 : memref<128xf32, #tpu.memory_space<vmem_shared>>)
      tpu.yield
    }) : () -> ()
    %barrier3A = arith.constant 0 : index
    tpu.barrier barrier_id(%barrier3A)
    "tpu.region"() ({
      %run_scoped3A = tpu.sem_alloc : memref<!tpu.dma_semaphore, #tpu.memory_space<semaphore_mem>>
      %dma_start3A = arith.constant 0 : i32
      %dma_start3A_129 = arith.constant 0 : i32
      %dma_start3A_130 = tpu.memref_slice %arg2[%arg0, %arg1, %dma_start3A, %dma_start3A_129] : memref<2x16x79x128xi32, #tpu.memory_space<hbm>> -> memref<1x1x79x128xi32, #tpu.memory_space<hbm>>
      %dma_start3A_131 = tpu.memref_squeeze %dma_start3A_130 : memref<1x1x79x128xi32, #tpu.memory_space<hbm>> -> memref<79x128xi32, #tpu.memory_space<hbm>>
      %dma_start3A_132 = arith.constant 0 : i32
      %dma_start3A_133 = arith.constant 0 : i32
      %dma_start3A_134 = tpu.memref_slice %arg2[%arg0, %arg1, %dma_start3A_132, %dma_start3A_133] : memref<2x16x79x128xi32, #tpu.memory_space<hbm>> -> memref<1x1x79x128xi32, #tpu.memory_space<hbm>>
      %dma_start3A_135 = tpu.memref_squeeze %dma_start3A_134 : memref<1x1x79x128xi32, #tpu.memory_space<hbm>> -> memref<79x128xi32, #tpu.memory_space<hbm>>
      tpu.enqueue_dma source(%dma_start3A_135 : memref<79x128xi32, #tpu.memory_space<hbm>>) target(%arg4 : memref<79x128xi32, #tpu.memory_space<vmem>>) target_semaphore(%run_scoped3A : memref<!tpu.dma_semaphore, #tpu.memory_space<semaphore_mem>>)
      %dma_wait3A = arith.constant 0 : i32
      %dma_wait3A_136 = arith.constant 0 : i32
      %dma_wait3A_137 = tpu.memref_slice %arg2[%arg0, %arg1, %dma_wait3A, %dma_wait3A_136] : memref<2x16x79x128xi32, #tpu.memory_space<hbm>> -> memref<1x1x79x128xi32, #tpu.memory_space<hbm>>
      %dma_wait3A_138 = tpu.memref_squeeze %dma_wait3A_137 : memref<1x1x79x128xi32, #tpu.memory_space<hbm>> -> memref<79x128xi32, #tpu.memory_space<hbm>>
      %dma_wait3A_139 = arith.constant 0 : i32
      %dma_wait3A_140 = arith.constant 0 : i32
      %dma_wait3A_141 = tpu.memref_slice %arg2[%arg0, %arg1, %dma_wait3A_139, %dma_wait3A_140] : memref<2x16x79x128xi32, #tpu.memory_space<hbm>> -> memref<1x1x79x128xi32, #tpu.memory_space<hbm>>
      %dma_wait3A_142 = tpu.memref_squeeze %dma_wait3A_141 : memref<1x1x79x128xi32, #tpu.memory_space<hbm>> -> memref<79x128xi32, #tpu.memory_space<hbm>>
      tpu.wait_dma2 semaphore(%run_scoped3A : memref<!tpu.dma_semaphore, #tpu.memory_space<semaphore_mem>>) src(%dma_wait3A_142 : memref<79x128xi32, #tpu.memory_space<hbm>>) dst(%arg4 : memref<79x128xi32, #tpu.memory_space<vmem>>)
      tpu.yield
    }) : () -> ()
    %scan3A = arith.constant 0 : i32
    %scan3A_104 = arith.constant 79 : i32
    %scan3A_105 = arith.addi %scan3A, %scan3A_104 : i32
    %scan3A_106 = arith.constant 1 : i32
    scf.for %scan3A_129 = %scan3A to %scan3A_105 step %scan3A_106  : i32 {
      "tpu.region"() ({
        %run_scoped3A = tpu.sem_alloc : memref<!tpu.dma_semaphore, #tpu.memory_space<semaphore_mem>>
        %dma_start3A = arith.constant 0 : i32
        %dma_start3A_130 = tpu.memref_slice %arg4[%scan3A_129, %dma_start3A] : memref<79x128xi32, #tpu.memory_space<vmem>> -> memref<1x128xi32, #tpu.memory_space<vmem>>
        %dma_start3A_131 = tpu.memref_squeeze %dma_start3A_130 : memref<1x128xi32, #tpu.memory_space<vmem>> -> memref<128xi32, #tpu.memory_space<vmem>>
        %dma_start3A_132 = arith.constant 0 : i32
        %dma_start3A_133 = tpu.memref_slice %arg8[%dma_start3A_132] : memref<10240xf32, #tpu.memory_space<vmem_shared>> -> memref<10240xf32, #tpu.memory_space<vmem_shared>>
        tpu.enqueue_indirect_dma source(%arg5 : memref<128xf32, #tpu.memory_space<vmem>>) target(%dma_start3A_133 : memref<10240xf32, #tpu.memory_space<vmem_shared>>) offsets(%dma_start3A_131 : memref<128xi32, #tpu.memory_space<vmem>>) semaphore(%run_scoped3A : memref<!tpu.dma_semaphore, #tpu.memory_space<semaphore_mem>>) {add = true}
        %dma_wait3A = arith.constant 0 : i32
        %dma_wait3A_134 = tpu.memref_slice %arg4[%scan3A_129, %dma_wait3A] : memref<79x128xi32, #tpu.memory_space<vmem>> -> memref<1x128xi32, #tpu.memory_space<vmem>>
        %dma_wait3A_135 = tpu.memref_squeeze %dma_wait3A_134 : memref<1x128xi32, #tpu.memory_space<vmem>> -> memref<128xi32, #tpu.memory_space<vmem>>
        %dma_wait3A_136 = arith.constant 0 : i32
        %dma_wait3A_137 = tpu.memref_slice %arg8[%dma_wait3A_136] : memref<10240xf32, #tpu.memory_space<vmem_shared>> -> memref<10240xf32, #tpu.memory_space<vmem_shared>>
        tpu.wait_indirect_dma semaphore(%run_scoped3A : memref<!tpu.dma_semaphore, #tpu.memory_space<semaphore_mem>>) src(%arg5 : memref<128xf32, #tpu.memory_space<vmem>>) dst(%dma_wait3A_137 : memref<10240xf32, #tpu.memory_space<vmem_shared>>)
        tpu.yield
      }) : () -> ()
    }
    %scan3A_107 = arith.constant 79 : i32
    %barrier3A_108 = arith.constant 0 : index
    tpu.barrier barrier_id(%barrier3A_108)
    %add3A_109 = arith.constant 0 : i32
    %add3A_110 = arith.addi %mul3A_94, %add3A_109 : i32
    "tpu.region"() ({
      %run_scoped3A = tpu.sem_alloc : memref<!tpu.dma_semaphore, #tpu.memory_space<semaphore_mem>>
      %dma_start3A = tpu.memref_slice %arg8[%add3A_110] : memref<10240xf32, #tpu.memory_space<vmem_shared>> -> memref<128xf32, #tpu.memory_space<vmem_shared>>
      %dma_start3A_129 = tpu.memref_slice %arg8[%add3A_110] : memref<10240xf32, #tpu.memory_space<vmem_shared>> -> memref<128xf32, #tpu.memory_space<vmem_shared>>
      tpu.enqueue_dma source(%dma_start3A_129 : memref<128xf32, #tpu.memory_space<vmem_shared>>) target(%arg7 : memref<128xf32, #tpu.memory_space<vmem>>) target_semaphore(%run_scoped3A : memref<!tpu.dma_semaphore, #tpu.memory_space<semaphore_mem>>)
      %dma_wait3A = tpu.memref_slice %arg8[%add3A_110] : memref<10240xf32, #tpu.memory_space<vmem_shared>> -> memref<128xf32, #tpu.memory_space<vmem_shared>>
      %dma_wait3A_130 = tpu.memref_slice %arg8[%add3A_110] : memref<10240xf32, #tpu.memory_space<vmem_shared>> -> memref<128xf32, #tpu.memory_space<vmem_shared>>
      tpu.wait_dma2 semaphore(%run_scoped3A : memref<!tpu.dma_semaphore, #tpu.memory_space<semaphore_mem>>) src(%dma_wait3A_130 : memref<128xf32, #tpu.memory_space<vmem_shared>>) dst(%arg7 : memref<128xf32, #tpu.memory_space<vmem>>)
      tpu.yield
    }) : () -> ()
    %add3A_111 = arith.constant 0 : i32
    %add3A_112 = arith.addi %mul3A_94, %add3A_111 : i32
    "tpu.region"() ({
      %run_scoped3A = tpu.sem_alloc : memref<!tpu.dma_semaphore, #tpu.memory_space<semaphore_mem>>
      %dma_start3A = tpu.memref_slice %arg3[%arg0, %add3A_112] : memref<2x10240xf32, #tpu.memory_space<hbm>> -> memref<1x128xf32, #tpu.memory_space<hbm>>
      %dma_start3A_129 = tpu.memref_squeeze %dma_start3A : memref<1x128xf32, #tpu.memory_space<hbm>> -> memref<128xf32, #tpu.memory_space<hbm>>
      %dma_start3A_130 = tpu.memref_slice %arg3[%arg0, %add3A_112] : memref<2x10240xf32, #tpu.memory_space<hbm>> -> memref<1x128xf32, #tpu.memory_space<hbm>>
      %dma_start3A_131 = tpu.memref_squeeze %dma_start3A_130 : memref<1x128xf32, #tpu.memory_space<hbm>> -> memref<128xf32, #tpu.memory_space<hbm>>
      tpu.enqueue_dma source(%arg7 : memref<128xf32, #tpu.memory_space<vmem>>) target(%dma_start3A_131 : memref<128xf32, #tpu.memory_space<hbm>>) target_semaphore(%run_scoped3A : memref<!tpu.dma_semaphore, #tpu.memory_space<semaphore_mem>>)
      %dma_wait3A = tpu.memref_slice %arg3[%arg0, %add3A_112] : memref<2x10240xf32, #tpu.memory_space<hbm>> -> memref<1x128xf32, #tpu.memory_space<hbm>>
      %dma_wait3A_132 = tpu.memref_squeeze %dma_wait3A : memref<1x128xf32, #tpu.memory_space<hbm>> -> memref<128xf32, #tpu.memory_space<hbm>>
      %dma_wait3A_133 = tpu.memref_slice %arg3[%arg0, %add3A_112] : memref<2x10240xf32, #tpu.memory_space<hbm>> -> memref<1x128xf32, #tpu.memory_space<hbm>>
      %dma_wait3A_134 = tpu.memref_squeeze %dma_wait3A_133 : memref<1x128xf32, #tpu.memory_space<hbm>> -> memref<128xf32, #tpu.memory_space<hbm>>
      tpu.wait_dma2 semaphore(%run_scoped3A : memref<!tpu.dma_semaphore, #tpu.memory_space<semaphore_mem>>) src(%arg7 : memref<128xf32, #tpu.memory_space<vmem>>) dst(%dma_wait3A_134 : memref<128xf32, #tpu.memory_space<hbm>>)
      tpu.yield
    }) : () -> ()
    %add3A_113 = arith.constant 128 : i32
    %add3A_114 = arith.addi %mul3A_94, %add3A_113 : i32
    "tpu.region"() ({
      %run_scoped3A = tpu.sem_alloc : memref<!tpu.dma_semaphore, #tpu.memory_space<semaphore_mem>>
      %dma_start3A = tpu.memref_slice %arg8[%add3A_114] : memref<10240xf32, #tpu.memory_space<vmem_shared>> -> memref<128xf32, #tpu.memory_space<vmem_shared>>
      %dma_start3A_129 = tpu.memref_slice %arg8[%add3A_114] : memref<10240xf32, #tpu.memory_space<vmem_shared>> -> memref<128xf32, #tpu.memory_space<vmem_shared>>
      tpu.enqueue_dma source(%dma_start3A_129 : memref<128xf32, #tpu.memory_space<vmem_shared>>) target(%arg7 : memref<128xf32, #tpu.memory_space<vmem>>) target_semaphore(%run_scoped3A : memref<!tpu.dma_semaphore, #tpu.memory_space<semaphore_mem>>)
      %dma_wait3A = tpu.memref_slice %arg8[%add3A_114] : memref<10240xf32, #tpu.memory_space<vmem_shared>> -> memref<128xf32, #tpu.memory_space<vmem_shared>>
      %dma_wait3A_130 = tpu.memref_slice %arg8[%add3A_114] : memref<10240xf32, #tpu.memory_space<vmem_shared>> -> memref<128xf32, #tpu.memory_space<vmem_shared>>
      tpu.wait_dma2 semaphore(%run_scoped3A : memref<!tpu.dma_semaphore, #tpu.memory_space<semaphore_mem>>) src(%dma_wait3A_130 : memref<128xf32, #tpu.memory_space<vmem_shared>>) dst(%arg7 : memref<128xf32, #tpu.memory_space<vmem>>)
      tpu.yield
    }) : () -> ()
    %add3A_115 = arith.constant 128 : i32
    %add3A_116 = arith.addi %mul3A_94, %add3A_115 : i32
    "tpu.region"() ({
      %run_scoped3A = tpu.sem_alloc : memref<!tpu.dma_semaphore, #tpu.memory_space<semaphore_mem>>
      %dma_start3A = tpu.memref_slice %arg3[%arg0, %add3A_116] : memref<2x10240xf32, #tpu.memory_space<hbm>> -> memref<1x128xf32, #tpu.memory_space<hbm>>
      %dma_start3A_129 = tpu.memref_squeeze %dma_start3A : memref<1x128xf32, #tpu.memory_space<hbm>> -> memref<128xf32, #tpu.memory_space<hbm>>
      %dma_start3A_130 = tpu.memref_slice %arg3[%arg0, %add3A_116] : memref<2x10240xf32, #tpu.memory_space<hbm>> -> memref<1x128xf32, #tpu.memory_space<hbm>>
      %dma_start3A_131 = tpu.memref_squeeze %dma_start3A_130 : memref<1x128xf32, #tpu.memory_space<hbm>> -> memref<128xf32, #tpu.memory_space<hbm>>
      tpu.enqueue_dma source(%arg7 : memref<128xf32, #tpu.memory_space<vmem>>) target(%dma_start3A_131 : memref<128xf32, #tpu.memory_space<hbm>>) target_semaphore(%run_scoped3A : memref<!tpu.dma_semaphore, #tpu.memory_space<semaphore_mem>>)
      %dma_wait3A = tpu.memref_slice %arg3[%arg0, %add3A_116] : memref<2x10240xf32, #tpu.memory_space<hbm>> -> memref<1x128xf32, #tpu.memory_space<hbm>>
      %dma_wait3A_132 = tpu.memref_squeeze %dma_wait3A : memref<1x128xf32, #tpu.memory_space<hbm>> -> memref<128xf32, #tpu.memory_space<hbm>>
      %dma_wait3A_133 = tpu.memref_slice %arg3[%arg0, %add3A_116] : memref<2x10240xf32, #tpu.memory_space<hbm>> -> memref<1x128xf32, #tpu.memory_space<hbm>>
      %dma_wait3A_134 = tpu.memref_squeeze %dma_wait3A_133 : memref<1x128xf32, #tpu.memory_space<hbm>> -> memref<128xf32, #tpu.memory_space<hbm>>
      tpu.wait_dma2 semaphore(%run_scoped3A : memref<!tpu.dma_semaphore, #tpu.memory_space<semaphore_mem>>) src(%arg7 : memref<128xf32, #tpu.memory_space<vmem>>) dst(%dma_wait3A_134 : memref<128xf32, #tpu.memory_space<hbm>>)
      tpu.yield
    }) : () -> ()
    %add3A_117 = arith.constant 256 : i32
    %add3A_118 = arith.addi %mul3A_94, %add3A_117 : i32
    "tpu.region"() ({
      %run_scoped3A = tpu.sem_alloc : memref<!tpu.dma_semaphore, #tpu.memory_space<semaphore_mem>>
      %dma_start3A = tpu.memref_slice %arg8[%add3A_118] : memref<10240xf32, #tpu.memory_space<vmem_shared>> -> memref<128xf32, #tpu.memory_space<vmem_shared>>
      %dma_start3A_129 = tpu.memref_slice %arg8[%add3A_118] : memref<10240xf32, #tpu.memory_space<vmem_shared>> -> memref<128xf32, #tpu.memory_space<vmem_shared>>
      tpu.enqueue_dma source(%dma_start3A_129 : memref<128xf32, #tpu.memory_space<vmem_shared>>) target(%arg7 : memref<128xf32, #tpu.memory_space<vmem>>) target_semaphore(%run_scoped3A : memref<!tpu.dma_semaphore, #tpu.memory_space<semaphore_mem>>)
      %dma_wait3A = tpu.memref_slice %arg8[%add3A_118] : memref<10240xf32, #tpu.memory_space<vmem_shared>> -> memref<128xf32, #tpu.memory_space<vmem_shared>>
      %dma_wait3A_130 = tpu.memref_slice %arg8[%add3A_118] : memref<10240xf32, #tpu.memory_space<vmem_shared>> -> memref<128xf32, #tpu.memory_space<vmem_shared>>
      tpu.wait_dma2 semaphore(%run_scoped3A : memref<!tpu.dma_semaphore, #tpu.memory_space<semaphore_mem>>) src(%dma_wait3A_130 : memref<128xf32, #tpu.memory_space<vmem_shared>>) dst(%arg7 : memref<128xf32, #tpu.memory_space<vmem>>)
      tpu.yield
    }) : () -> ()
    %add3A_119 = arith.constant 256 : i32
    %add3A_120 = arith.addi %mul3A_94, %add3A_119 : i32
    "tpu.region"() ({
      %run_scoped3A = tpu.sem_alloc : memref<!tpu.dma_semaphore, #tpu.memory_space<semaphore_mem>>
      %dma_start3A = tpu.memref_slice %arg3[%arg0, %add3A_120] : memref<2x10240xf32, #tpu.memory_space<hbm>> -> memref<1x128xf32, #tpu.memory_space<hbm>>
      %dma_start3A_129 = tpu.memref_squeeze %dma_start3A : memref<1x128xf32, #tpu.memory_space<hbm>> -> memref<128xf32, #tpu.memory_space<hbm>>
      %dma_start3A_130 = tpu.memref_slice %arg3[%arg0, %add3A_120] : memref<2x10240xf32, #tpu.memory_space<hbm>> -> memref<1x128xf32, #tpu.memory_space<hbm>>
      %dma_start3A_131 = tpu.memref_squeeze %dma_start3A_130 : memref<1x128xf32, #tpu.memory_space<hbm>> -> memref<128xf32, #tpu.memory_space<hbm>>
      tpu.enqueue_dma source(%arg7 : memref<128xf32, #tpu.memory_space<vmem>>) target(%dma_start3A_131 : memref<128xf32, #tpu.memory_space<hbm>>) target_semaphore(%run_scoped3A : memref<!tpu.dma_semaphore, #tpu.memory_space<semaphore_mem>>)
      %dma_wait3A = tpu.memref_slice %arg3[%arg0, %add3A_120] : memref<2x10240xf32, #tpu.memory_space<hbm>> -> memref<1x128xf32, #tpu.memory_space<hbm>>
      %dma_wait3A_132 = tpu.memref_squeeze %dma_wait3A : memref<1x128xf32, #tpu.memory_space<hbm>> -> memref<128xf32, #tpu.memory_space<hbm>>
      %dma_wait3A_133 = tpu.memref_slice %arg3[%arg0, %add3A_120] : memref<2x10240xf32, #tpu.memory_space<hbm>> -> memref<1x128xf32, #tpu.memory_space<hbm>>
      %dma_wait3A_134 = tpu.memref_squeeze %dma_wait3A_133 : memref<1x128xf32, #tpu.memory_space<hbm>> -> memref<128xf32, #tpu.memory_space<hbm>>
      tpu.wait_dma2 semaphore(%run_scoped3A : memref<!tpu.dma_semaphore, #tpu.memory_space<semaphore_mem>>) src(%arg7 : memref<128xf32, #tpu.memory_space<vmem>>) dst(%dma_wait3A_134 : memref<128xf32, #tpu.memory_space<hbm>>)
      tpu.yield
    }) : () -> ()
    %add3A_121 = arith.constant 384 : i32
    %add3A_122 = arith.addi %mul3A_94, %add3A_121 : i32
    "tpu.region"() ({
      %run_scoped3A = tpu.sem_alloc : memref<!tpu.dma_semaphore, #tpu.memory_space<semaphore_mem>>
      %dma_start3A = tpu.memref_slice %arg8[%add3A_122] : memref<10240xf32, #tpu.memory_space<vmem_shared>> -> memref<128xf32, #tpu.memory_space<vmem_shared>>
      %dma_start3A_129 = tpu.memref_slice %arg8[%add3A_122] : memref<10240xf32, #tpu.memory_space<vmem_shared>> -> memref<128xf32, #tpu.memory_space<vmem_shared>>
      tpu.enqueue_dma source(%dma_start3A_129 : memref<128xf32, #tpu.memory_space<vmem_shared>>) target(%arg7 : memref<128xf32, #tpu.memory_space<vmem>>) target_semaphore(%run_scoped3A : memref<!tpu.dma_semaphore, #tpu.memory_space<semaphore_mem>>)
      %dma_wait3A = tpu.memref_slice %arg8[%add3A_122] : memref<10240xf32, #tpu.memory_space<vmem_shared>> -> memref<128xf32, #tpu.memory_space<vmem_shared>>
      %dma_wait3A_130 = tpu.memref_slice %arg8[%add3A_122] : memref<10240xf32, #tpu.memory_space<vmem_shared>> -> memref<128xf32, #tpu.memory_space<vmem_shared>>
      tpu.wait_dma2 semaphore(%run_scoped3A : memref<!tpu.dma_semaphore, #tpu.memory_space<semaphore_mem>>) src(%dma_wait3A_130 : memref<128xf32, #tpu.memory_space<vmem_shared>>) dst(%arg7 : memref<128xf32, #tpu.memory_space<vmem>>)
      tpu.yield
    }) : () -> ()
    %add3A_123 = arith.constant 384 : i32
    %add3A_124 = arith.addi %mul3A_94, %add3A_123 : i32
    "tpu.region"() ({
      %run_scoped3A = tpu.sem_alloc : memref<!tpu.dma_semaphore, #tpu.memory_space<semaphore_mem>>
      %dma_start3A = tpu.memref_slice %arg3[%arg0, %add3A_124] : memref<2x10240xf32, #tpu.memory_space<hbm>> -> memref<1x128xf32, #tpu.memory_space<hbm>>
      %dma_start3A_129 = tpu.memref_squeeze %dma_start3A : memref<1x128xf32, #tpu.memory_space<hbm>> -> memref<128xf32, #tpu.memory_space<hbm>>
      %dma_start3A_130 = tpu.memref_slice %arg3[%arg0, %add3A_124] : memref<2x10240xf32, #tpu.memory_space<hbm>> -> memref<1x128xf32, #tpu.memory_space<hbm>>
      %dma_start3A_131 = tpu.memref_squeeze %dma_start3A_130 : memref<1x128xf32, #tpu.memory_space<hbm>> -> memref<128xf32, #tpu.memory_space<hbm>>
      tpu.enqueue_dma source(%arg7 : memref<128xf32, #tpu.memory_space<vmem>>) target(%dma_start3A_131 : memref<128xf32, #tpu.memory_space<hbm>>) target_semaphore(%run_scoped3A : memref<!tpu.dma_semaphore, #tpu.memory_space<semaphore_mem>>)
      %dma_wait3A = tpu.memref_slice %arg3[%arg0, %add3A_124] : memref<2x10240xf32, #tpu.memory_space<hbm>> -> memref<1x128xf32, #tpu.memory_space<hbm>>
      %dma_wait3A_132 = tpu.memref_squeeze %dma_wait3A : memref<1x128xf32, #tpu.memory_space<hbm>> -> memref<128xf32, #tpu.memory_space<hbm>>
      %dma_wait3A_133 = tpu.memref_slice %arg3[%arg0, %add3A_124] : memref<2x10240xf32, #tpu.memory_space<hbm>> -> memref<1x128xf32, #tpu.memory_space<hbm>>
      %dma_wait3A_134 = tpu.memref_squeeze %dma_wait3A_133 : memref<1x128xf32, #tpu.memory_space<hbm>> -> memref<128xf32, #tpu.memory_space<hbm>>
      tpu.wait_dma2 semaphore(%run_scoped3A : memref<!tpu.dma_semaphore, #tpu.memory_space<semaphore_mem>>) src(%arg7 : memref<128xf32, #tpu.memory_space<vmem>>) dst(%dma_wait3A_134 : memref<128xf32, #tpu.memory_space<hbm>>)
      tpu.yield
    }) : () -> ()
    %add3A_125 = arith.constant 512 : i32
    %add3A_126 = arith.addi %mul3A_94, %add3A_125 : i32
    "tpu.region"() ({
      %run_scoped3A = tpu.sem_alloc : memref<!tpu.dma_semaphore, #tpu.memory_space<semaphore_mem>>
      %dma_start3A = tpu.memref_slice %arg8[%add3A_126] : memref<10240xf32, #tpu.memory_space<vmem_shared>> -> memref<128xf32, #tpu.memory_space<vmem_shared>>
      %dma_start3A_129 = tpu.memref_slice %arg8[%add3A_126] : memref<10240xf32, #tpu.memory_space<vmem_shared>> -> memref<128xf32, #tpu.memory_space<vmem_shared>>
      tpu.enqueue_dma source(%dma_start3A_129 : memref<128xf32, #tpu.memory_space<vmem_shared>>) target(%arg7 : memref<128xf32, #tpu.memory_space<vmem>>) target_semaphore(%run_scoped3A : memref<!tpu.dma_semaphore, #tpu.memory_space<semaphore_mem>>)
      %dma_wait3A = tpu.memref_slice %arg8[%add3A_126] : memref<10240xf32, #tpu.memory_space<vmem_shared>> -> memref<128xf32, #tpu.memory_space<vmem_shared>>
      %dma_wait3A_130 = tpu.memref_slice %arg8[%add3A_126] : memref<10240xf32, #tpu.memory_space<vmem_shared>> -> memref<128xf32, #tpu.memory_space<vmem_shared>>
      tpu.wait_dma2 semaphore(%run_scoped3A : memref<!tpu.dma_semaphore, #tpu.memory_space<semaphore_mem>>) src(%dma_wait3A_130 : memref<128xf32, #tpu.memory_space<vmem_shared>>) dst(%arg7 : memref<128xf32, #tpu.memory_space<vmem>>)
      tpu.yield
    }) : () -> ()
    %add3A_127 = arith.constant 512 : i32
    %add3A_128 = arith.addi %mul3A_94, %add3A_127 : i32
    "tpu.region"() ({
      %run_scoped3A = tpu.sem_alloc : memref<!tpu.dma_semaphore, #tpu.memory_space<semaphore_mem>>
      %dma_start3A = tpu.memref_slice %arg3[%arg0, %add3A_128] : memref<2x10240xf32, #tpu.memory_space<hbm>> -> memref<1x128xf32, #tpu.memory_space<hbm>>
      %dma_start3A_129 = tpu.memref_squeeze %dma_start3A : memref<1x128xf32, #tpu.memory_space<hbm>> -> memref<128xf32, #tpu.memory_space<hbm>>
      %dma_start3A_130 = tpu.memref_slice %arg3[%arg0, %add3A_128] : memref<2x10240xf32, #tpu.memory_space<hbm>> -> memref<1x128xf32, #tpu.memory_space<hbm>>
      %dma_start3A_131 = tpu.memref_squeeze %dma_start3A_130 : memref<1x128xf32, #tpu.memory_space<hbm>> -> memref<128xf32, #tpu.memory_space<hbm>>
      tpu.enqueue_dma source(%arg7 : memref<128xf32, #tpu.memory_space<vmem>>) target(%dma_start3A_131 : memref<128xf32, #tpu.memory_space<hbm>>) target_semaphore(%run_scoped3A : memref<!tpu.dma_semaphore, #tpu.memory_space<semaphore_mem>>)
      %dma_wait3A = tpu.memref_slice %arg3[%arg0, %add3A_128] : memref<2x10240xf32, #tpu.memory_space<hbm>> -> memref<1x128xf32, #tpu.memory_space<hbm>>
      %dma_wait3A_132 = tpu.memref_squeeze %dma_wait3A : memref<1x128xf32, #tpu.memory_space<hbm>> -> memref<128xf32, #tpu.memory_space<hbm>>
      %dma_wait3A_133 = tpu.memref_slice %arg3[%arg0, %add3A_128] : memref<2x10240xf32, #tpu.memory_space<hbm>> -> memref<1x128xf32, #tpu.memory_space<hbm>>
      %dma_wait3A_134 = tpu.memref_squeeze %dma_wait3A_133 : memref<1x128xf32, #tpu.memory_space<hbm>> -> memref<128xf32, #tpu.memory_space<hbm>>
      tpu.wait_dma2 semaphore(%run_scoped3A : memref<!tpu.dma_semaphore, #tpu.memory_space<semaphore_mem>>) src(%arg7 : memref<128xf32, #tpu.memory_space<vmem>>) dst(%dma_wait3A_134 : memref<128xf32, #tpu.memory_space<hbm>>)
      tpu.yield
    }) : () -> ()
    return
  }
}

module attributes {stable_mosaic.version = 14 : i64} {
  func.func @_pre_body(%arg0: i32, %arg1: memref<1000x128xf32, #tpu.memory_space<vmem>>, %arg2: memref<128x128xf32, #tpu.memory_space<vmem>>, %arg3: memref<1x128xf32, #tpu.memory_space<vmem>>, %arg4: memref<1000x2xf32, #tpu.memory_space<vmem>>, %arg5: memref<2x1000x128xf32, #tpu.memory_space<vmem>>, %arg6: memref<1000x1xf32, #tpu.memory_space<vmem>>, %arg7: memref<1000x1xf32, #tpu.memory_space<vmem>>) attributes {dimension_semantics = [#tpu.dimension_semantics<arbitrary>], iteration_bounds = array<i64: 10>, scalar_prefetch = 0 : i64, scratch_operands = 0 : i64, tpu.core_type = #tpu.core_type<tc>, window_params = [{transform_indices = @transform_0, window_bounds = array<i64: 1000, 128>}, {pipeline_mode = #tpu.pipeline_mode<synchronous>, transform_indices = @transform_1, window_bounds = array<i64: 128, 128>}, {pipeline_mode = #tpu.pipeline_mode<synchronous>, transform_indices = @transform_2, window_bounds = array<i64: 1, 128>}, {transform_indices = @transform_3, window_bounds = array<i64: 1000, 2>}, {transform_indices = @transform_4, window_bounds = array<i64: 2, 1000, 128>}, {transform_indices = @transform_5, window_bounds = array<i64: 1000, 1>}, {transform_indices = @transform_6, window_bounds = array<i64: 1000, 1>}]} {
    %get3A = arith.constant 0 : index
    %get3A_0 = arith.constant 0 : index
    %get3A_1 = vector.load %arg4[%get3A, %get3A_0] : memref<1000x2xf32, #tpu.memory_space<vmem>>, vector<1000x1xf32>
    %get3A_2 = arith.constant 0 : index
    %get3A_3 = arith.constant 1 : index
    %get3A_4 = vector.load %arg4[%get3A_2, %get3A_3] : memref<1000x2xf32, #tpu.memory_space<vmem>>, vector<1000x1xf32>
    %add3A = arith.addf %get3A_1, %get3A_4 : vector<1000x1xf32>
    %max3A = arith.constant 1.000000e+00 : f32
    %max3A_5 = vector.broadcast %max3A : f32 to vector<1000x1xf32>
    %max3A_6 = arith.maximumf %add3A, %max3A_5 : vector<1000x1xf32>
    %rsqrt3A = math.rsqrt %max3A_6 : vector<1000x1xf32>
    %get3A_7 = arith.constant 0 : index
    %get3A_8 = arith.constant 0 : index
    %get3A_9 = vector.load %arg1[%get3A_7, %get3A_8] : memref<1000x128xf32, #tpu.memory_space<vmem>>, vector<1000x128xf32>
    %get3A_10 = arith.constant 0 : index
    %get3A_11 = arith.constant 0 : index
    %get3A_12 = vector.load %arg2[%get3A_10, %get3A_11] : memref<128x128xf32, #tpu.memory_space<vmem>>, vector<128x128xf32>
    %dot_general3A = arith.constant dense<0.000000e+00> : vector<1000x128xf32>
    %dot_general3A_13 = tpu.matmul %get3A_9, %get3A_12, %dot_general3A {dimension_numbers = #tpu.dot_dimension_numbers<[1], [0], [0], [1], [0, 0, 1, 1], [], []>, transpose_lhs_hint = false} : vector<1000x128xf32>, vector<128x128xf32>, vector<1000x128xf32> -> vector<1000x128xf32>
    %get3A_14 = arith.constant 0 : index
    %get3A_15 = arith.constant 0 : index
    %get3A_16 = vector.load %arg3[%get3A_14, %get3A_15] : memref<1x128xf32, #tpu.memory_space<vmem>>, vector<1x128xf32>
    %add3A_17 = vector.broadcast %get3A_16 : vector<1x128xf32> to vector<1000x128xf32>
    %add3A_18 = arith.addf %dot_general3A_13, %add3A_17 : vector<1000x128xf32>
    %mul3A = vector.broadcast %rsqrt3A : vector<1000x1xf32> to vector<1000x128xf32>
    %mul3A_19 = arith.mulf %add3A_18, %mul3A : vector<1000x128xf32>
    %swap3A = arith.constant 0 : index
    %swap3A_20 = arith.constant 0 : index
    %swap3A_21 = arith.constant 0 : index
    %swap3A_22 = vector.load %arg5[%swap3A, %swap3A_20, %swap3A_21] : memref<2x1000x128xf32, #tpu.memory_space<vmem>>, vector<1x1000x128xf32>
    %swap3A_23 = vector.shape_cast %swap3A_22 : vector<1x1000x128xf32> to vector<1000x128xf32>
    %swap3A_24 = vector.shape_cast %mul3A_19 : vector<1000x128xf32> to vector<1x1000x128xf32>
    tpu.vector_store %arg5[%swap3A, %swap3A_20, %swap3A_21], %swap3A_24 {strides = array<i32>} : memref<2x1000x128xf32, #tpu.memory_space<vmem>>, vector<1x1000x128xf32>,
    %swap3A_25 = arith.constant 1 : index
    %swap3A_26 = arith.constant 0 : index
    %swap3A_27 = arith.constant 0 : index
    %swap3A_28 = vector.load %arg5[%swap3A_25, %swap3A_26, %swap3A_27] : memref<2x1000x128xf32, #tpu.memory_space<vmem>>, vector<1x1000x128xf32>
    %swap3A_29 = vector.shape_cast %swap3A_28 : vector<1x1000x128xf32> to vector<1000x128xf32>
    %swap3A_30 = vector.shape_cast %add3A_18 : vector<1000x128xf32> to vector<1x1000x128xf32>
    tpu.vector_store %arg5[%swap3A_25, %swap3A_26, %swap3A_27], %swap3A_30 {strides = array<i32>} : memref<2x1000x128xf32, #tpu.memory_space<vmem>>, vector<1x1000x128xf32>,
    %swap3A_31 = arith.constant 0 : index
    %swap3A_32 = arith.constant 0 : index
    %swap3A_33 = vector.load %arg6[%swap3A_31, %swap3A_32] : memref<1000x1xf32, #tpu.memory_space<vmem>>, vector<1000x1xf32>
    tpu.vector_store %arg6[%swap3A_31, %swap3A_32], %rsqrt3A {strides = array<i32>} : memref<1000x1xf32, #tpu.memory_space<vmem>>, vector<1000x1xf32>,
    %div3A = arith.constant 1.000000e+00 : f32
    %div3A_34 = vector.broadcast %div3A : f32 to vector<1000x1xf32>
    %div3A_35 = arith.divf %div3A_34, %max3A_6 : vector<1000x1xf32>
    %swap3A_36 = arith.constant 0 : index
    %swap3A_37 = arith.constant 0 : index
    %swap3A_38 = vector.load %arg7[%swap3A_36, %swap3A_37] : memref<1000x1xf32, #tpu.memory_space<vmem>>, vector<1000x1xf32>
    tpu.vector_store %arg7[%swap3A_36, %swap3A_37], %div3A_35 {strides = array<i32>} : memref<1000x1xf32, #tpu.memory_space<vmem>>, vector<1000x1xf32>,
    return
  }
  func.func @transform_0(%arg0: i32) -> (i32, i32) {
    %c0_i32 = arith.constant 0 : i32
    %c0_i32_0 = arith.constant 0 : i32
    return %arg0, %c0_i32 : i32, i32
  }
  func.func @transform_1(%arg0: i32) -> (i32, i32) {
    %c0_i32 = arith.constant 0 : i32
    %c0_i32_0 = arith.constant 0 : i32
    %c0_i32_1 = arith.constant 0 : i32
    return %c0_i32, %c0_i32_0 : i32, i32
  }
  func.func @transform_2(%arg0: i32) -> (i32, i32) {
    %c0_i32 = arith.constant 0 : i32
    %c0_i32_0 = arith.constant 0 : i32
    %c0_i32_1 = arith.constant 0 : i32
    return %c0_i32, %c0_i32_0 : i32, i32
  }
  func.func @transform_3(%arg0: i32) -> (i32, i32) {
    %c0_i32 = arith.constant 0 : i32
    %c0_i32_0 = arith.constant 0 : i32
    return %arg0, %c0_i32 : i32, i32
  }
  func.func @transform_4(%arg0: i32) -> (i32, i32, i32) {
    %c0_i32 = arith.constant 0 : i32
    %c0_i32_0 = arith.constant 0 : i32
    %c0_i32_1 = arith.constant 0 : i32
    return %c0_i32, %arg0, %c0_i32_0 : i32, i32, i32
  }
  func.func @transform_5(%arg0: i32) -> (i32, i32) {
    %c0_i32 = arith.constant 0 : i32
    %c0_i32_0 = arith.constant 0 : i32
    return %arg0, %c0_i32 : i32, i32
  }
  func.func @transform_6(%arg0: i32) -> (i32, i32) {
    %c0_i32 = arith.constant 0 : i32
    %c0_i32_0 = arith.constant 0 : i32
    return %arg0, %c0_i32 : i32, i32
  }
}

module attributes {stable_mosaic.version = 14 : i64} {
  func.func @_mix_body(%arg0: i32, %arg1: memref<2x1000x128xf32, #tpu.memory_space<vmem>>, %arg2: memref<1x1000x128xf32, #tpu.memory_space<vmem>>, %arg3: memref<1000x1xf32, #tpu.memory_space<vmem>>, %arg4: memref<1000x1xf32, #tpu.memory_space<vmem>>, %arg5: memref<128x128xf32, #tpu.memory_space<vmem>>, %arg6: memref<1x128xf32, #tpu.memory_space<vmem>>, %arg7: memref<128x128xf32, #tpu.memory_space<vmem>>, %arg8: memref<128x128xf32, #tpu.memory_space<vmem>>, %arg9: memref<1x128xf32, #tpu.memory_space<vmem>>, %arg10: memref<1x2xf32, #tpu.memory_space<vmem>>, %arg11: memref<1000x128xf32, #tpu.memory_space<vmem>>, %arg12: memref<2x128xf32, #tpu.memory_space<vmem>>, %arg13: memref<2x128xf32, #tpu.memory_space<vmem>>) attributes {dimension_semantics = [#tpu.dimension_semantics<arbitrary>], iteration_bounds = array<i64: 10>, scalar_prefetch = 0 : i64, scratch_operands = 1 : i64, tpu.core_type = #tpu.core_type<tc>, window_params = [{transform_indices = @transform_0, window_bounds = array<i64: 2, 1000, 128>}, {transform_indices = @transform_1, window_bounds = array<i64: 1, 1000, 128>}, {transform_indices = @transform_2, window_bounds = array<i64: 1000, 1>}, {transform_indices = @transform_3, window_bounds = array<i64: 1000, 1>}, {pipeline_mode = #tpu.pipeline_mode<synchronous>, transform_indices = @transform_4, window_bounds = array<i64: 128, 128>}, {pipeline_mode = #tpu.pipeline_mode<synchronous>, transform_indices = @transform_5, window_bounds = array<i64: 1, 128>}, {pipeline_mode = #tpu.pipeline_mode<synchronous>, transform_indices = @transform_6, window_bounds = array<i64: 128, 128>}, {pipeline_mode = #tpu.pipeline_mode<synchronous>, transform_indices = @transform_7, window_bounds = array<i64: 128, 128>}, {pipeline_mode = #tpu.pipeline_mode<synchronous>, transform_indices = @transform_8, window_bounds = array<i64: 1, 128>}, {pipeline_mode = #tpu.pipeline_mode<synchronous>, transform_indices = @transform_9, window_bounds = array<i64: 1, 2>}, {transform_indices = @transform_10, window_bounds = array<i64: 1000, 128>}, {pipeline_mode = #tpu.pipeline_mode<synchronous>, transform_indices = @transform_11, window_bounds = array<i64: 2, 128>}]} {
    %get3A = arith.constant 0 : index
    %get3A_0 = arith.constant 0 : index
    %get3A_1 = vector.load %arg10[%get3A, %get3A_0] : memref<1x2xf32, #tpu.memory_space<vmem>>, vector<1x2xf32>
    %reduce_max3A = arith.constant dense<0xFF800000> : vector<1xf32>
    %reduce_max3A_2 = vector.multi_reduction <maximumf>, %get3A_1, %reduce_max3A [1] : vector<1x2xf32> to vector<1xf32>
    %broadcast_in_dim3A = vector.shape_cast %reduce_max3A_2 : vector<1xf32> to vector<1x1xf32>
    %sub3A = vector.broadcast %broadcast_in_dim3A : vector<1x1xf32> to vector<1x2xf32>
    %sub3A_3 = arith.subf %get3A_1, %sub3A : vector<1x2xf32>
    %exp3A = math.exp %sub3A_3 : vector<1x2xf32>
    %reduce_sum3A = arith.constant dense<0.000000e+00> : vector<1xf32>
    %reduce_sum3A_4 = vector.multi_reduction <add>, %exp3A, %reduce_sum3A [1] : vector<1x2xf32> to vector<1xf32>
    %broadcast_in_dim3A_5 = vector.shape_cast %reduce_sum3A_4 : vector<1xf32> to vector<1x1xf32>
    %div3A = vector.broadcast %broadcast_in_dim3A_5 : vector<1x1xf32> to vector<1x2xf32>
    %div3A_6 = arith.divf %exp3A, %div3A : vector<1x2xf32>
    %slice3A = vector.extract_strided_slice %div3A_6 {offsets = [0, 0], sizes = [1, 1], strides = [1, 1]} : vector<1x2xf32> to vector<1x1xf32>
    %slice3A_7 = vector.extract_strided_slice %div3A_6 {offsets = [0, 1], sizes = [1, 1], strides = [1, 1]} : vector<1x2xf32> to vector<1x1xf32>
    %get3A_8 = arith.constant 0 : index
    %get3A_9 = arith.constant 0 : index
    %get3A_10 = arith.constant 0 : index
    %get3A_11 = vector.load %arg1[%get3A_8, %get3A_9, %get3A_10] : memref<2x1000x128xf32, #tpu.memory_space<vmem>>, vector<1x1000x128xf32>
    %get3A_12 = vector.shape_cast %get3A_11 : vector<1x1000x128xf32> to vector<1000x128xf32>
    %get3A_13 = arith.constant 1 : index
    %get3A_14 = arith.constant 0 : index
    %get3A_15 = arith.constant 0 : index
    %get3A_16 = vector.load %arg1[%get3A_13, %get3A_14, %get3A_15] : memref<2x1000x128xf32, #tpu.memory_space<vmem>>, vector<1x1000x128xf32>
    %get3A_17 = vector.shape_cast %get3A_16 : vector<1x1000x128xf32> to vector<1000x128xf32>
    %get3A_18 = arith.constant 0 : index
    %get3A_19 = arith.constant 0 : index
    %get3A_20 = arith.constant 0 : index
    %get3A_21 = vector.load %arg2[%get3A_18, %get3A_19, %get3A_20] : memref<1x1000x128xf32, #tpu.memory_space<vmem>>, vector<1x1000x128xf32>
    %get3A_22 = vector.shape_cast %get3A_21 : vector<1x1000x128xf32> to vector<1000x128xf32>
    %get3A_23 = arith.constant 0 : index
    %get3A_24 = arith.constant 0 : index
    %get3A_25 = vector.load %arg3[%get3A_23, %get3A_24] : memref<1000x1xf32, #tpu.memory_space<vmem>>, vector<1000x1xf32>
    %get3A_26 = arith.constant 0 : index
    %get3A_27 = arith.constant 0 : index
    %get3A_28 = vector.load %arg5[%get3A_26, %get3A_27] : memref<128x128xf32, #tpu.memory_space<vmem>>, vector<128x128xf32>
    %dot_general3A = arith.constant dense<0.000000e+00> : vector<1000x128xf32>
    %dot_general3A_29 = tpu.matmul %get3A_12, %get3A_28, %dot_general3A {dimension_numbers = #tpu.dot_dimension_numbers<[1], [0], [0], [1], [0, 0, 1, 1], [], []>, transpose_lhs_hint = false} : vector<1000x128xf32>, vector<128x128xf32>, vector<1000x128xf32> -> vector<1000x128xf32>
    %mul3A = vector.broadcast %get3A_25 : vector<1000x1xf32> to vector<1000x128xf32>
    %mul3A_30 = arith.mulf %mul3A, %dot_general3A_29 : vector<1000x128xf32>
    %get3A_31 = arith.constant 0 : index
    %get3A_32 = arith.constant 0 : index
    %get3A_33 = vector.load %arg6[%get3A_31, %get3A_32] : memref<1x128xf32, #tpu.memory_space<vmem>>, vector<1x128xf32>
    %add3A = vector.broadcast %get3A_33 : vector<1x128xf32> to vector<1000x128xf32>
    %add3A_34 = arith.addf %mul3A_30, %add3A : vector<1000x128xf32>
    %get3A_35 = arith.constant 0 : index
    %get3A_36 = arith.constant 0 : index
    %get3A_37 = vector.load %arg7[%get3A_35, %get3A_36] : memref<128x128xf32, #tpu.memory_space<vmem>>, vector<128x128xf32>
    %dot_general3A_38 = arith.constant dense<0.000000e+00> : vector<1000x128xf32>
    %dot_general3A_39 = tpu.matmul %get3A_22, %get3A_37, %dot_general3A_38 {dimension_numbers = #tpu.dot_dimension_numbers<[1], [0], [0], [1], [0, 0, 1, 1], [], []>, transpose_lhs_hint = false} : vector<1000x128xf32>, vector<128x128xf32>, vector<1000x128xf32> -> vector<1000x128xf32>
    %get3A_40 = arith.constant 0 : index
    %get3A_41 = arith.constant 0 : index
    %get3A_42 = vector.load %arg4[%get3A_40, %get3A_41] : memref<1000x1xf32, #tpu.memory_space<vmem>>, vector<1000x1xf32>
    %mul3A_43 = vector.broadcast %get3A_42 : vector<1000x1xf32> to vector<1000x128xf32>
    %mul3A_44 = arith.mulf %mul3A_43, %get3A_17 : vector<1000x128xf32>
    %get3A_45 = arith.constant 0 : index
    %get3A_46 = arith.constant 0 : index
    %get3A_47 = vector.load %arg8[%get3A_45, %get3A_46] : memref<128x128xf32, #tpu.memory_space<vmem>>, vector<128x128xf32>
    %dot_general3A_48 = arith.constant dense<0.000000e+00> : vector<1000x128xf32>
    %dot_general3A_49 = tpu.matmul %mul3A_44, %get3A_47, %dot_general3A_48 {dimension_numbers = #tpu.dot_dimension_numbers<[1], [0], [0], [1], [0, 0, 1, 1], [], []>, transpose_lhs_hint = false} : vector<1000x128xf32>, vector<128x128xf32>, vector<1000x128xf32> -> vector<1000x128xf32>
    %add3A_50 = arith.addf %dot_general3A_39, %dot_general3A_49 : vector<1000x128xf32>
    %get3A_51 = arith.constant 0 : index
    %get3A_52 = arith.constant 0 : index
    %get3A_53 = vector.load %arg9[%get3A_51, %get3A_52] : memref<1x128xf32, #tpu.memory_space<vmem>>, vector<1x128xf32>
    %add3A_54 = vector.broadcast %get3A_53 : vector<1x128xf32> to vector<1000x128xf32>
    %add3A_55 = arith.addf %add3A_50, %add3A_54 : vector<1000x128xf32>
    %mul3A_56 = vector.broadcast %slice3A : vector<1x1xf32> to vector<1000x128xf32>
    %mul3A_57 = arith.mulf %mul3A_56, %add3A_34 : vector<1000x128xf32>
    %mul3A_58 = vector.broadcast %slice3A_7 : vector<1x1xf32> to vector<1000x128xf32>
    %mul3A_59 = arith.mulf %mul3A_58, %add3A_55 : vector<1000x128xf32>
    %add3A_60 = arith.addf %mul3A_57, %mul3A_59 : vector<1000x128xf32>
    %swap3A = arith.constant 0 : index
    %swap3A_61 = arith.constant 0 : index
    %swap3A_62 = vector.load %arg11[%swap3A, %swap3A_61] : memref<1000x128xf32, #tpu.memory_space<vmem>>, vector<1000x128xf32>
    tpu.vector_store %arg11[%swap3A, %swap3A_61], %add3A_60 {strides = array<i32>} : memref<1000x128xf32, #tpu.memory_space<vmem>>, vector<1000x128xf32>,
    %eq3A = arith.constant 0 : i32
    %eq3A_63 = arith.cmpi eq, %arg0, %eq3A : i32
    %convert_element_type3A = arith.extui %eq3A_63 : i1 to i32
    %cond3A = arith.constant 0 : i32
    %cond3A_64 = arith.cmpi ne, %convert_element_type3A, %cond3A : i32
    scf.if %cond3A_64 {
      %broadcast_in_dim3A_92 = arith.constant 0.000000e+00 : f32
      %broadcast_in_dim3A_93 = vector.broadcast %broadcast_in_dim3A_92 : f32 to vector<2x128xf32>
      %swap3A_94 = arith.constant 0 : index
      %swap3A_95 = arith.constant 0 : index
      %swap3A_96 = vector.load %arg13[%swap3A_94, %swap3A_95] : memref<2x128xf32, #tpu.memory_space<vmem>>, vector<2x128xf32>
      tpu.vector_store %arg13[%swap3A_94, %swap3A_95], %broadcast_in_dim3A_93 {strides = array<i32>} : memref<2x128xf32, #tpu.memory_space<vmem>>, vector<2x128xf32>,
    } else {
    }
    %get3A_65 = arith.constant 0 : index
    %get3A_66 = arith.constant 0 : index
    %get3A_67 = vector.load %arg13[%get3A_65, %get3A_66] : memref<2x128xf32, #tpu.memory_space<vmem>>, vector<1x128xf32>
    %reduce_sum3A_68 = arith.constant dense<0.000000e+00> : vector<128xf32>
    %reduce_sum3A_69 = vector.multi_reduction <add>, %add3A_60, %reduce_sum3A_68 [0] : vector<1000x128xf32> to vector<128xf32>
    %broadcast_in_dim3A_70 = vector.shape_cast %reduce_sum3A_69 : vector<128xf32> to vector<1x128xf32>
    %add3A_71 = arith.addf %get3A_67, %broadcast_in_dim3A_70 : vector<1x128xf32>
    %swap3A_72 = arith.constant 0 : index
    %swap3A_73 = arith.constant 0 : index
    %swap3A_74 = vector.load %arg13[%swap3A_72, %swap3A_73] : memref<2x128xf32, #tpu.memory_space<vmem>>, vector<1x128xf32>
    tpu.vector_store %arg13[%swap3A_72, %swap3A_73], %add3A_71 {strides = array<i32>} : memref<2x128xf32, #tpu.memory_space<vmem>>, vector<1x128xf32>,
    %get3A_75 = arith.constant 1 : index
    %get3A_76 = arith.constant 0 : index
    %get3A_77 = vector.load %arg13[%get3A_75, %get3A_76] : memref<2x128xf32, #tpu.memory_space<vmem>>, vector<1x128xf32>
    %mul3A_78 = arith.mulf %add3A_60, %add3A_60 : vector<1000x128xf32>
    %reduce_sum3A_79 = arith.constant dense<0.000000e+00> : vector<128xf32>
    %reduce_sum3A_80 = vector.multi_reduction <add>, %mul3A_78, %reduce_sum3A_79 [0] : vector<1000x128xf32> to vector<128xf32>
    %broadcast_in_dim3A_81 = vector.shape_cast %reduce_sum3A_80 : vector<128xf32> to vector<1x128xf32>
    %add3A_82 = arith.addf %get3A_77, %broadcast_in_dim3A_81 : vector<1x128xf32>
    %swap3A_83 = arith.constant 1 : index
    %swap3A_84 = arith.constant 0 : index
    %swap3A_85 = vector.load %arg13[%swap3A_83, %swap3A_84] : memref<2x128xf32, #tpu.memory_space<vmem>>, vector<1x128xf32>
    tpu.vector_store %arg13[%swap3A_83, %swap3A_84], %add3A_82 {strides = array<i32>} : memref<2x128xf32, #tpu.memory_space<vmem>>, vector<1x128xf32>,
    %get3A_86 = arith.constant 0 : index
    %get3A_87 = arith.constant 0 : index
    %get3A_88 = vector.load %arg13[%get3A_86, %get3A_87] : memref<2x128xf32, #tpu.memory_space<vmem>>, vector<2x128xf32>
    %swap3A_89 = arith.constant 0 : index
    %swap3A_90 = arith.constant 0 : index
    %swap3A_91 = vector.load %arg12[%swap3A_89, %swap3A_90] : memref<2x128xf32, #tpu.memory_space<vmem>>, vector<2x128xf32>
    tpu.vector_store %arg12[%swap3A_89, %swap3A_90], %get3A_88 {strides = array<i32>} : memref<2x128xf32, #tpu.memory_space<vmem>>, vector<2x128xf32>,
    return
  }
  func.func @transform_0(%arg0: i32) -> (i32, i32, i32) {
    %c0_i32 = arith.constant 0 : i32
    %c0_i32_0 = arith.constant 0 : i32
    %c0_i32_1 = arith.constant 0 : i32
    return %c0_i32, %arg0, %c0_i32_0 : i32, i32, i32
  }
  func.func @transform_1(%arg0: i32) -> (i32, i32, i32) {
    %c1_i32 = arith.constant 1 : i32
    %c0_i32 = arith.constant 0 : i32
    %c0_i32_0 = arith.constant 0 : i32
    return %c1_i32, %arg0, %c0_i32 : i32, i32, i32
  }
  func.func @transform_2(%arg0: i32) -> (i32, i32) {
    %c0_i32 = arith.constant 0 : i32
    %c0_i32_0 = arith.constant 0 : i32
    return %arg0, %c0_i32 : i32, i32
  }
  func.func @transform_3(%arg0: i32) -> (i32, i32) {
    %c0_i32 = arith.constant 0 : i32
    %c0_i32_0 = arith.constant 0 : i32
    return %arg0, %c0_i32 : i32, i32
  }
  func.func @transform_4(%arg0: i32) -> (i32, i32) {
    %c0_i32 = arith.constant 0 : i32
    %c0_i32_0 = arith.constant 0 : i32
    %c0_i32_1 = arith.constant 0 : i32
    return %c0_i32, %c0_i32_0 : i32, i32
  }
  func.func @transform_5(%arg0: i32) -> (i32, i32) {
    %c0_i32 = arith.constant 0 : i32
    %c0_i32_0 = arith.constant 0 : i32
    %c0_i32_1 = arith.constant 0 : i32
    return %c0_i32, %c0_i32_0 : i32, i32
  }
  func.func @transform_6(%arg0: i32) -> (i32, i32) {
    %c0_i32 = arith.constant 0 : i32
    %c0_i32_0 = arith.constant 0 : i32
    %c0_i32_1 = arith.constant 0 : i32
    return %c0_i32, %c0_i32_0 : i32, i32
  }
  func.func @transform_7(%arg0: i32) -> (i32, i32) {
    %c0_i32 = arith.constant 0 : i32
    %c0_i32_0 = arith.constant 0 : i32
    %c0_i32_1 = arith.constant 0 : i32
    return %c0_i32, %c0_i32_0 : i32, i32
  }
  func.func @transform_8(%arg0: i32) -> (i32, i32) {
    %c0_i32 = arith.constant 0 : i32
    %c0_i32_0 = arith.constant 0 : i32
    %c0_i32_1 = arith.constant 0 : i32
    return %c0_i32, %c0_i32_0 : i32, i32
  }
  func.func @transform_9(%arg0: i32) -> (i32, i32) {
    %c0_i32 = arith.constant 0 : i32
    %c0_i32_0 = arith.constant 0 : i32
    %c0_i32_1 = arith.constant 0 : i32
    return %c0_i32, %c0_i32_0 : i32, i32
  }
  func.func @transform_10(%arg0: i32) -> (i32, i32) {
    %c0_i32 = arith.constant 0 : i32
    %c0_i32_0 = arith.constant 0 : i32
    return %arg0, %c0_i32 : i32, i32
  }
  func.func @transform_11(%arg0: i32) -> (i32, i32) {
    %c0_i32 = arith.constant 0 : i32
    %c0_i32_0 = arith.constant 0 : i32
    %c0_i32_1 = arith.constant 0 : i32
    return %c0_i32, %c0_i32_0 : i32, i32
  }
}

module attributes {stable_mosaic.version = 14 : i64} {
  func.func @_post_body(%arg0: i32, %arg1: memref<1000x128xf32, #tpu.memory_space<vmem>>, %arg2: memref<2x128xf32, #tpu.memory_space<vmem>>, %arg3: memref<1x128xf32, #tpu.memory_space<vmem>>, %arg4: memref<1x128xf32, #tpu.memory_space<vmem>>, %arg5: memref<1x128xf32, #tpu.memory_space<vmem>>, %arg6: memref<1x128xf32, #tpu.memory_space<vmem>>, %arg7: memref<1x2xf32, #tpu.memory_space<vmem>>, %arg8: memref<1x2xf32, #tpu.memory_space<vmem>>, %arg9: memref<128x128xf32, #tpu.memory_space<vmem>>, %arg10: memref<1x128xf32, #tpu.memory_space<vmem>>, %arg11: memref<1000x128xf32, #tpu.memory_space<vmem>>) attributes {dimension_semantics = [#tpu.dimension_semantics<arbitrary>], iteration_bounds = array<i64: 10>, scalar_prefetch = 0 : i64, scratch_operands = 0 : i64, tpu.core_type = #tpu.core_type<tc>, window_params = [{transform_indices = @transform_0, window_bounds = array<i64: 1000, 128>}, {pipeline_mode = #tpu.pipeline_mode<synchronous>, transform_indices = @transform_1, window_bounds = array<i64: 2, 128>}, {pipeline_mode = #tpu.pipeline_mode<synchronous>, transform_indices = @transform_2, window_bounds = array<i64: 1, 128>}, {pipeline_mode = #tpu.pipeline_mode<synchronous>, transform_indices = @transform_3, window_bounds = array<i64: 1, 128>}, {pipeline_mode = #tpu.pipeline_mode<synchronous>, transform_indices = @transform_4, window_bounds = array<i64: 1, 128>}, {pipeline_mode = #tpu.pipeline_mode<synchronous>, transform_indices = @transform_5, window_bounds = array<i64: 1, 128>}, {pipeline_mode = #tpu.pipeline_mode<synchronous>, transform_indices = @transform_6, window_bounds = array<i64: 1, 2>}, {pipeline_mode = #tpu.pipeline_mode<synchronous>, transform_indices = @transform_7, window_bounds = array<i64: 1, 2>}, {pipeline_mode = #tpu.pipeline_mode<synchronous>, transform_indices = @transform_8, window_bounds = array<i64: 128, 128>}, {pipeline_mode = #tpu.pipeline_mode<synchronous>, transform_indices = @transform_9, window_bounds = array<i64: 1, 128>}, {transform_indices = @transform_10, window_bounds = array<i64: 1000, 128>}]} {
    %get3A = arith.constant 0 : index
    %get3A_0 = arith.constant 0 : index
    %get3A_1 = vector.load %arg7[%get3A, %get3A_0] : memref<1x2xf32, #tpu.memory_space<vmem>>, vector<1x2xf32>
    %reduce_max3A = arith.constant dense<0xFF800000> : vector<1xf32>
    %reduce_max3A_2 = vector.multi_reduction <maximumf>, %get3A_1, %reduce_max3A [1] : vector<1x2xf32> to vector<1xf32>
    %broadcast_in_dim3A = vector.shape_cast %reduce_max3A_2 : vector<1xf32> to vector<1x1xf32>
    %sub3A = vector.broadcast %broadcast_in_dim3A : vector<1x1xf32> to vector<1x2xf32>
    %sub3A_3 = arith.subf %get3A_1, %sub3A : vector<1x2xf32>
    %exp3A = math.exp %sub3A_3 : vector<1x2xf32>
    %reduce_sum3A = arith.constant dense<0.000000e+00> : vector<1xf32>
    %reduce_sum3A_4 = vector.multi_reduction <add>, %exp3A, %reduce_sum3A [1] : vector<1x2xf32> to vector<1xf32>
    %broadcast_in_dim3A_5 = vector.shape_cast %reduce_sum3A_4 : vector<1xf32> to vector<1x1xf32>
    %div3A = vector.broadcast %broadcast_in_dim3A_5 : vector<1x1xf32> to vector<1x2xf32>
    %div3A_6 = arith.divf %exp3A, %div3A : vector<1x2xf32>
    %slice3A = vector.extract_strided_slice %div3A_6 {offsets = [0, 0], sizes = [1, 1], strides = [1, 1]} : vector<1x2xf32> to vector<1x1xf32>
    %slice3A_7 = vector.extract_strided_slice %div3A_6 {offsets = [0, 1], sizes = [1, 1], strides = [1, 1]} : vector<1x2xf32> to vector<1x1xf32>
    %get3A_8 = arith.constant 0 : index
    %get3A_9 = arith.constant 0 : index
    %get3A_10 = vector.load %arg8[%get3A_8, %get3A_9] : memref<1x2xf32, #tpu.memory_space<vmem>>, vector<1x2xf32>
    %reduce_max3A_11 = arith.constant dense<0xFF800000> : vector<1xf32>
    %reduce_max3A_12 = vector.multi_reduction <maximumf>, %get3A_10, %reduce_max3A_11 [1] : vector<1x2xf32> to vector<1xf32>
    %broadcast_in_dim3A_13 = vector.shape_cast %reduce_max3A_12 : vector<1xf32> to vector<1x1xf32>
    %sub3A_14 = vector.broadcast %broadcast_in_dim3A_13 : vector<1x1xf32> to vector<1x2xf32>
    %sub3A_15 = arith.subf %get3A_10, %sub3A_14 : vector<1x2xf32>
    %exp3A_16 = math.exp %sub3A_15 : vector<1x2xf32>
    %reduce_sum3A_17 = arith.constant dense<0.000000e+00> : vector<1xf32>
    %reduce_sum3A_18 = vector.multi_reduction <add>, %exp3A_16, %reduce_sum3A_17 [1] : vector<1x2xf32> to vector<1xf32>
    %broadcast_in_dim3A_19 = vector.shape_cast %reduce_sum3A_18 : vector<1xf32> to vector<1x1xf32>
    %div3A_20 = vector.broadcast %broadcast_in_dim3A_19 : vector<1x1xf32> to vector<1x2xf32>
    %div3A_21 = arith.divf %exp3A_16, %div3A_20 : vector<1x2xf32>
    %slice3A_22 = vector.extract_strided_slice %div3A_21 {offsets = [0, 0], sizes = [1, 1], strides = [1, 1]} : vector<1x2xf32> to vector<1x1xf32>
    %slice3A_23 = vector.extract_strided_slice %div3A_21 {offsets = [0, 1], sizes = [1, 1], strides = [1, 1]} : vector<1x2xf32> to vector<1x1xf32>
    %get3A_24 = arith.constant 0 : index
    %get3A_25 = arith.constant 0 : index
    %get3A_26 = vector.load %arg1[%get3A_24, %get3A_25] : memref<1000x128xf32, #tpu.memory_space<vmem>>, vector<1000x128xf32>
    %get3A_27 = arith.constant 0 : index
    %get3A_28 = arith.constant 0 : index
    %get3A_29 = vector.load %arg2[%get3A_27, %get3A_28] : memref<2x128xf32, #tpu.memory_space<vmem>>, vector<1x128xf32>
    %mul3A = arith.constant 9.99999974E-5 : f32
    %mul3A_30 = vector.broadcast %mul3A : f32 to vector<1x128xf32>
    %mul3A_31 = arith.mulf %get3A_29, %mul3A_30 : vector<1x128xf32>
    %get3A_32 = arith.constant 1 : index
    %get3A_33 = arith.constant 0 : index
    %get3A_34 = vector.load %arg2[%get3A_32, %get3A_33] : memref<2x128xf32, #tpu.memory_space<vmem>>, vector<1x128xf32>
    %mul3A_35 = arith.constant 9.99999974E-5 : f32
    %mul3A_36 = vector.broadcast %mul3A_35 : f32 to vector<1x128xf32>
    %mul3A_37 = arith.mulf %get3A_34, %mul3A_36 : vector<1x128xf32>
    %mul3A_38 = arith.mulf %mul3A_31, %mul3A_31 : vector<1x128xf32>
    %sub3A_39 = arith.subf %mul3A_37, %mul3A_38 : vector<1x128xf32>
    %sub3A_40 = vector.broadcast %mul3A_31 : vector<1x128xf32> to vector<1000x128xf32>
    %sub3A_41 = arith.subf %get3A_26, %sub3A_40 : vector<1000x128xf32>
    %add3A = arith.constant 9.99999974E-6 : f32
    %add3A_42 = vector.broadcast %add3A : f32 to vector<1x128xf32>
    %add3A_43 = arith.addf %sub3A_39, %add3A_42 : vector<1x128xf32>
    %rsqrt3A = math.rsqrt %add3A_43 : vector<1x128xf32>
    %mul3A_44 = vector.broadcast %rsqrt3A : vector<1x128xf32> to vector<1000x128xf32>
    %mul3A_45 = arith.mulf %sub3A_41, %mul3A_44 : vector<1000x128xf32>
    %get3A_46 = arith.constant 0 : index
    %get3A_47 = arith.constant 0 : index
    %get3A_48 = vector.load %arg5[%get3A_46, %get3A_47] : memref<1x128xf32, #tpu.memory_space<vmem>>, vector<1x128xf32>
    %mul3A_49 = vector.broadcast %get3A_48 : vector<1x128xf32> to vector<1000x128xf32>
    %mul3A_50 = arith.mulf %mul3A_45, %mul3A_49 : vector<1000x128xf32>
    %get3A_51 = arith.constant 0 : index
    %get3A_52 = arith.constant 0 : index
    %get3A_53 = vector.load %arg6[%get3A_51, %get3A_52] : memref<1x128xf32, #tpu.memory_space<vmem>>, vector<1x128xf32>
    %add3A_54 = vector.broadcast %get3A_53 : vector<1x128xf32> to vector<1000x128xf32>
    %add3A_55 = arith.addf %mul3A_50, %add3A_54 : vector<1000x128xf32>
    %reduce_sum3A_56 = arith.constant dense<0.000000e+00> : vector<1000xf32>
    %reduce_sum3A_57 = vector.multi_reduction <add>, %get3A_26, %reduce_sum3A_56 [1] : vector<1000x128xf32> to vector<1000xf32>
    %broadcast_in_dim3A_58 = vector.shape_cast %reduce_sum3A_57 : vector<1000xf32> to vector<1000x1xf32>
    %div3A_59 = arith.constant 1.280000e+02 : f32
    %div3A_60 = vector.broadcast %div3A_59 : f32 to vector<1000x1xf32>
    %div3A_61 = arith.divf %broadcast_in_dim3A_58, %div3A_60 : vector<1000x1xf32>
    %mul3A_62 = arith.mulf %get3A_26, %get3A_26 : vector<1000x128xf32>
    %reduce_sum3A_63 = arith.constant dense<0.000000e+00> : vector<1000xf32>
    %reduce_sum3A_64 = vector.multi_reduction <add>, %mul3A_62, %reduce_sum3A_63 [1] : vector<1000x128xf32> to vector<1000xf32>
    %broadcast_in_dim3A_65 = vector.shape_cast %reduce_sum3A_64 : vector<1000xf32> to vector<1000x1xf32>
    %div3A_66 = arith.constant 1.280000e+02 : f32
    %div3A_67 = vector.broadcast %div3A_66 : f32 to vector<1000x1xf32>
    %div3A_68 = arith.divf %broadcast_in_dim3A_65, %div3A_67 : vector<1000x1xf32>
    %mul3A_69 = arith.mulf %div3A_61, %div3A_61 : vector<1000x1xf32>
    %sub3A_70 = arith.subf %div3A_68, %mul3A_69 : vector<1000x1xf32>
    %sub3A_71 = vector.broadcast %div3A_61 : vector<1000x1xf32> to vector<1000x128xf32>
    %sub3A_72 = arith.subf %get3A_26, %sub3A_71 : vector<1000x128xf32>
    %add3A_73 = arith.constant 9.99999974E-6 : f32
    %add3A_74 = vector.broadcast %add3A_73 : f32 to vector<1000x1xf32>
    %add3A_75 = arith.addf %sub3A_70, %add3A_74 : vector<1000x1xf32>
    %rsqrt3A_76 = math.rsqrt %add3A_75 : vector<1000x1xf32>
    %mul3A_77 = vector.broadcast %rsqrt3A_76 : vector<1000x1xf32> to vector<1000x128xf32>
    %mul3A_78 = arith.mulf %sub3A_72, %mul3A_77 : vector<1000x128xf32>
    %get3A_79 = arith.constant 0 : index
    %get3A_80 = arith.constant 0 : index
    %get3A_81 = vector.load %arg3[%get3A_79, %get3A_80] : memref<1x128xf32, #tpu.memory_space<vmem>>, vector<1x128xf32>
    %mul3A_82 = vector.broadcast %get3A_81 : vector<1x128xf32> to vector<1000x128xf32>
    %mul3A_83 = arith.mulf %mul3A_78, %mul3A_82 : vector<1000x128xf32>
    %get3A_84 = arith.constant 0 : index
    %get3A_85 = arith.constant 0 : index
    %get3A_86 = vector.load %arg4[%get3A_84, %get3A_85] : memref<1x128xf32, #tpu.memory_space<vmem>>, vector<1x128xf32>
    %add3A_87 = vector.broadcast %get3A_86 : vector<1x128xf32> to vector<1000x128xf32>
    %add3A_88 = arith.addf %mul3A_83, %add3A_87 : vector<1000x128xf32>
    %mul3A_89 = vector.broadcast %slice3A : vector<1x1xf32> to vector<1000x128xf32>
    %mul3A_90 = arith.mulf %mul3A_89, %add3A_88 : vector<1000x128xf32>
    %mul3A_91 = vector.broadcast %slice3A_7 : vector<1x1xf32> to vector<1000x128xf32>
    %mul3A_92 = arith.mulf %mul3A_91, %add3A_55 : vector<1000x128xf32>
    %add3A_93 = arith.addf %mul3A_90, %mul3A_92 : vector<1000x128xf32>
    %mul3A_94 = vector.broadcast %slice3A_22 : vector<1x1xf32> to vector<1000x128xf32>
    %mul3A_95 = arith.mulf %add3A_93, %mul3A_94 : vector<1000x128xf32>
    %max3A = arith.constant 0.000000e+00 : f32
    %max3A_96 = vector.broadcast %max3A : f32 to vector<1000x128xf32>
    %max3A_97 = arith.maximumf %mul3A_95, %max3A_96 : vector<1000x128xf32>
    %mul3A_98 = vector.broadcast %slice3A_23 : vector<1x1xf32> to vector<1000x128xf32>
    %mul3A_99 = arith.mulf %add3A_93, %mul3A_98 : vector<1000x128xf32>
    %gt3A = arith.constant 0.000000e+00 : f32
    %gt3A_100 = vector.broadcast %gt3A : f32 to vector<1000x128xf32>
    %gt3A_101 = arith.cmpf ogt, %mul3A_99, %gt3A_100 : vector<1000x128xf32>
    %min3A = arith.constant 0.000000e+00 : f32
    %min3A_102 = vector.broadcast %min3A : f32 to vector<1000x128xf32>
    %min3A_103 = arith.minimumf %mul3A_99, %min3A_102 : vector<1000x128xf32>
    %exp3A_104 = math.exp %min3A_103 : vector<1000x128xf32>
    %sub3A_105 = arith.constant 1.000000e+00 : f32
    %sub3A_106 = vector.broadcast %sub3A_105 : f32 to vector<1000x128xf32>
    %sub3A_107 = arith.subf %exp3A_104, %sub3A_106 : vector<1000x128xf32>
    %select_n3A = arith.select %gt3A_101, %mul3A_99, %sub3A_107 : vector<1000x128xi1>, vector<1000x128xf32>
    %add3A_108 = arith.addf %max3A_97, %select_n3A : vector<1000x128xf32>
    %get3A_109 = arith.constant 0 : index
    %get3A_110 = arith.constant 0 : index
    %get3A_111 = vector.load %arg9[%get3A_109, %get3A_110] : memref<128x128xf32, #tpu.memory_space<vmem>>, vector<128x128xf32>
    %dot_general3A = arith.constant dense<0.000000e+00> : vector<1000x128xf32>
    %dot_general3A_112 = tpu.matmul %add3A_108, %get3A_111, %dot_general3A {dimension_numbers = #tpu.dot_dimension_numbers<[1], [0], [0], [1], [0, 0, 1, 1], [], []>, transpose_lhs_hint = false} : vector<1000x128xf32>, vector<128x128xf32>, vector<1000x128xf32> -> vector<1000x128xf32>
    %get3A_113 = arith.constant 0 : index
    %get3A_114 = arith.constant 0 : index
    %get3A_115 = vector.load %arg10[%get3A_113, %get3A_114] : memref<1x128xf32, #tpu.memory_space<vmem>>, vector<1x128xf32>
    %add3A_116 = vector.broadcast %get3A_115 : vector<1x128xf32> to vector<1000x128xf32>
    %add3A_117 = arith.addf %dot_general3A_112, %add3A_116 : vector<1000x128xf32>
    %swap3A = arith.constant 0 : index
    %swap3A_118 = arith.constant 0 : index
    %swap3A_119 = vector.load %arg11[%swap3A, %swap3A_118] : memref<1000x128xf32, #tpu.memory_space<vmem>>, vector<1000x128xf32>
    tpu.vector_store %arg11[%swap3A, %swap3A_118], %add3A_117 {strides = array<i32>} : memref<1000x128xf32, #tpu.memory_space<vmem>>, vector<1000x128xf32>,
    return
  }
  func.func @transform_0(%arg0: i32) -> (i32, i32) {
    %c0_i32 = arith.constant 0 : i32
    %c0_i32_0 = arith.constant 0 : i32
    return %arg0, %c0_i32 : i32, i32
  }
  func.func @transform_1(%arg0: i32) -> (i32, i32) {
    %c0_i32 = arith.constant 0 : i32
    %c0_i32_0 = arith.constant 0 : i32
    %c0_i32_1 = arith.constant 0 : i32
    return %c0_i32, %c0_i32_0 : i32, i32
  }
  func.func @transform_2(%arg0: i32) -> (i32, i32) {
    %c0_i32 = arith.constant 0 : i32
    %c0_i32_0 = arith.constant 0 : i32
    %c0_i32_1 = arith.constant 0 : i32
    return %c0_i32, %c0_i32_0 : i32, i32
  }
  func.func @transform_3(%arg0: i32) -> (i32, i32) {
    %c0_i32 = arith.constant 0 : i32
    %c0_i32_0 = arith.constant 0 : i32
    %c0_i32_1 = arith.constant 0 : i32
    return %c0_i32, %c0_i32_0 : i32, i32
  }
  func.func @transform_4(%arg0: i32) -> (i32, i32) {
    %c0_i32 = arith.constant 0 : i32
    %c0_i32_0 = arith.constant 0 : i32
    %c0_i32_1 = arith.constant 0 : i32
    return %c0_i32, %c0_i32_0 : i32, i32
  }
  func.func @transform_5(%arg0: i32) -> (i32, i32) {
    %c0_i32 = arith.constant 0 : i32
    %c0_i32_0 = arith.constant 0 : i32
    %c0_i32_1 = arith.constant 0 : i32
    return %c0_i32, %c0_i32_0 : i32, i32
  }
  func.func @transform_6(%arg0: i32) -> (i32, i32) {
    %c0_i32 = arith.constant 0 : i32
    %c0_i32_0 = arith.constant 0 : i32
    %c0_i32_1 = arith.constant 0 : i32
    return %c0_i32, %c0_i32_0 : i32, i32
  }
  func.func @transform_7(%arg0: i32) -> (i32, i32) {
    %c0_i32 = arith.constant 0 : i32
    %c0_i32_0 = arith.constant 0 : i32
    %c0_i32_1 = arith.constant 0 : i32
    return %c0_i32, %c0_i32_0 : i32, i32
  }
  func.func @transform_8(%arg0: i32) -> (i32, i32) {
    %c0_i32 = arith.constant 0 : i32
    %c0_i32_0 = arith.constant 0 : i32
    %c0_i32_1 = arith.constant 0 : i32
    return %c0_i32, %c0_i32_0 : i32, i32
  }
  func.func @transform_9(%arg0: i32) -> (i32, i32) {
    %c0_i32 = arith.constant 0 : i32
    %c0_i32_0 = arith.constant 0 : i32
    %c0_i32_1 = arith.constant 0 : i32
    return %c0_i32, %c0_i32_0 : i32, i32
  }
  func.func @transform_10(%arg0: i32) -> (i32, i32) {
    %c0_i32 = arith.constant 0 : i32
    %c0_i32_0 = arith.constant 0 : i32
    return %arg0, %c0_i32 : i32, i32
  }
}

</mosaic_0001>

<sc_bundles>
// kernel: kernel.10.cloned.1.call-start
scs
__scs_entry_jumppad:
0x0: {  	(pc) =	sbr.rel $0x88, $3  }
0x1: {  	(tag) =	ssettag $0x0;
	lr =	simm.s32 $0x1  }
0x2: {  	[smem:$0x3F8F] =	sst lr;
	_ =	strace $0xD0000000  }
0x3: {  	_ = 	snop  }
0x4: {  	_ = 	snop  }
0x5: {  	_ = 	snop  }
0x6: {  	_ = 	snop  }
0x7: {  	_ = 	snop  }
__scs_overlays_trampoline_lowered:
0x8: {  	[smem:$0x3F9E] =	sst s0  }
0x9: {  	[smem:$0x3F9F] =	sst s1  }
0xa: {  	[smem:$0x3FA0] =	sst s2  }
0xb: {  	[smem:$0x3FA1] =	sst s3  }
0xc: {  	[smem:$0x3FA2] =	sst s4  }
0xd: {  	[smem:$0x3FA3] =	sst s5  }
0xe: {  	[smem:$0x3FA4] =	sst s6  }
0xf: {  	[smem:$0x3FA5] =	sst s7  }
0x10: {  	[smem:$0x3FA6] =	sst s8  }
0x11: {  	[smem:$0x3FA7] =	sst s9;
	s0 =	simm.s32 @!p0 $0x0  }
0x12: {  	s1 =	sld [smem:$0x3F8D];
	s0 =	simm.s32 @p0 $0x1  }
0x13: {  	[smem:$0x3FA8] =	sst s0;
	s0 =	simm.s32 @!p1 $0x0  }
0x14: {  	s2 =	sld [smem:$0x3F8C];
	s0 =	simm.s32 @p1 $0x1  }
0x15: {  	[smem:$0x3FA9] =	sst s0;
	s0 =	simm.s32 @!p2 $0x0  }
0x16: {  	s3 =	sld [smem:$0x3FDB];
	s0 =	simm.s32 @p2 $0x1  }
0x17: {  	s4 =	simm.s32 $0x1BF5;
	[smem:$0x3FAB] =	sst s0  }
0x18: {  	s0 =	sld [smem:$0x3F8E];
	_ =	swait.ge [sflag:s4], $0x0  }
0x19: {  	s7 =	sld [smem:$0x3F8F]  }
0x1a: {  	s8 =	sadd.s32 $0xFFFFE003, lr  }
0x1b: {  	s9 =	sadd.s32 $0xFFFFFEF7, lr;
	s5 =	simm.s32 $0xFFFFFFFF;
	p2 =	slt.u32 s8, $0xFFFFF086  }
0x1c: {  	p1 =	slt.u32 s9, $0xF7A;
	s5 =	simm.s32 @!p2 $0x0  }
0x1d: {  	s5 =	simm.s32 @p1 $0x1;
	p0 =	seq.s32 s7, s2  }
0x1e: {  	s7 =	smul.u32 @!p0 $0xF7A, s2;
	p2 =	seq.s32 @!p0 s5, $0x0  }
0x1f: {  	s9 =	smul.u32 $0xF7A, s1;
	s8 =	simm.s32 @!p0 $0x1BF5;
	p2 =	por !p2, p0  }
0x20: {  	[sflag:s8] =	ssyncset.s32 @!p0 $0xFFFFF086;
	s6 =	sadd.s32 @!p0 s3, s7;
	s7 =	simm.s32 @!p0 $0x108  }
0x21: {  	s3 =	sadd.s32 s3, s9;
	s6 =	sadd.s32 @!p0 $0x88, s6;
	s7 =	simm.s32 @p2 $0x1082  }
0x22: {  	[simem:s7], [sflag:s8] =	dma.local @!p0 [hbm:s6], $0xF7A  }
0x23: {  	s9 =	sor.u32 $0xD0000000, s2;
	s6 =	simm.s32 $0x108;
	_ =	swait.ge @!p0 [sflag:s8], $0x0  }
0x24: {  	s3 =	sadd.s32 $0x88, s3;
	s6 =	simm.s32 @!p1 $0x1082;
	[sflag:s4] =	ssyncset.s32 $0xFFFFF086  }
0x25: {  	[simem:s6], [sflag:s4] =	dma.local [hbm:s3], $0xF7A  }
0x26: {  	[smem:$0x3F8F] =	sst s1;
	(tag) =	ssettag s2;
	_ =	strace s9  }
0x27: {  	s1 =	sld [smem:$0x3F9F]  }
0x28: {  	s2 =	sld [smem:$0x3FA0]  }
0x29: {  	s4 =	sld [smem:$0x3FA2]  }
0x2a: {  	p0 =	seq.s32 s5, $0x0;
	s5 =	sld [smem:$0x3FA3]  }
0x2b: {  	s6 =	sld [smem:$0x3FA4]  }
0x2c: {  	s7 =	sld [smem:$0x3FA5]  }
0x2d: {  	s3 =	simm.s32 $0x108;
	s8 =	sld [smem:$0x3FA6]  }
0x2e: {  	s3 =	simm.s32 @!p0 $0x1082;
	s9 =	sld [smem:$0x3FA7]  }
0x2f: {  	lr =	sadd.s32 s0, s3;
	s0 =	sld [smem:$0x3F9E]  }
0x30: {  	s3 =	sld [smem:$0x3FA1]  }
0x31: {  	[smem:$0x3FAA] =	sst s10  }
0x32: {  	s10 =	sld [smem:$0x3FA8];
	_ =	sdelay $0x3  }
0x33: {  	p0 =	seq.s32 s10, $0x1;
	s10 =	sld [smem:$0x3FAA];
	_ =	sdelay $0x3  }
0x34: {  	[smem:$0x3FAA] =	sst s10  }
0x35: {  	s10 =	sld [smem:$0x3FA9];
	_ =	sdelay $0x3  }
0x36: {  	p1 =	seq.s32 s10, $0x1;
	s10 =	sld [smem:$0x3FAA];
	_ =	sdelay $0x3  }
0x37: {  	[smem:$0x3FAA] =	sst s10  }
0x38: {  	s10 =	sld [smem:$0x3FAB]  }
0x39: {  	_ = 	snop;
	(pc) =	sbr.ind lr, $3  }
0x3a: {  	_ = 	snop  }
0x3b: {  	_ = 	snop  }
0x3c: {  	p2 =	seq.s32 s10, $0x1;
	s10 =	sld [smem:$0x3FAA]  }
0x3d: {  	_ =	shalt  }
0x3e: {  	_ =	shalt  }
0x3f: {  	_ =	shalt  }
0x40: {  	_ =	shalt  }
0x41: {  	_ =	shalt  }
0x42: {  	_ =	shalt  }
0x43: {  	_ =	shalt  }
0x44: {  	_ =	shalt  }
0x45: {  	_ =	shalt  }
0x46: {  	_ =	shalt  }
0x47: {  	_ =	shalt  }
0x48: {  	_ =	shalt  }
0x49: {  	_ =	shalt  }
0x4a: {  	_ =	shalt  }
0x4b: {  	_ =	shalt  }
0x4c: {  	_ =	shalt  }
0x4d: {  	_ =	shalt  }
0x4e: {  	_ =	shalt  }
0x4f: {  	_ =	shalt  }
0x50: {  	_ =	shalt  }
0x51: {  	_ =	shalt  }
0x52: {  	_ =	shalt  }
0x53: {  	_ =	shalt  }
0x54: {  	_ =	shalt  }
0x55: {  	_ =	shalt  }
0x56: {  	_ =	shalt  }
0x57: {  	_ =	shalt  }
0x58: {  	_ =	shalt  }
0x59: {  	_ =	shalt  }
0x5a: {  	_ =	shalt  }
0x5b: {  	_ =	shalt  }
0x5c: {  	_ =	shalt  }
0x5d: {  	_ =	shalt  }
0x5e: {  	_ =	shalt  }
0x5f: {  	_ =	shalt  }
0x60: {  	_ =	shalt  }
0x61: {  	_ =	shalt  }
0x62: {  	_ =	shalt  }
0x63: {  	_ =	shalt  }
0x64: {  	_ =	shalt  }
0x65: {  	_ =	shalt  }
0x66: {  	_ =	shalt  }
0x67: {  	_ =	shalt  }
0x68: {  	_ =	shalt  }
0x69: {  	_ =	shalt  }
0x6a: {  	_ =	shalt  }
0x6b: {  	_ =	shalt  }
0x6c: {  	_ =	shalt  }
0x6d: {  	_ =	shalt  }
0x6e: {  	_ =	shalt  }
0x6f: {  	_ =	shalt  }
0x70: {  	_ =	shalt  }
0x71: {  	_ =	shalt  }
0x72: {  	_ =	shalt  }
0x73: {  	_ =	shalt  }
0x74: {  	_ =	shalt  }
0x75: {  	_ =	shalt  }
0x76: {  	_ =	shalt  }
0x77: {  	_ =	shalt  }
0x78: {  	_ =	shalt  }
0x79: {  	_ =	shalt  }
0x7a: {  	_ =	shalt  }
0x7b: {  	_ =	shalt  }
0x7c: {  	_ =	shalt  }
0x7d: {  	_ =	shalt  }
0x7e: {  	_ =	shalt  }
0x7f: {  	_ =	shalt  }
0x80: {  	_ =	shalt  }
0x81: {  	_ =	shalt  }
0x82: {  	_ =	shalt  }
0x83: {  	_ =	shalt  }
0x84: {  	_ =	shalt  }
0x85: {  	_ =	shalt  }
0x86: {  	_ =	shalt  }
0x87: {  	_ =	shalt  }
.Lfunc_end0:
.L_simem_size_0:
called_computation.1_lowered:
.L_overlay_start_0:
0x88: {  	s2 =	sld [smem:$0x3FD9]  }
0x89: {  	s3 =	sld [smem:$0x3FFE];
	_ =	sdelay $0x1  }
0x8a: {  	s1 =	srdreg.scid  }
0x8b: {  	s0 =	sand.u32 $0x1, s1  }
0x8c: {  	s17 =	sshll.u32 s0, $0xA;
	s2 =	sadd.s32 s3, s2  }
0x8d: {  	s2 =	sadd.s32 s2, s17  }
0x8e: {  	[smem:$0x3FB6] =	sst s2  }
0x8f: {  	_ = 	snop  }
0x90: {  	s2 =	sld [smem:$0x3FD0];
	(tm) =	ssettm $0x1  }
0x91: {  	s18 =	sld [smem:$0x3FFB];
	_ =	sdelay $0x3  }
0x92: {  	_ =	strace s18  }
0x93: {  	s3 =	sld [smem:$0x3FFC];
	_ =	sdelay $0x3  }
0x94: {  	_ =	strace s3  }
0x95: {  	s3 =	sld [smem:$0x3FFD];
	_ =	sdelay $0x3  }
0x96: {  	_ =	strace s3  }
0x97: {  	_ =	strace $0x8FFFFFFF  }
0x98: {  	s19 =	sld [smem:$0x3FDB];
	_ =	sdelay $0x1  }
0x99: {  	s4 =	simm.s32 $_scs_section_size  }
0x9a: {  	s5 =	simm.s32 $_size__tile_overlayer_lowered;
	s6 =	simm.s32 $_tile_overlayer_lowered  }
0x9b: {  	s22 =	simm.s32 $0x1BFF;
	s21 =	sshll.u32 s6, $0x1;
	s3 =	sadd.s32 s4, s19  }
0x9c: {  	s7 =	simm.s32 $0x0;
	s20 =	sshll.u32 s5, $0x1;
	s5 =	sadd.s32 s21, s3  }
0x9d: {  	[timem:s7], [sflag:s22] =	dma.local [hbm:s5], s20  }
0x9e: {  	_ =	swait.ge [sflag:s22], s20  }
0x9f: {  	s4 =	ssub.s32 $0x0, s20;
	[sflag:s22] =	ssyncset.done $0x0  }
0xa0: {  	[sflag:s22] =	ssyncadd.s32 s4;
	_ =	sdelay $0x1  }
0xa1: {  	s23 =	simm.s32 $0x1B8B  }
0xa2: {  	_ =	swait.ge [sflag:s23], $0x1  }
0xa3: {  	[sflag:s23] =	ssyncset.done $0x0  }
0xa4: {  	s25 =	simm.s32 $0x1B8E;
	s24 =	sld [smem:$0x3FFE];
	[sflag:s23] =	ssyncadd.s32 $0xFFFFFFFF  }
0xa5: {  	s26 =	simm.s32 $execute0_lowered;
	[smem:$0x3FD2] =	sst s25  }
0xa6: {  	s5 =	sshll.u32 s26, $0x1;
	_ =	strace $0x80000049;
	[dreg:$0x1] =	wrdreg $0xFFFFFFFF  }
0xa7: {  	s28 =	simm.s32 $_size_execute0_lowered;
	s3 =	sadd.s32 s3, s5;
	[dreg:$0x0] =	wrdreg $0x0  }
0xa8: {  	s5 =	sshll.u32 s28, $0x1;
	[dreg:$0x2] =	wrdreg s3  }
0xa9: {  	[dreg:$0x3] =	wrdreg s5  }
0xaa: {  	[dreg:$0x4] =	wrdreg $0xC0  }
0xab: {  	_ =	task [dreg:s7], $0x5FFFF  }
0xac: {  	[dreg:$0x1] =	wrdreg $0xFFFFFFFF  }
0xad: {  	[dreg:$0x0] =	wrdreg $0x60  }
0xae: {  	[dreg:$0x2] =	wrdreg s24  }
0xaf: {  	[dreg:$0x3] =	wrdreg s2  }
0xb0: {  	[dreg:$0x4] =	wrdreg $0xC0000  }
0xb1: {  	[dreg:$0x5] =	wrdreg $0x9  }
0xb2: {  	_ =	task.clear_ibuf [dreg:s7], $0x6FFFF;
	_ =	strace $0x90000049  }
0xb3: {  	s29 =	simm.s32 $0x9;
	_ =	strace $0x8000004B  }
0xb4: {  	_ =	swait.ge [sflag:s29], $0x1  }
0xb5: {  	[sflag:s29] =	ssyncadd.s32 $0xFFFFFFFF  }
0xb6: {  	_ =	strace $0x9000004B  }
0xb7: {  	_ =	sfence  }
0xb8: {  	s30 =	sld [smem:$0x0];
	_ =	sdelay $0x2  }
0xb9: {  	s31 =	sshll.u32 s1, $0xD;
	s1 =	sshrl.u32 s1, $0x2  }
0xba: {  	s3 =	sand.u32 $0x4000, s31;
	s1 =	sadd.s32 s1, s30  }
0xbb: {  	s0 =	sor.u32 s3, s0;
	s1 =	sshll.u32 s1, $0x11  }
0xbc: {  	s0 =	sor.u32 s1, s0  }
0xbd: {  	s0 =	sadd.s32 $0x8F2B, s0  }
0xbe: {  	[sflag:s0] =	ssyncadd.remote.s32 $0x1  }
0xbf: {  	_ =	sfence.sel $0xFFFF  }
0xc0: {  	[dreg:$0x0] =	wrdreg $0xFFFFFFFF;
	(pc) =	sbr.abs _section_cstart, $3  }
0xc1: {  	[dreg:$0x1] =	wrdreg $0xFFFFFFFF  }
0xc2: {  	_ =	task.clear_ibuf [dreg:s7], $0x2FFFF;
	_ =	strace $0x9FFFFFFF  }
0xc3: {  	(tm) =	ssettm $0x7FFFFFFF  }
tec
execute0_lowered:
.L_overlay_start_1:
0x0: {  	(tag) =	ssettag $0x1  }
0x1: {  	s0 =	rddreg [dreg:$0x0]  }
0x2: {  	s1 =	rddreg [dreg:$0x1]  }
0x3: {  	s2 =	rddreg [dreg:$0x2]  }
0x4: {  	s3 =	simm.s32 $0x0;
	s9 =	stileid.u32;
	s6 =	srdreg.scid  }
0x5: {  	s28 =	simm.s32 $0x4000;
	s29 =	simm.s32 $0x4;
	s30 =	simm.s32 $0x1000  }
0x6: {  	s31 =	simm.s32 $0x40;
	[smem:$0x7FF] =	sst s3;
	s5 =	smul.u32 $0x5000, s9  }
0x7: {  	s4 =	sadd.s32 $0x17800, s0;
	s12 =	sand.u32 $0x1, s6;
	s8 =	smul.u32 $0x4F000, s9  }
0x8: {  	s14 =	smul.u32 $0x13C00, s9;
	s26 =	sadd.s32 $0x2E00, s0;
	_ =	strace $0x8000004A  }
0x9: {  	s7 =	ssub.s32 $0x2, s12;
	[dreg:$0x4] =	wrdreg s26;
	s11 =	smul.u32 $0x50000, s12  }
0xa: {  	s24 =	sshrl.u32 s5, $0x3;
	s25 =	sshrl.u32 s7, $0x1;
	s10 =	sshrl.u32 s8, $0x2  }
0xb: {  	s16 =	sadd.s32 $0x4000, s14;
	s17 =	sadd.s32 $0x8000, s14;
	s18 =	sadd.s32 $0xC000, s14  }
0xc: {  	s19 =	sadd.s32 $0x10000, s14;
	s13 =	sadd.s32 s24, s0;
	s0 =	sadd.s32 $0x65A00, s0  }
0xd: {  	s15 =	ssub.s32 s7, s25;
	s6 =	sadd.s32 s10, s2;
	s5 =	sadd.s32 s5, s11  }
0xe: {  	s7 =	sadd.s32 s16, s2;
	s5 =	sshrl.u32 s5, $0x3;
	s21 =	sadd.s32 $0xDA00, s13  }
0xf: {  	s24 =	sadd.s32 $0xDC00, s13;
	s11 =	sadd.s32 s1, s5;
	[dreg:$0x7] =	wrdreg s21  }
0x10: {  	s1 =	smul.u32 $0x13C000, s12;
	s12 =	sadd.s32 $0xD800, s13;
	[dreg:$0x9] =	wrdreg s24  }
0x11: {  	s8 =	sadd.s32 s17, s2;
	s24 =	sadd.s32 $0xE000, s13;
	[dreg:$0x5] =	wrdreg s12  }
0x12: {  	s9 =	sadd.s32 s18, s2;
	s20 =	sadd.s32 $0x200, s11;
	[dreg:$0x11] =	wrdreg s24  }
0x13: {  	s10 =	sadd.s32 s19, s2;
	s22 =	sadd.s32 $0x400, s11;
	[dreg:$0x6] =	wrdreg s20  }
0x14: {  	[dreg:$0x8] =	wrdreg s22;
	s23 =	sadd.s32 s14, s1;
	s12 =	sadd.s32 s1, s16  }
0x15: {  	s25 =	sadd.s32 s1, s17;
	s26 =	sadd.s32 s1, s18;
	s1 =	sadd.s32 s1, s19  }
0x16: {  	s18 =	sadd.s32 $0x600, s11;
	s14 =	simm.s32 $0x1;
	s16 =	simm.s32 $0x2  }
0x17: {  	s17 =	simm.s32 $0xF80;
	s5 =	sshrl.u32 s23, $0x3;
	s12 =	sshrl.u32 s12, $0x3  }
0x18: {  	[dreg:$0xa] =	wrdreg s18;
	s20 =	sshrl.u32 s25, $0x3;
	s21 =	sshrl.u32 s26, $0x3  }
0x19: {  	s1 =	sshrl.u32 s1, $0x3;
	s23 =	sadd.s32 $0xDE00, s13;
	s25 =	smax.u32 s15, $0x1  }
0x1a: {  	s26 =	sadd.s32 $0x800, s11;
	s13 =	simm.s32 $0xA000;
	[dreg:$0x10] =	wrdreg s23  }
0x1b: {  	s15 =	simm.s32 $0x80;
	s18 =	simm.s32 $0xFC0;
	[dreg:$0x12] =	wrdreg s25  }
0x1c: {  	s5 =	sadd.s32 s0, s5;
	s19 =	sadd.s32 s0, s12;
	[dreg:$0x13] =	wrdreg s26  }
0x1d: {  	s22 =	sadd.s32 s0, s21;
	s12 =	simm.s32 $0x8000;
	[dreg:$0xb] =	wrdreg s5  }
0x1e: {  	s26 =	simm.s32 $0x0;
	[dreg:$0xc] =	wrdreg s19;
	s5 =	sadd.s32 s0, s20  }
0x1f: {  	[dreg:$0xe] =	wrdreg s22;
	s0 =	sadd.s32 s0, s1;
	s1 =	simm.s32 $0x2000  }
0x20: {  	s19 =	simm.s32 $0x1F00;
	s20 =	simm.s32 $0x3;
	[dreg:$0xd] =	wrdreg s5  }
0x21: {  	[dreg:$0xf] =	wrdreg s0;
	s0 =	simm.s32 $0x6000;
	s5 =	simm.s32 $0x1F80  }
.LBB2_1:
0x22: {  	s21 =	rddreg [dreg:$0x4]  }
0x23: {  	[tilespmem:s28], [sflag:$0x4] =	stream.linear.gather [hbm4b:s21+s3], $0x4000, $0x38;
	[tilespmem:$0x1FC00] =	vst v63  }
0x24: {  	_ =	swait.ge [sflag:s29], $0x4000  }
0x25: {  	[sflag:s29] =	ssyncset.done $0x0  }
0x26: {  	[sflag:s29] =	ssyncadd.s32 $0xFFFFC000  }
0x27: {  	[spmem:s6] =	stream.linear.scatter [tilespmem:s28], [sflag:$0x4], $0x4000, $0x38;
	[tilespmem:$0x1FC00] =	vst v63  }
0x28: {  	_ =	swait.ge [sflag:s29], $0x4000  }
0x29: {  	[sflag:s29] =	ssyncset.done $0x0  }
0x2a: {  	[sflag:s29] =	ssyncadd.s32 $0xFFFFC000  }
0x2b: {  	[spmem:s7] =	stream.linear.scatter [tilespmem:s28], [sflag:$0x4], $0x4000, $0x38;
	[tilespmem:$0x1FC00] =	vst v63  }
0x2c: {  	_ =	swait.ge [sflag:s29], $0x4000  }
0x2d: {  	[sflag:s29] =	ssyncset.done $0x0  }
0x2e: {  	[sflag:s29] =	ssyncadd.s32 $0xFFFFC000  }
0x2f: {  	[spmem:s8] =	stream.linear.scatter [tilespmem:s28], [sflag:$0x4], $0x4000, $0x38;
	[tilespmem:$0x1FC00] =	vst v63  }
0x30: {  	_ =	swait.ge [sflag:s29], $0x4000  }
0x31: {  	[sflag:s29] =	ssyncset.done $0x0  }
0x32: {  	[sflag:s29] =	ssyncadd.s32 $0xFFFFC000  }
0x33: {  	[spmem:s9] =	stream.linear.scatter [tilespmem:s28], [sflag:$0x4], $0x4000, $0x38;
	[tilespmem:$0x1FC00] =	vst v63  }
0x34: {  	_ =	swait.ge [sflag:s29], $0x4000  }
0x35: {  	[sflag:s29] =	ssyncset.done $0x0  }
0x36: {  	[sflag:s29] =	ssyncadd.s32 $0xFFFFC000  }
0x37: {  	[spmem:s10] =	stream.linear.scatter [tilespmem:s28], [sflag:$0x4], $0x3C00, $0x38;
	[tilespmem:$0x1FC00] =	vst v63  }
0x38: {  	_ =	swait.ge [sflag:s29], $0x3C00  }
0x39: {  	[sflag:s29] =	ssyncset.done $0x0  }
0x3a: {  	[sflag:s29] =	ssyncadd.s32 $0xFFFFC400  }
0x3b: {  	[bflag:$0x0] =	sbarrier.arrive $0xFFFF  }
0x3c: {  	[tilespmem:s3], [sflag:$0x4] =	stream.linear.gather [hbm4b:s11+s3], $0x1000, $0x38;
	[tilespmem:$0x1FC00] =	vst v63  }
0x3d: {  	_ =	swait.ge [sflag:s29], $0x1000  }
0x3e: {  	[sflag:s29] =	ssyncset.done $0x0  }
0x3f: {  	s25 =	rddreg [dreg:$0x5];
	[sflag:s29] =	ssyncadd.s32 $0xFFFFF000  }
0x40: {  	[tilespmem:s30], [sflag:$0x4] =	stream.linear.gather [hbm4b:s25+s3], $0x1000, $0x38;
	[tilespmem:$0x1FC00] =	vst v63  }
0x41: {  	_ =	swait.ge [sflag:s29], $0x1000  }
0x42: {  	[sflag:s29] =	ssyncset.done $0x0  }
0x43: {  	[sflag:s29] =	ssyncadd.s32 $0xFFFFF000  }
0x44: {  	[tilespmem:s28], [sflag:$0x1] =	stream.indirect.gather [hbm4b:s4+s31], $0x80, s3, s31, $0xb8;
	[tilespmem:$0x1FC00] =	vst v63  }
0x45: {  	_ = 	snop  }
0x46: {  	[tilespmem:s0], [sflag:$0x1] =	stream.indirect.gather [hbm4b:s4+s31], $0x80, s31, s31, $0xb8;
	[tilespmem:$0x1FC00] =	vst v63  }
0x47: {  	s22 =	rddreg [dreg:$0x6]  }
0x48: {  	[tilespmem:s1], [sflag:$0x3] =	stream.linear.gather [hbm4b:s22+s3], $0x1000, $0x38;
	[tilespmem:$0x1FC00] =	vst v63  }
0x49: {  	s23 =	rddreg [dreg:$0x7];
	s22 =	simm.s32 $0x3000  }
0x4a: {  	[tilespmem:s22], [sflag:$0x3] =	stream.linear.gather [hbm4b:s23+s3], $0x1000, $0x38;
	[tilespmem:$0x1FC00] =	vst v63  }
0x4b: {  	s24 =	simm.s32 $0x80  }
0x4c: {  	[tilespmem:s12], [sflag:$0x2] =	stream.indirect.gather [hbm4b:s4+s31], $0x80, s24, s31, $0xb8;
	[tilespmem:$0x1FC00] =	vst v63  }
0x4d: {  	s25 =	simm.s32 $0xC0  }
0x4e: {  	[tilespmem:s13], [sflag:$0x2] =	stream.indirect.gather [hbm4b:s4+s31], $0x80, s25, s31, $0xb8;
	[tilespmem:$0x1FC00] =	vst v63  }
0x4f: {  	_ =	swait.ge [sflag:s14], $0x4000  }
0x50: {  	[sflag:s14] =	ssyncset.done $0x0  }
0x51: {  	s22 =	simm.s32 $0x1000;
	[sflag:s14] =	ssyncadd.s32 $0xFFFFC000  }
0x52: {  	[spmem:s2] =	stream.indirect.scatter.add.f32 [tilespmem:s28], [sflag:$0x4], $0x80, s22, s15, $0xb8;
	[tilespmem:$0x1FC00] =	vst v63  }
0x53: {  	_ =	swait.ge [sflag:s29], $0x4000  }
0x54: {  	[sflag:s29] =	ssyncset.done $0x0  }
0x55: {  	s23 =	simm.s32 $0x100;
	[sflag:s29] =	ssyncadd.s32 $0xFFFFC000  }
0x56: {  	[tilespmem:s28], [sflag:$0x1] =	stream.indirect.gather [hbm4b:s4+s31], $0x80, s23, s31, $0xb8;
	[tilespmem:$0x1FC00] =	vst v63  }
0x57: {  	s24 =	simm.s32 $0x140  }
0x58: {  	[tilespmem:s0], [sflag:$0x1] =	stream.indirect.gather [hbm4b:s4+s31], $0x80, s24, s31, $0xb8;
	[tilespmem:$0x1FC00] =	vst v63  }
0x59: {  	_ =	swait.ge [sflag:s16], $0x4000  }
0x5a: {  	[sflag:s16] =	ssyncset.done $0x0  }
0x5b: {  	s25 =	simm.s32 $0x1080;
	[sflag:s16] =	ssyncadd.s32 $0xFFFFC000  }
0x5c: {  	[spmem:s2] =	stream.indirect.scatter.add.f32 [tilespmem:s12], [sflag:$0x4], $0x80, s25, s15, $0xb8;
	[tilespmem:$0x1FC00] =	vst v63  }
0x5d: {  	_ =	swait.ge [sflag:s29], $0x4000  }
0x5e: {  	s21 =	simm.s32 $0x100;
	s22 =	simm.s32 $0x800;
	[sflag:s29] =	ssyncset.done $0x0  }
.LBB2_2:
0x5f: {  	s23 =	sadd.s32 $0x80, s21  }
0x60: {  	[sflag:s29] =	ssyncadd.s32 $0xFFFFC000;
	s24 =	smov.u32 s22;
	s25 =	sadd.s32 $0x400, s22  }
0x61: {  	[tilespmem:s12], [sflag:$0x2] =	stream.indirect.gather [hbm4b:s4+s31], $0x80, s23, s31, $0xb8;
	[tilespmem:$0x1FC00] =	vst v63  }
0x62: {  	p0 =	sne.s32 s22, $0x3800;
	s22 =	sadd.s32 $0xC0, s21  }
0x63: {  	[tilespmem:s13], [sflag:$0x2] =	stream.indirect.gather [hbm4b:s4+s31], $0x80, s22, s31, $0xb8;
	[tilespmem:$0x1FC00] =	vst v63  }
0x64: {  	_ =	swait.ge [sflag:s14], $0x4000  }
0x65: {  	[sflag:s14] =	ssyncset.done $0x0  }
0x66: {  	s22 =	sadd.s32 $0x1000, s21;
	[sflag:s14] =	ssyncadd.s32 $0xFFFFC000  }
0x67: {  	[spmem:s2] =	stream.indirect.scatter.add.f32 [tilespmem:s28], [sflag:$0x4], $0x80, s22, s15, $0xb8;
	[tilespmem:$0x1FC00] =	vst v63  }
0x68: {  	_ =	swait.ge [sflag:s29], $0x4000  }
0x69: {  	[sflag:s29] =	ssyncset.done $0x0  }
0x6a: {  	s22 =	sadd.s32 $0x100, s21;
	[sflag:s29] =	ssyncadd.s32 $0xFFFFC000  }
0x6b: {  	[tilespmem:s28], [sflag:$0x1] =	stream.indirect.gather [hbm4b:s4+s31], $0x80, s22, s31, $0xb8;
	[tilespmem:$0x1FC00] =	vst v63  }
0x6c: {  	s22 =	sadd.s32 $0x140, s21  }
0x6d: {  	[tilespmem:s0], [sflag:$0x1] =	stream.indirect.gather [hbm4b:s4+s31], $0x80, s22, s31, $0xb8;
	[tilespmem:$0x1FC00] =	vst v63  }
0x6e: {  	_ =	swait.ge [sflag:s16], $0x4000  }
.Ltmp0:
0x6f: {  	[sflag:s16] =	ssyncset.done $0x0;
	(pc) =	sbr.rel @p0 .LBB2_2-.Ltmp0, $4  }
0x70: {  	s21 =	sadd.s32 $0x1080, s21;
	[sflag:s16] =	ssyncadd.s32 $0xFFFFC000  }
0x71: {  	[spmem:s2] =	stream.indirect.scatter.add.f32 [tilespmem:s12], [sflag:$0x4], $0x80, s21, s15, $0xb8;
	[tilespmem:$0x1FC00] =	vst v63  }
0x72: {  	_ =	swait.ge [sflag:s29], $0x4000  }
0x73: {  	s22 =	smov.u32 s25;
	s21 =	sshra.s32 s24, $0x2;
	[sflag:s29] =	ssyncset.done $0x0  }
0x74: {  	s22 =	sadd.s32 $0x80, s21;
	[sflag:s29] =	ssyncadd.s32 $0xFFFFC000  }
0x75: {  	[tilespmem:s12], [sflag:$0x2] =	stream.indirect.gather [hbm4b:s4+s31], $0x80, s22, s31, $0xb8;
	[tilespmem:$0x1FC00] =	vst v63  }
0x76: {  	s25 =	sadd.s32 $0xC0, s21  }
0x77: {  	[tilespmem:s13], [sflag:$0x2] =	stream.indirect.gather [hbm4b:s4+s31], $0x80, s25, s31, $0xb8;
	[tilespmem:$0x1FC00] =	vst v63  }
0x78: {  	_ =	swait.ge [sflag:s14], $0x4000  }
0x79: {  	[sflag:s14] =	ssyncset.done $0x0  }
0x7a: {  	s23 =	sadd.s32 $0x1000, s21;
	[sflag:s14] =	ssyncadd.s32 $0xFFFFC000  }
0x7b: {  	[spmem:s2] =	stream.indirect.scatter.add.f32 [tilespmem:s28], [sflag:$0x4], $0x80, s23, s15, $0xb8;
	[tilespmem:$0x1FC00] =	vst v63  }
0x7c: {  	_ =	swait.ge [sflag:s29], $0x4000  }
0x7d: {  	[sflag:s29] =	ssyncset.done $0x0  }
0x7e: {  	s24 =	sadd.s32 $0x100, s21;
	[sflag:s29] =	ssyncadd.s32 $0xFFFFC000  }
0x7f: {  	[tilespmem:s28], [sflag:$0x1] =	stream.indirect.gather [hbm4b:s4+s31], $0x80, s24, s31, $0xb8;
	[tilespmem:$0x1FC00] =	vst v63  }
0x80: {  	s25 =	sadd.s32 $0x140, s21  }
0x81: {  	[tilespmem:s0], [sflag:$0x1] =	stream.indirect.gather [hbm4b:s4+s31], $0x80, s25, s31, $0xb8;
	[tilespmem:$0x1FC00] =	vst v63  }
0x82: {  	_ =	swait.ge [sflag:s16], $0x4000  }
0x83: {  	[sflag:s16] =	ssyncset.done $0x0  }
0x84: {  	s22 =	sadd.s32 $0x1080, s21;
	[sflag:s16] =	ssyncadd.s32 $0xFFFFC000  }
0x85: {  	[spmem:s2] =	stream.indirect.scatter.add.f32 [tilespmem:s12], [sflag:$0x4], $0x80, s22, s15, $0xb8;
	[tilespmem:$0x1FC00] =	vst v63  }
0x86: {  	_ =	swait.ge [sflag:s29], $0x4000  }
0x87: {  	[sflag:s29] =	ssyncset.done $0x0  }
0x88: {  	[sflag:s29] =	ssyncadd.s32 $0xFFFFC000  }
0x89: {  	[tilespmem:s12], [sflag:$0x2] =	stream.indirect.gather [hbm4b:s4+s31], $0x80, s17, s31, $0xb8;
	[tilespmem:$0x1FC00] =	vst v63  }
0x8a: {  	_ = 	snop  }
0x8b: {  	[tilespmem:s13], [sflag:$0x2] =	stream.indirect.gather [hbm4b:s4+s31], $0x80, s18, s31, $0xb8;
	[tilespmem:$0x1FC00] =	vst v63  }
0x8c: {  	_ =	swait.ge [sflag:s14], $0x4000  }
0x8d: {  	[sflag:s14] =	ssyncset.done $0x0  }
0x8e: {  	[sflag:s14] =	ssyncadd.s32 $0xFFFFC000  }
0x8f: {  	[spmem:s2] =	stream.indirect.scatter.add.f32 [tilespmem:s28], [sflag:$0x4], $0x80, s19, s15, $0xb8;
	[tilespmem:$0x1FC00] =	vst v63  }
0x90: {  	_ =	swait.ge [sflag:s29], $0x4000  }
0x91: {  	[sflag:s29] =	ssyncset.done $0x0  }
0x92: {  	[sflag:s29] =	ssyncadd.s32 $0xFFFFC000  }
0x93: {  	_ =	swait.ge [sflag:s20], $0x1000  }
0x94: {  	[sflag:s20] =	ssyncset.done $0x0  }
0x95: {  	[sflag:s20] =	ssyncadd.s32 $0xFFFFF000  }
0x96: {  	_ =	swait.ge [sflag:s20], $0x1000  }
0x97: {  	[sflag:s20] =	ssyncset.done $0x0  }
0x98: {  	[sflag:s20] =	ssyncadd.s32 $0xFFFFF000  }
0x99: {  	[tilespmem:s28], [sflag:$0x1] =	stream.indirect.gather [hbm4b:s4+s31], $0x80, s1, s31, $0xb8;
	[tilespmem:$0x1FC00] =	vst v63  }
0x9a: {  	s23 =	simm.s32 $0x2040  }
0x9b: {  	[tilespmem:s0], [sflag:$0x1] =	stream.indirect.gather [hbm4b:s4+s31], $0x80, s23, s31, $0xb8;
	[tilespmem:$0x1FC00] =	vst v63  }
0x9c: {  	_ =	swait.ge [sflag:s16], $0x4000  }
0x9d: {  	[sflag:s16] =	ssyncset.done $0x0  }
0x9e: {  	[sflag:s16] =	ssyncadd.s32 $0xFFFFC000  }
0x9f: {  	[spmem:s2] =	stream.indirect.scatter.add.f32 [tilespmem:s12], [sflag:$0x4], $0x80, s5, s15, $0xb8;
	[tilespmem:$0x1FC00] =	vst v63  }
0xa0: {  	_ =	swait.ge [sflag:s29], $0x4000  }
0xa1: {  	[sflag:s29] =	ssyncset.done $0x0  }
0xa2: {  	s24 =	simm.s32 $0x0;
	s25 =	rddreg [dreg:$0x8];
	[sflag:s29] =	ssyncadd.s32 $0xFFFFC000  }
0xa3: {  	[tilespmem:s24], [sflag:$0x3] =	stream.linear.gather [hbm4b:s25+s24], $0x1000, $0x38;
	[tilespmem:$0x1FC00] =	vst v63  }
0xa4: {  	s23 =	rddreg [dreg:$0x9]  }
0xa5: {  	[tilespmem:s30], [sflag:$0x3] =	stream.linear.gather [hbm4b:s23+s24], $0x1000, $0x38;
	[tilespmem:$0x1FC00] =	vst v63  }
0xa6: {  	s24 =	simm.s32 $0x2080  }
0xa7: {  	[tilespmem:s12], [sflag:$0x2] =	stream.indirect.gather [hbm4b:s4+s31], $0x80, s24, s31, $0xb8;
	[tilespmem:$0x1FC00] =	vst v63  }
0xa8: {  	s25 =	simm.s32 $0x20C0  }
0xa9: {  	[tilespmem:s13], [sflag:$0x2] =	stream.indirect.gather [hbm4b:s4+s31], $0x80, s25, s31, $0xb8;
	[tilespmem:$0x1FC00] =	vst v63  }
0xaa: {  	_ =	swait.ge [sflag:s14], $0x4000  }
0xab: {  	[sflag:s14] =	ssyncset.done $0x0  }
0xac: {  	s22 =	simm.s32 $0x3000;
	[sflag:s14] =	ssyncadd.s32 $0xFFFFC000  }
0xad: {  	[spmem:s2] =	stream.indirect.scatter.add.f32 [tilespmem:s28], [sflag:$0x4], $0x80, s22, s15, $0xb8;
	[tilespmem:$0x1FC00] =	vst v63  }
0xae: {  	_ =	swait.ge [sflag:s29], $0x4000  }
0xaf: {  	[sflag:s29] =	ssyncset.done $0x0  }
0xb0: {  	s23 =	simm.s32 $0x2100;
	[sflag:s29] =	ssyncadd.s32 $0xFFFFC000  }
0xb1: {  	[tilespmem:s28], [sflag:$0x1] =	stream.indirect.gather [hbm4b:s4+s31], $0x80, s23, s31, $0xb8;
	[tilespmem:$0x1FC00] =	vst v63  }
0xb2: {  	s24 =	simm.s32 $0x2140  }
0xb3: {  	[tilespmem:s0], [sflag:$0x1] =	stream.indirect.gather [hbm4b:s4+s31], $0x80, s24, s31, $0xb8;
	[tilespmem:$0x1FC00] =	vst v63  }
0xb4: {  	_ =	swait.ge [sflag:s16], $0x4000  }
0xb5: {  	[sflag:s16] =	ssyncset.done $0x0  }
0xb6: {  	s25 =	simm.s32 $0x3080;
	[sflag:s16] =	ssyncadd.s32 $0xFFFFC000  }
0xb7: {  	[spmem:s2] =	stream.indirect.scatter.add.f32 [tilespmem:s12], [sflag:$0x4], $0x80, s25, s15, $0xb8;
	[tilespmem:$0x1FC00] =	vst v63  }
0xb8: {  	_ =	swait.ge [sflag:s29], $0x4000  }
0xb9: {  	s21 =	simm.s32 $0x100;
	s22 =	simm.s32 $0x800;
	[sflag:s29] =	ssyncset.done $0x0  }
.LBB2_4:
0xba: {  	s23 =	sadd.s32 $0x2080, s21  }
0xbb: {  	[sflag:s29] =	ssyncadd.s32 $0xFFFFC000;
	s24 =	smov.u32 s22;
	s25 =	sadd.s32 $0x400, s22  }
0xbc: {  	[tilespmem:s12], [sflag:$0x2] =	stream.indirect.gather [hbm4b:s4+s31], $0x80, s23, s31, $0xb8;
	[tilespmem:$0x1FC00] =	vst v63  }
0xbd: {  	p0 =	sne.s32 s22, $0x3800;
	s22 =	sadd.s32 $0x20C0, s21  }
0xbe: {  	[tilespmem:s13], [sflag:$0x2] =	stream.indirect.gather [hbm4b:s4+s31], $0x80, s22, s31, $0xb8;
	[tilespmem:$0x1FC00] =	vst v63  }
0xbf: {  	_ =	swait.ge [sflag:s14], $0x4000  }
0xc0: {  	[sflag:s14] =	ssyncset.done $0x0  }
0xc1: {  	s22 =	sadd.s32 $0x3000, s21;
	[sflag:s14] =	ssyncadd.s32 $0xFFFFC000  }
0xc2: {  	[spmem:s2] =	stream.indirect.scatter.add.f32 [tilespmem:s28], [sflag:$0x4], $0x80, s22, s15, $0xb8;
	[tilespmem:$0x1FC00] =	vst v63  }
0xc3: {  	_ =	swait.ge [sflag:s29], $0x4000  }
0xc4: {  	[sflag:s29] =	ssyncset.done $0x0  }
0xc5: {  	s22 =	sadd.s32 $0x2100, s21;
	[sflag:s29] =	ssyncadd.s32 $0xFFFFC000  }
0xc6: {  	[tilespmem:s28], [sflag:$0x1] =	stream.indirect.gather [hbm4b:s4+s31], $0x80, s22, s31, $0xb8;
	[tilespmem:$0x1FC00] =	vst v63  }
0xc7: {  	s22 =	sadd.s32 $0x2140, s21  }
0xc8: {  	[tilespmem:s0], [sflag:$0x1] =	stream.indirect.gather [hbm4b:s4+s31], $0x80, s22, s31, $0xb8;
	[tilespmem:$0x1FC00] =	vst v63  }
0xc9: {  	_ =	swait.ge [sflag:s16], $0x4000  }
.Ltmp1:
0xca: {  	[sflag:s16] =	ssyncset.done $0x0;
	(pc) =	sbr.rel @p0 .LBB2_4-.Ltmp1, $4  }
0xcb: {  	s21 =	sadd.s32 $0x3080, s21;
	[sflag:s16] =	ssyncadd.s32 $0xFFFFC000  }
0xcc: {  	[spmem:s2] =	stream.indirect.scatter.add.f32 [tilespmem:s12], [sflag:$0x4], $0x80, s21, s15, $0xb8;
	[tilespmem:$0x1FC00] =	vst v63  }
0xcd: {  	_ =	swait.ge [sflag:s29], $0x4000  }
0xce: {  	s22 =	smov.u32 s25;
	s21 =	sshra.s32 s24, $0x2;
	[sflag:s29] =	ssyncset.done $0x0  }
0xcf: {  	s22 =	sadd.s32 $0x2080, s21;
	[sflag:s29] =	ssyncadd.s32 $0xFFFFC000  }
0xd0: {  	[tilespmem:s12], [sflag:$0x2] =	stream.indirect.gather [hbm4b:s4+s31], $0x80, s22, s31, $0xb8;
	[tilespmem:$0x1FC00] =	vst v63  }
0xd1: {  	s25 =	sadd.s32 $0x20C0, s21  }
0xd2: {  	[tilespmem:s13], [sflag:$0x2] =	stream.indirect.gather [hbm4b:s4+s31], $0x80, s25, s31, $0xb8;
	[tilespmem:$0x1FC00] =	vst v63  }
0xd3: {  	_ =	swait.ge [sflag:s14], $0x4000  }
0xd4: {  	[sflag:s14] =	ssyncset.done $0x0  }
0xd5: {  	s23 =	sadd.s32 $0x3000, s21;
	[sflag:s14] =	ssyncadd.s32 $0xFFFFC000  }
0xd6: {  	[spmem:s2] =	stream.indirect.scatter.add.f32 [tilespmem:s28], [sflag:$0x4], $0x80, s23, s15, $0xb8;
	[tilespmem:$0x1FC00] =	vst v63  }
0xd7: {  	_ =	swait.ge [sflag:s29], $0x4000  }
0xd8: {  	[sflag:s29] =	ssyncset.done $0x0  }
0xd9: {  	s24 =	sadd.s32 $0x2100, s21;
	[sflag:s29] =	ssyncadd.s32 $0xFFFFC000  }
0xda: {  	[tilespmem:s28], [sflag:$0x1] =	stream.indirect.gather [hbm4b:s4+s31], $0x80, s24, s31, $0xb8;
	[tilespmem:$0x1FC00] =	vst v63  }
0xdb: {  	s25 =	sadd.s32 $0x2140, s21  }
0xdc: {  	[tilespmem:s0], [sflag:$0x1] =	stream.indirect.gather [hbm4b:s4+s31], $0x80, s25, s31, $0xb8;
	[tilespmem:$0x1FC00] =	vst v63  }
0xdd: {  	_ =	swait.ge [sflag:s16], $0x4000  }
0xde: {  	[sflag:s16] =	ssyncset.done $0x0  }
0xdf: {  	s23 =	sadd.s32 $0x3080, s21;
	[sflag:s16] =	ssyncadd.s32 $0xFFFFC000  }
0xe0: {  	[spmem:s2] =	stream.indirect.scatter.add.f32 [tilespmem:s12], [sflag:$0x4], $0x80, s23, s15, $0xb8;
	[tilespmem:$0x1FC00] =	vst v63  }
0xe1: {  	_ =	swait.ge [sflag:s29], $0x4000  }
0xe2: {  	[sflag:s29] =	ssyncset.done $0x0  }
0xe3: {  	s24 =	simm.s32 $0x2F80;
	[sflag:s29] =	ssyncadd.s32 $0xFFFFC000  }
0xe4: {  	[tilespmem:s12], [sflag:$0x2] =	stream.indirect.gather [hbm4b:s4+s31], $0x80, s24, s31, $0xb8;
	[tilespmem:$0x1FC00] =	vst v63  }
0xe5: {  	s25 =	simm.s32 $0x2FC0  }
0xe6: {  	[tilespmem:s13], [sflag:$0x2] =	stream.indirect.gather [hbm4b:s4+s31], $0x80, s25, s31, $0xb8;
	[tilespmem:$0x1FC00] =	vst v63  }
0xe7: {  	_ =	swait.ge [sflag:s14], $0x4000  }
0xe8: {  	[sflag:s14] =	ssyncset.done $0x0  }
0xe9: {  	s22 =	simm.s32 $0x3F00;
	[sflag:s14] =	ssyncadd.s32 $0xFFFFC000  }
0xea: {  	[spmem:s2] =	stream.indirect.scatter.add.f32 [tilespmem:s28], [sflag:$0x4], $0x80, s22, s15, $0xb8;
	[tilespmem:$0x1FC00] =	vst v63  }
0xeb: {  	_ =	swait.ge [sflag:s29], $0x4000  }
0xec: {  	[sflag:s29] =	ssyncset.done $0x0  }
0xed: {  	[sflag:s29] =	ssyncadd.s32 $0xFFFFC000  }
0xee: {  	_ =	swait.ge [sflag:s20], $0x1000  }
0xef: {  	[sflag:s20] =	ssyncset.done $0x0  }
0xf0: {  	[sflag:s20] =	ssyncadd.s32 $0xFFFFF000  }
0xf1: {  	_ =	swait.ge [sflag:s20], $0x1000  }
0xf2: {  	[sflag:s20] =	ssyncset.done $0x0  }
0xf3: {  	s21 =	simm.s32 $0x0;
	[sflag:s20] =	ssyncadd.s32 $0xFFFFF000  }
0xf4: {  	[tilespmem:s28], [sflag:$0x1] =	stream.indirect.gather [hbm4b:s4+s31], $0x80, s21, s31, $0xb8;
	[tilespmem:$0x1FC00] =	vst v63  }
0xf5: {  	_ = 	snop  }
0xf6: {  	[tilespmem:s0], [sflag:$0x1] =	stream.indirect.gather [hbm4b:s4+s31], $0x80, s31, s31, $0xb8;
	[tilespmem:$0x1FC00] =	vst v63  }
0xf7: {  	_ =	swait.ge [sflag:s16], $0x4000  }
0xf8: {  	[sflag:s16] =	ssyncset.done $0x0  }
0xf9: {  	s23 =	simm.s32 $0x3F80;
	[sflag:s16] =	ssyncadd.s32 $0xFFFFC000  }
0xfa: {  	[spmem:s2] =	stream.indirect.scatter.add.f32 [tilespmem:s12], [sflag:$0x4], $0x80, s23, s15, $0xb8;
	[tilespmem:$0x1FC00] =	vst v63  }
0xfb: {  	_ =	swait.ge [sflag:s29], $0x4000  }
0xfc: {  	[sflag:s29] =	ssyncset.done $0x0  }
0xfd: {  	s24 =	rddreg [dreg:$0xa];
	[sflag:s29] =	ssyncadd.s32 $0xFFFFC000  }
0xfe: {  	[tilespmem:s1], [sflag:$0x3] =	stream.linear.gather [hbm4b:s24+s21], $0x1000, $0x38;
	[tilespmem:$0x1FC00] =	vst v63  }
0xff: {  	s23 =	simm.s32 $0x3000;
	s25 =	rddreg [dreg:$0x10]  }
0x100: {  	[tilespmem:s23], [sflag:$0x3] =	stream.linear.gather [hbm4b:s25+s21], $0x1000, $0x38;
	[tilespmem:$0x1FC00] =	vst v63  }
0x101: {  	s24 =	simm.s32 $0x80  }
0x102: {  	[tilespmem:s12], [sflag:$0x2] =	stream.indirect.gather [hbm4b:s4+s31], $0x80, s24, s31, $0xb8;
	[tilespmem:$0x1FC00] =	vst v63  }
0x103: {  	s25 =	simm.s32 $0xC0  }
0x104: {  	[tilespmem:s13], [sflag:$0x2] =	stream.indirect.gather [hbm4b:s4+s31], $0x80, s25, s31, $0xb8;
	[tilespmem:$0x1FC00] =	vst v63  }
0x105: {  	_ =	swait.ge [sflag:s14], $0x4000  }
0x106: {  	[sflag:s14] =	ssyncset.done $0x0  }
0x107: {  	s22 =	simm.s32 $0x1000;
	[sflag:s14] =	ssyncadd.s32 $0xFFFFC000  }
0x108: {  	[spmem:s2] =	stream.indirect.scatter.add.f32 [tilespmem:s28], [sflag:$0x4], $0x80, s22, s15, $0xb8;
	[tilespmem:$0x1FC00] =	vst v63  }
0x109: {  	_ =	swait.ge [sflag:s29], $0x4000  }
0x10a: {  	[sflag:s29] =	ssyncset.done $0x0  }
0x10b: {  	s23 =	simm.s32 $0x100;
	[sflag:s29] =	ssyncadd.s32 $0xFFFFC000  }
0x10c: {  	[tilespmem:s28], [sflag:$0x1] =	stream.indirect.gather [hbm4b:s4+s31], $0x80, s23, s31, $0xb8;
	[tilespmem:$0x1FC00] =	vst v63  }
0x10d: {  	s24 =	simm.s32 $0x140  }
0x10e: {  	[tilespmem:s0], [sflag:$0x1] =	stream.indirect.gather [hbm4b:s4+s31], $0x80, s24, s31, $0xb8;
	[tilespmem:$0x1FC00] =	vst v63  }
0x10f: {  	_ =	swait.ge [sflag:s16], $0x4000  }
0x110: {  	[sflag:s16] =	ssyncset.done $0x0  }
0x111: {  	s25 =	simm.s32 $0x1080;
	[sflag:s16] =	ssyncadd.s32 $0xFFFFC000  }
0x112: {  	[spmem:s2] =	stream.indirect.scatter.add.f32 [tilespmem:s12], [sflag:$0x4], $0x80, s25, s15, $0xb8;
	[tilespmem:$0x1FC00] =	vst v63  }
0x113: {  	_ =	swait.ge [sflag:s29], $0x4000  }
0x114: {  	s21 =	simm.s32 $0x100;
	s22 =	simm.s32 $0x800;
	[sflag:s29] =	ssyncset.done $0x0  }
.LBB2_6:
0x115: {  	s23 =	sadd.s32 $0x80, s21  }
0x116: {  	[sflag:s29] =	ssyncadd.s32 $0xFFFFC000;
	s24 =	smov.u32 s22;
	s25 =	sadd.s32 $0x400, s22  }
0x117: {  	[tilespmem:s12], [sflag:$0x2] =	stream.indirect.gather [hbm4b:s4+s31], $0x80, s23, s31, $0xb8;
	[tilespmem:$0x1FC00] =	vst v63  }
0x118: {  	p0 =	sne.s32 s22, $0x3800;
	s22 =	sadd.s32 $0xC0, s21  }
0x119: {  	[tilespmem:s13], [sflag:$0x2] =	stream.indirect.gather [hbm4b:s4+s31], $0x80, s22, s31, $0xb8;
	[tilespmem:$0x1FC00] =	vst v63  }
0x11a: {  	_ =	swait.ge [sflag:s14], $0x4000  }
0x11b: {  	[sflag:s14] =	ssyncset.done $0x0  }
0x11c: {  	s22 =	sadd.s32 $0x1000, s21;
	[sflag:s14] =	ssyncadd.s32 $0xFFFFC000  }
0x11d: {  	[spmem:s2] =	stream.indirect.scatter.add.f32 [tilespmem:s28], [sflag:$0x4], $0x80, s22, s15, $0xb8;
	[tilespmem:$0x1FC00] =	vst v63  }
0x11e: {  	_ =	swait.ge [sflag:s29], $0x4000  }
0x11f: {  	[sflag:s29] =	ssyncset.done $0x0  }
0x120: {  	s22 =	sadd.s32 $0x100, s21;
	[sflag:s29] =	ssyncadd.s32 $0xFFFFC000  }
0x121: {  	[tilespmem:s28], [sflag:$0x1] =	stream.indirect.gather [hbm4b:s4+s31], $0x80, s22, s31, $0xb8;
	[tilespmem:$0x1FC00] =	vst v63  }
0x122: {  	s22 =	sadd.s32 $0x140, s21  }
0x123: {  	[tilespmem:s0], [sflag:$0x1] =	stream.indirect.gather [hbm4b:s4+s31], $0x80, s22, s31, $0xb8;
	[tilespmem:$0x1FC00] =	vst v63  }
0x124: {  	_ =	swait.ge [sflag:s16], $0x4000  }
.Ltmp2:
0x125: {  	[sflag:s16] =	ssyncset.done $0x0;
	(pc) =	sbr.rel @p0 .LBB2_6-.Ltmp2, $4  }
0x126: {  	s21 =	sadd.s32 $0x1080, s21;
	[sflag:s16] =	ssyncadd.s32 $0xFFFFC000  }
0x127: {  	[spmem:s2] =	stream.indirect.scatter.add.f32 [tilespmem:s12], [sflag:$0x4], $0x80, s21, s15, $0xb8;
	[tilespmem:$0x1FC00] =	vst v63  }
0x128: {  	_ =	swait.ge [sflag:s29], $0x4000  }
0x129: {  	s22 =	smov.u32 s25;
	s21 =	sshra.s32 s24, $0x2;
	[sflag:s29] =	ssyncset.done $0x0  }
0x12a: {  	s22 =	sadd.s32 $0x80, s21;
	[sflag:s29] =	ssyncadd.s32 $0xFFFFC000  }
0x12b: {  	[tilespmem:s12], [sflag:$0x2] =	stream.indirect.gather [hbm4b:s4+s31], $0x80, s22, s31, $0xb8;
	[tilespmem:$0x1FC00] =	vst v63  }
0x12c: {  	s25 =	sadd.s32 $0xC0, s21  }
0x12d: {  	[tilespmem:s13], [sflag:$0x2] =	stream.indirect.gather [hbm4b:s4+s31], $0x80, s25, s31, $0xb8;
	[tilespmem:$0x1FC00] =	vst v63  }
0x12e: {  	_ =	swait.ge [sflag:s14], $0x4000  }
0x12f: {  	[sflag:s14] =	ssyncset.done $0x0  }
0x130: {  	s23 =	sadd.s32 $0x1000, s21;
	[sflag:s14] =	ssyncadd.s32 $0xFFFFC000  }
0x131: {  	[spmem:s2] =	stream.indirect.scatter.add.f32 [tilespmem:s28], [sflag:$0x4], $0x80, s23, s15, $0xb8;
	[tilespmem:$0x1FC00] =	vst v63  }
0x132: {  	_ =	swait.ge [sflag:s29], $0x4000  }
0x133: {  	[sflag:s29] =	ssyncset.done $0x0  }
0x134: {  	s24 =	sadd.s32 $0x100, s21;
	[sflag:s29] =	ssyncadd.s32 $0xFFFFC000  }
0x135: {  	[tilespmem:s28], [sflag:$0x1] =	stream.indirect.gather [hbm4b:s4+s31], $0x80, s24, s31, $0xb8;
	[tilespmem:$0x1FC00] =	vst v63  }
0x136: {  	s25 =	sadd.s32 $0x140, s21  }
0x137: {  	[tilespmem:s0], [sflag:$0x1] =	stream.indirect.gather [hbm4b:s4+s31], $0x80, s25, s31, $0xb8;
	[tilespmem:$0x1FC00] =	vst v63  }
0x138: {  	_ =	swait.ge [sflag:s16], $0x4000  }
0x139: {  	[sflag:s16] =	ssyncset.done $0x0  }
0x13a: {  	s22 =	sadd.s32 $0x1080, s21;
	[sflag:s16] =	ssyncadd.s32 $0xFFFFC000  }
0x13b: {  	[spmem:s2] =	stream.indirect.scatter.add.f32 [tilespmem:s12], [sflag:$0x4], $0x80, s22, s15, $0xb8;
	[tilespmem:$0x1FC00] =	vst v63  }
0x13c: {  	_ =	swait.ge [sflag:s29], $0x4000  }
0x13d: {  	[sflag:s29] =	ssyncset.done $0x0  }
0x13e: {  	[sflag:s29] =	ssyncadd.s32 $0xFFFFC000  }
0x13f: {  	[tilespmem:s12], [sflag:$0x2] =	stream.indirect.gather [hbm4b:s4+s31], $0x80, s17, s31, $0xb8;
	[tilespmem:$0x1FC00] =	vst v63  }
0x140: {  	_ = 	snop  }
0x141: {  	[tilespmem:s13], [sflag:$0x2] =	stream.indirect.gather [hbm4b:s4+s31], $0x80, s18, s31, $0xb8;
	[tilespmem:$0x1FC00] =	vst v63  }
0x142: {  	_ =	swait.ge [sflag:s14], $0x4000  }
0x143: {  	[sflag:s14] =	ssyncset.done $0x0  }
0x144: {  	[sflag:s14] =	ssyncadd.s32 $0xFFFFC000  }
0x145: {  	[spmem:s2] =	stream.indirect.scatter.add.f32 [tilespmem:s28], [sflag:$0x4], $0x80, s19, s15, $0xb8;
	[tilespmem:$0x1FC00] =	vst v63  }
0x146: {  	_ =	swait.ge [sflag:s29], $0x4000  }
0x147: {  	[sflag:s29] =	ssyncset.done $0x0  }
0x148: {  	[sflag:s29] =	ssyncadd.s32 $0xFFFFC000  }
0x149: {  	_ =	swait.ge [sflag:s20], $0x1000  }
0x14a: {  	[sflag:s20] =	ssyncset.done $0x0  }
0x14b: {  	[sflag:s20] =	ssyncadd.s32 $0xFFFFF000  }
0x14c: {  	_ =	swait.ge [sflag:s20], $0x1000  }
0x14d: {  	[sflag:s20] =	ssyncset.done $0x0  }
0x14e: {  	[sflag:s20] =	ssyncadd.s32 $0xFFFFF000  }
0x14f: {  	[tilespmem:s28], [sflag:$0x1] =	stream.indirect.gather [hbm4b:s4+s31], $0x80, s1, s31, $0xb8;
	[tilespmem:$0x1FC00] =	vst v63  }
0x150: {  	s23 =	simm.s32 $0x2040  }
0x151: {  	[tilespmem:s0], [sflag:$0x1] =	stream.indirect.gather [hbm4b:s4+s31], $0x80, s23, s31, $0xb8;
	[tilespmem:$0x1FC00] =	vst v63  }
0x152: {  	_ =	swait.ge [sflag:s16], $0x4000  }
0x153: {  	[sflag:s16] =	ssyncset.done $0x0  }
0x154: {  	[sflag:s16] =	ssyncadd.s32 $0xFFFFC000  }
0x155: {  	[spmem:s2] =	stream.indirect.scatter.add.f32 [tilespmem:s12], [sflag:$0x4], $0x80, s5, s15, $0xb8;
	[tilespmem:$0x1FC00] =	vst v63  }
0x156: {  	_ =	swait.ge [sflag:s29], $0x4000  }
0x157: {  	[sflag:s29] =	ssyncset.done $0x0  }
0x158: {  	s24 =	simm.s32 $0x0;
	s25 =	rddreg [dreg:$0x13];
	[sflag:s29] =	ssyncadd.s32 $0xFFFFC000  }
0x159: {  	[tilespmem:s24], [sflag:$0x3] =	stream.linear.gather [hbm4b:s25+s24], $0x1000, $0x38;
	[tilespmem:$0x1FC00] =	vst v63  }
0x15a: {  	s23 =	rddreg [dreg:$0x11]  }
0x15b: {  	[tilespmem:s30], [sflag:$0x3] =	stream.linear.gather [hbm4b:s23+s24], $0x1000, $0x38;
	[tilespmem:$0x1FC00] =	vst v63  }
0x15c: {  	s24 =	simm.s32 $0x2080  }
0x15d: {  	[tilespmem:s12], [sflag:$0x2] =	stream.indirect.gather [hbm4b:s4+s31], $0x80, s24, s31, $0xb8;
	[tilespmem:$0x1FC00] =	vst v63  }
0x15e: {  	s25 =	simm.s32 $0x20C0  }
0x15f: {  	[tilespmem:s13], [sflag:$0x2] =	stream.indirect.gather [hbm4b:s4+s31], $0x80, s25, s31, $0xb8;
	[tilespmem:$0x1FC00] =	vst v63  }
0x160: {  	_ =	swait.ge [sflag:s14], $0x4000  }
0x161: {  	[sflag:s14] =	ssyncset.done $0x0  }
0x162: {  	s22 =	simm.s32 $0x3000;
	[sflag:s14] =	ssyncadd.s32 $0xFFFFC000  }
0x163: {  	[spmem:s2] =	stream.indirect.scatter.add.f32 [tilespmem:s28], [sflag:$0x4], $0x80, s22, s15, $0xb8;
	[tilespmem:$0x1FC00] =	vst v63  }
0x164: {  	_ =	swait.ge [sflag:s29], $0x4000  }
0x165: {  	[sflag:s29] =	ssyncset.done $0x0  }
0x166: {  	s23 =	simm.s32 $0x2100;
	[sflag:s29] =	ssyncadd.s32 $0xFFFFC000  }
0x167: {  	[tilespmem:s28], [sflag:$0x1] =	stream.indirect.gather [hbm4b:s4+s31], $0x80, s23, s31, $0xb8;
	[tilespmem:$0x1FC00] =	vst v63  }
0x168: {  	s24 =	simm.s32 $0x2140  }
0x169: {  	[tilespmem:s0], [sflag:$0x1] =	stream.indirect.gather [hbm4b:s4+s31], $0x80, s24, s31, $0xb8;
	[tilespmem:$0x1FC00] =	vst v63  }
0x16a: {  	_ =	swait.ge [sflag:s16], $0x4000  }
0x16b: {  	[sflag:s16] =	ssyncset.done $0x0  }
0x16c: {  	s25 =	simm.s32 $0x3080;
	[sflag:s16] =	ssyncadd.s32 $0xFFFFC000  }
0x16d: {  	[spmem:s2] =	stream.indirect.scatter.add.f32 [tilespmem:s12], [sflag:$0x4], $0x80, s25, s15, $0xb8;
	[tilespmem:$0x1FC00] =	vst v63  }
0x16e: {  	_ =	swait.ge [sflag:s29], $0x4000  }
0x16f: {  	s21 =	simm.s32 $0x100;
	s22 =	simm.s32 $0x800;
	[sflag:s29] =	ssyncset.done $0x0  }
.LBB2_8:
0x170: {  	s23 =	sadd.s32 $0x2080, s21  }
0x171: {  	[sflag:s29] =	ssyncadd.s32 $0xFFFFC000;
	s24 =	smov.u32 s22;
	s25 =	sadd.s32 $0x400, s22  }
0x172: {  	[tilespmem:s12], [sflag:$0x2] =	stream.indirect.gather [hbm4b:s4+s31], $0x80, s23, s31, $0xb8;
	[tilespmem:$0x1FC00] =	vst v63  }
0x173: {  	p0 =	sne.s32 s22, $0x3800;
	s22 =	sadd.s32 $0x20C0, s21  }
0x174: {  	[tilespmem:s13], [sflag:$0x2] =	stream.indirect.gather [hbm4b:s4+s31], $0x80, s22, s31, $0xb8;
	[tilespmem:$0x1FC00] =	vst v63  }
0x175: {  	_ =	swait.ge [sflag:s14], $0x4000  }
0x176: {  	[sflag:s14] =	ssyncset.done $0x0  }
0x177: {  	s22 =	sadd.s32 $0x3000, s21;
	[sflag:s14] =	ssyncadd.s32 $0xFFFFC000  }
0x178: {  	[spmem:s2] =	stream.indirect.scatter.add.f32 [tilespmem:s28], [sflag:$0x4], $0x80, s22, s15, $0xb8;
	[tilespmem:$0x1FC00] =	vst v63  }
0x179: {  	_ =	swait.ge [sflag:s29], $0x4000  }
0x17a: {  	[sflag:s29] =	ssyncset.done $0x0  }
0x17b: {  	s22 =	sadd.s32 $0x2100, s21;
	[sflag:s29] =	ssyncadd.s32 $0xFFFFC000  }
0x17c: {  	[tilespmem:s28], [sflag:$0x1] =	stream.indirect.gather [hbm4b:s4+s31], $0x80, s22, s31, $0xb8;
	[tilespmem:$0x1FC00] =	vst v63  }
0x17d: {  	s22 =	sadd.s32 $0x2140, s21  }
0x17e: {  	[tilespmem:s0], [sflag:$0x1] =	stream.indirect.gather [hbm4b:s4+s31], $0x80, s22, s31, $0xb8;
	[tilespmem:$0x1FC00] =	vst v63  }
0x17f: {  	_ =	swait.ge [sflag:s16], $0x4000  }
.Ltmp3:
0x180: {  	[sflag:s16] =	ssyncset.done $0x0;
	(pc) =	sbr.rel @p0 .LBB2_8-.Ltmp3, $4  }
0x181: {  	s21 =	sadd.s32 $0x3080, s21;
	[sflag:s16] =	ssyncadd.s32 $0xFFFFC000  }
0x182: {  	[spmem:s2] =	stream.indirect.scatter.add.f32 [tilespmem:s12], [sflag:$0x4], $0x80, s21, s15, $0xb8;
	[tilespmem:$0x1FC00] =	vst v63  }
0x183: {  	_ =	swait.ge [sflag:s29], $0x4000  }
0x184: {  	s22 =	smov.u32 s25;
	s21 =	sshra.s32 s24, $0x2;
	[sflag:s29] =	ssyncset.done $0x0  }
0x185: {  	s22 =	sadd.s32 $0x2080, s21;
	[sflag:s29] =	ssyncadd.s32 $0xFFFFC000  }
0x186: {  	[tilespmem:s12], [sflag:$0x2] =	stream.indirect.gather [hbm4b:s4+s31], $0x80, s22, s31, $0xb8;
	[tilespmem:$0x1FC00] =	vst v63  }
0x187: {  	s25 =	sadd.s32 $0x20C0, s21  }
0x188: {  	[tilespmem:s13], [sflag:$0x2] =	stream.indirect.gather [hbm4b:s4+s31], $0x80, s25, s31, $0xb8;
	[tilespmem:$0x1FC00] =	vst v63  }
0x189: {  	_ =	swait.ge [sflag:s14], $0x4000  }
0x18a: {  	[sflag:s14] =	ssyncset.done $0x0  }
0x18b: {  	s23 =	sadd.s32 $0x3000, s21;
	[sflag:s14] =	ssyncadd.s32 $0xFFFFC000  }
0x18c: {  	[spmem:s2] =	stream.indirect.scatter.add.f32 [tilespmem:s28], [sflag:$0x4], $0x80, s23, s15, $0xb8;
	[tilespmem:$0x1FC00] =	vst v63  }
0x18d: {  	_ =	swait.ge [sflag:s29], $0x4000  }
0x18e: {  	[sflag:s29] =	ssyncset.done $0x0  }
0x18f: {  	s24 =	sadd.s32 $0x2100, s21;
	[sflag:s29] =	ssyncadd.s32 $0xFFFFC000  }
0x190: {  	[tilespmem:s28], [sflag:$0x1] =	stream.indirect.gather [hbm4b:s4+s31], $0x80, s24, s31, $0xb8;
	[tilespmem:$0x1FC00] =	vst v63  }
0x191: {  	s25 =	sadd.s32 $0x2140, s21  }
0x192: {  	[tilespmem:s0], [sflag:$0x1] =	stream.indirect.gather [hbm4b:s4+s31], $0x80, s25, s31, $0xb8;
	[tilespmem:$0x1FC00] =	vst v63  }
0x193: {  	_ =	swait.ge [sflag:s16], $0x4000  }
0x194: {  	[sflag:s16] =	ssyncset.done $0x0  }
0x195: {  	s22 =	sadd.s32 $0x3080, s21;
	[sflag:s16] =	ssyncadd.s32 $0xFFFFC000  }
0x196: {  	[spmem:s2] =	stream.indirect.scatter.add.f32 [tilespmem:s12], [sflag:$0x4], $0x80, s22, s15, $0xb8;
	[tilespmem:$0x1FC00] =	vst v63  }
0x197: {  	_ =	swait.ge [sflag:s29], $0x4000  }
0x198: {  	[sflag:s29] =	ssyncset.done $0x0  }
0x199: {  	s23 =	simm.s32 $0x2F80;
	[sflag:s29] =	ssyncadd.s32 $0xFFFFC000  }
0x19a: {  	[tilespmem:s12], [sflag:$0x2] =	stream.indirect.gather [hbm4b:s4+s31], $0x80, s23, s31, $0xb8;
	[tilespmem:$0x1FC00] =	vst v63  }
0x19b: {  	s24 =	simm.s32 $0x2FC0  }
0x19c: {  	[tilespmem:s13], [sflag:$0x2] =	stream.indirect.gather [hbm4b:s4+s31], $0x80, s24, s31, $0xb8;
	[tilespmem:$0x1FC00] =	vst v63  }
0x19d: {  	_ =	swait.ge [sflag:s14], $0x4000  }
0x19e: {  	[sflag:s14] =	ssyncset.done $0x0  }
0x19f: {  	s25 =	simm.s32 $0x3F00;
	[sflag:s14] =	ssyncadd.s32 $0xFFFFC000  }
0x1a0: {  	[spmem:s2] =	stream.indirect.scatter.add.f32 [tilespmem:s28], [sflag:$0x4], $0x80, s25, s15, $0xb8;
	[tilespmem:$0x1FC00] =	vst v63  }
0x1a1: {  	_ =	swait.ge [sflag:s29], $0x4000  }
0x1a2: {  	[sflag:s29] =	ssyncset.done $0x0  }
0x1a3: {  	[sflag:s29] =	ssyncadd.s32 $0xFFFFC000  }
0x1a4: {  	_ =	swait.ge [sflag:s20], $0x1000  }
0x1a5: {  	[sflag:s20] =	ssyncset.done $0x0  }
0x1a6: {  	[sflag:s20] =	ssyncadd.s32 $0xFFFFF000  }
0x1a7: {  	_ =	swait.ge [sflag:s20], $0x1000  }
0x1a8: {  	[sflag:s20] =	ssyncset.done $0x0  }
0x1a9: {  	s22 =	simm.s32 $0x0;
	[sflag:s20] =	ssyncadd.s32 $0xFFFFF000  }
0x1aa: {  	[tilespmem:s28], [sflag:$0x1] =	stream.indirect.gather [hbm4b:s4+s31], $0x80, s22, s31, $0xb8;
	[tilespmem:$0x1FC00] =	vst v63  }
0x1ab: {  	_ = 	snop  }
0x1ac: {  	[tilespmem:s0], [sflag:$0x1] =	stream.indirect.gather [hbm4b:s4+s31], $0x80, s31, s31, $0xb8;
	[tilespmem:$0x1FC00] =	vst v63  }
0x1ad: {  	_ =	swait.ge [sflag:s16], $0x4000  }
0x1ae: {  	[sflag:s16] =	ssyncset.done $0x0  }
0x1af: {  	s23 =	simm.s32 $0x3F80;
	[sflag:s16] =	ssyncadd.s32 $0xFFFFC000  }
0x1b0: {  	[spmem:s2] =	stream.indirect.scatter.add.f32 [tilespmem:s12], [sflag:$0x4], $0x80, s23, s15, $0xb8;
	[tilespmem:$0x1FC00] =	vst v63  }
0x1b1: {  	_ =	swait.ge [sflag:s29], $0x4000  }
0x1b2: {  	[sflag:s29] =	ssyncset.done $0x0  }
0x1b3: {  	s24 =	simm.s32 $0x80;
	[sflag:s29] =	ssyncadd.s32 $0xFFFFC000  }
0x1b4: {  	[tilespmem:s12], [sflag:$0x2] =	stream.indirect.gather [hbm4b:s4+s31], $0x80, s24, s31, $0xb8;
	[tilespmem:$0x1FC00] =	vst v63  }
0x1b5: {  	s25 =	simm.s32 $0xC0  }
0x1b6: {  	[tilespmem:s13], [sflag:$0x2] =	stream.indirect.gather [hbm4b:s4+s31], $0x80, s25, s31, $0xb8;
	[tilespmem:$0x1FC00] =	vst v63  }
0x1b7: {  	_ =	swait.ge [sflag:s14], $0x4000  }
0x1b8: {  	[sflag:s14] =	ssyncset.done $0x0  }
0x1b9: {  	s22 =	simm.s32 $0x1000;
	[sflag:s14] =	ssyncadd.s32 $0xFFFFC000  }
0x1ba: {  	[spmem:s2] =	stream.indirect.scatter.add.f32 [tilespmem:s28], [sflag:$0x4], $0x80, s22, s15, $0xb8;
	[tilespmem:$0x1FC00] =	vst v63  }
0x1bb: {  	_ =	swait.ge [sflag:s29], $0x4000  }
0x1bc: {  	[sflag:s29] =	ssyncset.done $0x0  }
0x1bd: {  	s23 =	simm.s32 $0x100;
	[sflag:s29] =	ssyncadd.s32 $0xFFFFC000  }
0x1be: {  	[tilespmem:s28], [sflag:$0x1] =	stream.indirect.gather [hbm4b:s4+s31], $0x80, s23, s31, $0xb8;
	[tilespmem:$0x1FC00] =	vst v63  }
0x1bf: {  	s24 =	simm.s32 $0x140  }
0x1c0: {  	[tilespmem:s0], [sflag:$0x1] =	stream.indirect.gather [hbm4b:s4+s31], $0x80, s24, s31, $0xb8;
	[tilespmem:$0x1FC00] =	vst v63  }
0x1c1: {  	_ =	swait.ge [sflag:s16], $0x4000  }
0x1c2: {  	[sflag:s16] =	ssyncset.done $0x0  }
0x1c3: {  	s25 =	simm.s32 $0x1080;
	[sflag:s16] =	ssyncadd.s32 $0xFFFFC000  }
0x1c4: {  	[spmem:s2] =	stream.indirect.scatter.add.f32 [tilespmem:s12], [sflag:$0x4], $0x80, s25, s15, $0xb8;
	[tilespmem:$0x1FC00] =	vst v63  }
0x1c5: {  	_ =	swait.ge [sflag:s29], $0x4000  }
0x1c6: {  	s21 =	simm.s32 $0x100;
	s22 =	simm.s32 $0x800;
	[sflag:s29] =	ssyncset.done $0x0  }
.LBB2_10:
0x1c7: {  	s23 =	sadd.s32 $0x80, s21  }
0x1c8: {  	[sflag:s29] =	ssyncadd.s32 $0xFFFFC000;
	s24 =	smov.u32 s22;
	s25 =	sadd.s32 $0x400, s22  }
0x1c9: {  	[tilespmem:s12], [sflag:$0x2] =	stream.indirect.gather [hbm4b:s4+s31], $0x80, s23, s31, $0xb8;
	[tilespmem:$0x1FC00] =	vst v63  }
0x1ca: {  	p0 =	sne.s32 s22, $0x3800;
	s22 =	sadd.s32 $0xC0, s21  }
0x1cb: {  	[tilespmem:s13], [sflag:$0x2] =	stream.indirect.gather [hbm4b:s4+s31], $0x80, s22, s31, $0xb8;
	[tilespmem:$0x1FC00] =	vst v63  }
0x1cc: {  	_ =	swait.ge [sflag:s14], $0x4000  }
0x1cd: {  	[sflag:s14] =	ssyncset.done $0x0  }
0x1ce: {  	s22 =	sadd.s32 $0x1000, s21;
	[sflag:s14] =	ssyncadd.s32 $0xFFFFC000  }
0x1cf: {  	[spmem:s2] =	stream.indirect.scatter.add.f32 [tilespmem:s28], [sflag:$0x4], $0x80, s22, s15, $0xb8;
	[tilespmem:$0x1FC00] =	vst v63  }
0x1d0: {  	_ =	swait.ge [sflag:s29], $0x4000  }
0x1d1: {  	[sflag:s29] =	ssyncset.done $0x0  }
0x1d2: {  	s22 =	sadd.s32 $0x100, s21;
	[sflag:s29] =	ssyncadd.s32 $0xFFFFC000  }
0x1d3: {  	[tilespmem:s28], [sflag:$0x1] =	stream.indirect.gather [hbm4b:s4+s31], $0x80, s22, s31, $0xb8;
	[tilespmem:$0x1FC00] =	vst v63  }
0x1d4: {  	s22 =	sadd.s32 $0x140, s21  }
0x1d5: {  	[tilespmem:s0], [sflag:$0x1] =	stream.indirect.gather [hbm4b:s4+s31], $0x80, s22, s31, $0xb8;
	[tilespmem:$0x1FC00] =	vst v63  }
0x1d6: {  	_ =	swait.ge [sflag:s16], $0x4000  }
.Ltmp4:
0x1d7: {  	[sflag:s16] =	ssyncset.done $0x0;
	(pc) =	sbr.rel @p0 .LBB2_10-.Ltmp4, $4  }
0x1d8: {  	s21 =	sadd.s32 $0x1080, s21;
	[sflag:s16] =	ssyncadd.s32 $0xFFFFC000  }
0x1d9: {  	[spmem:s2] =	stream.indirect.scatter.add.f32 [tilespmem:s12], [sflag:$0x4], $0x80, s21, s15, $0xb8;
	[tilespmem:$0x1FC00] =	vst v63  }
0x1da: {  	_ =	swait.ge [sflag:s29], $0x4000  }
0x1db: {  	s22 =	smov.u32 s25;
	s21 =	sshra.s32 s24, $0x2;
	[sflag:s29] =	ssyncset.done $0x0  }
0x1dc: {  	s22 =	sadd.s32 $0x80, s21;
	[sflag:s29] =	ssyncadd.s32 $0xFFFFC000  }
0x1dd: {  	[tilespmem:s12], [sflag:$0x2] =	stream.indirect.gather [hbm4b:s4+s31], $0x80, s22, s31, $0xb8;
	[tilespmem:$0x1FC00] =	vst v63  }
0x1de: {  	s25 =	sadd.s32 $0xC0, s21  }
0x1df: {  	[tilespmem:s13], [sflag:$0x2] =	stream.indirect.gather [hbm4b:s4+s31], $0x80, s25, s31, $0xb8;
	[tilespmem:$0x1FC00] =	vst v63  }
0x1e0: {  	_ =	swait.ge [sflag:s14], $0x4000  }
0x1e1: {  	[sflag:s14] =	ssyncset.done $0x0  }
0x1e2: {  	s23 =	sadd.s32 $0x1000, s21;
	[sflag:s14] =	ssyncadd.s32 $0xFFFFC000  }
0x1e3: {  	[spmem:s2] =	stream.indirect.scatter.add.f32 [tilespmem:s28], [sflag:$0x4], $0x80, s23, s15, $0xb8;
	[tilespmem:$0x1FC00] =	vst v63  }
0x1e4: {  	_ =	swait.ge [sflag:s29], $0x4000  }
0x1e5: {  	[sflag:s29] =	ssyncset.done $0x0  }
0x1e6: {  	s24 =	sadd.s32 $0x100, s21;
	[sflag:s29] =	ssyncadd.s32 $0xFFFFC000  }
0x1e7: {  	[tilespmem:s28], [sflag:$0x1] =	stream.indirect.gather [hbm4b:s4+s31], $0x80, s24, s31, $0xb8;
	[tilespmem:$0x1FC00] =	vst v63  }
0x1e8: {  	s25 =	sadd.s32 $0x140, s21  }
0x1e9: {  	[tilespmem:s0], [sflag:$0x1] =	stream.indirect.gather [hbm4b:s4+s31], $0x80, s25, s31, $0xb8;
	[tilespmem:$0x1FC00] =	vst v63  }
0x1ea: {  	_ =	swait.ge [sflag:s16], $0x4000  }
0x1eb: {  	[sflag:s16] =	ssyncset.done $0x0  }
0x1ec: {  	s23 =	sadd.s32 $0x1080, s21;
	[sflag:s16] =	ssyncadd.s32 $0xFFFFC000  }
0x1ed: {  	[spmem:s2] =	stream.indirect.scatter.add.f32 [tilespmem:s12], [sflag:$0x4], $0x80, s23, s15, $0xb8;
	[tilespmem:$0x1FC00] =	vst v63  }
0x1ee: {  	_ =	swait.ge [sflag:s29], $0x4000  }
0x1ef: {  	[sflag:s29] =	ssyncset.done $0x0  }
0x1f0: {  	[sflag:s29] =	ssyncadd.s32 $0xFFFFC000  }
0x1f1: {  	[tilespmem:s12], [sflag:$0x2] =	stream.indirect.gather [hbm4b:s4+s31], $0x80, s17, s31, $0xb8;
	[tilespmem:$0x1FC00] =	vst v63  }
0x1f2: {  	_ = 	snop  }
0x1f3: {  	[tilespmem:s13], [sflag:$0x2] =	stream.indirect.gather [hbm4b:s4+s31], $0x80, s18, s31, $0xb8;
	[tilespmem:$0x1FC00] =	vst v63  }
0x1f4: {  	_ =	swait.ge [sflag:s14], $0x4000  }
0x1f5: {  	[sflag:s14] =	ssyncset.done $0x0  }
0x1f6: {  	[sflag:s14] =	ssyncadd.s32 $0xFFFFC000  }
0x1f7: {  	[spmem:s2] =	stream.indirect.scatter.add.f32 [tilespmem:s28], [sflag:$0x4], $0x80, s19, s15, $0xb8;
	[tilespmem:$0x1FC00] =	vst v63  }
0x1f8: {  	_ =	swait.ge [sflag:s29], $0x4000  }
0x1f9: {  	[sflag:s29] =	ssyncset.done $0x0  }
0x1fa: {  	[sflag:s29] =	ssyncadd.s32 $0xFFFFC000  }
0x1fb: {  	_ =	swait.ge [sflag:s16], $0x4000  }
0x1fc: {  	[sflag:s16] =	ssyncset.done $0x0  }
0x1fd: {  	[sflag:s16] =	ssyncadd.s32 $0xFFFFC000  }
0x1fe: {  	[spmem:s2] =	stream.indirect.scatter.add.f32 [tilespmem:s12], [sflag:$0x4], $0x80, s5, s15, $0xb8;
	[tilespmem:$0x1FC00] =	vst v63  }
0x1ff: {  	_ =	swait.ge [sflag:s29], $0x4000  }
0x200: {  	[sflag:s29] =	ssyncset.done $0x0  }
0x201: {  	[sflag:s29] =	ssyncadd.s32 $0xFFFFC000  }
0x202: {  	[bflag:$0x0] =	sbarrier.arrive $0xFFFF  }
0x203: {  	[tilespmem:s28], [sflag:$0x4] =	stream.linear.gather [spmem:s6], $0x4000, $0x38;
	[tilespmem:$0x1FC00] =	vst v63  }
0x204: {  	_ =	swait.ge [sflag:s29], $0x4000  }
0x205: {  	[sflag:s29] =	ssyncset.done $0x0  }
0x206: {  	s24 =	rddreg [dreg:$0xb];
	[sflag:s29] =	ssyncadd.s32 $0xFFFFC000  }
0x207: {  	[hbm4b:s24+s3] =	stream.linear.scatter [tilespmem:s28], [sflag:$0x4], $0x4000, $0x38;
	[tilespmem:$0x1FC00] =	vst v63  }
0x208: {  	_ =	swait.ge [sflag:s29], $0x4000  }
0x209: {  	[sflag:s29] =	ssyncset.done $0x0  }
0x20a: {  	[sflag:s29] =	ssyncadd.s32 $0xFFFFC000  }
0x20b: {  	[tilespmem:s28], [sflag:$0x4] =	stream.linear.gather [spmem:s7], $0x4000, $0x38;
	[tilespmem:$0x1FC00] =	vst v63  }
0x20c: {  	_ =	swait.ge [sflag:s29], $0x4000  }
0x20d: {  	[sflag:s29] =	ssyncset.done $0x0  }
0x20e: {  	s25 =	rddreg [dreg:$0xc];
	[sflag:s29] =	ssyncadd.s32 $0xFFFFC000  }
0x20f: {  	[hbm4b:s25+s3] =	stream.linear.scatter [tilespmem:s28], [sflag:$0x4], $0x4000, $0x38;
	[tilespmem:$0x1FC00] =	vst v63  }
0x210: {  	_ =	swait.ge [sflag:s29], $0x4000  }
0x211: {  	[sflag:s29] =	ssyncset.done $0x0  }
0x212: {  	[sflag:s29] =	ssyncadd.s32 $0xFFFFC000  }
0x213: {  	[tilespmem:s28], [sflag:$0x4] =	stream.linear.gather [spmem:s8], $0x4000, $0x38;
	[tilespmem:$0x1FC00] =	vst v63  }
0x214: {  	_ =	swait.ge [sflag:s29], $0x4000  }
0x215: {  	[sflag:s29] =	ssyncset.done $0x0  }
0x216: {  	s22 =	rddreg [dreg:$0xd];
	[sflag:s29] =	ssyncadd.s32 $0xFFFFC000  }
0x217: {  	[hbm4b:s22+s3] =	stream.linear.scatter [tilespmem:s28], [sflag:$0x4], $0x4000, $0x38;
	[tilespmem:$0x1FC00] =	vst v63  }
0x218: {  	_ =	swait.ge [sflag:s29], $0x4000  }
0x219: {  	[sflag:s29] =	ssyncset.done $0x0  }
0x21a: {  	[sflag:s29] =	ssyncadd.s32 $0xFFFFC000  }
0x21b: {  	[tilespmem:s28], [sflag:$0x4] =	stream.linear.gather [spmem:s9], $0x4000, $0x38;
	[tilespmem:$0x1FC00] =	vst v63  }
0x21c: {  	_ =	swait.ge [sflag:s29], $0x4000  }
0x21d: {  	[sflag:s29] =	ssyncset.done $0x0  }
0x21e: {  	s23 =	rddreg [dreg:$0xe];
	[sflag:s29] =	ssyncadd.s32 $0xFFFFC000  }
0x21f: {  	[hbm4b:s23+s3] =	stream.linear.scatter [tilespmem:s28], [sflag:$0x4], $0x4000, $0x38;
	[tilespmem:$0x1FC00] =	vst v63  }
0x220: {  	_ =	swait.ge [sflag:s29], $0x4000  }
0x221: {  	[sflag:s29] =	ssyncset.done $0x0  }
0x222: {  	[sflag:s29] =	ssyncadd.s32 $0xFFFFC000  }
0x223: {  	[tilespmem:s28], [sflag:$0x4] =	stream.linear.gather [spmem:s10], $0x3C00, $0x38;
	[tilespmem:$0x1FC00] =	vst v63  }
0x224: {  	_ =	swait.ge [sflag:s29], $0x3C00  }
0x225: {  	[sflag:s29] =	ssyncset.done $0x0  }
0x226: {  	s24 =	rddreg [dreg:$0xf];
	[sflag:s29] =	ssyncadd.s32 $0xFFFFC400  }
0x227: {  	[hbm4b:s24+s3] =	stream.linear.scatter [tilespmem:s28], [sflag:$0x4], $0x3C00, $0x38;
	[tilespmem:$0x1FC00] =	vst v63  }
0x228: {  	_ =	swait.ge [sflag:s29], $0x3C00  }
0x229: {  	s26 =	sadd.s32 $0x1, s26;
	s25 =	rddreg [dreg:$0x12]  }
0x22a: {  	p0 =	sne.s32 s26, s25  }
.Ltmp5:
0x22b: {  	_ = 	snop;
	(pc) =	sbr.rel @p0 .LBB2_1-.Ltmp5, $3  }
0x22c: {  	_ =	sdelay $0x1  }
0x22d: {  	[sflag:s29] =	ssyncset.done $0x0  }
0x22e: {  	[sflag:s29] =	ssyncadd.s32 $0xFFFFC400  }
0x22f: {  	_ =	sfence.sel $0x180000  }
0x230: {  	[bflag:$0x0] =	sbarrier.arrive $0xFFFF  }
0x231: {  	_ =	strace $0x9000004A  }
0x232: {  	s0 =	stileid.u32;
	[bflag:$0x2] =	sbarrier.arrive $0xFFFF  }
0x233: {  	p0 =	sne.s32 s0, $0x0;
	s0 =	rddreg [dreg:$0x3]  }
0x234: {  	s0 =	sadd.s32 @!p0 $0x100000, s0  }
0x235: {  	[sflag:s0] =	ssyncadd.tile.s32 @!p0 $0x1;
	_ =	shalt  }
.Lfunc_end2:
_tile_overlayer_lowered:
.L_overlay_start_2:
0x236: {  	(tag) =	ssettag $0x2  }
0x237: {  	s0 =	rddreg [dreg:$0x0];
	s2 =	stileid.u32  }
0x238: {  	s1 =	rddreg [dreg:$0x1];
	p0 =	sne.s32 s2, $0x0  }
0x239: {  	s3 =	rddreg [dreg:$0x2];
	[bflag:$0x3] =	sbarrier.arrive $0xFFFF;
	s2 =	simm.s32 @!p0 $0x1C04  }
0x23a: {  	[timem:s3], [sflag:s2] =	dma.local @!p0 [hbm:s0], s1  }
0x23b: {  	s0 =	simm.s32 @!p0 $0x4  }
0x23c: {  	_ =	swait.ge @!p0 [sflag:s0], s1  }
0x23d: {  	s1 =	ssub.s32 @!p0 $0x0, s1;
	[sflag:s0] =	ssyncset.done @!p0 $0x0  }
0x23e: {  	[sflag:s0] =	ssyncadd.s32 @!p0 s1  }
0x23f: {  	[bflag:$0x3] =	sbarrier.arrive $0xFFFF  }
0x240: {  	_ =	shalt  }

// kernel: kernel.7.cloned.1.call-start
scs
__scs_entry_jumppad:
0x0: {  	(pc) =	sbr.rel $0x88, $3  }
0x1: {  	(tag) =	ssettag $0x0;
	lr =	simm.s32 $0x1  }
0x2: {  	[smem:$0x3F8F] =	sst lr;
	_ =	strace $0xD0000000  }
0x3: {  	_ = 	snop  }
0x4: {  	_ = 	snop  }
0x5: {  	_ = 	snop  }
0x6: {  	_ = 	snop  }
0x7: {  	_ = 	snop  }
__scs_overlays_trampoline_lowered:
0x8: {  	[smem:$0x3F9E] =	sst s0  }
0x9: {  	[smem:$0x3F9F] =	sst s1  }
0xa: {  	[smem:$0x3FA0] =	sst s2  }
0xb: {  	[smem:$0x3FA1] =	sst s3  }
0xc: {  	[smem:$0x3FA2] =	sst s4  }
0xd: {  	[smem:$0x3FA3] =	sst s5  }
0xe: {  	[smem:$0x3FA4] =	sst s6  }
0xf: {  	[smem:$0x3FA5] =	sst s7  }
0x10: {  	[smem:$0x3FA6] =	sst s8  }
0x11: {  	[smem:$0x3FA7] =	sst s9;
	s0 =	simm.s32 @!p0 $0x0  }
0x12: {  	s1 =	sld [smem:$0x3F8D];
	s0 =	simm.s32 @p0 $0x1  }
0x13: {  	[smem:$0x3FA8] =	sst s0;
	s0 =	simm.s32 @!p1 $0x0  }
0x14: {  	s2 =	sld [smem:$0x3F8C];
	s0 =	simm.s32 @p1 $0x1  }
0x15: {  	[smem:$0x3FA9] =	sst s0;
	s0 =	simm.s32 @!p2 $0x0  }
0x16: {  	s3 =	sld [smem:$0x3FDB];
	s0 =	simm.s32 @p2 $0x1  }
0x17: {  	s4 =	simm.s32 $0x1BF5;
	[smem:$0x3FAB] =	sst s0  }
0x18: {  	s0 =	sld [smem:$0x3F8E];
	_ =	swait.ge [sflag:s4], $0x0  }
0x19: {  	s7 =	sld [smem:$0x3F8F]  }
0x1a: {  	s8 =	sadd.s32 $0xFFFFE003, lr  }
0x1b: {  	s9 =	sadd.s32 $0xFFFFFEF7, lr;
	s5 =	simm.s32 $0xFFFFFFFF;
	p2 =	slt.u32 s8, $0xFFFFF086  }
0x1c: {  	p1 =	slt.u32 s9, $0xF7A;
	s5 =	simm.s32 @!p2 $0x0  }
0x1d: {  	s5 =	simm.s32 @p1 $0x1;
	p0 =	seq.s32 s7, s2  }
0x1e: {  	s7 =	smul.u32 @!p0 $0xF7A, s2;
	p2 =	seq.s32 @!p0 s5, $0x0  }
0x1f: {  	s9 =	smul.u32 $0xF7A, s1;
	s8 =	simm.s32 @!p0 $0x1BF5;
	p2 =	por !p2, p0  }
0x20: {  	[sflag:s8] =	ssyncset.s32 @!p0 $0xFFFFF086;
	s6 =	sadd.s32 @!p0 s3, s7;
	s7 =	simm.s32 @!p0 $0x108  }
0x21: {  	s3 =	sadd.s32 s3, s9;
	s6 =	sadd.s32 @!p0 $0x88, s6;
	s7 =	simm.s32 @p2 $0x1082  }
0x22: {  	[simem:s7], [sflag:s8] =	dma.local @!p0 [hbm:s6], $0xF7A  }
0x23: {  	s9 =	sor.u32 $0xD0000000, s2;
	s6 =	simm.s32 $0x108;
	_ =	swait.ge @!p0 [sflag:s8], $0x0  }
0x24: {  	s3 =	sadd.s32 $0x88, s3;
	s6 =	simm.s32 @!p1 $0x1082;
	[sflag:s4] =	ssyncset.s32 $0xFFFFF086  }
0x25: {  	[simem:s6], [sflag:s4] =	dma.local [hbm:s3], $0xF7A  }
0x26: {  	[smem:$0x3F8F] =	sst s1;
	(tag) =	ssettag s2;
	_ =	strace s9  }
0x27: {  	s1 =	sld [smem:$0x3F9F]  }
0x28: {  	s2 =	sld [smem:$0x3FA0]  }
0x29: {  	s4 =	sld [smem:$0x3FA2]  }
0x2a: {  	p0 =	seq.s32 s5, $0x0;
	s5 =	sld [smem:$0x3FA3]  }
0x2b: {  	s6 =	sld [smem:$0x3FA4]  }
0x2c: {  	s7 =	sld [smem:$0x3FA5]  }
0x2d: {  	s3 =	simm.s32 $0x108;
	s8 =	sld [smem:$0x3FA6]  }
0x2e: {  	s3 =	simm.s32 @!p0 $0x1082;
	s9 =	sld [smem:$0x3FA7]  }
0x2f: {  	lr =	sadd.s32 s0, s3;
	s0 =	sld [smem:$0x3F9E]  }
0x30: {  	s3 =	sld [smem:$0x3FA1]  }
0x31: {  	[smem:$0x3FAA] =	sst s10  }
0x32: {  	s10 =	sld [smem:$0x3FA8];
	_ =	sdelay $0x3  }
0x33: {  	p0 =	seq.s32 s10, $0x1;
	s10 =	sld [smem:$0x3FAA];
	_ =	sdelay $0x3  }
0x34: {  	[smem:$0x3FAA] =	sst s10  }
0x35: {  	s10 =	sld [smem:$0x3FA9];
	_ =	sdelay $0x3  }
0x36: {  	p1 =	seq.s32 s10, $0x1;
	s10 =	sld [smem:$0x3FAA];
	_ =	sdelay $0x3  }
0x37: {  	[smem:$0x3FAA] =	sst s10  }
0x38: {  	s10 =	sld [smem:$0x3FAB]  }
0x39: {  	_ = 	snop;
	(pc) =	sbr.ind lr, $3  }
0x3a: {  	_ = 	snop  }
0x3b: {  	_ = 	snop  }
0x3c: {  	p2 =	seq.s32 s10, $0x1;
	s10 =	sld [smem:$0x3FAA]  }
0x3d: {  	_ =	shalt  }
0x3e: {  	_ =	shalt  }
0x3f: {  	_ =	shalt  }
0x40: {  	_ =	shalt  }
0x41: {  	_ =	shalt  }
0x42: {  	_ =	shalt  }
0x43: {  	_ =	shalt  }
0x44: {  	_ =	shalt  }
0x45: {  	_ =	shalt  }
0x46: {  	_ =	shalt  }
0x47: {  	_ =	shalt  }
0x48: {  	_ =	shalt  }
0x49: {  	_ =	shalt  }
0x4a: {  	_ =	shalt  }
0x4b: {  	_ =	shalt  }
0x4c: {  	_ =	shalt  }
0x4d: {  	_ =	shalt  }
0x4e: {  	_ =	shalt  }
0x4f: {  	_ =	shalt  }
0x50: {  	_ =	shalt  }
0x51: {  	_ =	shalt  }
0x52: {  	_ =	shalt  }
0x53: {  	_ =	shalt  }
0x54: {  	_ =	shalt  }
0x55: {  	_ =	shalt  }
0x56: {  	_ =	shalt  }
0x57: {  	_ =	shalt  }
0x58: {  	_ =	shalt  }
0x59: {  	_ =	shalt  }
0x5a: {  	_ =	shalt  }
0x5b: {  	_ =	shalt  }
0x5c: {  	_ =	shalt  }
0x5d: {  	_ =	shalt  }
0x5e: {  	_ =	shalt  }
0x5f: {  	_ =	shalt  }
0x60: {  	_ =	shalt  }
0x61: {  	_ =	shalt  }
0x62: {  	_ =	shalt  }
0x63: {  	_ =	shalt  }
0x64: {  	_ =	shalt  }
0x65: {  	_ =	shalt  }
0x66: {  	_ =	shalt  }
0x67: {  	_ =	shalt  }
0x68: {  	_ =	shalt  }
0x69: {  	_ =	shalt  }
0x6a: {  	_ =	shalt  }
0x6b: {  	_ =	shalt  }
0x6c: {  	_ =	shalt  }
0x6d: {  	_ =	shalt  }
0x6e: {  	_ =	shalt  }
0x6f: {  	_ =	shalt  }
0x70: {  	_ =	shalt  }
0x71: {  	_ =	shalt  }
0x72: {  	_ =	shalt  }
0x73: {  	_ =	shalt  }
0x74: {  	_ =	shalt  }
0x75: {  	_ =	shalt  }
0x76: {  	_ =	shalt  }
0x77: {  	_ =	shalt  }
0x78: {  	_ =	shalt  }
0x79: {  	_ =	shalt  }
0x7a: {  	_ =	shalt  }
0x7b: {  	_ =	shalt  }
0x7c: {  	_ =	shalt  }
0x7d: {  	_ =	shalt  }
0x7e: {  	_ =	shalt  }
0x7f: {  	_ =	shalt  }
0x80: {  	_ =	shalt  }
0x81: {  	_ =	shalt  }
0x82: {  	_ =	shalt  }
0x83: {  	_ =	shalt  }
0x84: {  	_ =	shalt  }
0x85: {  	_ =	shalt  }
0x86: {  	_ =	shalt  }
0x87: {  	_ =	shalt  }
.Lfunc_end0:
.L_simem_size_0:
called_computation_lowered:
.L_overlay_start_0:
0x88: {  	s2 =	sld [smem:$0x3FD9]  }
0x89: {  	s3 =	sld [smem:$0x3FFE];
	_ =	sdelay $0x1  }
0x8a: {  	s1 =	srdreg.scid  }
0x8b: {  	s0 =	sand.u32 $0x1, s1  }
0x8c: {  	s16 =	sshll.u32 s0, $0xA;
	s2 =	sadd.s32 s3, s2  }
0x8d: {  	s2 =	sadd.s32 s2, s16  }
0x8e: {  	[smem:$0x3FB6] =	sst s2  }
0x8f: {  	_ = 	snop  }
0x90: {  	(tm) =	ssettm $0x1  }
0x91: {  	s17 =	sld [smem:$0x3FFB];
	_ =	sdelay $0x3  }
0x92: {  	_ =	strace s17  }
0x93: {  	s2 =	sld [smem:$0x3FFC];
	_ =	sdelay $0x3  }
0x94: {  	_ =	strace s2  }
0x95: {  	s2 =	sld [smem:$0x3FFD];
	_ =	sdelay $0x3  }
0x96: {  	_ =	strace s2  }
0x97: {  	_ =	strace $0x8FFFFFFF  }
0x98: {  	s18 =	sld [smem:$0x3FDB];
	_ =	sdelay $0x1  }
0x99: {  	s19 =	simm.s32 $_scs_section_size  }
0x9a: {  	s4 =	simm.s32 $_size__tile_overlayer_lowered;
	s5 =	simm.s32 $_tile_overlayer_lowered  }
0x9b: {  	s22 =	simm.s32 $0x1BFF;
	s21 =	sshll.u32 s5, $0x1;
	s2 =	sadd.s32 s19, s18  }
0x9c: {  	s6 =	simm.s32 $0x0;
	s20 =	sshll.u32 s4, $0x1;
	s4 =	sadd.s32 s21, s2  }
0x9d: {  	[timem:s6], [sflag:s22] =	dma.local [hbm:s4], s20  }
0x9e: {  	_ =	swait.ge [sflag:s22], s20  }
0x9f: {  	s3 =	ssub.s32 $0x0, s20;
	[sflag:s22] =	ssyncset.done $0x0  }
0xa0: {  	[sflag:s22] =	ssyncadd.s32 s3;
	_ =	sdelay $0x1  }
0xa1: {  	s23 =	simm.s32 $0x1B8B  }
0xa2: {  	_ =	swait.ge [sflag:s23], $0x1  }
0xa3: {  	[sflag:s23] =	ssyncset.done $0x0  }
0xa4: {  	s25 =	simm.s32 $0x1B8E;
	s24 =	sld [smem:$0x3FFE];
	[sflag:s23] =	ssyncadd.s32 $0xFFFFFFFF  }
0xa5: {  	s26 =	simm.s32 $execute0_lowered;
	[smem:$0x3FD2] =	sst s25  }
0xa6: {  	s4 =	sshll.u32 s26, $0x1;
	_ =	strace $0x80000046;
	[dreg:$0x1] =	wrdreg $0xFFFFFFFF  }
0xa7: {  	s28 =	simm.s32 $_size_execute0_lowered;
	s2 =	sadd.s32 s2, s4;
	[dreg:$0x0] =	wrdreg $0x0  }
0xa8: {  	s4 =	sshll.u32 s28, $0x1;
	[dreg:$0x2] =	wrdreg s2  }
0xa9: {  	[dreg:$0x3] =	wrdreg s4  }
0xaa: {  	[dreg:$0x4] =	wrdreg $0xC0  }
0xab: {  	_ =	task [dreg:s6], $0x5FFFF  }
0xac: {  	[dreg:$0x1] =	wrdreg $0xFFFFFFFF  }
0xad: {  	[dreg:$0x0] =	wrdreg $0x60  }
0xae: {  	[dreg:$0x2] =	wrdreg s24  }
0xaf: {  	[dreg:$0x3] =	wrdreg $0x29800  }
0xb0: {  	[dreg:$0x4] =	wrdreg $0x9  }
0xb1: {  	_ =	task.clear_ibuf [dreg:s6], $0x5FFFF;
	_ =	strace $0x90000046  }
0xb2: {  	s29 =	simm.s32 $0x9;
	_ =	strace $0x80000048  }
0xb3: {  	_ =	swait.ge [sflag:s29], $0x1  }
0xb4: {  	[sflag:s29] =	ssyncadd.s32 $0xFFFFFFFF  }
0xb5: {  	_ =	strace $0x90000048  }
0xb6: {  	_ =	sfence  }
0xb7: {  	s30 =	sld [smem:$0x0];
	_ =	sdelay $0x2  }
0xb8: {  	s31 =	sshll.u32 s1, $0xD;
	s1 =	sshrl.u32 s1, $0x2  }
0xb9: {  	s3 =	sand.u32 $0x4000, s31;
	s1 =	sadd.s32 s1, s30  }
0xba: {  	s0 =	sor.u32 s3, s0;
	s1 =	sshll.u32 s1, $0x11  }
0xbb: {  	s0 =	sor.u32 s1, s0  }
0xbc: {  	s0 =	sadd.s32 $0x8F2B, s0  }
0xbd: {  	[sflag:s0] =	ssyncadd.remote.s32 $0x1  }
0xbe: {  	_ =	sfence.sel $0xFFFF  }
0xbf: {  	[dreg:$0x0] =	wrdreg $0xFFFFFFFF;
	(pc) =	sbr.abs _section_cstart, $3  }
0xc0: {  	[dreg:$0x1] =	wrdreg $0xFFFFFFFF  }
0xc1: {  	_ =	task.clear_ibuf [dreg:s6], $0x2FFFF;
	_ =	strace $0x9FFFFFFF  }
0xc2: {  	(tm) =	ssettm $0x7FFFFFFF  }
0xc3: {  	_ =	shalt  }
tec
execute0_lowered:
.L_overlay_start_1:
0x0: {  	(tag) =	ssettag $0x1  }
0x1: {  	s4 =	rddreg [dreg:$0x0]  }
0x2: {  	s0 =	srdreg.scid;
	s2 =	rddreg [dreg:$0x1]  }
0x3: {  	s1 =	stileid.u32;
	s3 =	simm.s32 $0x0;
	s19 =	simm.s32 $0x2800  }
0x4: {  	s20 =	simm.s32 $0x2900;
	s21 =	simm.s32 $0x0;
	s6 =	smul.u32 $0x2800, s1  }
0x5: {  	s8 =	sand.u32 $0x1, s0;
	s0 =	rddreg [dreg:$0x2];
	s9 =	smul.u32 $0x280, s1  }
0x6: {  	[smem:$0x7FF] =	sst s3;
	s14 =	sadd.s32 $0xCE00, s4;
	s16 =	smul.u32 $0x500, s1  }
0x7: {  	s5 =	smul.u32 $0x28000, s8;
	_ =	strace $0x80000047;
	s23 =	ssub.s32 $0x2, s8  }
0x8: {  	s18 =	sshll.u32 s8, $0x7;
	s24 =	sshrl.u32 s23, $0x1;
	s11 =	sadd.s32 $0x80, s9  }
0x9: {  	s12 =	sadd.s32 $0x100, s9;
	s13 =	sadd.s32 $0x180, s9;
	s17 =	sadd.s32 $0x200, s9  }
0xa: {  	s26 =	sor.u32 s18, s16;
	s5 =	sadd.s32 s6, s5;
	s15 =	ssub.s32 s23, s24  }
0xb: {  	s6 =	sadd.s32 s12, s2;
	s7 =	sadd.s32 s13, s2;
	s25 =	sshll.u32 s11, $0x1  }
0xc: {  	s8 =	sadd.s32 s17, s2;
	s29 =	sshrl.u32 s26, $0x3;
	s12 =	sshll.u32 s12, $0x1  }
0xd: {  	s13 =	sshll.u32 s13, $0x1;
	s31 =	sshll.u32 s17, $0x1;
	s17 =	simm.s32 $0x1  }
0xe: {  	s5 =	sshrl.u32 s5, $0x3;
	s28 =	sor.u32 s18, s25;
	s12 =	sor.u32 s18, s12  }
0xf: {  	s13 =	sor.u32 s18, s13;
	s16 =	sor.u32 s18, s31;
	s15 =	smax.u32 s15, $0x1  }
0x10: {  	s18 =	simm.s32 $0x80;
	s10 =	sadd.s32 s5, s4;
	s4 =	sadd.s32 s9, s2  }
0x11: {  	s5 =	sadd.s32 s11, s2;
	s30 =	sshrl.u32 s28, $0x3;
	s12 =	sshrl.u32 s12, $0x3  }
0x12: {  	s13 =	sshrl.u32 s13, $0x3;
	s16 =	sshrl.u32 s16, $0x3;
	s9 =	sadd.s32 $0x2E00, s10  }
0x13: {  	s10 =	sadd.s32 s14, s29;
	s11 =	sadd.s32 s14, s30;
	s12 =	sadd.s32 s14, s12  }
0x14: {  	v0 =	vimm.f32 $1.000000000e+00;
	v1 =	vimm.f32 $0.0e+00;
	s13 =	sadd.s32 s14, s13;
	s14 =	sadd.s32 s14, s16;
	s16 =	simm.s32 $0x2880  }
.LBB2_1:
0x15: {  	[tilespmem:$0x2800] =	vst v0  }
0x16: {  	[tilespmem:$0x2880] =	vst v1  }
0x17: {  	[tilespmem:$0x2810] =	vst v0  }
0x18: {  	[tilespmem:$0x2890] =	vst v1  }
0x19: {  	[tilespmem:$0x2820] =	vst v0  }
0x1a: {  	[tilespmem:$0x28A0] =	vst v1  }
0x1b: {  	[tilespmem:$0x2830] =	vst v0  }
0x1c: {  	[tilespmem:$0x28B0] =	vst v1  }
0x1d: {  	[tilespmem:$0x2840] =	vst v0  }
0x1e: {  	[tilespmem:$0x28C0] =	vst v1  }
0x1f: {  	[tilespmem:$0x2850] =	vst v0  }
0x20: {  	[tilespmem:$0x28D0] =	vst v1  }
0x21: {  	[tilespmem:$0x2860] =	vst v0  }
0x22: {  	[tilespmem:$0x28E0] =	vst v1  }
0x23: {  	[tilespmem:$0x2870] =	vst v0  }
0x24: {  	[tilespmem:$0x28F0] =	vst v1  }
0x25: {  	[spmem:s4] =	stream.linear.scatter [tilespmem:s16], [sflag:$0x1], $0x80, $0x38;
	[tilespmem:$0x2C00] =	vst v63  }
0x26: {  	_ =	swait.ge [sflag:s17], $0x80  }
0x27: {  	[sflag:s17] =	ssyncset.done $0x0  }
0x28: {  	[sflag:s17] =	ssyncadd.s32 $0xFFFFFF80  }
0x29: {  	[spmem:s5] =	stream.linear.scatter [tilespmem:s16], [sflag:$0x1], $0x80, $0x38;
	[tilespmem:$0x2C00] =	vst v63  }
0x2a: {  	_ =	swait.ge [sflag:s17], $0x80  }
0x2b: {  	[sflag:s17] =	ssyncset.done $0x0  }
0x2c: {  	[sflag:s17] =	ssyncadd.s32 $0xFFFFFF80  }
0x2d: {  	[spmem:s6] =	stream.linear.scatter [tilespmem:s16], [sflag:$0x1], $0x80, $0x38;
	[tilespmem:$0x2C00] =	vst v63  }
0x2e: {  	_ =	swait.ge [sflag:s17], $0x80  }
0x2f: {  	[sflag:s17] =	ssyncset.done $0x0  }
0x30: {  	[sflag:s17] =	ssyncadd.s32 $0xFFFFFF80  }
0x31: {  	[spmem:s7] =	stream.linear.scatter [tilespmem:s16], [sflag:$0x1], $0x80, $0x38;
	[tilespmem:$0x2C00] =	vst v63  }
0x32: {  	_ =	swait.ge [sflag:s17], $0x80  }
0x33: {  	[sflag:s17] =	ssyncset.done $0x0  }
0x34: {  	[sflag:s17] =	ssyncadd.s32 $0xFFFFFF80  }
0x35: {  	[spmem:s8] =	stream.linear.scatter [tilespmem:s16], [sflag:$0x1], $0x80, $0x38;
	[tilespmem:$0x2C00] =	vst v63  }
0x36: {  	_ =	swait.ge [sflag:s17], $0x80  }
0x37: {  	[sflag:s17] =	ssyncset.done $0x0  }
0x38: {  	[sflag:s17] =	ssyncadd.s32 $0xFFFFFF80  }
0x39: {  	[bflag:$0x0] =	sbarrier.arrive $0xFFFF  }
0x3a: {  	[tilespmem:s3], [sflag:$0x1] =	stream.linear.gather [hbm4b:s9+s3], $0x2780, $0x38;
	[tilespmem:$0x2C00] =	vst v63  }
0x3b: {  	_ =	swait.ge [sflag:s17], $0x2780  }
0x3c: {  	[sflag:s17] =	ssyncset.done $0x0  }
0x3d: {  	s22 =	simm.s32 $0x0;
	[sflag:s17] =	ssyncadd.s32 $0xFFFFD880  }
0x3e: {  	[spmem:s2] =	stream.indirect.scatter.add.f32 [tilespmem:s19], [sflag:$0x1], $0x1, s22, s18, $0xb8;
	[tilespmem:$0x2C00] =	vst v63  }
0x3f: {  	_ =	swait.ge [sflag:s17], $0x80  }
0x40: {  	s22 =	simm.s32 $0x200;
	[sflag:s17] =	ssyncset.done $0x0  }
.LBB2_2:
0x41: {  	s23 =	sshra.s32 s22, $0x2;
	[sflag:s17] =	ssyncadd.s32 $0xFFFFFF80;
	p0 =	sne.s32 s22, $0x9C00  }
0x42: {  	[spmem:s2] =	stream.indirect.scatter.add.f32 [tilespmem:s19], [sflag:$0x1], $0x1, s23, s18, $0xb8;
	[tilespmem:$0x2C00] =	vst v63  }
.Ltmp0:
0x43: {  	_ = 	snop;
	(pc) =	sbr.rel @p0 .LBB2_2-.Ltmp0, $4  }
0x44: {  	_ = 	snop  }
0x45: {  	s22 =	sadd.s32 $0x200, s22  }
0x46: {  	_ =	swait.ge [sflag:s17], $0x80  }
0x47: {  	[sflag:s17] =	ssyncset.done $0x0  }
0x48: {  	[sflag:s17] =	ssyncadd.s32 $0xFFFFFF80  }
0x49: {  	[bflag:$0x0] =	sbarrier.arrive $0xFFFF  }
0x4a: {  	[tilespmem:s20], [sflag:$0x1] =	stream.linear.gather [spmem:s4], $0x80, $0x38;
	[tilespmem:$0x2C00] =	vst v63  }
0x4b: {  	_ =	swait.ge [sflag:s17], $0x80  }
0x4c: {  	[sflag:s17] =	ssyncset.done $0x0  }
0x4d: {  	[sflag:s17] =	ssyncadd.s32 $0xFFFFFF80  }
0x4e: {  	[hbm4b:s10+s3] =	stream.linear.scatter [tilespmem:s20], [sflag:$0x1], $0x80, $0x38;
	[tilespmem:$0x2C00] =	vst v63  }
0x4f: {  	_ =	swait.ge [sflag:s17], $0x80  }
0x50: {  	[sflag:s17] =	ssyncset.done $0x0  }
0x51: {  	[sflag:s17] =	ssyncadd.s32 $0xFFFFFF80  }
0x52: {  	[tilespmem:s20], [sflag:$0x1] =	stream.linear.gather [spmem:s5], $0x80, $0x38;
	[tilespmem:$0x2C00] =	vst v63  }
0x53: {  	_ =	swait.ge [sflag:s17], $0x80  }
0x54: {  	[sflag:s17] =	ssyncset.done $0x0  }
0x55: {  	[sflag:s17] =	ssyncadd.s32 $0xFFFFFF80  }
0x56: {  	[hbm4b:s11+s3] =	stream.linear.scatter [tilespmem:s20], [sflag:$0x1], $0x80, $0x38;
	[tilespmem:$0x2C00] =	vst v63  }
0x57: {  	_ =	swait.ge [sflag:s17], $0x80  }
0x58: {  	[sflag:s17] =	ssyncset.done $0x0  }
0x59: {  	[sflag:s17] =	ssyncadd.s32 $0xFFFFFF80  }
0x5a: {  	[tilespmem:s20], [sflag:$0x1] =	stream.linear.gather [spmem:s6], $0x80, $0x38;
	[tilespmem:$0x2C00] =	vst v63  }
0x5b: {  	_ =	swait.ge [sflag:s17], $0x80  }
0x5c: {  	[sflag:s17] =	ssyncset.done $0x0  }
0x5d: {  	[sflag:s17] =	ssyncadd.s32 $0xFFFFFF80  }
0x5e: {  	[hbm4b:s12+s3] =	stream.linear.scatter [tilespmem:s20], [sflag:$0x1], $0x80, $0x38;
	[tilespmem:$0x2C00] =	vst v63  }
0x5f: {  	_ =	swait.ge [sflag:s17], $0x80  }
0x60: {  	[sflag:s17] =	ssyncset.done $0x0  }
0x61: {  	[sflag:s17] =	ssyncadd.s32 $0xFFFFFF80  }
0x62: {  	[tilespmem:s20], [sflag:$0x1] =	stream.linear.gather [spmem:s7], $0x80, $0x38;
	[tilespmem:$0x2C00] =	vst v63  }
0x63: {  	_ =	swait.ge [sflag:s17], $0x80  }
0x64: {  	[sflag:s17] =	ssyncset.done $0x0  }
0x65: {  	[sflag:s17] =	ssyncadd.s32 $0xFFFFFF80  }
0x66: {  	[hbm4b:s13+s3] =	stream.linear.scatter [tilespmem:s20], [sflag:$0x1], $0x80, $0x38;
	[tilespmem:$0x2C00] =	vst v63  }
0x67: {  	_ =	swait.ge [sflag:s17], $0x80  }
0x68: {  	[sflag:s17] =	ssyncset.done $0x0  }
0x69: {  	[sflag:s17] =	ssyncadd.s32 $0xFFFFFF80  }
0x6a: {  	[tilespmem:s20], [sflag:$0x1] =	stream.linear.gather [spmem:s8], $0x80, $0x38;
	[tilespmem:$0x2C00] =	vst v63  }
0x6b: {  	s21 =	sadd.s32 $0x1, s21;
	_ =	swait.ge [sflag:s17], $0x80  }
0x6c: {  	p0 =	sne.s32 s21, s15;
	[sflag:s17] =	ssyncset.done $0x0  }
.Ltmp1:
0x6d: {  	[sflag:s17] =	ssyncadd.s32 $0xFFFFFF80;
	(pc) =	sbr.rel @p0 .LBB2_1-.Ltmp1, $4  }
0x6e: {  	[hbm4b:s14+s3] =	stream.linear.scatter [tilespmem:s20], [sflag:$0x1], $0x80, $0x38;
	[tilespmem:$0x2C00] =	vst v63  }
0x6f: {  	_ =	swait.ge [sflag:s17], $0x80  }
0x70: {  	[sflag:s17] =	ssyncset.done $0x0  }
0x71: {  	[sflag:s17] =	ssyncadd.s32 $0xFFFFFF80  }
0x72: {  	_ =	sfence.sel $0x180000  }
0x73: {  	[bflag:$0x0] =	sbarrier.arrive $0xFFFF  }
0x74: {  	p0 =	sne.s32 s1, $0x0;
	_ =	strace $0x90000047  }
0x75: {  	s0 =	sadd.s32 @!p0 $0x100000, s0;
	[bflag:$0x2] =	sbarrier.arrive $0xFFFF  }
0x76: {  	[sflag:s0] =	ssyncadd.tile.s32 @!p0 $0x1;
	_ =	shalt  }
.Lfunc_end2:
_tile_overlayer_lowered:
.L_overlay_start_2:
0x77: {  	(tag) =	ssettag $0x2  }
0x78: {  	s0 =	rddreg [dreg:$0x0];
	s2 =	stileid.u32  }
0x79: {  	s1 =	rddreg [dreg:$0x1];
	p0 =	sne.s32 s2, $0x0  }
0x7a: {  	s3 =	rddreg [dreg:$0x2];
	[bflag:$0x3] =	sbarrier.arrive $0xFFFF;
	s2 =	simm.s32 @!p0 $0x1C01  }
0x7b: {  	[timem:s3], [sflag:s2] =	dma.local @!p0 [hbm:s0], s1  }
0x7c: {  	s0 =	simm.s32 @!p0 $0x1  }
0x7d: {  	_ =	swait.ge @!p0 [sflag:s0], s1  }
0x7e: {  	s1 =	ssub.s32 @!p0 $0x0, s1;
	[sflag:s0] =	ssyncset.done @!p0 $0x0  }
0x7f: {  	[sflag:s0] =	ssyncadd.s32 @!p0 s1  }
0x80: {  	[bflag:$0x3] =	sbarrier.arrive $0xFFFF  }
0x81: {  	_ =	shalt  }

</sc_bundles>
